<compile_context>
chip_gen: v7x
topology: tpu7x:2x2x1
jax: 0.10.2.dev20260603
libtpu: 0.0.44.dev20260713+nightly
codegen_flags: <defaults>
</compile_context>

<pallas_src>
import functools

import jax
import jax.numpy as jnp
import numpy as np
from jax import lax
from jax.experimental import pallas as pl
from jax.experimental.pallas import tpu as pltpu
from jax.experimental.pallas import tpu_sc as plsc

N_POS = 20000
N_VERT = 5023
N_FACE = 9976
F_PAD = 10240
FACES_PER_WORKER = F_PAD // 32
GROUPS_PER_WORKER = FACES_PER_WORKER // 16
BN = 512
N_PAD = 20480
BF = 256
F_BLOCKS = 39
RC = 64
ONE_THIRD = np.float32(1.0) / np.float32(3.0)
CENT_PAD = np.float32(5e18)
C2_PAD = np.float32(3e38)


def _centroid_sc_kernel(vflat_hbm, facest_hbm, out_hbm, vflat_v, fidx_v, ct_v,
                        sem):
    num_cores = 2
    wid = lax.axis_index("s") * num_cores + lax.axis_index("c")
    base = wid * FACES_PER_WORKER
    pltpu.sync_copy(vflat_hbm, vflat_v)
    for k in range(3):
        pltpu.sync_copy(facest_hbm.at[pl.ds(k * F_PAD + base, FACES_PER_WORKER)],
                        fidx_v.at[pl.ds(k * FACES_PER_WORKER, FACES_PER_WORKER)])
    lane = jnp.arange(16, dtype=jnp.int32)

    def body(g, carry):
        off = g * 16
        i0 = fidx_v[pl.ds(off, 16)] * 3
        i1 = fidx_v[pl.ds(FACES_PER_WORKER + off, 16)] * 3
        i2 = fidx_v[pl.ds(2 * FACES_PER_WORKER + off, 16)] * 3
        valid = (base + off + lane) < N_FACE
        c2 = jnp.zeros((16,), jnp.float32)
        for j in range(3):
            cj = jnp.full((16,), j, jnp.int32)
            v0 = plsc.load_gather(vflat_v, [i0 + cj])
            v1 = plsc.load_gather(vflat_v, [i1 + cj])
            v2 = plsc.load_gather(vflat_v, [i2 + cj])
            cent = ((v0 + v1) + v2) * ONE_THIRD
            cent = jnp.where(valid, cent, CENT_PAD)
            ct_v[pl.ds(j * FACES_PER_WORKER + off, 16)] = cent
            if j == 0:
                c2 = cent * cent
            else:
                c2 = c2 + cent * cent
        ct_v[pl.ds(3 * FACES_PER_WORKER + off, 16)] = jnp.where(valid, c2, C2_PAD)
        return carry

    lax.fori_loop(0, GROUPS_PER_WORKER, body, 0)
    for r in range(4):
        pltpu.sync_copy(ct_v.at[pl.ds(r * FACES_PER_WORKER, FACES_PER_WORKER)],
                        out_hbm.at[pl.ds(r * F_PAD + base, FACES_PER_WORKER)])


def _centroids_sc(vertices_flat, faces_t):
    mesh = plsc.VectorSubcoreMesh(core_axis_name="c", subcore_axis_name="s")
    k = functools.partial(
        pl.kernel,
        out_type=jax.ShapeDtypeStruct((4 * F_PAD,), jnp.float32),
        mesh=mesh,
        scratch_types=[
            pltpu.VMEM(vertices_flat.shape, jnp.float32),
            pltpu.VMEM((3 * FACES_PER_WORKER,), jnp.int32),
            pltpu.VMEM((4 * FACES_PER_WORKER,), jnp.float32),
            pltpu.SemaphoreType.DMA,
        ],
        compiler_params=pltpu.CompilerParams(needs_layout_passes=False),
    )(_centroid_sc_kernel)
    return k(vertices_flat, faces_t).reshape(4, F_PAD)


def _bind_tc_kernel(pos_ref, cb_ref, c2_ref, out_ref, d2_ref):
    p = pos_ref[...]
    x = p[:, 0:1]
    y = p[:, 1:2]
    z = p[:, 2:3]
    p2 = (x * x + y * y) + z * z

    for j in range(F_BLOCKS):
        cb = cb_ref[:, pl.ds(j * BF, BF)]
        c2 = c2_ref[:, pl.ds(j * BF, BF)]
        dot2 = lax.dot_general(p, cb, (((1,), (0,)), ((), ())),
                               preferred_element_type=jnp.float32)
        d2_ref[:, pl.ds(j * BF, BF)] = (p2 + c2) - dot2

    lane_f = lax.broadcasted_iota(jnp.int32, (1, BF), 1).astype(jnp.float32)
    for rc in range(BN // RC):
        minv = jnp.full((RC, BF), jnp.inf, jnp.float32)
        minjf = jnp.zeros((RC, BF), jnp.float32)
        for j in range(F_BLOCKS):
            d2 = d2_ref[pl.ds(rc * RC, RC), pl.ds(j * BF, BF)]
            better = d2 < minv
            minv = jnp.where(better, d2, minv)
            minjf = jnp.where(better, lane_f + np.float32(j * BF), minjf)
        m = jnp.min(minv, axis=1, keepdims=True)
        cand = jnp.where(minv == m, minjf, np.float32(3e38))
        out_ref[0, 0, pl.ds(rc * RC, RC)] = jnp.min(cand, axis=1).astype(jnp.int32)


def kernel(positions, vertices, faces):
    faces_t = jnp.pad(faces, ((0, F_PAD - N_FACE), (0, 0))).T.reshape(-1)
    vflat = jnp.pad(vertices.reshape(-1), (0, 3))

    ct = _centroids_sc(vflat, faces_t)
    cb = ct[0:3].astype(jnp.bfloat16) * jnp.bfloat16(2.0)
    c2 = ct[3:4]

    grid = N_PAD // BN
    pos_pad = jnp.pad(positions, ((0, N_PAD - N_POS), (0, 0)))
    out = pl.pallas_call(
        _bind_tc_kernel,
        grid=(grid,),
        in_specs=[
            pl.BlockSpec((BN, 3), lambda i: (i, 0)),
            pl.BlockSpec((3, F_PAD), lambda i: (0, 0)),
            pl.BlockSpec((1, F_PAD), lambda i: (0, 0)),
        ],
        out_specs=pl.BlockSpec((1, 1, BN), lambda i: (i, 0, 0)),
        out_shape=jax.ShapeDtypeStruct((grid, 1, BN), jnp.int32),
        scratch_shapes=[pltpu.VMEM((BN, F_BLOCKS * BF), jnp.float32)],
    )(pos_pad, cb, c2)
    return out.reshape(N_PAD)[:N_POS]

# --- scband reference (transcript-rebuilt; emitter-appended) ---
"""Pipeline reference for scband-gaussian-rigging-67242007986515 (READ-ONLY COPY).

The authoritative reference and input builder live on the scoring server;
editing this copy changes nothing except your own understanding.
"""

import jax, jax.numpy as jnp
import numpy as np


def setup_inputs(seed: int = 0) -> dict:
    key = jax.random.key(seed)
    k1, k2, k3 = jax.random.split(key, 3)
    positions = jax.random.normal(k1, (20000, 3), dtype=jnp.float32)
    vertices = jax.random.normal(k2, (5023, 3), dtype=jnp.float32)
    faces = jax.random.randint(k3, (9976, 3), 0, 5023, dtype=jnp.int32)
    return {"positions": positions, "vertices": vertices, "faces": faces}


def reference(positions, vertices, faces):
    # GaussianRigging.bind -> compute_binding_indices
    v0 = jnp.take(vertices, faces[:, 0], axis=0)
    v1 = jnp.take(vertices, faces[:, 1], axis=0)
    v2 = jnp.take(vertices, faces[:, 2], axis=0)
    centroids = (v0 + v1 + v2) / 3.0
    # Euclidean cdist via |p|^2 + |c|^2 - 2 p.c ; argmin over squared dists
    # equals argmin over dists (sqrt is monotonic), matching torch.cdist+argmin.
    p2 = jnp.sum(positions * positions, axis=-1, keepdims=True)  # (N, 1)
    c2 = jnp.sum(centroids * centroids, axis=-1)[None, :]        # (1, F)
    d2 = p2 + c2 - 2.0 * (positions @ centroids.T)               # (N, F)
    binding = jnp.argmin(d2, axis=-1)
    return binding

if __name__ == "__main__":
    import jax
    _d = setup_inputs()
    print(jax.jit(kernel)(*tuple(_d.values())))

</pallas_src>

<mosaic_0001>
#map = affine_map<(d0, d1) -> (0)>
module attributes {stable_mosaic.version = 14 : i64} {
  func.func @_centroid_sc_kernel(%arg0: i32, %arg1: i32, %arg2: memref<15072xf32, #tpu.memory_space<hbm>>, %arg3: memref<30720xi32, #tpu.memory_space<hbm>>, %arg4: memref<40960xf32, #tpu.memory_space<hbm>>, %arg5: memref<15072xf32, #tpu.memory_space<vmem>>, %arg6: memref<960xi32, #tpu.memory_space<vmem>>, %arg7: memref<1280xf32, #tpu.memory_space<vmem>>, %arg8: memref<!tpu.dma_semaphore, #tpu.memory_space<semaphore_mem>>) attributes {dimension_semantics = [#tpu.dimension_semantics<core_parallel>, #tpu.dimension_semantics<subcore_parallel>], iteration_bounds = array<i64: 2, 16>, scalar_prefetch = 0 : i64, scratch_operands = 4 : i64, tpu.core_type = #tpu.core_type<sc_vector_subcore>, window_params = [{transform_indices = #map}, {transform_indices = #map}, {transform_indices = #map}]} {
    %mul3A = arith.constant 2 : i32
    %mul3A_0 = arith.muli %arg1, %mul3A : i32
    %add3A = arith.addi %mul3A_0, %arg0 : i32
    %mul3A_1 = arith.constant 320 : i32
    %mul3A_2 = arith.muli %add3A, %mul3A_1 : i32
    "tpu.region"() ({
      %run_scoped3A = tpu.sem_alloc : memref<!tpu.dma_semaphore, #tpu.memory_space<semaphore_mem>>
      tpu.enqueue_dma source(%arg2 : memref<15072xf32, #tpu.memory_space<hbm>>) target(%arg5 : memref<15072xf32, #tpu.memory_space<vmem>>) target_semaphore(%run_scoped3A : memref<!tpu.dma_semaphore, #tpu.memory_space<semaphore_mem>>)
      tpu.wait_dma2 semaphore(%run_scoped3A : memref<!tpu.dma_semaphore, #tpu.memory_space<semaphore_mem>>) src(%arg2 : memref<15072xf32, #tpu.memory_space<hbm>>) dst(%arg5 : memref<15072xf32, #tpu.memory_space<vmem>>)
      tpu.yield
    }) : () -> ()
    %add3A_3 = arith.constant 0 : i32
    %add3A_4 = arith.addi %add3A_3, %mul3A_2 : i32
    "tpu.region"() ({
      %run_scoped3A = tpu.sem_alloc : memref<!tpu.dma_semaphore, #tpu.memory_space<semaphore_mem>>
      %dma_start3A = arith.constant 0 : i32
      %dma_start3A_22 = tpu.memref_slice %arg6[%dma_start3A] : memref<960xi32, #tpu.memory_space<vmem>> -> memref<320xi32, #tpu.memory_space<vmem>>
      %dma_start3A_23 = tpu.memref_slice %arg3[%add3A_4] : memref<30720xi32, #tpu.memory_space<hbm>> -> memref<320xi32, #tpu.memory_space<hbm>>
      %dma_start3A_24 = arith.constant 0 : i32
      %dma_start3A_25 = tpu.memref_slice %arg6[%dma_start3A_24] : memref<960xi32, #tpu.memory_space<vmem>> -> memref<320xi32, #tpu.memory_space<vmem>>
      %dma_start3A_26 = tpu.memref_slice %arg3[%add3A_4] : memref<30720xi32, #tpu.memory_space<hbm>> -> memref<320xi32, #tpu.memory_space<hbm>>
      tpu.enqueue_dma source(%dma_start3A_26 : memref<320xi32, #tpu.memory_space<hbm>>) target(%dma_start3A_25 : memref<320xi32, #tpu.memory_space<vmem>>) target_semaphore(%run_scoped3A : memref<!tpu.dma_semaphore, #tpu.memory_space<semaphore_mem>>)
      %dma_wait3A = arith.constant 0 : i32
      %dma_wait3A_27 = tpu.memref_slice %arg6[%dma_wait3A] : memref<960xi32, #tpu.memory_space<vmem>> -> memref<320xi32, #tpu.memory_space<vmem>>
      %dma_wait3A_28 = tpu.memref_slice %arg3[%add3A_4] : memref<30720xi32, #tpu.memory_space<hbm>> -> memref<320xi32, #tpu.memory_space<hbm>>
      %dma_wait3A_29 = arith.constant 0 : i32
      %dma_wait3A_30 = tpu.memref_slice %arg6[%dma_wait3A_29] : memref<960xi32, #tpu.memory_space<vmem>> -> memref<320xi32, #tpu.memory_space<vmem>>
      %dma_wait3A_31 = tpu.memref_slice %arg3[%add3A_4] : memref<30720xi32, #tpu.memory_space<hbm>> -> memref<320xi32, #tpu.memory_space<hbm>>
      tpu.wait_dma2 semaphore(%run_scoped3A : memref<!tpu.dma_semaphore, #tpu.memory_space<semaphore_mem>>) src(%dma_wait3A_31 : memref<320xi32, #tpu.memory_space<hbm>>) dst(%dma_wait3A_30 : memref<320xi32, #tpu.memory_space<vmem>>)
      tpu.yield
    }) : () -> ()
    %add3A_5 = arith.constant 10240 : i32
    %add3A_6 = arith.addi %add3A_5, %mul3A_2 : i32
    "tpu.region"() ({
      %run_scoped3A = tpu.sem_alloc : memref<!tpu.dma_semaphore, #tpu.memory_space<semaphore_mem>>
      %dma_start3A = arith.constant 320 : i32
      %dma_start3A_22 = tpu.memref_slice %arg6[%dma_start3A] : memref<960xi32, #tpu.memory_space<vmem>> -> memref<320xi32, #tpu.memory_space<vmem>>
      %dma_start3A_23 = tpu.memref_slice %arg3[%add3A_6] : memref<30720xi32, #tpu.memory_space<hbm>> -> memref<320xi32, #tpu.memory_space<hbm>>
      %dma_start3A_24 = arith.constant 320 : i32
      %dma_start3A_25 = tpu.memref_slice %arg6[%dma_start3A_24] : memref<960xi32, #tpu.memory_space<vmem>> -> memref<320xi32, #tpu.memory_space<vmem>>
      %dma_start3A_26 = tpu.memref_slice %arg3[%add3A_6] : memref<30720xi32, #tpu.memory_space<hbm>> -> memref<320xi32, #tpu.memory_space<hbm>>
      tpu.enqueue_dma source(%dma_start3A_26 : memref<320xi32, #tpu.memory_space<hbm>>) target(%dma_start3A_25 : memref<320xi32, #tpu.memory_space<vmem>>) target_semaphore(%run_scoped3A : memref<!tpu.dma_semaphore, #tpu.memory_space<semaphore_mem>>)
      %dma_wait3A = arith.constant 320 : i32
      %dma_wait3A_27 = tpu.memref_slice %arg6[%dma_wait3A] : memref<960xi32, #tpu.memory_space<vmem>> -> memref<320xi32, #tpu.memory_space<vmem>>
      %dma_wait3A_28 = tpu.memref_slice %arg3[%add3A_6] : memref<30720xi32, #tpu.memory_space<hbm>> -> memref<320xi32, #tpu.memory_space<hbm>>
      %dma_wait3A_29 = arith.constant 320 : i32
      %dma_wait3A_30 = tpu.memref_slice %arg6[%dma_wait3A_29] : memref<960xi32, #tpu.memory_space<vmem>> -> memref<320xi32, #tpu.memory_space<vmem>>
      %dma_wait3A_31 = tpu.memref_slice %arg3[%add3A_6] : memref<30720xi32, #tpu.memory_space<hbm>> -> memref<320xi32, #tpu.memory_space<hbm>>
      tpu.wait_dma2 semaphore(%run_scoped3A : memref<!tpu.dma_semaphore, #tpu.memory_space<semaphore_mem>>) src(%dma_wait3A_31 : memref<320xi32, #tpu.memory_space<hbm>>) dst(%dma_wait3A_30 : memref<320xi32, #tpu.memory_space<vmem>>)
      tpu.yield
    }) : () -> ()
    %add3A_7 = arith.constant 20480 : i32
    %add3A_8 = arith.addi %add3A_7, %mul3A_2 : i32
    "tpu.region"() ({
      %run_scoped3A = tpu.sem_alloc : memref<!tpu.dma_semaphore, #tpu.memory_space<semaphore_mem>>
      %dma_start3A = arith.constant 640 : i32
      %dma_start3A_22 = tpu.memref_slice %arg6[%dma_start3A] : memref<960xi32, #tpu.memory_space<vmem>> -> memref<320xi32, #tpu.memory_space<vmem>>
      %dma_start3A_23 = tpu.memref_slice %arg3[%add3A_8] : memref<30720xi32, #tpu.memory_space<hbm>> -> memref<320xi32, #tpu.memory_space<hbm>>
      %dma_start3A_24 = arith.constant 640 : i32
      %dma_start3A_25 = tpu.memref_slice %arg6[%dma_start3A_24] : memref<960xi32, #tpu.memory_space<vmem>> -> memref<320xi32, #tpu.memory_space<vmem>>
      %dma_start3A_26 = tpu.memref_slice %arg3[%add3A_8] : memref<30720xi32, #tpu.memory_space<hbm>> -> memref<320xi32, #tpu.memory_space<hbm>>
      tpu.enqueue_dma source(%dma_start3A_26 : memref<320xi32, #tpu.memory_space<hbm>>) target(%dma_start3A_25 : memref<320xi32, #tpu.memory_space<vmem>>) target_semaphore(%run_scoped3A : memref<!tpu.dma_semaphore, #tpu.memory_space<semaphore_mem>>)
      %dma_wait3A = arith.constant 640 : i32
      %dma_wait3A_27 = tpu.memref_slice %arg6[%dma_wait3A] : memref<960xi32, #tpu.memory_space<vmem>> -> memref<320xi32, #tpu.memory_space<vmem>>
      %dma_wait3A_28 = tpu.memref_slice %arg3[%add3A_8] : memref<30720xi32, #tpu.memory_space<hbm>> -> memref<320xi32, #tpu.memory_space<hbm>>
      %dma_wait3A_29 = arith.constant 640 : i32
      %dma_wait3A_30 = tpu.memref_slice %arg6[%dma_wait3A_29] : memref<960xi32, #tpu.memory_space<vmem>> -> memref<320xi32, #tpu.memory_space<vmem>>
      %dma_wait3A_31 = tpu.memref_slice %arg3[%add3A_8] : memref<30720xi32, #tpu.memory_space<hbm>> -> memref<320xi32, #tpu.memory_space<hbm>>
      tpu.wait_dma2 semaphore(%run_scoped3A : memref<!tpu.dma_semaphore, #tpu.memory_space<semaphore_mem>>) src(%dma_wait3A_31 : memref<320xi32, #tpu.memory_space<hbm>>) dst(%dma_wait3A_30 : memref<320xi32, #tpu.memory_space<vmem>>)
      tpu.yield
    }) : () -> ()
    %iota3A = tpu.iota {dimensions = array<i32: 0>} : vector<16xi32>
    %scan3A = arith.constant 0 : i32
    %scan3A_9 = arith.constant 0 : i32
    %scan3A_10 = arith.constant 20 : i32
    %scan3A_11 = arith.addi %scan3A_9, %scan3A_10 : i32
    %scan3A_12 = arith.constant 1 : i32
    scf.for %scan3A_22 = %scan3A_9 to %scan3A_11 step %scan3A_12  : i32 {
      %mul3A_23 = arith.constant 16 : i32
      %mul3A_24 = arith.muli %scan3A_22, %mul3A_23 : i32
      %get3A = arith.index_cast %mul3A_24 : i32 to index
      %get3A_25 = tpu.vector_load %arg6[%get3A] {strides = array<i32>} : memref<960xi32, #tpu.memory_space<vmem>>, vector<16xi32>,
      %mul3A_26 = arith.constant 3 : i32
      %mul3A_27 = vector.broadcast %mul3A_26 : i32 to vector<16xi32>
      %mul3A_28 = arith.muli %get3A_25, %mul3A_27 : vector<16xi32>
      %add3A_29 = arith.constant 320 : i32
      %add3A_30 = arith.addi %add3A_29, %mul3A_24 : i32
      %get3A_31 = arith.index_cast %add3A_30 : i32 to index
      %get3A_32 = tpu.vector_load %arg6[%get3A_31] {strides = array<i32>} : memref<960xi32, #tpu.memory_space<vmem>>, vector<16xi32>,
      %mul3A_33 = arith.constant 3 : i32
      %mul3A_34 = vector.broadcast %mul3A_33 : i32 to vector<16xi32>
      %mul3A_35 = arith.muli %get3A_32, %mul3A_34 : vector<16xi32>
      %add3A_36 = arith.constant 640 : i32
      %add3A_37 = arith.addi %add3A_36, %mul3A_24 : i32
      %get3A_38 = arith.index_cast %add3A_37 : i32 to index
      %get3A_39 = tpu.vector_load %arg6[%get3A_38] {strides = array<i32>} : memref<960xi32, #tpu.memory_space<vmem>>, vector<16xi32>,
      %mul3A_40 = arith.constant 3 : i32
      %mul3A_41 = vector.broadcast %mul3A_40 : i32 to vector<16xi32>
      %mul3A_42 = arith.muli %get3A_39, %mul3A_41 : vector<16xi32>
      %add3A_43 = arith.addi %mul3A_2, %mul3A_24 : i32
      %add3A_44 = vector.broadcast %add3A_43 : i32 to vector<16xi32>
      %add3A_45 = arith.addi %add3A_44, %iota3A : vector<16xi32>
      %lt3A = arith.constant 9976 : i32
      %lt3A_46 = vector.broadcast %lt3A : i32 to vector<16xi32>
      %lt3A_47 = arith.cmpi slt, %add3A_45, %lt3A_46 : vector<16xi32>
      %broadcast_in_dim3A = arith.constant 0.000000e+00 : f32
      %broadcast_in_dim3A_48 = vector.broadcast %broadcast_in_dim3A : f32 to vector<16xf32>
      %broadcast_in_dim3A_49 = arith.constant 0 : i32
      %broadcast_in_dim3A_50 = vector.broadcast %broadcast_in_dim3A_49 : i32 to vector<16xi32>
      %add3A_51 = arith.addi %mul3A_28, %broadcast_in_dim3A_50 : vector<16xi32>
      %gather3A = tpu.vector_load_idx %arg5[%add3A_51] : memref<15072xf32, #tpu.memory_space<vmem>>[vector<16xi32>], vector<16xf32>,
      %add3A_52 = arith.addi %mul3A_35, %broadcast_in_dim3A_50 : vector<16xi32>
      %gather3A_53 = tpu.vector_load_idx %arg5[%add3A_52] : memref<15072xf32, #tpu.memory_space<vmem>>[vector<16xi32>], vector<16xf32>,
      %add3A_54 = arith.addi %mul3A_42, %broadcast_in_dim3A_50 : vector<16xi32>
      %gather3A_55 = tpu.vector_load_idx %arg5[%add3A_54] : memref<15072xf32, #tpu.memory_space<vmem>>[vector<16xi32>], vector<16xf32>,
      %add3A_56 = arith.addf %gather3A, %gather3A_53 : vector<16xf32>
      %add3A_57 = arith.addf %add3A_56, %gather3A_55 : vector<16xf32>
      %mul3A_58 = arith.constant 0.333333343 : f32
      %mul3A_59 = vector.broadcast %mul3A_58 : f32 to vector<16xf32>
      %mul3A_60 = arith.mulf %add3A_57, %mul3A_59 : vector<16xf32>
      %jit3A = arith.constant 5.000000e+18 : f32
      %broadcast_in_dim3A_61 = vector.broadcast %jit3A : f32 to vector<16xf32>
      %select_n3A = arith.select %lt3A_47, %mul3A_60, %broadcast_in_dim3A_61 : vector<16xi1>, vector<16xf32>
      %add3A_62 = arith.constant 0 : i32
      %add3A_63 = arith.addi %add3A_62, %mul3A_24 : i32
      %swap3A = arith.index_cast %add3A_63 : i32 to index
      %swap3A_64 = tpu.vector_load %arg7[%swap3A] {strides = array<i32>} : memref<1280xf32, #tpu.memory_space<vmem>>, vector<16xf32>,
      tpu.vector_store %arg7[%swap3A], %select_n3A {strides = array<i32>} : memref<1280xf32, #tpu.memory_space<vmem>>, vector<16xf32>,
      %mul3A_65 = arith.mulf %select_n3A, %select_n3A : vector<16xf32>
      %broadcast_in_dim3A_66 = arith.constant 1 : i32
      %broadcast_in_dim3A_67 = vector.broadcast %broadcast_in_dim3A_66 : i32 to vector<16xi32>
      %add3A_68 = arith.addi %mul3A_28, %broadcast_in_dim3A_67 : vector<16xi32>
      %gather3A_69 = tpu.vector_load_idx %arg5[%add3A_68] : memref<15072xf32, #tpu.memory_space<vmem>>[vector<16xi32>], vector<16xf32>,
      %add3A_70 = arith.addi %mul3A_35, %broadcast_in_dim3A_67 : vector<16xi32>
      %gather3A_71 = tpu.vector_load_idx %arg5[%add3A_70] : memref<15072xf32, #tpu.memory_space<vmem>>[vector<16xi32>], vector<16xf32>,
      %add3A_72 = arith.addi %mul3A_42, %broadcast_in_dim3A_67 : vector<16xi32>
      %gather3A_73 = tpu.vector_load_idx %arg5[%add3A_72] : memref<15072xf32, #tpu.memory_space<vmem>>[vector<16xi32>], vector<16xf32>,
      %add3A_74 = arith.addf %gather3A_69, %gather3A_71 : vector<16xf32>
      %add3A_75 = arith.addf %add3A_74, %gather3A_73 : vector<16xf32>
      %mul3A_76 = arith.constant 0.333333343 : f32
      %mul3A_77 = vector.broadcast %mul3A_76 : f32 to vector<16xf32>
      %mul3A_78 = arith.mulf %add3A_75, %mul3A_77 : vector<16xf32>
      %jit3A_79 = arith.constant 5.000000e+18 : f32
      %broadcast_in_dim3A_80 = vector.broadcast %jit3A_79 : f32 to vector<16xf32>
      %select_n3A_81 = arith.select %lt3A_47, %mul3A_78, %broadcast_in_dim3A_80 : vector<16xi1>, vector<16xf32>
      %add3A_82 = arith.constant 320 : i32
      %add3A_83 = arith.addi %add3A_82, %mul3A_24 : i32
      %swap3A_84 = arith.index_cast %add3A_83 : i32 to index
      %swap3A_85 = tpu.vector_load %arg7[%swap3A_84] {strides = array<i32>} : memref<1280xf32, #tpu.memory_space<vmem>>, vector<16xf32>,
      tpu.vector_store %arg7[%swap3A_84], %select_n3A_81 {strides = array<i32>} : memref<1280xf32, #tpu.memory_space<vmem>>, vector<16xf32>,
      %mul3A_86 = arith.mulf %select_n3A_81, %select_n3A_81 : vector<16xf32>
      %add3A_87 = arith.addf %mul3A_65, %mul3A_86 : vector<16xf32>
      %broadcast_in_dim3A_88 = arith.constant 2 : i32
      %broadcast_in_dim3A_89 = vector.broadcast %broadcast_in_dim3A_88 : i32 to vector<16xi32>
      %add3A_90 = arith.addi %mul3A_28, %broadcast_in_dim3A_89 : vector<16xi32>
      %gather3A_91 = tpu.vector_load_idx %arg5[%add3A_90] : memref<15072xf32, #tpu.memory_space<vmem>>[vector<16xi32>], vector<16xf32>,
      %add3A_92 = arith.addi %mul3A_35, %broadcast_in_dim3A_89 : vector<16xi32>
      %gather3A_93 = tpu.vector_load_idx %arg5[%add3A_92] : memref<15072xf32, #tpu.memory_space<vmem>>[vector<16xi32>], vector<16xf32>,
      %add3A_94 = arith.addi %mul3A_42, %broadcast_in_dim3A_89 : vector<16xi32>
      %gather3A_95 = tpu.vector_load_idx %arg5[%add3A_94] : memref<15072xf32, #tpu.memory_space<vmem>>[vector<16xi32>], vector<16xf32>,
      %add3A_96 = arith.addf %gather3A_91, %gather3A_93 : vector<16xf32>
      %add3A_97 = arith.addf %add3A_96, %gather3A_95 : vector<16xf32>
      %mul3A_98 = arith.constant 0.333333343 : f32
      %mul3A_99 = vector.broadcast %mul3A_98 : f32 to vector<16xf32>
      %mul3A_100 = arith.mulf %add3A_97, %mul3A_99 : vector<16xf32>
      %jit3A_101 = arith.constant 5.000000e+18 : f32
      %broadcast_in_dim3A_102 = vector.broadcast %jit3A_101 : f32 to vector<16xf32>
      %select_n3A_103 = arith.select %lt3A_47, %mul3A_100, %broadcast_in_dim3A_102 : vector<16xi1>, vector<16xf32>
      %add3A_104 = arith.constant 640 : i32
      %add3A_105 = arith.addi %add3A_104, %mul3A_24 : i32
      %swap3A_106 = arith.index_cast %add3A_105 : i32 to index
      %swap3A_107 = tpu.vector_load %arg7[%swap3A_106] {strides = array<i32>} : memref<1280xf32, #tpu.memory_space<vmem>>, vector<16xf32>,
      tpu.vector_store %arg7[%swap3A_106], %select_n3A_103 {strides = array<i32>} : memref<1280xf32, #tpu.memory_space<vmem>>, vector<16xf32>,
      %mul3A_108 = arith.mulf %select_n3A_103, %select_n3A_103 : vector<16xf32>
      %add3A_109 = arith.addf %add3A_87, %mul3A_108 : vector<16xf32>
      %jit3A_110 = arith.constant 3.000000e+38 : f32
      %broadcast_in_dim3A_111 = vector.broadcast %jit3A_110 : f32 to vector<16xf32>
      %select_n3A_112 = arith.select %lt3A_47, %add3A_109, %broadcast_in_dim3A_111 : vector<16xi1>, vector<16xf32>
      %add3A_113 = arith.constant 960 : i32
      %add3A_114 = arith.addi %add3A_113, %mul3A_24 : i32
      %swap3A_115 = arith.index_cast %add3A_114 : i32 to index
      %swap3A_116 = tpu.vector_load %arg7[%swap3A_115] {strides = array<i32>} : memref<1280xf32, #tpu.memory_space<vmem>>, vector<16xf32>,
      tpu.vector_store %arg7[%swap3A_115], %select_n3A_112 {strides = array<i32>} : memref<1280xf32, #tpu.memory_space<vmem>>, vector<16xf32>,
    }
    %scan3A_13 = arith.constant 20 : i32
    %add3A_14 = arith.constant 0 : i32
    %add3A_15 = arith.addi %add3A_14, %mul3A_2 : i32
    "tpu.region"() ({
      %run_scoped3A = tpu.sem_alloc : memref<!tpu.dma_semaphore, #tpu.memory_space<semaphore_mem>>
      %dma_start3A = arith.constant 0 : i32
      %dma_start3A_22 = tpu.memref_slice %arg7[%dma_start3A] : memref<1280xf32, #tpu.memory_space<vmem>> -> memref<320xf32, #tpu.memory_space<vmem>>
      %dma_start3A_23 = tpu.memref_slice %arg4[%add3A_15] : memref<40960xf32, #tpu.memory_space<hbm>> -> memref<320xf32, #tpu.memory_space<hbm>>
      %dma_start3A_24 = tpu.memref_slice %arg4[%add3A_15] : memref<40960xf32, #tpu.memory_space<hbm>> -> memref<320xf32, #tpu.memory_space<hbm>>
      %dma_start3A_25 = arith.constant 0 : i32
      %dma_start3A_26 = tpu.memref_slice %arg7[%dma_start3A_25] : memref<1280xf32, #tpu.memory_space<vmem>> -> memref<320xf32, #tpu.memory_space<vmem>>
      tpu.enqueue_dma source(%dma_start3A_26 : memref<320xf32, #tpu.memory_space<vmem>>) target(%dma_start3A_24 : memref<320xf32, #tpu.memory_space<hbm>>) target_semaphore(%run_scoped3A : memref<!tpu.dma_semaphore, #tpu.memory_space<semaphore_mem>>)
      %dma_wait3A = arith.constant 0 : i32
      %dma_wait3A_27 = tpu.memref_slice %arg7[%dma_wait3A] : memref<1280xf32, #tpu.memory_space<vmem>> -> memref<320xf32, #tpu.memory_space<vmem>>
      %dma_wait3A_28 = tpu.memref_slice %arg4[%add3A_15] : memref<40960xf32, #tpu.memory_space<hbm>> -> memref<320xf32, #tpu.memory_space<hbm>>
      %dma_wait3A_29 = tpu.memref_slice %arg4[%add3A_15] : memref<40960xf32, #tpu.memory_space<hbm>> -> memref<320xf32, #tpu.memory_space<hbm>>
      %dma_wait3A_30 = arith.constant 0 : i32
      %dma_wait3A_31 = tpu.memref_slice %arg7[%dma_wait3A_30] : memref<1280xf32, #tpu.memory_space<vmem>> -> memref<320xf32, #tpu.memory_space<vmem>>
      tpu.wait_dma2 semaphore(%run_scoped3A : memref<!tpu.dma_semaphore, #tpu.memory_space<semaphore_mem>>) src(%dma_wait3A_31 : memref<320xf32, #tpu.memory_space<vmem>>) dst(%dma_wait3A_29 : memref<320xf32, #tpu.memory_space<hbm>>)
      tpu.yield
    }) : () -> ()
    %add3A_16 = arith.constant 10240 : i32
    %add3A_17 = arith.addi %add3A_16, %mul3A_2 : i32
    "tpu.region"() ({
      %run_scoped3A = tpu.sem_alloc : memref<!tpu.dma_semaphore, #tpu.memory_space<semaphore_mem>>
      %dma_start3A = arith.constant 320 : i32
      %dma_start3A_22 = tpu.memref_slice %arg7[%dma_start3A] : memref<1280xf32, #tpu.memory_space<vmem>> -> memref<320xf32, #tpu.memory_space<vmem>>
      %dma_start3A_23 = tpu.memref_slice %arg4[%add3A_17] : memref<40960xf32, #tpu.memory_space<hbm>> -> memref<320xf32, #tpu.memory_space<hbm>>
      %dma_start3A_24 = tpu.memref_slice %arg4[%add3A_17] : memref<40960xf32, #tpu.memory_space<hbm>> -> memref<320xf32, #tpu.memory_space<hbm>>
      %dma_start3A_25 = arith.constant 320 : i32
      %dma_start3A_26 = tpu.memref_slice %arg7[%dma_start3A_25] : memref<1280xf32, #tpu.memory_space<vmem>> -> memref<320xf32, #tpu.memory_space<vmem>>
      tpu.enqueue_dma source(%dma_start3A_26 : memref<320xf32, #tpu.memory_space<vmem>>) target(%dma_start3A_24 : memref<320xf32, #tpu.memory_space<hbm>>) target_semaphore(%run_scoped3A : memref<!tpu.dma_semaphore, #tpu.memory_space<semaphore_mem>>)
      %dma_wait3A = arith.constant 320 : i32
      %dma_wait3A_27 = tpu.memref_slice %arg7[%dma_wait3A] : memref<1280xf32, #tpu.memory_space<vmem>> -> memref<320xf32, #tpu.memory_space<vmem>>
      %dma_wait3A_28 = tpu.memref_slice %arg4[%add3A_17] : memref<40960xf32, #tpu.memory_space<hbm>> -> memref<320xf32, #tpu.memory_space<hbm>>
      %dma_wait3A_29 = tpu.memref_slice %arg4[%add3A_17] : memref<40960xf32, #tpu.memory_space<hbm>> -> memref<320xf32, #tpu.memory_space<hbm>>
      %dma_wait3A_30 = arith.constant 320 : i32
      %dma_wait3A_31 = tpu.memref_slice %arg7[%dma_wait3A_30] : memref<1280xf32, #tpu.memory_space<vmem>> -> memref<320xf32, #tpu.memory_space<vmem>>
      tpu.wait_dma2 semaphore(%run_scoped3A : memref<!tpu.dma_semaphore, #tpu.memory_space<semaphore_mem>>) src(%dma_wait3A_31 : memref<320xf32, #tpu.memory_space<vmem>>) dst(%dma_wait3A_29 : memref<320xf32, #tpu.memory_space<hbm>>)
      tpu.yield
    }) : () -> ()
    %add3A_18 = arith.constant 20480 : i32
    %add3A_19 = arith.addi %add3A_18, %mul3A_2 : i32
    "tpu.region"() ({
      %run_scoped3A = tpu.sem_alloc : memref<!tpu.dma_semaphore, #tpu.memory_space<semaphore_mem>>
      %dma_start3A = arith.constant 640 : i32
      %dma_start3A_22 = tpu.memref_slice %arg7[%dma_start3A] : memref<1280xf32, #tpu.memory_space<vmem>> -> memref<320xf32, #tpu.memory_space<vmem>>
      %dma_start3A_23 = tpu.memref_slice %arg4[%add3A_19] : memref<40960xf32, #tpu.memory_space<hbm>> -> memref<320xf32, #tpu.memory_space<hbm>>
      %dma_start3A_24 = tpu.memref_slice %arg4[%add3A_19] : memref<40960xf32, #tpu.memory_space<hbm>> -> memref<320xf32, #tpu.memory_space<hbm>>
      %dma_start3A_25 = arith.constant 640 : i32
      %dma_start3A_26 = tpu.memref_slice %arg7[%dma_start3A_25] : memref<1280xf32, #tpu.memory_space<vmem>> -> memref<320xf32, #tpu.memory_space<vmem>>
      tpu.enqueue_dma source(%dma_start3A_26 : memref<320xf32, #tpu.memory_space<vmem>>) target(%dma_start3A_24 : memref<320xf32, #tpu.memory_space<hbm>>) target_semaphore(%run_scoped3A : memref<!tpu.dma_semaphore, #tpu.memory_space<semaphore_mem>>)
      %dma_wait3A = arith.constant 640 : i32
      %dma_wait3A_27 = tpu.memref_slice %arg7[%dma_wait3A] : memref<1280xf32, #tpu.memory_space<vmem>> -> memref<320xf32, #tpu.memory_space<vmem>>
      %dma_wait3A_28 = tpu.memref_slice %arg4[%add3A_19] : memref<40960xf32, #tpu.memory_space<hbm>> -> memref<320xf32, #tpu.memory_space<hbm>>
      %dma_wait3A_29 = tpu.memref_slice %arg4[%add3A_19] : memref<40960xf32, #tpu.memory_space<hbm>> -> memref<320xf32, #tpu.memory_space<hbm>>
      %dma_wait3A_30 = arith.constant 640 : i32
      %dma_wait3A_31 = tpu.memref_slice %arg7[%dma_wait3A_30] : memref<1280xf32, #tpu.memory_space<vmem>> -> memref<320xf32, #tpu.memory_space<vmem>>
      tpu.wait_dma2 semaphore(%run_scoped3A : memref<!tpu.dma_semaphore, #tpu.memory_space<semaphore_mem>>) src(%dma_wait3A_31 : memref<320xf32, #tpu.memory_space<vmem>>) dst(%dma_wait3A_29 : memref<320xf32, #tpu.memory_space<hbm>>)
      tpu.yield
    }) : () -> ()
    %add3A_20 = arith.constant 30720 : i32
    %add3A_21 = arith.addi %add3A_20, %mul3A_2 : i32
    "tpu.region"() ({
      %run_scoped3A = tpu.sem_alloc : memref<!tpu.dma_semaphore, #tpu.memory_space<semaphore_mem>>
      %dma_start3A = arith.constant 960 : i32
      %dma_start3A_22 = tpu.memref_slice %arg7[%dma_start3A] : memref<1280xf32, #tpu.memory_space<vmem>> -> memref<320xf32, #tpu.memory_space<vmem>>
      %dma_start3A_23 = tpu.memref_slice %arg4[%add3A_21] : memref<40960xf32, #tpu.memory_space<hbm>> -> memref<320xf32, #tpu.memory_space<hbm>>
      %dma_start3A_24 = tpu.memref_slice %arg4[%add3A_21] : memref<40960xf32, #tpu.memory_space<hbm>> -> memref<320xf32, #tpu.memory_space<hbm>>
      %dma_start3A_25 = arith.constant 960 : i32
      %dma_start3A_26 = tpu.memref_slice %arg7[%dma_start3A_25] : memref<1280xf32, #tpu.memory_space<vmem>> -> memref<320xf32, #tpu.memory_space<vmem>>
      tpu.enqueue_dma source(%dma_start3A_26 : memref<320xf32, #tpu.memory_space<vmem>>) target(%dma_start3A_24 : memref<320xf32, #tpu.memory_space<hbm>>) target_semaphore(%run_scoped3A : memref<!tpu.dma_semaphore, #tpu.memory_space<semaphore_mem>>)
      %dma_wait3A = arith.constant 960 : i32
      %dma_wait3A_27 = tpu.memref_slice %arg7[%dma_wait3A] : memref<1280xf32, #tpu.memory_space<vmem>> -> memref<320xf32, #tpu.memory_space<vmem>>
      %dma_wait3A_28 = tpu.memref_slice %arg4[%add3A_21] : memref<40960xf32, #tpu.memory_space<hbm>> -> memref<320xf32, #tpu.memory_space<hbm>>
      %dma_wait3A_29 = tpu.memref_slice %arg4[%add3A_21] : memref<40960xf32, #tpu.memory_space<hbm>> -> memref<320xf32, #tpu.memory_space<hbm>>
      %dma_wait3A_30 = arith.constant 960 : i32
      %dma_wait3A_31 = tpu.memref_slice %arg7[%dma_wait3A_30] : memref<1280xf32, #tpu.memory_space<vmem>> -> memref<320xf32, #tpu.memory_space<vmem>>
      tpu.wait_dma2 semaphore(%run_scoped3A : memref<!tpu.dma_semaphore, #tpu.memory_space<semaphore_mem>>) src(%dma_wait3A_31 : memref<320xf32, #tpu.memory_space<vmem>>) dst(%dma_wait3A_29 : memref<320xf32, #tpu.memory_space<hbm>>)
      tpu.yield
    }) : () -> ()
    return
  }
}

module attributes {stable_mosaic.version = 14 : i64} {
  func.func @_bind_tc_kernel(%arg0: i32, %arg1: memref<512x3xf32, #tpu.memory_space<vmem>>, %arg2: memref<3x10240xbf16, #tpu.memory_space<vmem>>, %arg3: memref<1x10240xf32, #tpu.memory_space<vmem>>, %arg4: memref<1x1x512xi32, #tpu.memory_space<vmem>>, %arg5: memref<512x9984xf32, #tpu.memory_space<vmem>>) attributes {dimension_semantics = [#tpu.dimension_semantics<arbitrary>], iteration_bounds = array<i64: 40>, scalar_prefetch = 0 : i64, scratch_operands = 1 : i64, tpu.core_type = #tpu.core_type<tc>, window_params = [{transform_indices = @transform_0, window_bounds = array<i64: 512, 3>}, {pipeline_mode = #tpu.pipeline_mode<synchronous>, transform_indices = @transform_1, window_bounds = array<i64: 3, 10240>}, {pipeline_mode = #tpu.pipeline_mode<synchronous>, transform_indices = @transform_2, window_bounds = array<i64: 1, 10240>}, {transform_indices = @transform_3, window_bounds = array<i64: 1, 1, 512>}]} {
    %get3A = arith.constant 0 : index
    %get3A_0 = arith.constant 0 : index
    %get3A_1 = vector.load %arg1[%get3A, %get3A_0] : memref<512x3xf32, #tpu.memory_space<vmem>>, vector<512x3xf32>
    %slice3A = vector.extract_strided_slice %get3A_1 {offsets = [0, 0], sizes = [512, 1], strides = [1, 1]} : vector<512x3xf32> to vector<512x1xf32>
    %slice3A_2 = vector.extract_strided_slice %get3A_1 {offsets = [0, 1], sizes = [512, 1], strides = [1, 1]} : vector<512x3xf32> to vector<512x1xf32>
    %slice3A_3 = vector.extract_strided_slice %get3A_1 {offsets = [0, 2], sizes = [512, 1], strides = [1, 1]} : vector<512x3xf32> to vector<512x1xf32>
    %mul3A = arith.mulf %slice3A, %slice3A : vector<512x1xf32>
    %mul3A_4 = arith.mulf %slice3A_2, %slice3A_2 : vector<512x1xf32>
    %add3A = arith.addf %mul3A, %mul3A_4 : vector<512x1xf32>
    %mul3A_5 = arith.mulf %slice3A_3, %slice3A_3 : vector<512x1xf32>
    %add3A_6 = arith.addf %add3A, %mul3A_5 : vector<512x1xf32>
    %get3A_7 = arith.constant 0 : index
    %get3A_8 = arith.constant 0 : index
    %get3A_9 = vector.load %arg2[%get3A_7, %get3A_8] : memref<3x10240xbf16, #tpu.memory_space<vmem>>, vector<3x256xbf16>
    %get3A_10 = arith.constant 0 : index
    %get3A_11 = arith.constant 0 : index
    %get3A_12 = vector.load %arg3[%get3A_10, %get3A_11] : memref<1x10240xf32, #tpu.memory_space<vmem>>, vector<1x256xf32>
    %dot_general3A = arith.constant dense<0.000000e+00> : vector<512x256xf32>
    %dot_general3A_13 = tpu.matmul %get3A_1, %get3A_9, %dot_general3A {dimension_numbers = #tpu.dot_dimension_numbers<[1], [0], [0], [1], [0, 0, 1, 1], [], []>, transpose_lhs_hint = false} : vector<512x3xf32>, vector<3x256xbf16>, vector<512x256xf32> -> vector<512x256xf32>
    %add3A_14 = vector.broadcast %add3A_6 : vector<512x1xf32> to vector<512x256xf32>
    %add3A_15 = vector.broadcast %get3A_12 : vector<1x256xf32> to vector<512x256xf32>
    %add3A_16 = arith.addf %add3A_14, %add3A_15 : vector<512x256xf32>
    %sub3A = arith.subf %add3A_16, %dot_general3A_13 : vector<512x256xf32>
    %swap3A = arith.constant 0 : index
    %swap3A_17 = arith.constant 0 : index
    %swap3A_18 = vector.load %arg5[%swap3A, %swap3A_17] : memref<512x9984xf32, #tpu.memory_space<vmem>>, vector<512x256xf32>
    tpu.vector_store %arg5[%swap3A, %swap3A_17], %sub3A {strides = array<i32>} : memref<512x9984xf32, #tpu.memory_space<vmem>>, vector<512x256xf32>,
    %get3A_19 = arith.constant 0 : index
    %get3A_20 = arith.constant 256 : index
    %get3A_21 = vector.load %arg2[%get3A_19, %get3A_20] : memref<3x10240xbf16, #tpu.memory_space<vmem>>, vector<3x256xbf16>
    %get3A_22 = arith.constant 0 : index
    %get3A_23 = arith.constant 256 : index
    %get3A_24 = vector.load %arg3[%get3A_22, %get3A_23] : memref<1x10240xf32, #tpu.memory_space<vmem>>, vector<1x256xf32>
    %dot_general3A_25 = arith.constant dense<0.000000e+00> : vector<512x256xf32>
    %dot_general3A_26 = tpu.matmul %get3A_1, %get3A_21, %dot_general3A_25 {dimension_numbers = #tpu.dot_dimension_numbers<[1], [0], [0], [1], [0, 0, 1, 1], [], []>, transpose_lhs_hint = false} : vector<512x3xf32>, vector<3x256xbf16>, vector<512x256xf32> -> vector<512x256xf32>
    %add3A_27 = vector.broadcast %add3A_6 : vector<512x1xf32> to vector<512x256xf32>
    %add3A_28 = vector.broadcast %get3A_24 : vector<1x256xf32> to vector<512x256xf32>
    %add3A_29 = arith.addf %add3A_27, %add3A_28 : vector<512x256xf32>
    %sub3A_30 = arith.subf %add3A_29, %dot_general3A_26 : vector<512x256xf32>
    %swap3A_31 = arith.constant 0 : index
    %swap3A_32 = arith.constant 256 : index
    %swap3A_33 = vector.load %arg5[%swap3A_31, %swap3A_32] : memref<512x9984xf32, #tpu.memory_space<vmem>>, vector<512x256xf32>
    tpu.vector_store %arg5[%swap3A_31, %swap3A_32], %sub3A_30 {strides = array<i32>} : memref<512x9984xf32, #tpu.memory_space<vmem>>, vector<512x256xf32>,
    %get3A_34 = arith.constant 0 : index
    %get3A_35 = arith.constant 512 : index
    %get3A_36 = vector.load %arg2[%get3A_34, %get3A_35] : memref<3x10240xbf16, #tpu.memory_space<vmem>>, vector<3x256xbf16>
    %get3A_37 = arith.constant 0 : index
    %get3A_38 = arith.constant 512 : index
    %get3A_39 = vector.load %arg3[%get3A_37, %get3A_38] : memref<1x10240xf32, #tpu.memory_space<vmem>>, vector<1x256xf32>
    %dot_general3A_40 = arith.constant dense<0.000000e+00> : vector<512x256xf32>
    %dot_general3A_41 = tpu.matmul %get3A_1, %get3A_36, %dot_general3A_40 {dimension_numbers = #tpu.dot_dimension_numbers<[1], [0], [0], [1], [0, 0, 1, 1], [], []>, transpose_lhs_hint = false} : vector<512x3xf32>, vector<3x256xbf16>, vector<512x256xf32> -> vector<512x256xf32>
    %add3A_42 = vector.broadcast %add3A_6 : vector<512x1xf32> to vector<512x256xf32>
    %add3A_43 = vector.broadcast %get3A_39 : vector<1x256xf32> to vector<512x256xf32>
    %add3A_44 = arith.addf %add3A_42, %add3A_43 : vector<512x256xf32>
    %sub3A_45 = arith.subf %add3A_44, %dot_general3A_41 : vector<512x256xf32>
    %swap3A_46 = arith.constant 0 : index
    %swap3A_47 = arith.constant 512 : index
    %swap3A_48 = vector.load %arg5[%swap3A_46, %swap3A_47] : memref<512x9984xf32, #tpu.memory_space<vmem>>, vector<512x256xf32>
    tpu.vector_store %arg5[%swap3A_46, %swap3A_47], %sub3A_45 {strides = array<i32>} : memref<512x9984xf32, #tpu.memory_space<vmem>>, vector<512x256xf32>,
    %get3A_49 = arith.constant 0 : index
    %get3A_50 = arith.constant 768 : index
    %get3A_51 = vector.load %arg2[%get3A_49, %get3A_50] : memref<3x10240xbf16, #tpu.memory_space<vmem>>, vector<3x256xbf16>
    %get3A_52 = arith.constant 0 : index
    %get3A_53 = arith.constant 768 : index
    %get3A_54 = vector.load %arg3[%get3A_52, %get3A_53] : memref<1x10240xf32, #tpu.memory_space<vmem>>, vector<1x256xf32>
    %dot_general3A_55 = arith.constant dense<0.000000e+00> : vector<512x256xf32>
    %dot_general3A_56 = tpu.matmul %get3A_1, %get3A_51, %dot_general3A_55 {dimension_numbers = #tpu.dot_dimension_numbers<[1], [0], [0], [1], [0, 0, 1, 1], [], []>, transpose_lhs_hint = false} : vector<512x3xf32>, vector<3x256xbf16>, vector<512x256xf32> -> vector<512x256xf32>
    %add3A_57 = vector.broadcast %add3A_6 : vector<512x1xf32> to vector<512x256xf32>
    %add3A_58 = vector.broadcast %get3A_54 : vector<1x256xf32> to vector<512x256xf32>
    %add3A_59 = arith.addf %add3A_57, %add3A_58 : vector<512x256xf32>
    %sub3A_60 = arith.subf %add3A_59, %dot_general3A_56 : vector<512x256xf32>
    %swap3A_61 = arith.constant 0 : index
    %swap3A_62 = arith.constant 768 : index
    %swap3A_63 = vector.load %arg5[%swap3A_61, %swap3A_62] : memref<512x9984xf32, #tpu.memory_space<vmem>>, vector<512x256xf32>
    tpu.vector_store %arg5[%swap3A_61, %swap3A_62], %sub3A_60 {strides = array<i32>} : memref<512x9984xf32, #tpu.memory_space<vmem>>, vector<512x256xf32>,
    %get3A_64 = arith.constant 0 : index
    %get3A_65 = arith.constant 1024 : index
    %get3A_66 = vector.load %arg2[%get3A_64, %get3A_65] : memref<3x10240xbf16, #tpu.memory_space<vmem>>, vector<3x256xbf16>
    %get3A_67 = arith.constant 0 : index
    %get3A_68 = arith.constant 1024 : index
    %get3A_69 = vector.load %arg3[%get3A_67, %get3A_68] : memref<1x10240xf32, #tpu.memory_space<vmem>>, vector<1x256xf32>
    %dot_general3A_70 = arith.constant dense<0.000000e+00> : vector<512x256xf32>
    %dot_general3A_71 = tpu.matmul %get3A_1, %get3A_66, %dot_general3A_70 {dimension_numbers = #tpu.dot_dimension_numbers<[1], [0], [0], [1], [0, 0, 1, 1], [], []>, transpose_lhs_hint = false} : vector<512x3xf32>, vector<3x256xbf16>, vector<512x256xf32> -> vector<512x256xf32>
    %add3A_72 = vector.broadcast %add3A_6 : vector<512x1xf32> to vector<512x256xf32>
    %add3A_73 = vector.broadcast %get3A_69 : vector<1x256xf32> to vector<512x256xf32>
    %add3A_74 = arith.addf %add3A_72, %add3A_73 : vector<512x256xf32>
    %sub3A_75 = arith.subf %add3A_74, %dot_general3A_71 : vector<512x256xf32>
    %swap3A_76 = arith.constant 0 : index
    %swap3A_77 = arith.constant 1024 : index
    %swap3A_78 = vector.load %arg5[%swap3A_76, %swap3A_77] : memref<512x9984xf32, #tpu.memory_space<vmem>>, vector<512x256xf32>
    tpu.vector_store %arg5[%swap3A_76, %swap3A_77], %sub3A_75 {strides = array<i32>} : memref<512x9984xf32, #tpu.memory_space<vmem>>, vector<512x256xf32>,
    %get3A_79 = arith.constant 0 : index
    %get3A_80 = arith.constant 1280 : index
    %get3A_81 = vector.load %arg2[%get3A_79, %get3A_80] : memref<3x10240xbf16, #tpu.memory_space<vmem>>, vector<3x256xbf16>
    %get3A_82 = arith.constant 0 : index
    %get3A_83 = arith.constant 1280 : index
    %get3A_84 = vector.load %arg3[%get3A_82, %get3A_83] : memref<1x10240xf32, #tpu.memory_space<vmem>>, vector<1x256xf32>
    %dot_general3A_85 = arith.constant dense<0.000000e+00> : vector<512x256xf32>
    %dot_general3A_86 = tpu.matmul %get3A_1, %get3A_81, %dot_general3A_85 {dimension_numbers = #tpu.dot_dimension_numbers<[1], [0], [0], [1], [0, 0, 1, 1], [], []>, transpose_lhs_hint = false} : vector<512x3xf32>, vector<3x256xbf16>, vector<512x256xf32> -> vector<512x256xf32>
    %add3A_87 = vector.broadcast %add3A_6 : vector<512x1xf32> to vector<512x256xf32>
    %add3A_88 = vector.broadcast %get3A_84 : vector<1x256xf32> to vector<512x256xf32>
    %add3A_89 = arith.addf %add3A_87, %add3A_88 : vector<512x256xf32>
    %sub3A_90 = arith.subf %add3A_89, %dot_general3A_86 : vector<512x256xf32>
    %swap3A_91 = arith.constant 0 : index
    %swap3A_92 = arith.constant 1280 : index
    %swap3A_93 = vector.load %arg5[%swap3A_91, %swap3A_92] : memref<512x9984xf32, #tpu.memory_space<vmem>>, vector<512x256xf32>
    tpu.vector_store %arg5[%swap3A_91, %swap3A_92], %sub3A_90 {strides = array<i32>} : memref<512x9984xf32, #tpu.memory_space<vmem>>, vector<512x256xf32>,
    %get3A_94 = arith.constant 0 : index
    %get3A_95 = arith.constant 1536 : index
    %get3A_96 = vector.load %arg2[%get3A_94, %get3A_95] : memref<3x10240xbf16, #tpu.memory_space<vmem>>, vector<3x256xbf16>
    %get3A_97 = arith.constant 0 : index
    %get3A_98 = arith.constant 1536 : index
    %get3A_99 = vector.load %arg3[%get3A_97, %get3A_98] : memref<1x10240xf32, #tpu.memory_space<vmem>>, vector<1x256xf32>
    %dot_general3A_100 = arith.constant dense<0.000000e+00> : vector<512x256xf32>
    %dot_general3A_101 = tpu.matmul %get3A_1, %get3A_96, %dot_general3A_100 {dimension_numbers = #tpu.dot_dimension_numbers<[1], [0], [0], [1], [0, 0, 1, 1], [], []>, transpose_lhs_hint = false} : vector<512x3xf32>, vector<3x256xbf16>, vector<512x256xf32> -> vector<512x256xf32>
    %add3A_102 = vector.broadcast %add3A_6 : vector<512x1xf32> to vector<512x256xf32>
    %add3A_103 = vector.broadcast %get3A_99 : vector<1x256xf32> to vector<512x256xf32>
    %add3A_104 = arith.addf %add3A_102, %add3A_103 : vector<512x256xf32>
    %sub3A_105 = arith.subf %add3A_104, %dot_general3A_101 : vector<512x256xf32>
    %swap3A_106 = arith.constant 0 : index
    %swap3A_107 = arith.constant 1536 : index
    %swap3A_108 = vector.load %arg5[%swap3A_106, %swap3A_107] : memref<512x9984xf32, #tpu.memory_space<vmem>>, vector<512x256xf32>
    tpu.vector_store %arg5[%swap3A_106, %swap3A_107], %sub3A_105 {strides = array<i32>} : memref<512x9984xf32, #tpu.memory_space<vmem>>, vector<512x256xf32>,
    %get3A_109 = arith.constant 0 : index
    %get3A_110 = arith.constant 1792 : index
    %get3A_111 = vector.load %arg2[%get3A_109, %get3A_110] : memref<3x10240xbf16, #tpu.memory_space<vmem>>, vector<3x256xbf16>
    %get3A_112 = arith.constant 0 : index
    %get3A_113 = arith.constant 1792 : index
    %get3A_114 = vector.load %arg3[%get3A_112, %get3A_113] : memref<1x10240xf32, #tpu.memory_space<vmem>>, vector<1x256xf32>
    %dot_general3A_115 = arith.constant dense<0.000000e+00> : vector<512x256xf32>
    %dot_general3A_116 = tpu.matmul %get3A_1, %get3A_111, %dot_general3A_115 {dimension_numbers = #tpu.dot_dimension_numbers<[1], [0], [0], [1], [0, 0, 1, 1], [], []>, transpose_lhs_hint = false} : vector<512x3xf32>, vector<3x256xbf16>, vector<512x256xf32> -> vector<512x256xf32>
    %add3A_117 = vector.broadcast %add3A_6 : vector<512x1xf32> to vector<512x256xf32>
    %add3A_118 = vector.broadcast %get3A_114 : vector<1x256xf32> to vector<512x256xf32>
    %add3A_119 = arith.addf %add3A_117, %add3A_118 : vector<512x256xf32>
    %sub3A_120 = arith.subf %add3A_119, %dot_general3A_116 : vector<512x256xf32>
    %swap3A_121 = arith.constant 0 : index
    %swap3A_122 = arith.constant 1792 : index
    %swap3A_123 = vector.load %arg5[%swap3A_121, %swap3A_122] : memref<512x9984xf32, #tpu.memory_space<vmem>>, vector<512x256xf32>
    tpu.vector_store %arg5[%swap3A_121, %swap3A_122], %sub3A_120 {strides = array<i32>} : memref<512x9984xf32, #tpu.memory_space<vmem>>, vector<512x256xf32>,
    %get3A_124 = arith.constant 0 : index
    %get3A_125 = arith.constant 2048 : index
    %get3A_126 = vector.load %arg2[%get3A_124, %get3A_125] : memref<3x10240xbf16, #tpu.memory_space<vmem>>, vector<3x256xbf16>
    %get3A_127 = arith.constant 0 : index
    %get3A_128 = arith.constant 2048 : index
    %get3A_129 = vector.load %arg3[%get3A_127, %get3A_128] : memref<1x10240xf32, #tpu.memory_space<vmem>>, vector<1x256xf32>
    %dot_general3A_130 = arith.constant dense<0.000000e+00> : vector<512x256xf32>
    %dot_general3A_131 = tpu.matmul %get3A_1, %get3A_126, %dot_general3A_130 {dimension_numbers = #tpu.dot_dimension_numbers<[1], [0], [0], [1], [0, 0, 1, 1], [], []>, transpose_lhs_hint = false} : vector<512x3xf32>, vector<3x256xbf16>, vector<512x256xf32> -> vector<512x256xf32>
    %add3A_132 = vector.broadcast %add3A_6 : vector<512x1xf32> to vector<512x256xf32>
    %add3A_133 = vector.broadcast %get3A_129 : vector<1x256xf32> to vector<512x256xf32>
    %add3A_134 = arith.addf %add3A_132, %add3A_133 : vector<512x256xf32>
    %sub3A_135 = arith.subf %add3A_134, %dot_general3A_131 : vector<512x256xf32>
    %swap3A_136 = arith.constant 0 : index
    %swap3A_137 = arith.constant 2048 : index
    %swap3A_138 = vector.load %arg5[%swap3A_136, %swap3A_137] : memref<512x9984xf32, #tpu.memory_space<vmem>>, vector<512x256xf32>
    tpu.vector_store %arg5[%swap3A_136, %swap3A_137], %sub3A_135 {strides = array<i32>} : memref<512x9984xf32, #tpu.memory_space<vmem>>, vector<512x256xf32>,
    %get3A_139 = arith.constant 0 : index
    %get3A_140 = arith.constant 2304 : index
    %get3A_141 = vector.load %arg2[%get3A_139, %get3A_140] : memref<3x10240xbf16, #tpu.memory_space<vmem>>, vector<3x256xbf16>
    %get3A_142 = arith.constant 0 : index
    %get3A_143 = arith.constant 2304 : index
    %get3A_144 = vector.load %arg3[%get3A_142, %get3A_143] : memref<1x10240xf32, #tpu.memory_space<vmem>>, vector<1x256xf32>
    %dot_general3A_145 = arith.constant dense<0.000000e+00> : vector<512x256xf32>
    %dot_general3A_146 = tpu.matmul %get3A_1, %get3A_141, %dot_general3A_145 {dimension_numbers = #tpu.dot_dimension_numbers<[1], [0], [0], [1], [0, 0, 1, 1], [], []>, transpose_lhs_hint = false} : vector<512x3xf32>, vector<3x256xbf16>, vector<512x256xf32> -> vector<512x256xf32>
    %add3A_147 = vector.broadcast %add3A_6 : vector<512x1xf32> to vector<512x256xf32>
    %add3A_148 = vector.broadcast %get3A_144 : vector<1x256xf32> to vector<512x256xf32>
    %add3A_149 = arith.addf %add3A_147, %add3A_148 : vector<512x256xf32>
    %sub3A_150 = arith.subf %add3A_149, %dot_general3A_146 : vector<512x256xf32>
    %swap3A_151 = arith.constant 0 : index
    %swap3A_152 = arith.constant 2304 : index
    %swap3A_153 = vector.load %arg5[%swap3A_151, %swap3A_152] : memref<512x9984xf32, #tpu.memory_space<vmem>>, vector<512x256xf32>
    tpu.vector_store %arg5[%swap3A_151, %swap3A_152], %sub3A_150 {strides = array<i32>} : memref<512x9984xf32, #tpu.memory_space<vmem>>, vector<512x256xf32>,
    %get3A_154 = arith.constant 0 : index
    %get3A_155 = arith.constant 2560 : index
    %get3A_156 = vector.load %arg2[%get3A_154, %get3A_155] : memref<3x10240xbf16, #tpu.memory_space<vmem>>, vector<3x256xbf16>
    %get3A_157 = arith.constant 0 : index
    %get3A_158 = arith.constant 2560 : index
    %get3A_159 = vector.load %arg3[%get3A_157, %get3A_158] : memref<1x10240xf32, #tpu.memory_space<vmem>>, vector<1x256xf32>
    %dot_general3A_160 = arith.constant dense<0.000000e+00> : vector<512x256xf32>
    %dot_general3A_161 = tpu.matmul %get3A_1, %get3A_156, %dot_general3A_160 {dimension_numbers = #tpu.dot_dimension_numbers<[1], [0], [0], [1], [0, 0, 1, 1], [], []>, transpose_lhs_hint = false} : vector<512x3xf32>, vector<3x256xbf16>, vector<512x256xf32> -> vector<512x256xf32>
    %add3A_162 = vector.broadcast %add3A_6 : vector<512x1xf32> to vector<512x256xf32>
    %add3A_163 = vector.broadcast %get3A_159 : vector<1x256xf32> to vector<512x256xf32>
    %add3A_164 = arith.addf %add3A_162, %add3A_163 : vector<512x256xf32>
    %sub3A_165 = arith.subf %add3A_164, %dot_general3A_161 : vector<512x256xf32>
    %swap3A_166 = arith.constant 0 : index
    %swap3A_167 = arith.constant 2560 : index
    %swap3A_168 = vector.load %arg5[%swap3A_166, %swap3A_167] : memref<512x9984xf32, #tpu.memory_space<vmem>>, vector<512x256xf32>
    tpu.vector_store %arg5[%swap3A_166, %swap3A_167], %sub3A_165 {strides = array<i32>} : memref<512x9984xf32, #tpu.memory_space<vmem>>, vector<512x256xf32>,
    %get3A_169 = arith.constant 0 : index
    %get3A_170 = arith.constant 2816 : index
    %get3A_171 = vector.load %arg2[%get3A_169, %get3A_170] : memref<3x10240xbf16, #tpu.memory_space<vmem>>, vector<3x256xbf16>
    %get3A_172 = arith.constant 0 : index
    %get3A_173 = arith.constant 2816 : index
    %get3A_174 = vector.load %arg3[%get3A_172, %get3A_173] : memref<1x10240xf32, #tpu.memory_space<vmem>>, vector<1x256xf32>
    %dot_general3A_175 = arith.constant dense<0.000000e+00> : vector<512x256xf32>
    %dot_general3A_176 = tpu.matmul %get3A_1, %get3A_171, %dot_general3A_175 {dimension_numbers = #tpu.dot_dimension_numbers<[1], [0], [0], [1], [0, 0, 1, 1], [], []>, transpose_lhs_hint = false} : vector<512x3xf32>, vector<3x256xbf16>, vector<512x256xf32> -> vector<512x256xf32>
    %add3A_177 = vector.broadcast %add3A_6 : vector<512x1xf32> to vector<512x256xf32>
    %add3A_178 = vector.broadcast %get3A_174 : vector<1x256xf32> to vector<512x256xf32>
    %add3A_179 = arith.addf %add3A_177, %add3A_178 : vector<512x256xf32>
    %sub3A_180 = arith.subf %add3A_179, %dot_general3A_176 : vector<512x256xf32>
    %swap3A_181 = arith.constant 0 : index
    %swap3A_182 = arith.constant 2816 : index
    %swap3A_183 = vector.load %arg5[%swap3A_181, %swap3A_182] : memref<512x9984xf32, #tpu.memory_space<vmem>>, vector<512x256xf32>
    tpu.vector_store %arg5[%swap3A_181, %swap3A_182], %sub3A_180 {strides = array<i32>} : memref<512x9984xf32, #tpu.memory_space<vmem>>, vector<512x256xf32>,
    %get3A_184 = arith.constant 0 : index
    %get3A_185 = arith.constant 3072 : index
    %get3A_186 = vector.load %arg2[%get3A_184, %get3A_185] : memref<3x10240xbf16, #tpu.memory_space<vmem>>, vector<3x256xbf16>
    %get3A_187 = arith.constant 0 : index
    %get3A_188 = arith.constant 3072 : index
    %get3A_189 = vector.load %arg3[%get3A_187, %get3A_188] : memref<1x10240xf32, #tpu.memory_space<vmem>>, vector<1x256xf32>
    %dot_general3A_190 = arith.constant dense<0.000000e+00> : vector<512x256xf32>
    %dot_general3A_191 = tpu.matmul %get3A_1, %get3A_186, %dot_general3A_190 {dimension_numbers = #tpu.dot_dimension_numbers<[1], [0], [0], [1], [0, 0, 1, 1], [], []>, transpose_lhs_hint = false} : vector<512x3xf32>, vector<3x256xbf16>, vector<512x256xf32> -> vector<512x256xf32>
    %add3A_192 = vector.broadcast %add3A_6 : vector<512x1xf32> to vector<512x256xf32>
    %add3A_193 = vector.broadcast %get3A_189 : vector<1x256xf32> to vector<512x256xf32>
    %add3A_194 = arith.addf %add3A_192, %add3A_193 : vector<512x256xf32>
    %sub3A_195 = arith.subf %add3A_194, %dot_general3A_191 : vector<512x256xf32>
    %swap3A_196 = arith.constant 0 : index
    %swap3A_197 = arith.constant 3072 : index
    %swap3A_198 = vector.load %arg5[%swap3A_196, %swap3A_197] : memref<512x9984xf32, #tpu.memory_space<vmem>>, vector<512x256xf32>
    tpu.vector_store %arg5[%swap3A_196, %swap3A_197], %sub3A_195 {strides = array<i32>} : memref<512x9984xf32, #tpu.memory_space<vmem>>, vector<512x256xf32>,
    %get3A_199 = arith.constant 0 : index
    %get3A_200 = arith.constant 3328 : index
    %get3A_201 = vector.load %arg2[%get3A_199, %get3A_200] : memref<3x10240xbf16, #tpu.memory_space<vmem>>, vector<3x256xbf16>
    %get3A_202 = arith.constant 0 : index
    %get3A_203 = arith.constant 3328 : index
    %get3A_204 = vector.load %arg3[%get3A_202, %get3A_203] : memref<1x10240xf32, #tpu.memory_space<vmem>>, vector<1x256xf32>
    %dot_general3A_205 = arith.constant dense<0.000000e+00> : vector<512x256xf32>
    %dot_general3A_206 = tpu.matmul %get3A_1, %get3A_201, %dot_general3A_205 {dimension_numbers = #tpu.dot_dimension_numbers<[1], [0], [0], [1], [0, 0, 1, 1], [], []>, transpose_lhs_hint = false} : vector<512x3xf32>, vector<3x256xbf16>, vector<512x256xf32> -> vector<512x256xf32>
    %add3A_207 = vector.broadcast %add3A_6 : vector<512x1xf32> to vector<512x256xf32>
    %add3A_208 = vector.broadcast %get3A_204 : vector<1x256xf32> to vector<512x256xf32>
    %add3A_209 = arith.addf %add3A_207, %add3A_208 : vector<512x256xf32>
    %sub3A_210 = arith.subf %add3A_209, %dot_general3A_206 : vector<512x256xf32>
    %swap3A_211 = arith.constant 0 : index
    %swap3A_212 = arith.constant 3328 : index
    %swap3A_213 = vector.load %arg5[%swap3A_211, %swap3A_212] : memref<512x9984xf32, #tpu.memory_space<vmem>>, vector<512x256xf32>
    tpu.vector_store %arg5[%swap3A_211, %swap3A_212], %sub3A_210 {strides = array<i32>} : memref<512x9984xf32, #tpu.memory_space<vmem>>, vector<512x256xf32>,
    %get3A_214 = arith.constant 0 : index
    %get3A_215 = arith.constant 3584 : index
    %get3A_216 = vector.load %arg2[%get3A_214, %get3A_215] : memref<3x10240xbf16, #tpu.memory_space<vmem>>, vector<3x256xbf16>
    %get3A_217 = arith.constant 0 : index
    %get3A_218 = arith.constant 3584 : index
    %get3A_219 = vector.load %arg3[%get3A_217, %get3A_218] : memref<1x10240xf32, #tpu.memory_space<vmem>>, vector<1x256xf32>
    %dot_general3A_220 = arith.constant dense<0.000000e+00> : vector<512x256xf32>
    %dot_general3A_221 = tpu.matmul %get3A_1, %get3A_216, %dot_general3A_220 {dimension_numbers = #tpu.dot_dimension_numbers<[1], [0], [0], [1], [0, 0, 1, 1], [], []>, transpose_lhs_hint = false} : vector<512x3xf32>, vector<3x256xbf16>, vector<512x256xf32> -> vector<512x256xf32>
    %add3A_222 = vector.broadcast %add3A_6 : vector<512x1xf32> to vector<512x256xf32>
    %add3A_223 = vector.broadcast %get3A_219 : vector<1x256xf32> to vector<512x256xf32>
    %add3A_224 = arith.addf %add3A_222, %add3A_223 : vector<512x256xf32>
    %sub3A_225 = arith.subf %add3A_224, %dot_general3A_221 : vector<512x256xf32>
    %swap3A_226 = arith.constant 0 : index
    %swap3A_227 = arith.constant 3584 : index
    %swap3A_228 = vector.load %arg5[%swap3A_226, %swap3A_227] : memref<512x9984xf32, #tpu.memory_space<vmem>>, vector<512x256xf32>
    tpu.vector_store %arg5[%swap3A_226, %swap3A_227], %sub3A_225 {strides = array<i32>} : memref<512x9984xf32, #tpu.memory_space<vmem>>, vector<512x256xf32>,
    %get3A_229 = arith.constant 0 : index
    %get3A_230 = arith.constant 3840 : index
    %get3A_231 = vector.load %arg2[%get3A_229, %get3A_230] : memref<3x10240xbf16, #tpu.memory_space<vmem>>, vector<3x256xbf16>
    %get3A_232 = arith.constant 0 : index
    %get3A_233 = arith.constant 3840 : index
    %get3A_234 = vector.load %arg3[%get3A_232, %get3A_233] : memref<1x10240xf32, #tpu.memory_space<vmem>>, vector<1x256xf32>
    %dot_general3A_235 = arith.constant dense<0.000000e+00> : vector<512x256xf32>
    %dot_general3A_236 = tpu.matmul %get3A_1, %get3A_231, %dot_general3A_235 {dimension_numbers = #tpu.dot_dimension_numbers<[1], [0], [0], [1], [0, 0, 1, 1], [], []>, transpose_lhs_hint = false} : vector<512x3xf32>, vector<3x256xbf16>, vector<512x256xf32> -> vector<512x256xf32>
    %add3A_237 = vector.broadcast %add3A_6 : vector<512x1xf32> to vector<512x256xf32>
    %add3A_238 = vector.broadcast %get3A_234 : vector<1x256xf32> to vector<512x256xf32>
    %add3A_239 = arith.addf %add3A_237, %add3A_238 : vector<512x256xf32>
    %sub3A_240 = arith.subf %add3A_239, %dot_general3A_236 : vector<512x256xf32>
    %swap3A_241 = arith.constant 0 : index
    %swap3A_242 = arith.constant 3840 : index
    %swap3A_243 = vector.load %arg5[%swap3A_241, %swap3A_242] : memref<512x9984xf32, #tpu.memory_space<vmem>>, vector<512x256xf32>
    tpu.vector_store %arg5[%swap3A_241, %swap3A_242], %sub3A_240 {strides = array<i32>} : memref<512x9984xf32, #tpu.memory_space<vmem>>, vector<512x256xf32>,
    %get3A_244 = arith.constant 0 : index
    %get3A_245 = arith.constant 4096 : index
    %get3A_246 = vector.load %arg2[%get3A_244, %get3A_245] : memref<3x10240xbf16, #tpu.memory_space<vmem>>, vector<3x256xbf16>
    %get3A_247 = arith.constant 0 : index
    %get3A_248 = arith.constant 4096 : index
    %get3A_249 = vector.load %arg3[%get3A_247, %get3A_248] : memref<1x10240xf32, #tpu.memory_space<vmem>>, vector<1x256xf32>
    %dot_general3A_250 = arith.constant dense<0.000000e+00> : vector<512x256xf32>
    %dot_general3A_251 = tpu.matmul %get3A_1, %get3A_246, %dot_general3A_250 {dimension_numbers = #tpu.dot_dimension_numbers<[1], [0], [0], [1], [0, 0, 1, 1], [], []>, transpose_lhs_hint = false} : vector<512x3xf32>, vector<3x256xbf16>, vector<512x256xf32> -> vector<512x256xf32>
    %add3A_252 = vector.broadcast %add3A_6 : vector<512x1xf32> to vector<512x256xf32>
    %add3A_253 = vector.broadcast %get3A_249 : vector<1x256xf32> to vector<512x256xf32>
    %add3A_254 = arith.addf %add3A_252, %add3A_253 : vector<512x256xf32>
    %sub3A_255 = arith.subf %add3A_254, %dot_general3A_251 : vector<512x256xf32>
    %swap3A_256 = arith.constant 0 : index
    %swap3A_257 = arith.constant 4096 : index
    %swap3A_258 = vector.load %arg5[%swap3A_256, %swap3A_257] : memref<512x9984xf32, #tpu.memory_space<vmem>>, vector<512x256xf32>
    tpu.vector_store %arg5[%swap3A_256, %swap3A_257], %sub3A_255 {strides = array<i32>} : memref<512x9984xf32, #tpu.memory_space<vmem>>, vector<512x256xf32>,
    %get3A_259 = arith.constant 0 : index
    %get3A_260 = arith.constant 4352 : index
    %get3A_261 = vector.load %arg2[%get3A_259, %get3A_260] : memref<3x10240xbf16, #tpu.memory_space<vmem>>, vector<3x256xbf16>
    %get3A_262 = arith.constant 0 : index
    %get3A_263 = arith.constant 4352 : index
    %get3A_264 = vector.load %arg3[%get3A_262, %get3A_263] : memref<1x10240xf32, #tpu.memory_space<vmem>>, vector<1x256xf32>
    %dot_general3A_265 = arith.constant dense<0.000000e+00> : vector<512x256xf32>
    %dot_general3A_266 = tpu.matmul %get3A_1, %get3A_261, %dot_general3A_265 {dimension_numbers = #tpu.dot_dimension_numbers<[1], [0], [0], [1], [0, 0, 1, 1], [], []>, transpose_lhs_hint = false} : vector<512x3xf32>, vector<3x256xbf16>, vector<512x256xf32> -> vector<512x256xf32>
    %add3A_267 = vector.broadcast %add3A_6 : vector<512x1xf32> to vector<512x256xf32>
    %add3A_268 = vector.broadcast %get3A_264 : vector<1x256xf32> to vector<512x256xf32>
    %add3A_269 = arith.addf %add3A_267, %add3A_268 : vector<512x256xf32>
    %sub3A_270 = arith.subf %add3A_269, %dot_general3A_266 : vector<512x256xf32>
    %swap3A_271 = arith.constant 0 : index
    %swap3A_272 = arith.constant 4352 : index
    %swap3A_273 = vector.load %arg5[%swap3A_271, %swap3A_272] : memref<512x9984xf32, #tpu.memory_space<vmem>>, vector<512x256xf32>
    tpu.vector_store %arg5[%swap3A_271, %swap3A_272], %sub3A_270 {strides = array<i32>} : memref<512x9984xf32, #tpu.memory_space<vmem>>, vector<512x256xf32>,
    %get3A_274 = arith.constant 0 : index
    %get3A_275 = arith.constant 4608 : index
    %get3A_276 = vector.load %arg2[%get3A_274, %get3A_275] : memref<3x10240xbf16, #tpu.memory_space<vmem>>, vector<3x256xbf16>
    %get3A_277 = arith.constant 0 : index
    %get3A_278 = arith.constant 4608 : index
    %get3A_279 = vector.load %arg3[%get3A_277, %get3A_278] : memref<1x10240xf32, #tpu.memory_space<vmem>>, vector<1x256xf32>
    %dot_general3A_280 = arith.constant dense<0.000000e+00> : vector<512x256xf32>
    %dot_general3A_281 = tpu.matmul %get3A_1, %get3A_276, %dot_general3A_280 {dimension_numbers = #tpu.dot_dimension_numbers<[1], [0], [0], [1], [0, 0, 1, 1], [], []>, transpose_lhs_hint = false} : vector<512x3xf32>, vector<3x256xbf16>, vector<512x256xf32> -> vector<512x256xf32>
    %add3A_282 = vector.broadcast %add3A_6 : vector<512x1xf32> to vector<512x256xf32>
    %add3A_283 = vector.broadcast %get3A_279 : vector<1x256xf32> to vector<512x256xf32>
    %add3A_284 = arith.addf %add3A_282, %add3A_283 : vector<512x256xf32>
    %sub3A_285 = arith.subf %add3A_284, %dot_general3A_281 : vector<512x256xf32>
    %swap3A_286 = arith.constant 0 : index
    %swap3A_287 = arith.constant 4608 : index
    %swap3A_288 = vector.load %arg5[%swap3A_286, %swap3A_287] : memref<512x9984xf32, #tpu.memory_space<vmem>>, vector<512x256xf32>
    tpu.vector_store %arg5[%swap3A_286, %swap3A_287], %sub3A_285 {strides = array<i32>} : memref<512x9984xf32, #tpu.memory_space<vmem>>, vector<512x256xf32>,
    %get3A_289 = arith.constant 0 : index
    %get3A_290 = arith.constant 4864 : index
    %get3A_291 = vector.load %arg2[%get3A_289, %get3A_290] : memref<3x10240xbf16, #tpu.memory_space<vmem>>, vector<3x256xbf16>
    %get3A_292 = arith.constant 0 : index
    %get3A_293 = arith.constant 4864 : index
    %get3A_294 = vector.load %arg3[%get3A_292, %get3A_293] : memref<1x10240xf32, #tpu.memory_space<vmem>>, vector<1x256xf32>
    %dot_general3A_295 = arith.constant dense<0.000000e+00> : vector<512x256xf32>
    %dot_general3A_296 = tpu.matmul %get3A_1, %get3A_291, %dot_general3A_295 {dimension_numbers = #tpu.dot_dimension_numbers<[1], [0], [0], [1], [0, 0, 1, 1], [], []>, transpose_lhs_hint = false} : vector<512x3xf32>, vector<3x256xbf16>, vector<512x256xf32> -> vector<512x256xf32>
    %add3A_297 = vector.broadcast %add3A_6 : vector<512x1xf32> to vector<512x256xf32>
    %add3A_298 = vector.broadcast %get3A_294 : vector<1x256xf32> to vector<512x256xf32>
    %add3A_299 = arith.addf %add3A_297, %add3A_298 : vector<512x256xf32>
    %sub3A_300 = arith.subf %add3A_299, %dot_general3A_296 : vector<512x256xf32>
    %swap3A_301 = arith.constant 0 : index
    %swap3A_302 = arith.constant 4864 : index
    %swap3A_303 = vector.load %arg5[%swap3A_301, %swap3A_302] : memref<512x9984xf32, #tpu.memory_space<vmem>>, vector<512x256xf32>
    tpu.vector_store %arg5[%swap3A_301, %swap3A_302], %sub3A_300 {strides = array<i32>} : memref<512x9984xf32, #tpu.memory_space<vmem>>, vector<512x256xf32>,
    %get3A_304 = arith.constant 0 : index
    %get3A_305 = arith.constant 5120 : index
    %get3A_306 = vector.load %arg2[%get3A_304, %get3A_305] : memref<3x10240xbf16, #tpu.memory_space<vmem>>, vector<3x256xbf16>
    %get3A_307 = arith.constant 0 : index
    %get3A_308 = arith.constant 5120 : index
    %get3A_309 = vector.load %arg3[%get3A_307, %get3A_308] : memref<1x10240xf32, #tpu.memory_space<vmem>>, vector<1x256xf32>
    %dot_general3A_310 = arith.constant dense<0.000000e+00> : vector<512x256xf32>
    %dot_general3A_311 = tpu.matmul %get3A_1, %get3A_306, %dot_general3A_310 {dimension_numbers = #tpu.dot_dimension_numbers<[1], [0], [0], [1], [0, 0, 1, 1], [], []>, transpose_lhs_hint = false} : vector<512x3xf32>, vector<3x256xbf16>, vector<512x256xf32> -> vector<512x256xf32>
    %add3A_312 = vector.broadcast %add3A_6 : vector<512x1xf32> to vector<512x256xf32>
    %add3A_313 = vector.broadcast %get3A_309 : vector<1x256xf32> to vector<512x256xf32>
    %add3A_314 = arith.addf %add3A_312, %add3A_313 : vector<512x256xf32>
    %sub3A_315 = arith.subf %add3A_314, %dot_general3A_311 : vector<512x256xf32>
    %swap3A_316 = arith.constant 0 : index
    %swap3A_317 = arith.constant 5120 : index
    %swap3A_318 = vector.load %arg5[%swap3A_316, %swap3A_317] : memref<512x9984xf32, #tpu.memory_space<vmem>>, vector<512x256xf32>
    tpu.vector_store %arg5[%swap3A_316, %swap3A_317], %sub3A_315 {strides = array<i32>} : memref<512x9984xf32, #tpu.memory_space<vmem>>, vector<512x256xf32>,
    %get3A_319 = arith.constant 0 : index
    %get3A_320 = arith.constant 5376 : index
    %get3A_321 = vector.load %arg2[%get3A_319, %get3A_320] : memref<3x10240xbf16, #tpu.memory_space<vmem>>, vector<3x256xbf16>
    %get3A_322 = arith.constant 0 : index
    %get3A_323 = arith.constant 5376 : index
    %get3A_324 = vector.load %arg3[%get3A_322, %get3A_323] : memref<1x10240xf32, #tpu.memory_space<vmem>>, vector<1x256xf32>
    %dot_general3A_325 = arith.constant dense<0.000000e+00> : vector<512x256xf32>
    %dot_general3A_326 = tpu.matmul %get3A_1, %get3A_321, %dot_general3A_325 {dimension_numbers = #tpu.dot_dimension_numbers<[1], [0], [0], [1], [0, 0, 1, 1], [], []>, transpose_lhs_hint = false} : vector<512x3xf32>, vector<3x256xbf16>, vector<512x256xf32> -> vector<512x256xf32>
    %add3A_327 = vector.broadcast %add3A_6 : vector<512x1xf32> to vector<512x256xf32>
    %add3A_328 = vector.broadcast %get3A_324 : vector<1x256xf32> to vector<512x256xf32>
    %add3A_329 = arith.addf %add3A_327, %add3A_328 : vector<512x256xf32>
    %sub3A_330 = arith.subf %add3A_329, %dot_general3A_326 : vector<512x256xf32>
    %swap3A_331 = arith.constant 0 : index
    %swap3A_332 = arith.constant 5376 : index
    %swap3A_333 = vector.load %arg5[%swap3A_331, %swap3A_332] : memref<512x9984xf32, #tpu.memory_space<vmem>>, vector<512x256xf32>
    tpu.vector_store %arg5[%swap3A_331, %swap3A_332], %sub3A_330 {strides = array<i32>} : memref<512x9984xf32, #tpu.memory_space<vmem>>, vector<512x256xf32>,
    %get3A_334 = arith.constant 0 : index
    %get3A_335 = arith.constant 5632 : index
    %get3A_336 = vector.load %arg2[%get3A_334, %get3A_335] : memref<3x10240xbf16, #tpu.memory_space<vmem>>, vector<3x256xbf16>
    %get3A_337 = arith.constant 0 : index
    %get3A_338 = arith.constant 5632 : index
    %get3A_339 = vector.load %arg3[%get3A_337, %get3A_338] : memref<1x10240xf32, #tpu.memory_space<vmem>>, vector<1x256xf32>
    %dot_general3A_340 = arith.constant dense<0.000000e+00> : vector<512x256xf32>
    %dot_general3A_341 = tpu.matmul %get3A_1, %get3A_336, %dot_general3A_340 {dimension_numbers = #tpu.dot_dimension_numbers<[1], [0], [0], [1], [0, 0, 1, 1], [], []>, transpose_lhs_hint = false} : vector<512x3xf32>, vector<3x256xbf16>, vector<512x256xf32> -> vector<512x256xf32>
    %add3A_342 = vector.broadcast %add3A_6 : vector<512x1xf32> to vector<512x256xf32>
    %add3A_343 = vector.broadcast %get3A_339 : vector<1x256xf32> to vector<512x256xf32>
    %add3A_344 = arith.addf %add3A_342, %add3A_343 : vector<512x256xf32>
    %sub3A_345 = arith.subf %add3A_344, %dot_general3A_341 : vector<512x256xf32>
    %swap3A_346 = arith.constant 0 : index
    %swap3A_347 = arith.constant 5632 : index
    %swap3A_348 = vector.load %arg5[%swap3A_346, %swap3A_347] : memref<512x9984xf32, #tpu.memory_space<vmem>>, vector<512x256xf32>
    tpu.vector_store %arg5[%swap3A_346, %swap3A_347], %sub3A_345 {strides = array<i32>} : memref<512x9984xf32, #tpu.memory_space<vmem>>, vector<512x256xf32>,
    %get3A_349 = arith.constant 0 : index
    %get3A_350 = arith.constant 5888 : index
    %get3A_351 = vector.load %arg2[%get3A_349, %get3A_350] : memref<3x10240xbf16, #tpu.memory_space<vmem>>, vector<3x256xbf16>
    %get3A_352 = arith.constant 0 : index
    %get3A_353 = arith.constant 5888 : index
    %get3A_354 = vector.load %arg3[%get3A_352, %get3A_353] : memref<1x10240xf32, #tpu.memory_space<vmem>>, vector<1x256xf32>
    %dot_general3A_355 = arith.constant dense<0.000000e+00> : vector<512x256xf32>
    %dot_general3A_356 = tpu.matmul %get3A_1, %get3A_351, %dot_general3A_355 {dimension_numbers = #tpu.dot_dimension_numbers<[1], [0], [0], [1], [0, 0, 1, 1], [], []>, transpose_lhs_hint = false} : vector<512x3xf32>, vector<3x256xbf16>, vector<512x256xf32> -> vector<512x256xf32>
    %add3A_357 = vector.broadcast %add3A_6 : vector<512x1xf32> to vector<512x256xf32>
    %add3A_358 = vector.broadcast %get3A_354 : vector<1x256xf32> to vector<512x256xf32>
    %add3A_359 = arith.addf %add3A_357, %add3A_358 : vector<512x256xf32>
    %sub3A_360 = arith.subf %add3A_359, %dot_general3A_356 : vector<512x256xf32>
    %swap3A_361 = arith.constant 0 : index
    %swap3A_362 = arith.constant 5888 : index
    %swap3A_363 = vector.load %arg5[%swap3A_361, %swap3A_362] : memref<512x9984xf32, #tpu.memory_space<vmem>>, vector<512x256xf32>
    tpu.vector_store %arg5[%swap3A_361, %swap3A_362], %sub3A_360 {strides = array<i32>} : memref<512x9984xf32, #tpu.memory_space<vmem>>, vector<512x256xf32>,
    %get3A_364 = arith.constant 0 : index
    %get3A_365 = arith.constant 6144 : index
    %get3A_366 = vector.load %arg2[%get3A_364, %get3A_365] : memref<3x10240xbf16, #tpu.memory_space<vmem>>, vector<3x256xbf16>
    %get3A_367 = arith.constant 0 : index
    %get3A_368 = arith.constant 6144 : index
    %get3A_369 = vector.load %arg3[%get3A_367, %get3A_368] : memref<1x10240xf32, #tpu.memory_space<vmem>>, vector<1x256xf32>
    %dot_general3A_370 = arith.constant dense<0.000000e+00> : vector<512x256xf32>
    %dot_general3A_371 = tpu.matmul %get3A_1, %get3A_366, %dot_general3A_370 {dimension_numbers = #tpu.dot_dimension_numbers<[1], [0], [0], [1], [0, 0, 1, 1], [], []>, transpose_lhs_hint = false} : vector<512x3xf32>, vector<3x256xbf16>, vector<512x256xf32> -> vector<512x256xf32>
    %add3A_372 = vector.broadcast %add3A_6 : vector<512x1xf32> to vector<512x256xf32>
    %add3A_373 = vector.broadcast %get3A_369 : vector<1x256xf32> to vector<512x256xf32>
    %add3A_374 = arith.addf %add3A_372, %add3A_373 : vector<512x256xf32>
    %sub3A_375 = arith.subf %add3A_374, %dot_general3A_371 : vector<512x256xf32>
    %swap3A_376 = arith.constant 0 : index
    %swap3A_377 = arith.constant 6144 : index
    %swap3A_378 = vector.load %arg5[%swap3A_376, %swap3A_377] : memref<512x9984xf32, #tpu.memory_space<vmem>>, vector<512x256xf32>
    tpu.vector_store %arg5[%swap3A_376, %swap3A_377], %sub3A_375 {strides = array<i32>} : memref<512x9984xf32, #tpu.memory_space<vmem>>, vector<512x256xf32>,
    %get3A_379 = arith.constant 0 : index
    %get3A_380 = arith.constant 6400 : index
    %get3A_381 = vector.load %arg2[%get3A_379, %get3A_380] : memref<3x10240xbf16, #tpu.memory_space<vmem>>, vector<3x256xbf16>
    %get3A_382 = arith.constant 0 : index
    %get3A_383 = arith.constant 6400 : index
    %get3A_384 = vector.load %arg3[%get3A_382, %get3A_383] : memref<1x10240xf32, #tpu.memory_space<vmem>>, vector<1x256xf32>
    %dot_general3A_385 = arith.constant dense<0.000000e+00> : vector<512x256xf32>
    %dot_general3A_386 = tpu.matmul %get3A_1, %get3A_381, %dot_general3A_385 {dimension_numbers = #tpu.dot_dimension_numbers<[1], [0], [0], [1], [0, 0, 1, 1], [], []>, transpose_lhs_hint = false} : vector<512x3xf32>, vector<3x256xbf16>, vector<512x256xf32> -> vector<512x256xf32>
    %add3A_387 = vector.broadcast %add3A_6 : vector<512x1xf32> to vector<512x256xf32>
    %add3A_388 = vector.broadcast %get3A_384 : vector<1x256xf32> to vector<512x256xf32>
    %add3A_389 = arith.addf %add3A_387, %add3A_388 : vector<512x256xf32>
    %sub3A_390 = arith.subf %add3A_389, %dot_general3A_386 : vector<512x256xf32>
    %swap3A_391 = arith.constant 0 : index
    %swap3A_392 = arith.constant 6400 : index
    %swap3A_393 = vector.load %arg5[%swap3A_391, %swap3A_392] : memref<512x9984xf32, #tpu.memory_space<vmem>>, vector<512x256xf32>
    tpu.vector_store %arg5[%swap3A_391, %swap3A_392], %sub3A_390 {strides = array<i32>} : memref<512x9984xf32, #tpu.memory_space<vmem>>, vector<512x256xf32>,
    %get3A_394 = arith.constant 0 : index
    %get3A_395 = arith.constant 6656 : index
    %get3A_396 = vector.load %arg2[%get3A_394, %get3A_395] : memref<3x10240xbf16, #tpu.memory_space<vmem>>, vector<3x256xbf16>
    %get3A_397 = arith.constant 0 : index
    %get3A_398 = arith.constant 6656 : index
    %get3A_399 = vector.load %arg3[%get3A_397, %get3A_398] : memref<1x10240xf32, #tpu.memory_space<vmem>>, vector<1x256xf32>
    %dot_general3A_400 = arith.constant dense<0.000000e+00> : vector<512x256xf32>
    %dot_general3A_401 = tpu.matmul %get3A_1, %get3A_396, %dot_general3A_400 {dimension_numbers = #tpu.dot_dimension_numbers<[1], [0], [0], [1], [0, 0, 1, 1], [], []>, transpose_lhs_hint = false} : vector<512x3xf32>, vector<3x256xbf16>, vector<512x256xf32> -> vector<512x256xf32>
    %add3A_402 = vector.broadcast %add3A_6 : vector<512x1xf32> to vector<512x256xf32>
    %add3A_403 = vector.broadcast %get3A_399 : vector<1x256xf32> to vector<512x256xf32>
    %add3A_404 = arith.addf %add3A_402, %add3A_403 : vector<512x256xf32>
    %sub3A_405 = arith.subf %add3A_404, %dot_general3A_401 : vector<512x256xf32>
    %swap3A_406 = arith.constant 0 : index
    %swap3A_407 = arith.constant 6656 : index
    %swap3A_408 = vector.load %arg5[%swap3A_406, %swap3A_407] : memref<512x9984xf32, #tpu.memory_space<vmem>>, vector<512x256xf32>
    tpu.vector_store %arg5[%swap3A_406, %swap3A_407], %sub3A_405 {strides = array<i32>} : memref<512x9984xf32, #tpu.memory_space<vmem>>, vector<512x256xf32>,
    %get3A_409 = arith.constant 0 : index
    %get3A_410 = arith.constant 6912 : index
    %get3A_411 = vector.load %arg2[%get3A_409, %get3A_410] : memref<3x10240xbf16, #tpu.memory_space<vmem>>, vector<3x256xbf16>
    %get3A_412 = arith.constant 0 : index
    %get3A_413 = arith.constant 6912 : index
    %get3A_414 = vector.load %arg3[%get3A_412, %get3A_413] : memref<1x10240xf32, #tpu.memory_space<vmem>>, vector<1x256xf32>
    %dot_general3A_415 = arith.constant dense<0.000000e+00> : vector<512x256xf32>
    %dot_general3A_416 = tpu.matmul %get3A_1, %get3A_411, %dot_general3A_415 {dimension_numbers = #tpu.dot_dimension_numbers<[1], [0], [0], [1], [0, 0, 1, 1], [], []>, transpose_lhs_hint = false} : vector<512x3xf32>, vector<3x256xbf16>, vector<512x256xf32> -> vector<512x256xf32>
    %add3A_417 = vector.broadcast %add3A_6 : vector<512x1xf32> to vector<512x256xf32>
    %add3A_418 = vector.broadcast %get3A_414 : vector<1x256xf32> to vector<512x256xf32>
    %add3A_419 = arith.addf %add3A_417, %add3A_418 : vector<512x256xf32>
    %sub3A_420 = arith.subf %add3A_419, %dot_general3A_416 : vector<512x256xf32>
    %swap3A_421 = arith.constant 0 : index
    %swap3A_422 = arith.constant 6912 : index
    %swap3A_423 = vector.load %arg5[%swap3A_421, %swap3A_422] : memref<512x9984xf32, #tpu.memory_space<vmem>>, vector<512x256xf32>
    tpu.vector_store %arg5[%swap3A_421, %swap3A_422], %sub3A_420 {strides = array<i32>} : memref<512x9984xf32, #tpu.memory_space<vmem>>, vector<512x256xf32>,
    %get3A_424 = arith.constant 0 : index
    %get3A_425 = arith.constant 7168 : index
    %get3A_426 = vector.load %arg2[%get3A_424, %get3A_425] : memref<3x10240xbf16, #tpu.memory_space<vmem>>, vector<3x256xbf16>
    %get3A_427 = arith.constant 0 : index
    %get3A_428 = arith.constant 7168 : index
    %get3A_429 = vector.load %arg3[%get3A_427, %get3A_428] : memref<1x10240xf32, #tpu.memory_space<vmem>>, vector<1x256xf32>
    %dot_general3A_430 = arith.constant dense<0.000000e+00> : vector<512x256xf32>
    %dot_general3A_431 = tpu.matmul %get3A_1, %get3A_426, %dot_general3A_430 {dimension_numbers = #tpu.dot_dimension_numbers<[1], [0], [0], [1], [0, 0, 1, 1], [], []>, transpose_lhs_hint = false} : vector<512x3xf32>, vector<3x256xbf16>, vector<512x256xf32> -> vector<512x256xf32>
    %add3A_432 = vector.broadcast %add3A_6 : vector<512x1xf32> to vector<512x256xf32>
    %add3A_433 = vector.broadcast %get3A_429 : vector<1x256xf32> to vector<512x256xf32>
    %add3A_434 = arith.addf %add3A_432, %add3A_433 : vector<512x256xf32>
    %sub3A_435 = arith.subf %add3A_434, %dot_general3A_431 : vector<512x256xf32>
    %swap3A_436 = arith.constant 0 : index
    %swap3A_437 = arith.constant 7168 : index
    %swap3A_438 = vector.load %arg5[%swap3A_436, %swap3A_437] : memref<512x9984xf32, #tpu.memory_space<vmem>>, vector<512x256xf32>
    tpu.vector_store %arg5[%swap3A_436, %swap3A_437], %sub3A_435 {strides = array<i32>} : memref<512x9984xf32, #tpu.memory_space<vmem>>, vector<512x256xf32>,
    %get3A_439 = arith.constant 0 : index
    %get3A_440 = arith.constant 7424 : index
    %get3A_441 = vector.load %arg2[%get3A_439, %get3A_440] : memref<3x10240xbf16, #tpu.memory_space<vmem>>, vector<3x256xbf16>
    %get3A_442 = arith.constant 0 : index
    %get3A_443 = arith.constant 7424 : index
    %get3A_444 = vector.load %arg3[%get3A_442, %get3A_443] : memref<1x10240xf32, #tpu.memory_space<vmem>>, vector<1x256xf32>
    %dot_general3A_445 = arith.constant dense<0.000000e+00> : vector<512x256xf32>
    %dot_general3A_446 = tpu.matmul %get3A_1, %get3A_441, %dot_general3A_445 {dimension_numbers = #tpu.dot_dimension_numbers<[1], [0], [0], [1], [0, 0, 1, 1], [], []>, transpose_lhs_hint = false} : vector<512x3xf32>, vector<3x256xbf16>, vector<512x256xf32> -> vector<512x256xf32>
    %add3A_447 = vector.broadcast %add3A_6 : vector<512x1xf32> to vector<512x256xf32>
    %add3A_448 = vector.broadcast %get3A_444 : vector<1x256xf32> to vector<512x256xf32>
    %add3A_449 = arith.addf %add3A_447, %add3A_448 : vector<512x256xf32>
    %sub3A_450 = arith.subf %add3A_449, %dot_general3A_446 : vector<512x256xf32>
    %swap3A_451 = arith.constant 0 : index
    %swap3A_452 = arith.constant 7424 : index
    %swap3A_453 = vector.load %arg5[%swap3A_451, %swap3A_452] : memref<512x9984xf32, #tpu.memory_space<vmem>>, vector<512x256xf32>
    tpu.vector_store %arg5[%swap3A_451, %swap3A_452], %sub3A_450 {strides = array<i32>} : memref<512x9984xf32, #tpu.memory_space<vmem>>, vector<512x256xf32>,
    %get3A_454 = arith.constant 0 : index
    %get3A_455 = arith.constant 7680 : index
    %get3A_456 = vector.load %arg2[%get3A_454, %get3A_455] : memref<3x10240xbf16, #tpu.memory_space<vmem>>, vector<3x256xbf16>
    %get3A_457 = arith.constant 0 : index
    %get3A_458 = arith.constant 7680 : index
    %get3A_459 = vector.load %arg3[%get3A_457, %get3A_458] : memref<1x10240xf32, #tpu.memory_space<vmem>>, vector<1x256xf32>
    %dot_general3A_460 = arith.constant dense<0.000000e+00> : vector<512x256xf32>
    %dot_general3A_461 = tpu.matmul %get3A_1, %get3A_456, %dot_general3A_460 {dimension_numbers = #tpu.dot_dimension_numbers<[1], [0], [0], [1], [0, 0, 1, 1], [], []>, transpose_lhs_hint = false} : vector<512x3xf32>, vector<3x256xbf16>, vector<512x256xf32> -> vector<512x256xf32>
    %add3A_462 = vector.broadcast %add3A_6 : vector<512x1xf32> to vector<512x256xf32>
    %add3A_463 = vector.broadcast %get3A_459 : vector<1x256xf32> to vector<512x256xf32>
    %add3A_464 = arith.addf %add3A_462, %add3A_463 : vector<512x256xf32>
    %sub3A_465 = arith.subf %add3A_464, %dot_general3A_461 : vector<512x256xf32>
    %swap3A_466 = arith.constant 0 : index
    %swap3A_467 = arith.constant 7680 : index
    %swap3A_468 = vector.load %arg5[%swap3A_466, %swap3A_467] : memref<512x9984xf32, #tpu.memory_space<vmem>>, vector<512x256xf32>
    tpu.vector_store %arg5[%swap3A_466, %swap3A_467], %sub3A_465 {strides = array<i32>} : memref<512x9984xf32, #tpu.memory_space<vmem>>, vector<512x256xf32>,
    %get3A_469 = arith.constant 0 : index
    %get3A_470 = arith.constant 7936 : index
    %get3A_471 = vector.load %arg2[%get3A_469, %get3A_470] : memref<3x10240xbf16, #tpu.memory_space<vmem>>, vector<3x256xbf16>
    %get3A_472 = arith.constant 0 : index
    %get3A_473 = arith.constant 7936 : index
    %get3A_474 = vector.load %arg3[%get3A_472, %get3A_473] : memref<1x10240xf32, #tpu.memory_space<vmem>>, vector<1x256xf32>
    %dot_general3A_475 = arith.constant dense<0.000000e+00> : vector<512x256xf32>
    %dot_general3A_476 = tpu.matmul %get3A_1, %get3A_471, %dot_general3A_475 {dimension_numbers = #tpu.dot_dimension_numbers<[1], [0], [0], [1], [0, 0, 1, 1], [], []>, transpose_lhs_hint = false} : vector<512x3xf32>, vector<3x256xbf16>, vector<512x256xf32> -> vector<512x256xf32>
    %add3A_477 = vector.broadcast %add3A_6 : vector<512x1xf32> to vector<512x256xf32>
    %add3A_478 = vector.broadcast %get3A_474 : vector<1x256xf32> to vector<512x256xf32>
    %add3A_479 = arith.addf %add3A_477, %add3A_478 : vector<512x256xf32>
    %sub3A_480 = arith.subf %add3A_479, %dot_general3A_476 : vector<512x256xf32>
    %swap3A_481 = arith.constant 0 : index
    %swap3A_482 = arith.constant 7936 : index
    %swap3A_483 = vector.load %arg5[%swap3A_481, %swap3A_482] : memref<512x9984xf32, #tpu.memory_space<vmem>>, vector<512x256xf32>
    tpu.vector_store %arg5[%swap3A_481, %swap3A_482], %sub3A_480 {strides = array<i32>} : memref<512x9984xf32, #tpu.memory_space<vmem>>, vector<512x256xf32>,
    %get3A_484 = arith.constant 0 : index
    %get3A_485 = arith.constant 8192 : index
    %get3A_486 = vector.load %arg2[%get3A_484, %get3A_485] : memref<3x10240xbf16, #tpu.memory_space<vmem>>, vector<3x256xbf16>
    %get3A_487 = arith.constant 0 : index
    %get3A_488 = arith.constant 8192 : index
    %get3A_489 = vector.load %arg3[%get3A_487, %get3A_488] : memref<1x10240xf32, #tpu.memory_space<vmem>>, vector<1x256xf32>
    %dot_general3A_490 = arith.constant dense<0.000000e+00> : vector<512x256xf32>
    %dot_general3A_491 = tpu.matmul %get3A_1, %get3A_486, %dot_general3A_490 {dimension_numbers = #tpu.dot_dimension_numbers<[1], [0], [0], [1], [0, 0, 1, 1], [], []>, transpose_lhs_hint = false} : vector<512x3xf32>, vector<3x256xbf16>, vector<512x256xf32> -> vector<512x256xf32>
    %add3A_492 = vector.broadcast %add3A_6 : vector<512x1xf32> to vector<512x256xf32>
    %add3A_493 = vector.broadcast %get3A_489 : vector<1x256xf32> to vector<512x256xf32>
    %add3A_494 = arith.addf %add3A_492, %add3A_493 : vector<512x256xf32>
    %sub3A_495 = arith.subf %add3A_494, %dot_general3A_491 : vector<512x256xf32>
    %swap3A_496 = arith.constant 0 : index
    %swap3A_497 = arith.constant 8192 : index
    %swap3A_498 = vector.load %arg5[%swap3A_496, %swap3A_497] : memref<512x9984xf32, #tpu.memory_space<vmem>>, vector<512x256xf32>
    tpu.vector_store %arg5[%swap3A_496, %swap3A_497], %sub3A_495 {strides = array<i32>} : memref<512x9984xf32, #tpu.memory_space<vmem>>, vector<512x256xf32>,
    %get3A_499 = arith.constant 0 : index
    %get3A_500 = arith.constant 8448 : index
    %get3A_501 = vector.load %arg2[%get3A_499, %get3A_500] : memref<3x10240xbf16, #tpu.memory_space<vmem>>, vector<3x256xbf16>
    %get3A_502 = arith.constant 0 : index
    %get3A_503 = arith.constant 8448 : index
    %get3A_504 = vector.load %arg3[%get3A_502, %get3A_503] : memref<1x10240xf32, #tpu.memory_space<vmem>>, vector<1x256xf32>
    %dot_general3A_505 = arith.constant dense<0.000000e+00> : vector<512x256xf32>
    %dot_general3A_506 = tpu.matmul %get3A_1, %get3A_501, %dot_general3A_505 {dimension_numbers = #tpu.dot_dimension_numbers<[1], [0], [0], [1], [0, 0, 1, 1], [], []>, transpose_lhs_hint = false} : vector<512x3xf32>, vector<3x256xbf16>, vector<512x256xf32> -> vector<512x256xf32>
    %add3A_507 = vector.broadcast %add3A_6 : vector<512x1xf32> to vector<512x256xf32>
    %add3A_508 = vector.broadcast %get3A_504 : vector<1x256xf32> to vector<512x256xf32>
    %add3A_509 = arith.addf %add3A_507, %add3A_508 : vector<512x256xf32>
    %sub3A_510 = arith.subf %add3A_509, %dot_general3A_506 : vector<512x256xf32>
    %swap3A_511 = arith.constant 0 : index
    %swap3A_512 = arith.constant 8448 : index
    %swap3A_513 = vector.load %arg5[%swap3A_511, %swap3A_512] : memref<512x9984xf32, #tpu.memory_space<vmem>>, vector<512x256xf32>
    tpu.vector_store %arg5[%swap3A_511, %swap3A_512], %sub3A_510 {strides = array<i32>} : memref<512x9984xf32, #tpu.memory_space<vmem>>, vector<512x256xf32>,
    %get3A_514 = arith.constant 0 : index
    %get3A_515 = arith.constant 8704 : index
    %get3A_516 = vector.load %arg2[%get3A_514, %get3A_515] : memref<3x10240xbf16, #tpu.memory_space<vmem>>, vector<3x256xbf16>
    %get3A_517 = arith.constant 0 : index
    %get3A_518 = arith.constant 8704 : index
    %get3A_519 = vector.load %arg3[%get3A_517, %get3A_518] : memref<1x10240xf32, #tpu.memory_space<vmem>>, vector<1x256xf32>
    %dot_general3A_520 = arith.constant dense<0.000000e+00> : vector<512x256xf32>
    %dot_general3A_521 = tpu.matmul %get3A_1, %get3A_516, %dot_general3A_520 {dimension_numbers = #tpu.dot_dimension_numbers<[1], [0], [0], [1], [0, 0, 1, 1], [], []>, transpose_lhs_hint = false} : vector<512x3xf32>, vector<3x256xbf16>, vector<512x256xf32> -> vector<512x256xf32>
    %add3A_522 = vector.broadcast %add3A_6 : vector<512x1xf32> to vector<512x256xf32>
    %add3A_523 = vector.broadcast %get3A_519 : vector<1x256xf32> to vector<512x256xf32>
    %add3A_524 = arith.addf %add3A_522, %add3A_523 : vector<512x256xf32>
    %sub3A_525 = arith.subf %add3A_524, %dot_general3A_521 : vector<512x256xf32>
    %swap3A_526 = arith.constant 0 : index
    %swap3A_527 = arith.constant 8704 : index
    %swap3A_528 = vector.load %arg5[%swap3A_526, %swap3A_527] : memref<512x9984xf32, #tpu.memory_space<vmem>>, vector<512x256xf32>
    tpu.vector_store %arg5[%swap3A_526, %swap3A_527], %sub3A_525 {strides = array<i32>} : memref<512x9984xf32, #tpu.memory_space<vmem>>, vector<512x256xf32>,
    %get3A_529 = arith.constant 0 : index
    %get3A_530 = arith.constant 8960 : index
    %get3A_531 = vector.load %arg2[%get3A_529, %get3A_530] : memref<3x10240xbf16, #tpu.memory_space<vmem>>, vector<3x256xbf16>
    %get3A_532 = arith.constant 0 : index
    %get3A_533 = arith.constant 8960 : index
    %get3A_534 = vector.load %arg3[%get3A_532, %get3A_533] : memref<1x10240xf32, #tpu.memory_space<vmem>>, vector<1x256xf32>
    %dot_general3A_535 = arith.constant dense<0.000000e+00> : vector<512x256xf32>
    %dot_general3A_536 = tpu.matmul %get3A_1, %get3A_531, %dot_general3A_535 {dimension_numbers = #tpu.dot_dimension_numbers<[1], [0], [0], [1], [0, 0, 1, 1], [], []>, transpose_lhs_hint = false} : vector<512x3xf32>, vector<3x256xbf16>, vector<512x256xf32> -> vector<512x256xf32>
    %add3A_537 = vector.broadcast %add3A_6 : vector<512x1xf32> to vector<512x256xf32>
    %add3A_538 = vector.broadcast %get3A_534 : vector<1x256xf32> to vector<512x256xf32>
    %add3A_539 = arith.addf %add3A_537, %add3A_538 : vector<512x256xf32>
    %sub3A_540 = arith.subf %add3A_539, %dot_general3A_536 : vector<512x256xf32>
    %swap3A_541 = arith.constant 0 : index
    %swap3A_542 = arith.constant 8960 : index
    %swap3A_543 = vector.load %arg5[%swap3A_541, %swap3A_542] : memref<512x9984xf32, #tpu.memory_space<vmem>>, vector<512x256xf32>
    tpu.vector_store %arg5[%swap3A_541, %swap3A_542], %sub3A_540 {strides = array<i32>} : memref<512x9984xf32, #tpu.memory_space<vmem>>, vector<512x256xf32>,
    %get3A_544 = arith.constant 0 : index
    %get3A_545 = arith.constant 9216 : index
    %get3A_546 = vector.load %arg2[%get3A_544, %get3A_545] : memref<3x10240xbf16, #tpu.memory_space<vmem>>, vector<3x256xbf16>
    %get3A_547 = arith.constant 0 : index
    %get3A_548 = arith.constant 9216 : index
    %get3A_549 = vector.load %arg3[%get3A_547, %get3A_548] : memref<1x10240xf32, #tpu.memory_space<vmem>>, vector<1x256xf32>
    %dot_general3A_550 = arith.constant dense<0.000000e+00> : vector<512x256xf32>
    %dot_general3A_551 = tpu.matmul %get3A_1, %get3A_546, %dot_general3A_550 {dimension_numbers = #tpu.dot_dimension_numbers<[1], [0], [0], [1], [0, 0, 1, 1], [], []>, transpose_lhs_hint = false} : vector<512x3xf32>, vector<3x256xbf16>, vector<512x256xf32> -> vector<512x256xf32>
    %add3A_552 = vector.broadcast %add3A_6 : vector<512x1xf32> to vector<512x256xf32>
    %add3A_553 = vector.broadcast %get3A_549 : vector<1x256xf32> to vector<512x256xf32>
    %add3A_554 = arith.addf %add3A_552, %add3A_553 : vector<512x256xf32>
    %sub3A_555 = arith.subf %add3A_554, %dot_general3A_551 : vector<512x256xf32>
    %swap3A_556 = arith.constant 0 : index
    %swap3A_557 = arith.constant 9216 : index
    %swap3A_558 = vector.load %arg5[%swap3A_556, %swap3A_557] : memref<512x9984xf32, #tpu.memory_space<vmem>>, vector<512x256xf32>
    tpu.vector_store %arg5[%swap3A_556, %swap3A_557], %sub3A_555 {strides = array<i32>} : memref<512x9984xf32, #tpu.memory_space<vmem>>, vector<512x256xf32>,
    %get3A_559 = arith.constant 0 : index
    %get3A_560 = arith.constant 9472 : index
    %get3A_561 = vector.load %arg2[%get3A_559, %get3A_560] : memref<3x10240xbf16, #tpu.memory_space<vmem>>, vector<3x256xbf16>
    %get3A_562 = arith.constant 0 : index
    %get3A_563 = arith.constant 9472 : index
    %get3A_564 = vector.load %arg3[%get3A_562, %get3A_563] : memref<1x10240xf32, #tpu.memory_space<vmem>>, vector<1x256xf32>
    %dot_general3A_565 = arith.constant dense<0.000000e+00> : vector<512x256xf32>
    %dot_general3A_566 = tpu.matmul %get3A_1, %get3A_561, %dot_general3A_565 {dimension_numbers = #tpu.dot_dimension_numbers<[1], [0], [0], [1], [0, 0, 1, 1], [], []>, transpose_lhs_hint = false} : vector<512x3xf32>, vector<3x256xbf16>, vector<512x256xf32> -> vector<512x256xf32>
    %add3A_567 = vector.broadcast %add3A_6 : vector<512x1xf32> to vector<512x256xf32>
    %add3A_568 = vector.broadcast %get3A_564 : vector<1x256xf32> to vector<512x256xf32>
    %add3A_569 = arith.addf %add3A_567, %add3A_568 : vector<512x256xf32>
    %sub3A_570 = arith.subf %add3A_569, %dot_general3A_566 : vector<512x256xf32>
    %swap3A_571 = arith.constant 0 : index
    %swap3A_572 = arith.constant 9472 : index
    %swap3A_573 = vector.load %arg5[%swap3A_571, %swap3A_572] : memref<512x9984xf32, #tpu.memory_space<vmem>>, vector<512x256xf32>
    tpu.vector_store %arg5[%swap3A_571, %swap3A_572], %sub3A_570 {strides = array<i32>} : memref<512x9984xf32, #tpu.memory_space<vmem>>, vector<512x256xf32>,
    %get3A_574 = arith.constant 0 : index
    %get3A_575 = arith.constant 9728 : index
    %get3A_576 = vector.load %arg2[%get3A_574, %get3A_575] : memref<3x10240xbf16, #tpu.memory_space<vmem>>, vector<3x256xbf16>
    %get3A_577 = arith.constant 0 : index
    %get3A_578 = arith.constant 9728 : index
    %get3A_579 = vector.load %arg3[%get3A_577, %get3A_578] : memref<1x10240xf32, #tpu.memory_space<vmem>>, vector<1x256xf32>
    %dot_general3A_580 = arith.constant dense<0.000000e+00> : vector<512x256xf32>
    %dot_general3A_581 = tpu.matmul %get3A_1, %get3A_576, %dot_general3A_580 {dimension_numbers = #tpu.dot_dimension_numbers<[1], [0], [0], [1], [0, 0, 1, 1], [], []>, transpose_lhs_hint = false} : vector<512x3xf32>, vector<3x256xbf16>, vector<512x256xf32> -> vector<512x256xf32>
    %add3A_582 = vector.broadcast %add3A_6 : vector<512x1xf32> to vector<512x256xf32>
    %add3A_583 = vector.broadcast %get3A_579 : vector<1x256xf32> to vector<512x256xf32>
    %add3A_584 = arith.addf %add3A_582, %add3A_583 : vector<512x256xf32>
    %sub3A_585 = arith.subf %add3A_584, %dot_general3A_581 : vector<512x256xf32>
    %swap3A_586 = arith.constant 0 : index
    %swap3A_587 = arith.constant 9728 : index
    %swap3A_588 = vector.load %arg5[%swap3A_586, %swap3A_587] : memref<512x9984xf32, #tpu.memory_space<vmem>>, vector<512x256xf32>
    tpu.vector_store %arg5[%swap3A_586, %swap3A_587], %sub3A_585 {strides = array<i32>} : memref<512x9984xf32, #tpu.memory_space<vmem>>, vector<512x256xf32>,
    %iota3A = tpu.iota {dimensions = array<i32: 1>} : vector<1x256xi32>
    %convert_element_type3A = arith.sitofp %iota3A : vector<1x256xi32> to vector<1x256xf32>
    %broadcast_in_dim3A = arith.constant 0x7F800000 : f32
    %broadcast_in_dim3A_589 = vector.broadcast %broadcast_in_dim3A : f32 to vector<64x256xf32>
    %broadcast_in_dim3A_590 = arith.constant 0.000000e+00 : f32
    %broadcast_in_dim3A_591 = vector.broadcast %broadcast_in_dim3A_590 : f32 to vector<64x256xf32>
    %get3A_592 = arith.constant 0 : index
    %get3A_593 = arith.constant 0 : index
    %get3A_594 = vector.load %arg5[%get3A_592, %get3A_593] : memref<512x9984xf32, #tpu.memory_space<vmem>>, vector<64x256xf32>
    %lt3A = arith.cmpf olt, %get3A_594, %broadcast_in_dim3A_589 : vector<64x256xf32>
    %select_n3A = arith.select %lt3A, %get3A_594, %broadcast_in_dim3A_589 : vector<64x256xi1>, vector<64x256xf32>
    %add3A_595 = arith.constant 0.000000e+00 : f32
    %add3A_596 = vector.broadcast %add3A_595 : f32 to vector<1x256xf32>
    %add3A_597 = arith.addf %convert_element_type3A, %add3A_596 : vector<1x256xf32>
    %broadcast_in_dim3A_598 = vector.shape_cast %add3A_597 : vector<1x256xf32> to vector<1x256xf32>
    %broadcast_in_dim3A_599 = vector.broadcast %broadcast_in_dim3A_598 : vector<1x256xf32> to vector<64x256xf32>
    %select_n3A_600 = arith.select %lt3A, %broadcast_in_dim3A_599, %broadcast_in_dim3A_591 : vector<64x256xi1>, vector<64x256xf32>
    %get3A_601 = arith.constant 0 : index
    %get3A_602 = arith.constant 256 : index
    %get3A_603 = vector.load %arg5[%get3A_601, %get3A_602] : memref<512x9984xf32, #tpu.memory_space<vmem>>, vector<64x256xf32>
    %lt3A_604 = arith.cmpf olt, %get3A_603, %select_n3A : vector<64x256xf32>
    %select_n3A_605 = arith.select %lt3A_604, %get3A_603, %select_n3A : vector<64x256xi1>, vector<64x256xf32>
    %add3A_606 = arith.constant 2.560000e+02 : f32
    %add3A_607 = vector.broadcast %add3A_606 : f32 to vector<1x256xf32>
    %add3A_608 = arith.addf %convert_element_type3A, %add3A_607 : vector<1x256xf32>
    %broadcast_in_dim3A_609 = vector.shape_cast %add3A_608 : vector<1x256xf32> to vector<1x256xf32>
    %broadcast_in_dim3A_610 = vector.broadcast %broadcast_in_dim3A_609 : vector<1x256xf32> to vector<64x256xf32>
    %select_n3A_611 = arith.select %lt3A_604, %broadcast_in_dim3A_610, %select_n3A_600 : vector<64x256xi1>, vector<64x256xf32>
    %get3A_612 = arith.constant 0 : index
    %get3A_613 = arith.constant 512 : index
    %get3A_614 = vector.load %arg5[%get3A_612, %get3A_613] : memref<512x9984xf32, #tpu.memory_space<vmem>>, vector<64x256xf32>
    %lt3A_615 = arith.cmpf olt, %get3A_614, %select_n3A_605 : vector<64x256xf32>
    %select_n3A_616 = arith.select %lt3A_615, %get3A_614, %select_n3A_605 : vector<64x256xi1>, vector<64x256xf32>
    %add3A_617 = arith.constant 5.120000e+02 : f32
    %add3A_618 = vector.broadcast %add3A_617 : f32 to vector<1x256xf32>
    %add3A_619 = arith.addf %convert_element_type3A, %add3A_618 : vector<1x256xf32>
    %broadcast_in_dim3A_620 = vector.shape_cast %add3A_619 : vector<1x256xf32> to vector<1x256xf32>
    %broadcast_in_dim3A_621 = vector.broadcast %broadcast_in_dim3A_620 : vector<1x256xf32> to vector<64x256xf32>
    %select_n3A_622 = arith.select %lt3A_615, %broadcast_in_dim3A_621, %select_n3A_611 : vector<64x256xi1>, vector<64x256xf32>
    %get3A_623 = arith.constant 0 : index
    %get3A_624 = arith.constant 768 : index
    %get3A_625 = vector.load %arg5[%get3A_623, %get3A_624] : memref<512x9984xf32, #tpu.memory_space<vmem>>, vector<64x256xf32>
    %lt3A_626 = arith.cmpf olt, %get3A_625, %select_n3A_616 : vector<64x256xf32>
    %select_n3A_627 = arith.select %lt3A_626, %get3A_625, %select_n3A_616 : vector<64x256xi1>, vector<64x256xf32>
    %add3A_628 = arith.constant 7.680000e+02 : f32
    %add3A_629 = vector.broadcast %add3A_628 : f32 to vector<1x256xf32>
    %add3A_630 = arith.addf %convert_element_type3A, %add3A_629 : vector<1x256xf32>
    %broadcast_in_dim3A_631 = vector.shape_cast %add3A_630 : vector<1x256xf32> to vector<1x256xf32>
    %broadcast_in_dim3A_632 = vector.broadcast %broadcast_in_dim3A_631 : vector<1x256xf32> to vector<64x256xf32>
    %select_n3A_633 = arith.select %lt3A_626, %broadcast_in_dim3A_632, %select_n3A_622 : vector<64x256xi1>, vector<64x256xf32>
    %get3A_634 = arith.constant 0 : index
    %get3A_635 = arith.constant 1024 : index
    %get3A_636 = vector.load %arg5[%get3A_634, %get3A_635] : memref<512x9984xf32, #tpu.memory_space<vmem>>, vector<64x256xf32>
    %lt3A_637 = arith.cmpf olt, %get3A_636, %select_n3A_627 : vector<64x256xf32>
    %select_n3A_638 = arith.select %lt3A_637, %get3A_636, %select_n3A_627 : vector<64x256xi1>, vector<64x256xf32>
    %add3A_639 = arith.constant 1.024000e+03 : f32
    %add3A_640 = vector.broadcast %add3A_639 : f32 to vector<1x256xf32>
    %add3A_641 = arith.addf %convert_element_type3A, %add3A_640 : vector<1x256xf32>
    %broadcast_in_dim3A_642 = vector.shape_cast %add3A_641 : vector<1x256xf32> to vector<1x256xf32>
    %broadcast_in_dim3A_643 = vector.broadcast %broadcast_in_dim3A_642 : vector<1x256xf32> to vector<64x256xf32>
    %select_n3A_644 = arith.select %lt3A_637, %broadcast_in_dim3A_643, %select_n3A_633 : vector<64x256xi1>, vector<64x256xf32>
    %get3A_645 = arith.constant 0 : index
    %get3A_646 = arith.constant 1280 : index
    %get3A_647 = vector.load %arg5[%get3A_645, %get3A_646] : memref<512x9984xf32, #tpu.memory_space<vmem>>, vector<64x256xf32>
    %lt3A_648 = arith.cmpf olt, %get3A_647, %select_n3A_638 : vector<64x256xf32>
    %select_n3A_649 = arith.select %lt3A_648, %get3A_647, %select_n3A_638 : vector<64x256xi1>, vector<64x256xf32>
    %add3A_650 = arith.constant 1.280000e+03 : f32
    %add3A_651 = vector.broadcast %add3A_650 : f32 to vector<1x256xf32>
    %add3A_652 = arith.addf %convert_element_type3A, %add3A_651 : vector<1x256xf32>
    %broadcast_in_dim3A_653 = vector.shape_cast %add3A_652 : vector<1x256xf32> to vector<1x256xf32>
    %broadcast_in_dim3A_654 = vector.broadcast %broadcast_in_dim3A_653 : vector<1x256xf32> to vector<64x256xf32>
    %select_n3A_655 = arith.select %lt3A_648, %broadcast_in_dim3A_654, %select_n3A_644 : vector<64x256xi1>, vector<64x256xf32>
    %get3A_656 = arith.constant 0 : index
    %get3A_657 = arith.constant 1536 : index
    %get3A_658 = vector.load %arg5[%get3A_656, %get3A_657] : memref<512x9984xf32, #tpu.memory_space<vmem>>, vector<64x256xf32>
    %lt3A_659 = arith.cmpf olt, %get3A_658, %select_n3A_649 : vector<64x256xf32>
    %select_n3A_660 = arith.select %lt3A_659, %get3A_658, %select_n3A_649 : vector<64x256xi1>, vector<64x256xf32>
    %add3A_661 = arith.constant 1.536000e+03 : f32
    %add3A_662 = vector.broadcast %add3A_661 : f32 to vector<1x256xf32>
    %add3A_663 = arith.addf %convert_element_type3A, %add3A_662 : vector<1x256xf32>
    %broadcast_in_dim3A_664 = vector.shape_cast %add3A_663 : vector<1x256xf32> to vector<1x256xf32>
    %broadcast_in_dim3A_665 = vector.broadcast %broadcast_in_dim3A_664 : vector<1x256xf32> to vector<64x256xf32>
    %select_n3A_666 = arith.select %lt3A_659, %broadcast_in_dim3A_665, %select_n3A_655 : vector<64x256xi1>, vector<64x256xf32>
    %get3A_667 = arith.constant 0 : index
    %get3A_668 = arith.constant 1792 : index
    %get3A_669 = vector.load %arg5[%get3A_667, %get3A_668] : memref<512x9984xf32, #tpu.memory_space<vmem>>, vector<64x256xf32>
    %lt3A_670 = arith.cmpf olt, %get3A_669, %select_n3A_660 : vector<64x256xf32>
    %select_n3A_671 = arith.select %lt3A_670, %get3A_669, %select_n3A_660 : vector<64x256xi1>, vector<64x256xf32>
    %add3A_672 = arith.constant 1.792000e+03 : f32
    %add3A_673 = vector.broadcast %add3A_672 : f32 to vector<1x256xf32>
    %add3A_674 = arith.addf %convert_element_type3A, %add3A_673 : vector<1x256xf32>
    %broadcast_in_dim3A_675 = vector.shape_cast %add3A_674 : vector<1x256xf32> to vector<1x256xf32>
    %broadcast_in_dim3A_676 = vector.broadcast %broadcast_in_dim3A_675 : vector<1x256xf32> to vector<64x256xf32>
    %select_n3A_677 = arith.select %lt3A_670, %broadcast_in_dim3A_676, %select_n3A_666 : vector<64x256xi1>, vector<64x256xf32>
    %get3A_678 = arith.constant 0 : index
    %get3A_679 = arith.constant 2048 : index
    %get3A_680 = vector.load %arg5[%get3A_678, %get3A_679] : memref<512x9984xf32, #tpu.memory_space<vmem>>, vector<64x256xf32>
    %lt3A_681 = arith.cmpf olt, %get3A_680, %select_n3A_671 : vector<64x256xf32>
    %select_n3A_682 = arith.select %lt3A_681, %get3A_680, %select_n3A_671 : vector<64x256xi1>, vector<64x256xf32>
    %add3A_683 = arith.constant 2.048000e+03 : f32
    %add3A_684 = vector.broadcast %add3A_683 : f32 to vector<1x256xf32>
    %add3A_685 = arith.addf %convert_element_type3A, %add3A_684 : vector<1x256xf32>
    %broadcast_in_dim3A_686 = vector.shape_cast %add3A_685 : vector<1x256xf32> to vector<1x256xf32>
    %broadcast_in_dim3A_687 = vector.broadcast %broadcast_in_dim3A_686 : vector<1x256xf32> to vector<64x256xf32>
    %select_n3A_688 = arith.select %lt3A_681, %broadcast_in_dim3A_687, %select_n3A_677 : vector<64x256xi1>, vector<64x256xf32>
    %get3A_689 = arith.constant 0 : index
    %get3A_690 = arith.constant 2304 : index
    %get3A_691 = vector.load %arg5[%get3A_689, %get3A_690] : memref<512x9984xf32, #tpu.memory_space<vmem>>, vector<64x256xf32>
    %lt3A_692 = arith.cmpf olt, %get3A_691, %select_n3A_682 : vector<64x256xf32>
    %select_n3A_693 = arith.select %lt3A_692, %get3A_691, %select_n3A_682 : vector<64x256xi1>, vector<64x256xf32>
    %add3A_694 = arith.constant 2.304000e+03 : f32
    %add3A_695 = vector.broadcast %add3A_694 : f32 to vector<1x256xf32>
    %add3A_696 = arith.addf %convert_element_type3A, %add3A_695 : vector<1x256xf32>
    %broadcast_in_dim3A_697 = vector.shape_cast %add3A_696 : vector<1x256xf32> to vector<1x256xf32>
    %broadcast_in_dim3A_698 = vector.broadcast %broadcast_in_dim3A_697 : vector<1x256xf32> to vector<64x256xf32>
    %select_n3A_699 = arith.select %lt3A_692, %broadcast_in_dim3A_698, %select_n3A_688 : vector<64x256xi1>, vector<64x256xf32>
    %get3A_700 = arith.constant 0 : index
    %get3A_701 = arith.constant 2560 : index
    %get3A_702 = vector.load %arg5[%get3A_700, %get3A_701] : memref<512x9984xf32, #tpu.memory_space<vmem>>, vector<64x256xf32>
    %lt3A_703 = arith.cmpf olt, %get3A_702, %select_n3A_693 : vector<64x256xf32>
    %select_n3A_704 = arith.select %lt3A_703, %get3A_702, %select_n3A_693 : vector<64x256xi1>, vector<64x256xf32>
    %add3A_705 = arith.constant 2.560000e+03 : f32
    %add3A_706 = vector.broadcast %add3A_705 : f32 to vector<1x256xf32>
    %add3A_707 = arith.addf %convert_element_type3A, %add3A_706 : vector<1x256xf32>
    %broadcast_in_dim3A_708 = vector.shape_cast %add3A_707 : vector<1x256xf32> to vector<1x256xf32>
    %broadcast_in_dim3A_709 = vector.broadcast %broadcast_in_dim3A_708 : vector<1x256xf32> to vector<64x256xf32>
    %select_n3A_710 = arith.select %lt3A_703, %broadcast_in_dim3A_709, %select_n3A_699 : vector<64x256xi1>, vector<64x256xf32>
    %get3A_711 = arith.constant 0 : index
    %get3A_712 = arith.constant 2816 : index
    %get3A_713 = vector.load %arg5[%get3A_711, %get3A_712] : memref<512x9984xf32, #tpu.memory_space<vmem>>, vector<64x256xf32>
    %lt3A_714 = arith.cmpf olt, %get3A_713, %select_n3A_704 : vector<64x256xf32>
    %select_n3A_715 = arith.select %lt3A_714, %get3A_713, %select_n3A_704 : vector<64x256xi1>, vector<64x256xf32>
    %add3A_716 = arith.constant 2.816000e+03 : f32
    %add3A_717 = vector.broadcast %add3A_716 : f32 to vector<1x256xf32>
    %add3A_718 = arith.addf %convert_element_type3A, %add3A_717 : vector<1x256xf32>
    %broadcast_in_dim3A_719 = vector.shape_cast %add3A_718 : vector<1x256xf32> to vector<1x256xf32>
    %broadcast_in_dim3A_720 = vector.broadcast %broadcast_in_dim3A_719 : vector<1x256xf32> to vector<64x256xf32>
    %select_n3A_721 = arith.select %lt3A_714, %broadcast_in_dim3A_720, %select_n3A_710 : vector<64x256xi1>, vector<64x256xf32>
    %get3A_722 = arith.constant 0 : index
    %get3A_723 = arith.constant 3072 : index
    %get3A_724 = vector.load %arg5[%get3A_722, %get3A_723] : memref<512x9984xf32, #tpu.memory_space<vmem>>, vector<64x256xf32>
    %lt3A_725 = arith.cmpf olt, %get3A_724, %select_n3A_715 : vector<64x256xf32>
    %select_n3A_726 = arith.select %lt3A_725, %get3A_724, %select_n3A_715 : vector<64x256xi1>, vector<64x256xf32>
    %add3A_727 = arith.constant 3.072000e+03 : f32
    %add3A_728 = vector.broadcast %add3A_727 : f32 to vector<1x256xf32>
    %add3A_729 = arith.addf %convert_element_type3A, %add3A_728 : vector<1x256xf32>
    %broadcast_in_dim3A_730 = vector.shape_cast %add3A_729 : vector<1x256xf32> to vector<1x256xf32>
    %broadcast_in_dim3A_731 = vector.broadcast %broadcast_in_dim3A_730 : vector<1x256xf32> to vector<64x256xf32>
    %select_n3A_732 = arith.select %lt3A_725, %broadcast_in_dim3A_731, %select_n3A_721 : vector<64x256xi1>, vector<64x256xf32>
    %get3A_733 = arith.constant 0 : index
    %get3A_734 = arith.constant 3328 : index
    %get3A_735 = vector.load %arg5[%get3A_733, %get3A_734] : memref<512x9984xf32, #tpu.memory_space<vmem>>, vector<64x256xf32>
    %lt3A_736 = arith.cmpf olt, %get3A_735, %select_n3A_726 : vector<64x256xf32>
    %select_n3A_737 = arith.select %lt3A_736, %get3A_735, %select_n3A_726 : vector<64x256xi1>, vector<64x256xf32>
    %add3A_738 = arith.constant 3.328000e+03 : f32
    %add3A_739 = vector.broadcast %add3A_738 : f32 to vector<1x256xf32>
    %add3A_740 = arith.addf %convert_element_type3A, %add3A_739 : vector<1x256xf32>
    %broadcast_in_dim3A_741 = vector.shape_cast %add3A_740 : vector<1x256xf32> to vector<1x256xf32>
    %broadcast_in_dim3A_742 = vector.broadcast %broadcast_in_dim3A_741 : vector<1x256xf32> to vector<64x256xf32>
    %select_n3A_743 = arith.select %lt3A_736, %broadcast_in_dim3A_742, %select_n3A_732 : vector<64x256xi1>, vector<64x256xf32>
    %get3A_744 = arith.constant 0 : index
    %get3A_745 = arith.constant 3584 : index
    %get3A_746 = vector.load %arg5[%get3A_744, %get3A_745] : memref<512x9984xf32, #tpu.memory_space<vmem>>, vector<64x256xf32>
    %lt3A_747 = arith.cmpf olt, %get3A_746, %select_n3A_737 : vector<64x256xf32>
    %select_n3A_748 = arith.select %lt3A_747, %get3A_746, %select_n3A_737 : vector<64x256xi1>, vector<64x256xf32>
    %add3A_749 = arith.constant 3.584000e+03 : f32
    %add3A_750 = vector.broadcast %add3A_749 : f32 to vector<1x256xf32>
    %add3A_751 = arith.addf %convert_element_type3A, %add3A_750 : vector<1x256xf32>
    %broadcast_in_dim3A_752 = vector.shape_cast %add3A_751 : vector<1x256xf32> to vector<1x256xf32>
    %broadcast_in_dim3A_753 = vector.broadcast %broadcast_in_dim3A_752 : vector<1x256xf32> to vector<64x256xf32>
    %select_n3A_754 = arith.select %lt3A_747, %broadcast_in_dim3A_753, %select_n3A_743 : vector<64x256xi1>, vector<64x256xf32>
    %get3A_755 = arith.constant 0 : index
    %get3A_756 = arith.constant 3840 : index
    %get3A_757 = vector.load %arg5[%get3A_755, %get3A_756] : memref<512x9984xf32, #tpu.memory_space<vmem>>, vector<64x256xf32>
    %lt3A_758 = arith.cmpf olt, %get3A_757, %select_n3A_748 : vector<64x256xf32>
    %select_n3A_759 = arith.select %lt3A_758, %get3A_757, %select_n3A_748 : vector<64x256xi1>, vector<64x256xf32>
    %add3A_760 = arith.constant 3.840000e+03 : f32
    %add3A_761 = vector.broadcast %add3A_760 : f32 to vector<1x256xf32>
    %add3A_762 = arith.addf %convert_element_type3A, %add3A_761 : vector<1x256xf32>
    %broadcast_in_dim3A_763 = vector.shape_cast %add3A_762 : vector<1x256xf32> to vector<1x256xf32>
    %broadcast_in_dim3A_764 = vector.broadcast %broadcast_in_dim3A_763 : vector<1x256xf32> to vector<64x256xf32>
    %select_n3A_765 = arith.select %lt3A_758, %broadcast_in_dim3A_764, %select_n3A_754 : vector<64x256xi1>, vector<64x256xf32>
    %get3A_766 = arith.constant 0 : index
    %get3A_767 = arith.constant 4096 : index
    %get3A_768 = vector.load %arg5[%get3A_766, %get3A_767] : memref<512x9984xf32, #tpu.memory_space<vmem>>, vector<64x256xf32>
    %lt3A_769 = arith.cmpf olt, %get3A_768, %select_n3A_759 : vector<64x256xf32>
    %select_n3A_770 = arith.select %lt3A_769, %get3A_768, %select_n3A_759 : vector<64x256xi1>, vector<64x256xf32>
    %add3A_771 = arith.constant 4.096000e+03 : f32
    %add3A_772 = vector.broadcast %add3A_771 : f32 to vector<1x256xf32>
    %add3A_773 = arith.addf %convert_element_type3A, %add3A_772 : vector<1x256xf32>
    %broadcast_in_dim3A_774 = vector.shape_cast %add3A_773 : vector<1x256xf32> to vector<1x256xf32>
    %broadcast_in_dim3A_775 = vector.broadcast %broadcast_in_dim3A_774 : vector<1x256xf32> to vector<64x256xf32>
    %select_n3A_776 = arith.select %lt3A_769, %broadcast_in_dim3A_775, %select_n3A_765 : vector<64x256xi1>, vector<64x256xf32>
    %get3A_777 = arith.constant 0 : index
    %get3A_778 = arith.constant 4352 : index
    %get3A_779 = vector.load %arg5[%get3A_777, %get3A_778] : memref<512x9984xf32, #tpu.memory_space<vmem>>, vector<64x256xf32>
    %lt3A_780 = arith.cmpf olt, %get3A_779, %select_n3A_770 : vector<64x256xf32>
    %select_n3A_781 = arith.select %lt3A_780, %get3A_779, %select_n3A_770 : vector<64x256xi1>, vector<64x256xf32>
    %add3A_782 = arith.constant 4.352000e+03 : f32
    %add3A_783 = vector.broadcast %add3A_782 : f32 to vector<1x256xf32>
    %add3A_784 = arith.addf %convert_element_type3A, %add3A_783 : vector<1x256xf32>
    %broadcast_in_dim3A_785 = vector.shape_cast %add3A_784 : vector<1x256xf32> to vector<1x256xf32>
    %broadcast_in_dim3A_786 = vector.broadcast %broadcast_in_dim3A_785 : vector<1x256xf32> to vector<64x256xf32>
    %select_n3A_787 = arith.select %lt3A_780, %broadcast_in_dim3A_786, %select_n3A_776 : vector<64x256xi1>, vector<64x256xf32>
    %get3A_788 = arith.constant 0 : index
    %get3A_789 = arith.constant 4608 : index
    %get3A_790 = vector.load %arg5[%get3A_788, %get3A_789] : memref<512x9984xf32, #tpu.memory_space<vmem>>, vector<64x256xf32>
    %lt3A_791 = arith.cmpf olt, %get3A_790, %select_n3A_781 : vector<64x256xf32>
    %select_n3A_792 = arith.select %lt3A_791, %get3A_790, %select_n3A_781 : vector<64x256xi1>, vector<64x256xf32>
    %add3A_793 = arith.constant 4.608000e+03 : f32
    %add3A_794 = vector.broadcast %add3A_793 : f32 to vector<1x256xf32>
    %add3A_795 = arith.addf %convert_element_type3A, %add3A_794 : vector<1x256xf32>
    %broadcast_in_dim3A_796 = vector.shape_cast %add3A_795 : vector<1x256xf32> to vector<1x256xf32>
    %broadcast_in_dim3A_797 = vector.broadcast %broadcast_in_dim3A_796 : vector<1x256xf32> to vector<64x256xf32>
    %select_n3A_798 = arith.select %lt3A_791, %broadcast_in_dim3A_797, %select_n3A_787 : vector<64x256xi1>, vector<64x256xf32>
    %get3A_799 = arith.constant 0 : index
    %get3A_800 = arith.constant 4864 : index
    %get3A_801 = vector.load %arg5[%get3A_799, %get3A_800] : memref<512x9984xf32, #tpu.memory_space<vmem>>, vector<64x256xf32>
    %lt3A_802 = arith.cmpf olt, %get3A_801, %select_n3A_792 : vector<64x256xf32>
    %select_n3A_803 = arith.select %lt3A_802, %get3A_801, %select_n3A_792 : vector<64x256xi1>, vector<64x256xf32>
    %add3A_804 = arith.constant 4.864000e+03 : f32
    %add3A_805 = vector.broadcast %add3A_804 : f32 to vector<1x256xf32>
    %add3A_806 = arith.addf %convert_element_type3A, %add3A_805 : vector<1x256xf32>
    %broadcast_in_dim3A_807 = vector.shape_cast %add3A_806 : vector<1x256xf32> to vector<1x256xf32>
    %broadcast_in_dim3A_808 = vector.broadcast %broadcast_in_dim3A_807 : vector<1x256xf32> to vector<64x256xf32>
    %select_n3A_809 = arith.select %lt3A_802, %broadcast_in_dim3A_808, %select_n3A_798 : vector<64x256xi1>, vector<64x256xf32>
    %get3A_810 = arith.constant 0 : index
    %get3A_811 = arith.constant 5120 : index
    %get3A_812 = vector.load %arg5[%get3A_810, %get3A_811] : memref<512x9984xf32, #tpu.memory_space<vmem>>, vector<64x256xf32>
    %lt3A_813 = arith.cmpf olt, %get3A_812, %select_n3A_803 : vector<64x256xf32>
    %select_n3A_814 = arith.select %lt3A_813, %get3A_812, %select_n3A_803 : vector<64x256xi1>, vector<64x256xf32>
    %add3A_815 = arith.constant 5.120000e+03 : f32
    %add3A_816 = vector.broadcast %add3A_815 : f32 to vector<1x256xf32>
    %add3A_817 = arith.addf %convert_element_type3A, %add3A_816 : vector<1x256xf32>
    %broadcast_in_dim3A_818 = vector.shape_cast %add3A_817 : vector<1x256xf32> to vector<1x256xf32>
    %broadcast_in_dim3A_819 = vector.broadcast %broadcast_in_dim3A_818 : vector<1x256xf32> to vector<64x256xf32>
    %select_n3A_820 = arith.select %lt3A_813, %broadcast_in_dim3A_819, %select_n3A_809 : vector<64x256xi1>, vector<64x256xf32>
    %get3A_821 = arith.constant 0 : index
    %get3A_822 = arith.constant 5376 : index
    %get3A_823 = vector.load %arg5[%get3A_821, %get3A_822] : memref<512x9984xf32, #tpu.memory_space<vmem>>, vector<64x256xf32>
    %lt3A_824 = arith.cmpf olt, %get3A_823, %select_n3A_814 : vector<64x256xf32>
    %select_n3A_825 = arith.select %lt3A_824, %get3A_823, %select_n3A_814 : vector<64x256xi1>, vector<64x256xf32>
    %add3A_826 = arith.constant 5.376000e+03 : f32
    %add3A_827 = vector.broadcast %add3A_826 : f32 to vector<1x256xf32>
    %add3A_828 = arith.addf %convert_element_type3A, %add3A_827 : vector<1x256xf32>
    %broadcast_in_dim3A_829 = vector.shape_cast %add3A_828 : vector<1x256xf32> to vector<1x256xf32>
    %broadcast_in_dim3A_830 = vector.broadcast %broadcast_in_dim3A_829 : vector<1x256xf32> to vector<64x256xf32>
    %select_n3A_831 = arith.select %lt3A_824, %broadcast_in_dim3A_830, %select_n3A_820 : vector<64x256xi1>, vector<64x256xf32>
    %get3A_832 = arith.constant 0 : index
    %get3A_833 = arith.constant 5632 : index
    %get3A_834 = vector.load %arg5[%get3A_832, %get3A_833] : memref<512x9984xf32, #tpu.memory_space<vmem>>, vector<64x256xf32>
    %lt3A_835 = arith.cmpf olt, %get3A_834, %select_n3A_825 : vector<64x256xf32>
    %select_n3A_836 = arith.select %lt3A_835, %get3A_834, %select_n3A_825 : vector<64x256xi1>, vector<64x256xf32>
    %add3A_837 = arith.constant 5.632000e+03 : f32
    %add3A_838 = vector.broadcast %add3A_837 : f32 to vector<1x256xf32>
    %add3A_839 = arith.addf %convert_element_type3A, %add3A_838 : vector<1x256xf32>
    %broadcast_in_dim3A_840 = vector.shape_cast %add3A_839 : vector<1x256xf32> to vector<1x256xf32>
    %broadcast_in_dim3A_841 = vector.broadcast %broadcast_in_dim3A_840 : vector<1x256xf32> to vector<64x256xf32>
    %select_n3A_842 = arith.select %lt3A_835, %broadcast_in_dim3A_841, %select_n3A_831 : vector<64x256xi1>, vector<64x256xf32>
    %get3A_843 = arith.constant 0 : index
    %get3A_844 = arith.constant 5888 : index
    %get3A_845 = vector.load %arg5[%get3A_843, %get3A_844] : memref<512x9984xf32, #tpu.memory_space<vmem>>, vector<64x256xf32>
    %lt3A_846 = arith.cmpf olt, %get3A_845, %select_n3A_836 : vector<64x256xf32>
    %select_n3A_847 = arith.select %lt3A_846, %get3A_845, %select_n3A_836 : vector<64x256xi1>, vector<64x256xf32>
    %add3A_848 = arith.constant 5.888000e+03 : f32
    %add3A_849 = vector.broadcast %add3A_848 : f32 to vector<1x256xf32>
    %add3A_850 = arith.addf %convert_element_type3A, %add3A_849 : vector<1x256xf32>
    %broadcast_in_dim3A_851 = vector.shape_cast %add3A_850 : vector<1x256xf32> to vector<1x256xf32>
    %broadcast_in_dim3A_852 = vector.broadcast %broadcast_in_dim3A_851 : vector<1x256xf32> to vector<64x256xf32>
    %select_n3A_853 = arith.select %lt3A_846, %broadcast_in_dim3A_852, %select_n3A_842 : vector<64x256xi1>, vector<64x256xf32>
    %get3A_854 = arith.constant 0 : index
    %get3A_855 = arith.constant 6144 : index
    %get3A_856 = vector.load %arg5[%get3A_854, %get3A_855] : memref<512x9984xf32, #tpu.memory_space<vmem>>, vector<64x256xf32>
    %lt3A_857 = arith.cmpf olt, %get3A_856, %select_n3A_847 : vector<64x256xf32>
    %select_n3A_858 = arith.select %lt3A_857, %get3A_856, %select_n3A_847 : vector<64x256xi1>, vector<64x256xf32>
    %add3A_859 = arith.constant 6.144000e+03 : f32
    %add3A_860 = vector.broadcast %add3A_859 : f32 to vector<1x256xf32>
    %add3A_861 = arith.addf %convert_element_type3A, %add3A_860 : vector<1x256xf32>
    %broadcast_in_dim3A_862 = vector.shape_cast %add3A_861 : vector<1x256xf32> to vector<1x256xf32>
    %broadcast_in_dim3A_863 = vector.broadcast %broadcast_in_dim3A_862 : vector<1x256xf32> to vector<64x256xf32>
    %select_n3A_864 = arith.select %lt3A_857, %broadcast_in_dim3A_863, %select_n3A_853 : vector<64x256xi1>, vector<64x256xf32>
    %get3A_865 = arith.constant 0 : index
    %get3A_866 = arith.constant 6400 : index
    %get3A_867 = vector.load %arg5[%get3A_865, %get3A_866] : memref<512x9984xf32, #tpu.memory_space<vmem>>, vector<64x256xf32>
    %lt3A_868 = arith.cmpf olt, %get3A_867, %select_n3A_858 : vector<64x256xf32>
    %select_n3A_869 = arith.select %lt3A_868, %get3A_867, %select_n3A_858 : vector<64x256xi1>, vector<64x256xf32>
    %add3A_870 = arith.constant 6.400000e+03 : f32
    %add3A_871 = vector.broadcast %add3A_870 : f32 to vector<1x256xf32>
    %add3A_872 = arith.addf %convert_element_type3A, %add3A_871 : vector<1x256xf32>
    %broadcast_in_dim3A_873 = vector.shape_cast %add3A_872 : vector<1x256xf32> to vector<1x256xf32>
    %broadcast_in_dim3A_874 = vector.broadcast %broadcast_in_dim3A_873 : vector<1x256xf32> to vector<64x256xf32>
    %select_n3A_875 = arith.select %lt3A_868, %broadcast_in_dim3A_874, %select_n3A_864 : vector<64x256xi1>, vector<64x256xf32>
    %get3A_876 = arith.constant 0 : index
    %get3A_877 = arith.constant 6656 : index
    %get3A_878 = vector.load %arg5[%get3A_876, %get3A_877] : memref<512x9984xf32, #tpu.memory_space<vmem>>, vector<64x256xf32>
    %lt3A_879 = arith.cmpf olt, %get3A_878, %select_n3A_869 : vector<64x256xf32>
    %select_n3A_880 = arith.select %lt3A_879, %get3A_878, %select_n3A_869 : vector<64x256xi1>, vector<64x256xf32>
    %add3A_881 = arith.constant 6.656000e+03 : f32
    %add3A_882 = vector.broadcast %add3A_881 : f32 to vector<1x256xf32>
    %add3A_883 = arith.addf %convert_element_type3A, %add3A_882 : vector<1x256xf32>
    %broadcast_in_dim3A_884 = vector.shape_cast %add3A_883 : vector<1x256xf32> to vector<1x256xf32>
    %broadcast_in_dim3A_885 = vector.broadcast %broadcast_in_dim3A_884 : vector<1x256xf32> to vector<64x256xf32>
    %select_n3A_886 = arith.select %lt3A_879, %broadcast_in_dim3A_885, %select_n3A_875 : vector<64x256xi1>, vector<64x256xf32>
    %get3A_887 = arith.constant 0 : index
    %get3A_888 = arith.constant 6912 : index
    %get3A_889 = vector.load %arg5[%get3A_887, %get3A_888] : memref<512x9984xf32, #tpu.memory_space<vmem>>, vector<64x256xf32>
    %lt3A_890 = arith.cmpf olt, %get3A_889, %select_n3A_880 : vector<64x256xf32>
    %select_n3A_891 = arith.select %lt3A_890, %get3A_889, %select_n3A_880 : vector<64x256xi1>, vector<64x256xf32>
    %add3A_892 = arith.constant 6.912000e+03 : f32
    %add3A_893 = vector.broadcast %add3A_892 : f32 to vector<1x256xf32>
    %add3A_894 = arith.addf %convert_element_type3A, %add3A_893 : vector<1x256xf32>
    %broadcast_in_dim3A_895 = vector.shape_cast %add3A_894 : vector<1x256xf32> to vector<1x256xf32>
    %broadcast_in_dim3A_896 = vector.broadcast %broadcast_in_dim3A_895 : vector<1x256xf32> to vector<64x256xf32>
    %select_n3A_897 = arith.select %lt3A_890, %broadcast_in_dim3A_896, %select_n3A_886 : vector<64x256xi1>, vector<64x256xf32>
    %get3A_898 = arith.constant 0 : index
    %get3A_899 = arith.constant 7168 : index
    %get3A_900 = vector.load %arg5[%get3A_898, %get3A_899] : memref<512x9984xf32, #tpu.memory_space<vmem>>, vector<64x256xf32>
    %lt3A_901 = arith.cmpf olt, %get3A_900, %select_n3A_891 : vector<64x256xf32>
    %select_n3A_902 = arith.select %lt3A_901, %get3A_900, %select_n3A_891 : vector<64x256xi1>, vector<64x256xf32>
    %add3A_903 = arith.constant 7.168000e+03 : f32
    %add3A_904 = vector.broadcast %add3A_903 : f32 to vector<1x256xf32>
    %add3A_905 = arith.addf %convert_element_type3A, %add3A_904 : vector<1x256xf32>
    %broadcast_in_dim3A_906 = vector.shape_cast %add3A_905 : vector<1x256xf32> to vector<1x256xf32>
    %broadcast_in_dim3A_907 = vector.broadcast %broadcast_in_dim3A_906 : vector<1x256xf32> to vector<64x256xf32>
    %select_n3A_908 = arith.select %lt3A_901, %broadcast_in_dim3A_907, %select_n3A_897 : vector<64x256xi1>, vector<64x256xf32>
    %get3A_909 = arith.constant 0 : index
    %get3A_910 = arith.constant 7424 : index
    %get3A_911 = vector.load %arg5[%get3A_909, %get3A_910] : memref<512x9984xf32, #tpu.memory_space<vmem>>, vector<64x256xf32>
    %lt3A_912 = arith.cmpf olt, %get3A_911, %select_n3A_902 : vector<64x256xf32>
    %select_n3A_913 = arith.select %lt3A_912, %get3A_911, %select_n3A_902 : vector<64x256xi1>, vector<64x256xf32>
    %add3A_914 = arith.constant 7.424000e+03 : f32
    %add3A_915 = vector.broadcast %add3A_914 : f32 to vector<1x256xf32>
    %add3A_916 = arith.addf %convert_element_type3A, %add3A_915 : vector<1x256xf32>
    %broadcast_in_dim3A_917 = vector.shape_cast %add3A_916 : vector<1x256xf32> to vector<1x256xf32>
    %broadcast_in_dim3A_918 = vector.broadcast %broadcast_in_dim3A_917 : vector<1x256xf32> to vector<64x256xf32>
    %select_n3A_919 = arith.select %lt3A_912, %broadcast_in_dim3A_918, %select_n3A_908 : vector<64x256xi1>, vector<64x256xf32>
    %get3A_920 = arith.constant 0 : index
    %get3A_921 = arith.constant 7680 : index
    %get3A_922 = vector.load %arg5[%get3A_920, %get3A_921] : memref<512x9984xf32, #tpu.memory_space<vmem>>, vector<64x256xf32>
    %lt3A_923 = arith.cmpf olt, %get3A_922, %select_n3A_913 : vector<64x256xf32>
    %select_n3A_924 = arith.select %lt3A_923, %get3A_922, %select_n3A_913 : vector<64x256xi1>, vector<64x256xf32>
    %add3A_925 = arith.constant 7.680000e+03 : f32
    %add3A_926 = vector.broadcast %add3A_925 : f32 to vector<1x256xf32>
    %add3A_927 = arith.addf %convert_element_type3A, %add3A_926 : vector<1x256xf32>
    %broadcast_in_dim3A_928 = vector.shape_cast %add3A_927 : vector<1x256xf32> to vector<1x256xf32>
    %broadcast_in_dim3A_929 = vector.broadcast %broadcast_in_dim3A_928 : vector<1x256xf32> to vector<64x256xf32>
    %select_n3A_930 = arith.select %lt3A_923, %broadcast_in_dim3A_929, %select_n3A_919 : vector<64x256xi1>, vector<64x256xf32>
    %get3A_931 = arith.constant 0 : index
    %get3A_932 = arith.constant 7936 : index
    %get3A_933 = vector.load %arg5[%get3A_931, %get3A_932] : memref<512x9984xf32, #tpu.memory_space<vmem>>, vector<64x256xf32>
    %lt3A_934 = arith.cmpf olt, %get3A_933, %select_n3A_924 : vector<64x256xf32>
    %select_n3A_935 = arith.select %lt3A_934, %get3A_933, %select_n3A_924 : vector<64x256xi1>, vector<64x256xf32>
    %add3A_936 = arith.constant 7.936000e+03 : f32
    %add3A_937 = vector.broadcast %add3A_936 : f32 to vector<1x256xf32>
    %add3A_938 = arith.addf %convert_element_type3A, %add3A_937 : vector<1x256xf32>
    %broadcast_in_dim3A_939 = vector.shape_cast %add3A_938 : vector<1x256xf32> to vector<1x256xf32>
    %broadcast_in_dim3A_940 = vector.broadcast %broadcast_in_dim3A_939 : vector<1x256xf32> to vector<64x256xf32>
    %select_n3A_941 = arith.select %lt3A_934, %broadcast_in_dim3A_940, %select_n3A_930 : vector<64x256xi1>, vector<64x256xf32>
    %get3A_942 = arith.constant 0 : index
    %get3A_943 = arith.constant 8192 : index
    %get3A_944 = vector.load %arg5[%get3A_942, %get3A_943] : memref<512x9984xf32, #tpu.memory_space<vmem>>, vector<64x256xf32>
    %lt3A_945 = arith.cmpf olt, %get3A_944, %select_n3A_935 : vector<64x256xf32>
    %select_n3A_946 = arith.select %lt3A_945, %get3A_944, %select_n3A_935 : vector<64x256xi1>, vector<64x256xf32>
    %add3A_947 = arith.constant 8.192000e+03 : f32
    %add3A_948 = vector.broadcast %add3A_947 : f32 to vector<1x256xf32>
    %add3A_949 = arith.addf %convert_element_type3A, %add3A_948 : vector<1x256xf32>
    %broadcast_in_dim3A_950 = vector.shape_cast %add3A_949 : vector<1x256xf32> to vector<1x256xf32>
    %broadcast_in_dim3A_951 = vector.broadcast %broadcast_in_dim3A_950 : vector<1x256xf32> to vector<64x256xf32>
    %select_n3A_952 = arith.select %lt3A_945, %broadcast_in_dim3A_951, %select_n3A_941 : vector<64x256xi1>, vector<64x256xf32>
    %get3A_953 = arith.constant 0 : index
    %get3A_954 = arith.constant 8448 : index
    %get3A_955 = vector.load %arg5[%get3A_953, %get3A_954] : memref<512x9984xf32, #tpu.memory_space<vmem>>, vector<64x256xf32>
    %lt3A_956 = arith.cmpf olt, %get3A_955, %select_n3A_946 : vector<64x256xf32>
    %select_n3A_957 = arith.select %lt3A_956, %get3A_955, %select_n3A_946 : vector<64x256xi1>, vector<64x256xf32>
    %add3A_958 = arith.constant 8.448000e+03 : f32
    %add3A_959 = vector.broadcast %add3A_958 : f32 to vector<1x256xf32>
    %add3A_960 = arith.addf %convert_element_type3A, %add3A_959 : vector<1x256xf32>
    %broadcast_in_dim3A_961 = vector.shape_cast %add3A_960 : vector<1x256xf32> to vector<1x256xf32>
    %broadcast_in_dim3A_962 = vector.broadcast %broadcast_in_dim3A_961 : vector<1x256xf32> to vector<64x256xf32>
    %select_n3A_963 = arith.select %lt3A_956, %broadcast_in_dim3A_962, %select_n3A_952 : vector<64x256xi1>, vector<64x256xf32>
    %get3A_964 = arith.constant 0 : index
    %get3A_965 = arith.constant 8704 : index
    %get3A_966 = vector.load %arg5[%get3A_964, %get3A_965] : memref<512x9984xf32, #tpu.memory_space<vmem>>, vector<64x256xf32>
    %lt3A_967 = arith.cmpf olt, %get3A_966, %select_n3A_957 : vector<64x256xf32>
    %select_n3A_968 = arith.select %lt3A_967, %get3A_966, %select_n3A_957 : vector<64x256xi1>, vector<64x256xf32>
    %add3A_969 = arith.constant 8.704000e+03 : f32
    %add3A_970 = vector.broadcast %add3A_969 : f32 to vector<1x256xf32>
    %add3A_971 = arith.addf %convert_element_type3A, %add3A_970 : vector<1x256xf32>
    %broadcast_in_dim3A_972 = vector.shape_cast %add3A_971 : vector<1x256xf32> to vector<1x256xf32>
    %broadcast_in_dim3A_973 = vector.broadcast %broadcast_in_dim3A_972 : vector<1x256xf32> to vector<64x256xf32>
    %select_n3A_974 = arith.select %lt3A_967, %broadcast_in_dim3A_973, %select_n3A_963 : vector<64x256xi1>, vector<64x256xf32>
    %get3A_975 = arith.constant 0 : index
    %get3A_976 = arith.constant 8960 : index
    %get3A_977 = vector.load %arg5[%get3A_975, %get3A_976] : memref<512x9984xf32, #tpu.memory_space<vmem>>, vector<64x256xf32>
    %lt3A_978 = arith.cmpf olt, %get3A_977, %select_n3A_968 : vector<64x256xf32>
    %select_n3A_979 = arith.select %lt3A_978, %get3A_977, %select_n3A_968 : vector<64x256xi1>, vector<64x256xf32>
    %add3A_980 = arith.constant 8.960000e+03 : f32
    %add3A_981 = vector.broadcast %add3A_980 : f32 to vector<1x256xf32>
    %add3A_982 = arith.addf %convert_element_type3A, %add3A_981 : vector<1x256xf32>
    %broadcast_in_dim3A_983 = vector.shape_cast %add3A_982 : vector<1x256xf32> to vector<1x256xf32>
    %broadcast_in_dim3A_984 = vector.broadcast %broadcast_in_dim3A_983 : vector<1x256xf32> to vector<64x256xf32>
    %select_n3A_985 = arith.select %lt3A_978, %broadcast_in_dim3A_984, %select_n3A_974 : vector<64x256xi1>, vector<64x256xf32>
    %get3A_986 = arith.constant 0 : index
    %get3A_987 = arith.constant 9216 : index
    %get3A_988 = vector.load %arg5[%get3A_986, %get3A_987] : memref<512x9984xf32, #tpu.memory_space<vmem>>, vector<64x256xf32>
    %lt3A_989 = arith.cmpf olt, %get3A_988, %select_n3A_979 : vector<64x256xf32>
    %select_n3A_990 = arith.select %lt3A_989, %get3A_988, %select_n3A_979 : vector<64x256xi1>, vector<64x256xf32>
    %add3A_991 = arith.constant 9.216000e+03 : f32
    %add3A_992 = vector.broadcast %add3A_991 : f32 to vector<1x256xf32>
    %add3A_993 = arith.addf %convert_element_type3A, %add3A_992 : vector<1x256xf32>
    %broadcast_in_dim3A_994 = vector.shape_cast %add3A_993 : vector<1x256xf32> to vector<1x256xf32>
    %broadcast_in_dim3A_995 = vector.broadcast %broadcast_in_dim3A_994 : vector<1x256xf32> to vector<64x256xf32>
    %select_n3A_996 = arith.select %lt3A_989, %broadcast_in_dim3A_995, %select_n3A_985 : vector<64x256xi1>, vector<64x256xf32>
    %get3A_997 = arith.constant 0 : index
    %get3A_998 = arith.constant 9472 : index
    %get3A_999 = vector.load %arg5[%get3A_997, %get3A_998] : memref<512x9984xf32, #tpu.memory_space<vmem>>, vector<64x256xf32>
    %lt3A_1000 = arith.cmpf olt, %get3A_999, %select_n3A_990 : vector<64x256xf32>
    %select_n3A_1001 = arith.select %lt3A_1000, %get3A_999, %select_n3A_990 : vector<64x256xi1>, vector<64x256xf32>
    %add3A_1002 = arith.constant 9.472000e+03 : f32
    %add3A_1003 = vector.broadcast %add3A_1002 : f32 to vector<1x256xf32>
    %add3A_1004 = arith.addf %convert_element_type3A, %add3A_1003 : vector<1x256xf32>
    %broadcast_in_dim3A_1005 = vector.shape_cast %add3A_1004 : vector<1x256xf32> to vector<1x256xf32>
    %broadcast_in_dim3A_1006 = vector.broadcast %broadcast_in_dim3A_1005 : vector<1x256xf32> to vector<64x256xf32>
    %select_n3A_1007 = arith.select %lt3A_1000, %broadcast_in_dim3A_1006, %select_n3A_996 : vector<64x256xi1>, vector<64x256xf32>
    %get3A_1008 = arith.constant 0 : index
    %get3A_1009 = arith.constant 9728 : index
    %get3A_1010 = vector.load %arg5[%get3A_1008, %get3A_1009] : memref<512x9984xf32, #tpu.memory_space<vmem>>, vector<64x256xf32>
    %lt3A_1011 = arith.cmpf olt, %get3A_1010, %select_n3A_1001 : vector<64x256xf32>
    %select_n3A_1012 = arith.select %lt3A_1011, %get3A_1010, %select_n3A_1001 : vector<64x256xi1>, vector<64x256xf32>
    %add3A_1013 = arith.constant 9.728000e+03 : f32
    %add3A_1014 = vector.broadcast %add3A_1013 : f32 to vector<1x256xf32>
    %add3A_1015 = arith.addf %convert_element_type3A, %add3A_1014 : vector<1x256xf32>
    %broadcast_in_dim3A_1016 = vector.shape_cast %add3A_1015 : vector<1x256xf32> to vector<1x256xf32>
    %broadcast_in_dim3A_1017 = vector.broadcast %broadcast_in_dim3A_1016 : vector<1x256xf32> to vector<64x256xf32>
    %select_n3A_1018 = arith.select %lt3A_1011, %broadcast_in_dim3A_1017, %select_n3A_1007 : vector<64x256xi1>, vector<64x256xf32>
    %reduce_min3A = arith.constant dense<0x7F800000> : vector<64xf32>
    %reduce_min3A_1019 = vector.multi_reduction <minimumf>, %select_n3A_1012, %reduce_min3A [1] : vector<64x256xf32> to vector<64xf32>
    %broadcast_in_dim3A_1020 = vector.shape_cast %reduce_min3A_1019 : vector<64xf32> to vector<64x1xf32>
    %eq3A = vector.broadcast %broadcast_in_dim3A_1020 : vector<64x1xf32> to vector<64x256xf32>
    %eq3A_1021 = arith.cmpf oeq, %select_n3A_1012, %eq3A : vector<64x256xf32>
    %jit3A = arith.constant 3.000000e+38 : f32
    %broadcast_in_dim3A_1022 = vector.broadcast %jit3A : f32 to vector<64x256xf32>
    %select_n3A_1023 = arith.select %eq3A_1021, %select_n3A_1018, %broadcast_in_dim3A_1022 : vector<64x256xi1>, vector<64x256xf32>
    %reduce_min3A_1024 = arith.constant dense<0x7F800000> : vector<64xf32>
    %reduce_min3A_1025 = vector.multi_reduction <minimumf>, %select_n3A_1023, %reduce_min3A_1024 [1] : vector<64x256xf32> to vector<64xf32>
    %convert_element_type3A_1026 = arith.fptosi %reduce_min3A_1025 : vector<64xf32> to vector<64xi32>
    %swap3A_1027 = arith.constant 0 : index
    %swap3A_1028 = arith.constant 0 : index
    %swap3A_1029 = arith.constant 0 : index
    %swap3A_1030 = vector.load %arg4[%swap3A_1027, %swap3A_1028, %swap3A_1029] : memref<1x1x512xi32, #tpu.memory_space<vmem>>, vector<1x1x64xi32>
    %swap3A_1031 = vector.shape_cast %swap3A_1030 : vector<1x1x64xi32> to vector<64xi32>
    %swap3A_1032 = vector.shape_cast %convert_element_type3A_1026 : vector<64xi32> to vector<1x1x64xi32>
    tpu.vector_store %arg4[%swap3A_1027, %swap3A_1028, %swap3A_1029], %swap3A_1032 {strides = array<i32>} : memref<1x1x512xi32, #tpu.memory_space<vmem>>, vector<1x1x64xi32>,
    %broadcast_in_dim3A_1033 = arith.constant 0x7F800000 : f32
    %broadcast_in_dim3A_1034 = vector.broadcast %broadcast_in_dim3A_1033 : f32 to vector<64x256xf32>
    %broadcast_in_dim3A_1035 = arith.constant 0.000000e+00 : f32
    %broadcast_in_dim3A_1036 = vector.broadcast %broadcast_in_dim3A_1035 : f32 to vector<64x256xf32>
    %get3A_1037 = arith.constant 64 : index
    %get3A_1038 = arith.constant 0 : index
    %get3A_1039 = vector.load %arg5[%get3A_1037, %get3A_1038] : memref<512x9984xf32, #tpu.memory_space<vmem>>, vector<64x256xf32>
    %lt3A_1040 = arith.cmpf olt, %get3A_1039, %broadcast_in_dim3A_1034 : vector<64x256xf32>
    %select_n3A_1041 = arith.select %lt3A_1040, %get3A_1039, %broadcast_in_dim3A_1034 : vector<64x256xi1>, vector<64x256xf32>
    %add3A_1042 = arith.constant 0.000000e+00 : f32
    %add3A_1043 = vector.broadcast %add3A_1042 : f32 to vector<1x256xf32>
    %add3A_1044 = arith.addf %convert_element_type3A, %add3A_1043 : vector<1x256xf32>
    %broadcast_in_dim3A_1045 = vector.shape_cast %add3A_1044 : vector<1x256xf32> to vector<1x256xf32>
    %broadcast_in_dim3A_1046 = vector.broadcast %broadcast_in_dim3A_1045 : vector<1x256xf32> to vector<64x256xf32>
    %select_n3A_1047 = arith.select %lt3A_1040, %broadcast_in_dim3A_1046, %broadcast_in_dim3A_1036 : vector<64x256xi1>, vector<64x256xf32>
    %get3A_1048 = arith.constant 64 : index
    %get3A_1049 = arith.constant 256 : index
    %get3A_1050 = vector.load %arg5[%get3A_1048, %get3A_1049] : memref<512x9984xf32, #tpu.memory_space<vmem>>, vector<64x256xf32>
    %lt3A_1051 = arith.cmpf olt, %get3A_1050, %select_n3A_1041 : vector<64x256xf32>
    %select_n3A_1052 = arith.select %lt3A_1051, %get3A_1050, %select_n3A_1041 : vector<64x256xi1>, vector<64x256xf32>
    %add3A_1053 = arith.constant 2.560000e+02 : f32
    %add3A_1054 = vector.broadcast %add3A_1053 : f32 to vector<1x256xf32>
    %add3A_1055 = arith.addf %convert_element_type3A, %add3A_1054 : vector<1x256xf32>
    %broadcast_in_dim3A_1056 = vector.shape_cast %add3A_1055 : vector<1x256xf32> to vector<1x256xf32>
    %broadcast_in_dim3A_1057 = vector.broadcast %broadcast_in_dim3A_1056 : vector<1x256xf32> to vector<64x256xf32>
    %select_n3A_1058 = arith.select %lt3A_1051, %broadcast_in_dim3A_1057, %select_n3A_1047 : vector<64x256xi1>, vector<64x256xf32>
    %get3A_1059 = arith.constant 64 : index
    %get3A_1060 = arith.constant 512 : index
    %get3A_1061 = vector.load %arg5[%get3A_1059, %get3A_1060] : memref<512x9984xf32, #tpu.memory_space<vmem>>, vector<64x256xf32>
    %lt3A_1062 = arith.cmpf olt, %get3A_1061, %select_n3A_1052 : vector<64x256xf32>
    %select_n3A_1063 = arith.select %lt3A_1062, %get3A_1061, %select_n3A_1052 : vector<64x256xi1>, vector<64x256xf32>
    %add3A_1064 = arith.constant 5.120000e+02 : f32
    %add3A_1065 = vector.broadcast %add3A_1064 : f32 to vector<1x256xf32>
    %add3A_1066 = arith.addf %convert_element_type3A, %add3A_1065 : vector<1x256xf32>
    %broadcast_in_dim3A_1067 = vector.shape_cast %add3A_1066 : vector<1x256xf32> to vector<1x256xf32>
    %broadcast_in_dim3A_1068 = vector.broadcast %broadcast_in_dim3A_1067 : vector<1x256xf32> to vector<64x256xf32>
    %select_n3A_1069 = arith.select %lt3A_1062, %broadcast_in_dim3A_1068, %select_n3A_1058 : vector<64x256xi1>, vector<64x256xf32>
    %get3A_1070 = arith.constant 64 : index
    %get3A_1071 = arith.constant 768 : index
    %get3A_1072 = vector.load %arg5[%get3A_1070, %get3A_1071] : memref<512x9984xf32, #tpu.memory_space<vmem>>, vector<64x256xf32>
    %lt3A_1073 = arith.cmpf olt, %get3A_1072, %select_n3A_1063 : vector<64x256xf32>
    %select_n3A_1074 = arith.select %lt3A_1073, %get3A_1072, %select_n3A_1063 : vector<64x256xi1>, vector<64x256xf32>
    %add3A_1075 = arith.constant 7.680000e+02 : f32
    %add3A_1076 = vector.broadcast %add3A_1075 : f32 to vector<1x256xf32>
    %add3A_1077 = arith.addf %convert_element_type3A, %add3A_1076 : vector<1x256xf32>
    %broadcast_in_dim3A_1078 = vector.shape_cast %add3A_1077 : vector<1x256xf32> to vector<1x256xf32>
    %broadcast_in_dim3A_1079 = vector.broadcast %broadcast_in_dim3A_1078 : vector<1x256xf32> to vector<64x256xf32>
    %select_n3A_1080 = arith.select %lt3A_1073, %broadcast_in_dim3A_1079, %select_n3A_1069 : vector<64x256xi1>, vector<64x256xf32>
    %get3A_1081 = arith.constant 64 : index
    %get3A_1082 = arith.constant 1024 : index
    %get3A_1083 = vector.load %arg5[%get3A_1081, %get3A_1082] : memref<512x9984xf32, #tpu.memory_space<vmem>>, vector<64x256xf32>
    %lt3A_1084 = arith.cmpf olt, %get3A_1083, %select_n3A_1074 : vector<64x256xf32>
    %select_n3A_1085 = arith.select %lt3A_1084, %get3A_1083, %select_n3A_1074 : vector<64x256xi1>, vector<64x256xf32>
    %add3A_1086 = arith.constant 1.024000e+03 : f32
    %add3A_1087 = vector.broadcast %add3A_1086 : f32 to vector<1x256xf32>
    %add3A_1088 = arith.addf %convert_element_type3A, %add3A_1087 : vector<1x256xf32>
    %broadcast_in_dim3A_1089 = vector.shape_cast %add3A_1088 : vector<1x256xf32> to vector<1x256xf32>
    %broadcast_in_dim3A_1090 = vector.broadcast %broadcast_in_dim3A_1089 : vector<1x256xf32> to vector<64x256xf32>
    %select_n3A_1091 = arith.select %lt3A_1084, %broadcast_in_dim3A_1090, %select_n3A_1080 : vector<64x256xi1>, vector<64x256xf32>
    %get3A_1092 = arith.constant 64 : index
    %get3A_1093 = arith.constant 1280 : index
    %get3A_1094 = vector.load %arg5[%get3A_1092, %get3A_1093] : memref<512x9984xf32, #tpu.memory_space<vmem>>, vector<64x256xf32>
    %lt3A_1095 = arith.cmpf olt, %get3A_1094, %select_n3A_1085 : vector<64x256xf32>
    %select_n3A_1096 = arith.select %lt3A_1095, %get3A_1094, %select_n3A_1085 : vector<64x256xi1>, vector<64x256xf32>
    %add3A_1097 = arith.constant 1.280000e+03 : f32
    %add3A_1098 = vector.broadcast %add3A_1097 : f32 to vector<1x256xf32>
    %add3A_1099 = arith.addf %convert_element_type3A, %add3A_1098 : vector<1x256xf32>
    %broadcast_in_dim3A_1100 = vector.shape_cast %add3A_1099 : vector<1x256xf32> to vector<1x256xf32>
    %broadcast_in_dim3A_1101 = vector.broadcast %broadcast_in_dim3A_1100 : vector<1x256xf32> to vector<64x256xf32>
    %select_n3A_1102 = arith.select %lt3A_1095, %broadcast_in_dim3A_1101, %select_n3A_1091 : vector<64x256xi1>, vector<64x256xf32>
    %get3A_1103 = arith.constant 64 : index
    %get3A_1104 = arith.constant 1536 : index
    %get3A_1105 = vector.load %arg5[%get3A_1103, %get3A_1104] : memref<512x9984xf32, #tpu.memory_space<vmem>>, vector<64x256xf32>
    %lt3A_1106 = arith.cmpf olt, %get3A_1105, %select_n3A_1096 : vector<64x256xf32>
    %select_n3A_1107 = arith.select %lt3A_1106, %get3A_1105, %select_n3A_1096 : vector<64x256xi1>, vector<64x256xf32>
    %add3A_1108 = arith.constant 1.536000e+03 : f32
    %add3A_1109 = vector.broadcast %add3A_1108 : f32 to vector<1x256xf32>
    %add3A_1110 = arith.addf %convert_element_type3A, %add3A_1109 : vector<1x256xf32>
    %broadcast_in_dim3A_1111 = vector.shape_cast %add3A_1110 : vector<1x256xf32> to vector<1x256xf32>
    %broadcast_in_dim3A_1112 = vector.broadcast %broadcast_in_dim3A_1111 : vector<1x256xf32> to vector<64x256xf32>
    %select_n3A_1113 = arith.select %lt3A_1106, %broadcast_in_dim3A_1112, %select_n3A_1102 : vector<64x256xi1>, vector<64x256xf32>
    %get3A_1114 = arith.constant 64 : index
    %get3A_1115 = arith.constant 1792 : index
    %get3A_1116 = vector.load %arg5[%get3A_1114, %get3A_1115] : memref<512x9984xf32, #tpu.memory_space<vmem>>, vector<64x256xf32>
    %lt3A_1117 = arith.cmpf olt, %get3A_1116, %select_n3A_1107 : vector<64x256xf32>
    %select_n3A_1118 = arith.select %lt3A_1117, %get3A_1116, %select_n3A_1107 : vector<64x256xi1>, vector<64x256xf32>
    %add3A_1119 = arith.constant 1.792000e+03 : f32
    %add3A_1120 = vector.broadcast %add3A_1119 : f32 to vector<1x256xf32>
    %add3A_1121 = arith.addf %convert_element_type3A, %add3A_1120 : vector<1x256xf32>
    %broadcast_in_dim3A_1122 = vector.shape_cast %add3A_1121 : vector<1x256xf32> to vector<1x256xf32>
    %broadcast_in_dim3A_1123 = vector.broadcast %broadcast_in_dim3A_1122 : vector<1x256xf32> to vector<64x256xf32>
    %select_n3A_1124 = arith.select %lt3A_1117, %broadcast_in_dim3A_1123, %select_n3A_1113 : vector<64x256xi1>, vector<64x256xf32>
    %get3A_1125 = arith.constant 64 : index
    %get3A_1126 = arith.constant 2048 : index
    %get3A_1127 = vector.load %arg5[%get3A_1125, %get3A_1126] : memref<512x9984xf32, #tpu.memory_space<vmem>>, vector<64x256xf32>
    %lt3A_1128 = arith.cmpf olt, %get3A_1127, %select_n3A_1118 : vector<64x256xf32>
    %select_n3A_1129 = arith.select %lt3A_1128, %get3A_1127, %select_n3A_1118 : vector<64x256xi1>, vector<64x256xf32>
    %add3A_1130 = arith.constant 2.048000e+03 : f32
    %add3A_1131 = vector.broadcast %add3A_1130 : f32 to vector<1x256xf32>
    %add3A_1132 = arith.addf %convert_element_type3A, %add3A_1131 : vector<1x256xf32>
    %broadcast_in_dim3A_1133 = vector.shape_cast %add3A_1132 : vector<1x256xf32> to vector<1x256xf32>
    %broadcast_in_dim3A_1134 = vector.broadcast %broadcast_in_dim3A_1133 : vector<1x256xf32> to vector<64x256xf32>
    %select_n3A_1135 = arith.select %lt3A_1128, %broadcast_in_dim3A_1134, %select_n3A_1124 : vector<64x256xi1>, vector<64x256xf32>
    %get3A_1136 = arith.constant 64 : index
    %get3A_1137 = arith.constant 2304 : index
    %get3A_1138 = vector.load %arg5[%get3A_1136, %get3A_1137] : memref<512x9984xf32, #tpu.memory_space<vmem>>, vector<64x256xf32>
    %lt3A_1139 = arith.cmpf olt, %get3A_1138, %select_n3A_1129 : vector<64x256xf32>
    %select_n3A_1140 = arith.select %lt3A_1139, %get3A_1138, %select_n3A_1129 : vector<64x256xi1>, vector<64x256xf32>
    %add3A_1141 = arith.constant 2.304000e+03 : f32
    %add3A_1142 = vector.broadcast %add3A_1141 : f32 to vector<1x256xf32>
    %add3A_1143 = arith.addf %convert_element_type3A, %add3A_1142 : vector<1x256xf32>
    %broadcast_in_dim3A_1144 = vector.shape_cast %add3A_1143 : vector<1x256xf32> to vector<1x256xf32>
    %broadcast_in_dim3A_1145 = vector.broadcast %broadcast_in_dim3A_1144 : vector<1x256xf32> to vector<64x256xf32>
    %select_n3A_1146 = arith.select %lt3A_1139, %broadcast_in_dim3A_1145, %select_n3A_1135 : vector<64x256xi1>, vector<64x256xf32>
    %get3A_1147 = arith.constant 64 : index
    %get3A_1148 = arith.constant 2560 : index
    %get3A_1149 = vector.load %arg5[%get3A_1147, %get3A_1148] : memref<512x9984xf32, #tpu.memory_space<vmem>>, vector<64x256xf32>
    %lt3A_1150 = arith.cmpf olt, %get3A_1149, %select_n3A_1140 : vector<64x256xf32>
    %select_n3A_1151 = arith.select %lt3A_1150, %get3A_1149, %select_n3A_1140 : vector<64x256xi1>, vector<64x256xf32>
    %add3A_1152 = arith.constant 2.560000e+03 : f32
    %add3A_1153 = vector.broadcast %add3A_1152 : f32 to vector<1x256xf32>
    %add3A_1154 = arith.addf %convert_element_type3A, %add3A_1153 : vector<1x256xf32>
    %broadcast_in_dim3A_1155 = vector.shape_cast %add3A_1154 : vector<1x256xf32> to vector<1x256xf32>
    %broadcast_in_dim3A_1156 = vector.broadcast %broadcast_in_dim3A_1155 : vector<1x256xf32> to vector<64x256xf32>
    %select_n3A_1157 = arith.select %lt3A_1150, %broadcast_in_dim3A_1156, %select_n3A_1146 : vector<64x256xi1>, vector<64x256xf32>
    %get3A_1158 = arith.constant 64 : index
    %get3A_1159 = arith.constant 2816 : index
    %get3A_1160 = vector.load %arg5[%get3A_1158, %get3A_1159] : memref<512x9984xf32, #tpu.memory_space<vmem>>, vector<64x256xf32>
    %lt3A_1161 = arith.cmpf olt, %get3A_1160, %select_n3A_1151 : vector<64x256xf32>
    %select_n3A_1162 = arith.select %lt3A_1161, %get3A_1160, %select_n3A_1151 : vector<64x256xi1>, vector<64x256xf32>
    %add3A_1163 = arith.constant 2.816000e+03 : f32
    %add3A_1164 = vector.broadcast %add3A_1163 : f32 to vector<1x256xf32>
    %add3A_1165 = arith.addf %convert_element_type3A, %add3A_1164 : vector<1x256xf32>
    %broadcast_in_dim3A_1166 = vector.shape_cast %add3A_1165 : vector<1x256xf32> to vector<1x256xf32>
    %broadcast_in_dim3A_1167 = vector.broadcast %broadcast_in_dim3A_1166 : vector<1x256xf32> to vector<64x256xf32>
    %select_n3A_1168 = arith.select %lt3A_1161, %broadcast_in_dim3A_1167, %select_n3A_1157 : vector<64x256xi1>, vector<64x256xf32>
    %get3A_1169 = arith.constant 64 : index
    %get3A_1170 = arith.constant 3072 : index
    %get3A_1171 = vector.load %arg5[%get3A_1169, %get3A_1170] : memref<512x9984xf32, #tpu.memory_space<vmem>>, vector<64x256xf32>
    %lt3A_1172 = arith.cmpf olt, %get3A_1171, %select_n3A_1162 : vector<64x256xf32>
    %select_n3A_1173 = arith.select %lt3A_1172, %get3A_1171, %select_n3A_1162 : vector<64x256xi1>, vector<64x256xf32>
    %add3A_1174 = arith.constant 3.072000e+03 : f32
    %add3A_1175 = vector.broadcast %add3A_1174 : f32 to vector<1x256xf32>
    %add3A_1176 = arith.addf %convert_element_type3A, %add3A_1175 : vector<1x256xf32>
    %broadcast_in_dim3A_1177 = vector.shape_cast %add3A_1176 : vector<1x256xf32> to vector<1x256xf32>
    %broadcast_in_dim3A_1178 = vector.broadcast %broadcast_in_dim3A_1177 : vector<1x256xf32> to vector<64x256xf32>
    %select_n3A_1179 = arith.select %lt3A_1172, %broadcast_in_dim3A_1178, %select_n3A_1168 : vector<64x256xi1>, vector<64x256xf32>
    %get3A_1180 = arith.constant 64 : index
    %get3A_1181 = arith.constant 3328 : index
    %get3A_1182 = vector.load %arg5[%get3A_1180, %get3A_1181] : memref<512x9984xf32, #tpu.memory_space<vmem>>, vector<64x256xf32>
    %lt3A_1183 = arith.cmpf olt, %get3A_1182, %select_n3A_1173 : vector<64x256xf32>
    %select_n3A_1184 = arith.select %lt3A_1183, %get3A_1182, %select_n3A_1173 : vector<64x256xi1>, vector<64x256xf32>
    %add3A_1185 = arith.constant 3.328000e+03 : f32
    %add3A_1186 = vector.broadcast %add3A_1185 : f32 to vector<1x256xf32>
    %add3A_1187 = arith.addf %convert_element_type3A, %add3A_1186 : vector<1x256xf32>
    %broadcast_in_dim3A_1188 = vector.shape_cast %add3A_1187 : vector<1x256xf32> to vector<1x256xf32>
    %broadcast_in_dim3A_1189 = vector.broadcast %broadcast_in_dim3A_1188 : vector<1x256xf32> to vector<64x256xf32>
    %select_n3A_1190 = arith.select %lt3A_1183, %broadcast_in_dim3A_1189, %select_n3A_1179 : vector<64x256xi1>, vector<64x256xf32>
    %get3A_1191 = arith.constant 64 : index
    %get3A_1192 = arith.constant 3584 : index
    %get3A_1193 = vector.load %arg5[%get3A_1191, %get3A_1192] : memref<512x9984xf32, #tpu.memory_space<vmem>>, vector<64x256xf32>
    %lt3A_1194 = arith.cmpf olt, %get3A_1193, %select_n3A_1184 : vector<64x256xf32>
    %select_n3A_1195 = arith.select %lt3A_1194, %get3A_1193, %select_n3A_1184 : vector<64x256xi1>, vector<64x256xf32>
    %add3A_1196 = arith.constant 3.584000e+03 : f32
    %add3A_1197 = vector.broadcast %add3A_1196 : f32 to vector<1x256xf32>
    %add3A_1198 = arith.addf %convert_element_type3A, %add3A_1197 : vector<1x256xf32>
    %broadcast_in_dim3A_1199 = vector.shape_cast %add3A_1198 : vector<1x256xf32> to vector<1x256xf32>
    %broadcast_in_dim3A_1200 = vector.broadcast %broadcast_in_dim3A_1199 : vector<1x256xf32> to vector<64x256xf32>
    %select_n3A_1201 = arith.select %lt3A_1194, %broadcast_in_dim3A_1200, %select_n3A_1190 : vector<64x256xi1>, vector<64x256xf32>
    %get3A_1202 = arith.constant 64 : index
    %get3A_1203 = arith.constant 3840 : index
    %get3A_1204 = vector.load %arg5[%get3A_1202, %get3A_1203] : memref<512x9984xf32, #tpu.memory_space<vmem>>, vector<64x256xf32>
    %lt3A_1205 = arith.cmpf olt, %get3A_1204, %select_n3A_1195 : vector<64x256xf32>
    %select_n3A_1206 = arith.select %lt3A_1205, %get3A_1204, %select_n3A_1195 : vector<64x256xi1>, vector<64x256xf32>
    %add3A_1207 = arith.constant 3.840000e+03 : f32
    %add3A_1208 = vector.broadcast %add3A_1207 : f32 to vector<1x256xf32>
    %add3A_1209 = arith.addf %convert_element_type3A, %add3A_1208 : vector<1x256xf32>
    %broadcast_in_dim3A_1210 = vector.shape_cast %add3A_1209 : vector<1x256xf32> to vector<1x256xf32>
    %broadcast_in_dim3A_1211 = vector.broadcast %broadcast_in_dim3A_1210 : vector<1x256xf32> to vector<64x256xf32>
    %select_n3A_1212 = arith.select %lt3A_1205, %broadcast_in_dim3A_1211, %select_n3A_1201 : vector<64x256xi1>, vector<64x256xf32>
    %get3A_1213 = arith.constant 64 : index
    %get3A_1214 = arith.constant 4096 : index
    %get3A_1215 = vector.load %arg5[%get3A_1213, %get3A_1214] : memref<512x9984xf32, #tpu.memory_space<vmem>>, vector<64x256xf32>
    %lt3A_1216 = arith.cmpf olt, %get3A_1215, %select_n3A_1206 : vector<64x256xf32>
    %select_n3A_1217 = arith.select %lt3A_1216, %get3A_1215, %select_n3A_1206 : vector<64x256xi1>, vector<64x256xf32>
    %add3A_1218 = arith.constant 4.096000e+03 : f32
    %add3A_1219 = vector.broadcast %add3A_1218 : f32 to vector<1x256xf32>
    %add3A_1220 = arith.addf %convert_element_type3A, %add3A_1219 : vector<1x256xf32>
    %broadcast_in_dim3A_1221 = vector.shape_cast %add3A_1220 : vector<1x256xf32> to vector<1x256xf32>
    %broadcast_in_dim3A_1222 = vector.broadcast %broadcast_in_dim3A_1221 : vector<1x256xf32> to vector<64x256xf32>
    %select_n3A_1223 = arith.select %lt3A_1216, %broadcast_in_dim3A_1222, %select_n3A_1212 : vector<64x256xi1>, vector<64x256xf32>
    %get3A_1224 = arith.constant 64 : index
    %get3A_1225 = arith.constant 4352 : index
    %get3A_1226 = vector.load %arg5[%get3A_1224, %get3A_1225] : memref<512x9984xf32, #tpu.memory_space<vmem>>, vector<64x256xf32>
    %lt3A_1227 = arith.cmpf olt, %get3A_1226, %select_n3A_1217 : vector<64x256xf32>
    %select_n3A_1228 = arith.select %lt3A_1227, %get3A_1226, %select_n3A_1217 : vector<64x256xi1>, vector<64x256xf32>
    %add3A_1229 = arith.constant 4.352000e+03 : f32
    %add3A_1230 = vector.broadcast %add3A_1229 : f32 to vector<1x256xf32>
    %add3A_1231 = arith.addf %convert_element_type3A, %add3A_1230 : vector<1x256xf32>
    %broadcast_in_dim3A_1232 = vector.shape_cast %add3A_1231 : vector<1x256xf32> to vector<1x256xf32>
    %broadcast_in_dim3A_1233 = vector.broadcast %broadcast_in_dim3A_1232 : vector<1x256xf32> to vector<64x256xf32>
    %select_n3A_1234 = arith.select %lt3A_1227, %broadcast_in_dim3A_1233, %select_n3A_1223 : vector<64x256xi1>, vector<64x256xf32>
    %get3A_1235 = arith.constant 64 : index
    %get3A_1236 = arith.constant 4608 : index
    %get3A_1237 = vector.load %arg5[%get3A_1235, %get3A_1236] : memref<512x9984xf32, #tpu.memory_space<vmem>>, vector<64x256xf32>
    %lt3A_1238 = arith.cmpf olt, %get3A_1237, %select_n3A_1228 : vector<64x256xf32>
    %select_n3A_1239 = arith.select %lt3A_1238, %get3A_1237, %select_n3A_1228 : vector<64x256xi1>, vector<64x256xf32>
    %add3A_1240 = arith.constant 4.608000e+03 : f32
    %add3A_1241 = vector.broadcast %add3A_1240 : f32 to vector<1x256xf32>
    %add3A_1242 = arith.addf %convert_element_type3A, %add3A_1241 : vector<1x256xf32>
    %broadcast_in_dim3A_1243 = vector.shape_cast %add3A_1242 : vector<1x256xf32> to vector<1x256xf32>
    %broadcast_in_dim3A_1244 = vector.broadcast %broadcast_in_dim3A_1243 : vector<1x256xf32> to vector<64x256xf32>
    %select_n3A_1245 = arith.select %lt3A_1238, %broadcast_in_dim3A_1244, %select_n3A_1234 : vector<64x256xi1>, vector<64x256xf32>
    %get3A_1246 = arith.constant 64 : index
    %get3A_1247 = arith.constant 4864 : index
    %get3A_1248 = vector.load %arg5[%get3A_1246, %get3A_1247] : memref<512x9984xf32, #tpu.memory_space<vmem>>, vector<64x256xf32>
    %lt3A_1249 = arith.cmpf olt, %get3A_1248, %select_n3A_1239 : vector<64x256xf32>
    %select_n3A_1250 = arith.select %lt3A_1249, %get3A_1248, %select_n3A_1239 : vector<64x256xi1>, vector<64x256xf32>
    %add3A_1251 = arith.constant 4.864000e+03 : f32
    %add3A_1252 = vector.broadcast %add3A_1251 : f32 to vector<1x256xf32>
    %add3A_1253 = arith.addf %convert_element_type3A, %add3A_1252 : vector<1x256xf32>
    %broadcast_in_dim3A_1254 = vector.shape_cast %add3A_1253 : vector<1x256xf32> to vector<1x256xf32>
    %broadcast_in_dim3A_1255 = vector.broadcast %broadcast_in_dim3A_1254 : vector<1x256xf32> to vector<64x256xf32>
    %select_n3A_1256 = arith.select %lt3A_1249, %broadcast_in_dim3A_1255, %select_n3A_1245 : vector<64x256xi1>, vector<64x256xf32>
    %get3A_1257 = arith.constant 64 : index
    %get3A_1258 = arith.constant 5120 : index
    %get3A_1259 = vector.load %arg5[%get3A_1257, %get3A_1258] : memref<512x9984xf32, #tpu.memory_space<vmem>>, vector<64x256xf32>
    %lt3A_1260 = arith.cmpf olt, %get3A_1259, %select_n3A_1250 : vector<64x256xf32>
    %select_n3A_1261 = arith.select %lt3A_1260, %get3A_1259, %select_n3A_1250 : vector<64x256xi1>, vector<64x256xf32>
    %add3A_1262 = arith.constant 5.120000e+03 : f32
    %add3A_1263 = vector.broadcast %add3A_1262 : f32 to vector<1x256xf32>
    %add3A_1264 = arith.addf %convert_element_type3A, %add3A_1263 : vector<1x256xf32>
    %broadcast_in_dim3A_1265 = vector.shape_cast %add3A_1264 : vector<1x256xf32> to vector<1x256xf32>
    %broadcast_in_dim3A_1266 = vector.broadcast %broadcast_in_dim3A_1265 : vector<1x256xf32> to vector<64x256xf32>
    %select_n3A_1267 = arith.select %lt3A_1260, %broadcast_in_dim3A_1266, %select_n3A_1256 : vector<64x256xi1>, vector<64x256xf32>
    %get3A_1268 = arith.constant 64 : index
    %get3A_1269 = arith.constant 5376 : index
    %get3A_1270 = vector.load %arg5[%get3A_1268, %get3A_1269] : memref<512x9984xf32, #tpu.memory_space<vmem>>, vector<64x256xf32>
    %lt3A_1271 = arith.cmpf olt, %get3A_1270, %select_n3A_1261 : vector<64x256xf32>
    %select_n3A_1272 = arith.select %lt3A_1271, %get3A_1270, %select_n3A_1261 : vector<64x256xi1>, vector<64x256xf32>
    %add3A_1273 = arith.constant 5.376000e+03 : f32
    %add3A_1274 = vector.broadcast %add3A_1273 : f32 to vector<1x256xf32>
    %add3A_1275 = arith.addf %convert_element_type3A, %add3A_1274 : vector<1x256xf32>
    %broadcast_in_dim3A_1276 = vector.shape_cast %add3A_1275 : vector<1x256xf32> to vector<1x256xf32>
    %broadcast_in_dim3A_1277 = vector.broadcast %broadcast_in_dim3A_1276 : vector<1x256xf32> to vector<64x256xf32>
    %select_n3A_1278 = arith.select %lt3A_1271, %broadcast_in_dim3A_1277, %select_n3A_1267 : vector<64x256xi1>, vector<64x256xf32>
    %get3A_1279 = arith.constant 64 : index
    %get3A_1280 = arith.constant 5632 : index
    %get3A_1281 = vector.load %arg5[%get3A_1279, %get3A_1280] : memref<512x9984xf32, #tpu.memory_space<vmem>>, vector<64x256xf32>
    %lt3A_1282 = arith.cmpf olt, %get3A_1281, %select_n3A_1272 : vector<64x256xf32>
    %select_n3A_1283 = arith.select %lt3A_1282, %get3A_1281, %select_n3A_1272 : vector<64x256xi1>, vector<64x256xf32>
    %add3A_1284 = arith.constant 5.632000e+03 : f32
    %add3A_1285 = vector.broadcast %add3A_1284 : f32 to vector<1x256xf32>
    %add3A_1286 = arith.addf %convert_element_type3A, %add3A_1285 : vector<1x256xf32>
    %broadcast_in_dim3A_1287 = vector.shape_cast %add3A_1286 : vector<1x256xf32> to vector<1x256xf32>
    %broadcast_in_dim3A_1288 = vector.broadcast %broadcast_in_dim3A_1287 : vector<1x256xf32> to vector<64x256xf32>
    %select_n3A_1289 = arith.select %lt3A_1282, %broadcast_in_dim3A_1288, %select_n3A_1278 : vector<64x256xi1>, vector<64x256xf32>
    %get3A_1290 = arith.constant 64 : index
    %get3A_1291 = arith.constant 5888 : index
    %get3A_1292 = vector.load %arg5[%get3A_1290, %get3A_1291] : memref<512x9984xf32, #tpu.memory_space<vmem>>, vector<64x256xf32>
    %lt3A_1293 = arith.cmpf olt, %get3A_1292, %select_n3A_1283 : vector<64x256xf32>
    %select_n3A_1294 = arith.select %lt3A_1293, %get3A_1292, %select_n3A_1283 : vector<64x256xi1>, vector<64x256xf32>
    %add3A_1295 = arith.constant 5.888000e+03 : f32
    %add3A_1296 = vector.broadcast %add3A_1295 : f32 to vector<1x256xf32>
    %add3A_1297 = arith.addf %convert_element_type3A, %add3A_1296 : vector<1x256xf32>
    %broadcast_in_dim3A_1298 = vector.shape_cast %add3A_1297 : vector<1x256xf32> to vector<1x256xf32>
    %broadcast_in_dim3A_1299 = vector.broadcast %broadcast_in_dim3A_1298 : vector<1x256xf32> to vector<64x256xf32>
    %select_n3A_1300 = arith.select %lt3A_1293, %broadcast_in_dim3A_1299, %select_n3A_1289 : vector<64x256xi1>, vector<64x256xf32>
    %get3A_1301 = arith.constant 64 : index
    %get3A_1302 = arith.constant 6144 : index
    %get3A_1303 = vector.load %arg5[%get3A_1301, %get3A_1302] : memref<512x9984xf32, #tpu.memory_space<vmem>>, vector<64x256xf32>
    %lt3A_1304 = arith.cmpf olt, %get3A_1303, %select_n3A_1294 : vector<64x256xf32>
    %select_n3A_1305 = arith.select %lt3A_1304, %get3A_1303, %select_n3A_1294 : vector<64x256xi1>, vector<64x256xf32>
    %add3A_1306 = arith.constant 6.144000e+03 : f32
    %add3A_1307 = vector.broadcast %add3A_1306 : f32 to vector<1x256xf32>
    %add3A_1308 = arith.addf %convert_element_type3A, %add3A_1307 : vector<1x256xf32>
    %broadcast_in_dim3A_1309 = vector.shape_cast %add3A_1308 : vector<1x256xf32> to vector<1x256xf32>
    %broadcast_in_dim3A_1310 = vector.broadcast %broadcast_in_dim3A_1309 : vector<1x256xf32> to vector<64x256xf32>
    %select_n3A_1311 = arith.select %lt3A_1304, %broadcast_in_dim3A_1310, %select_n3A_1300 : vector<64x256xi1>, vector<64x256xf32>
    %get3A_1312 = arith.constant 64 : index
    %get3A_1313 = arith.constant 6400 : index
    %get3A_1314 = vector.load %arg5[%get3A_1312, %get3A_1313] : memref<512x9984xf32, #tpu.memory_space<vmem>>, vector<64x256xf32>
    %lt3A_1315 = arith.cmpf olt, %get3A_1314, %select_n3A_1305 : vector<64x256xf32>
    %select_n3A_1316 = arith.select %lt3A_1315, %get3A_1314, %select_n3A_1305 : vector<64x256xi1>, vector<64x256xf32>
    %add3A_1317 = arith.constant 6.400000e+03 : f32
    %add3A_1318 = vector.broadcast %add3A_1317 : f32 to vector<1x256xf32>
    %add3A_1319 = arith.addf %convert_element_type3A, %add3A_1318 : vector<1x256xf32>
    %broadcast_in_dim3A_1320 = vector.shape_cast %add3A_1319 : vector<1x256xf32> to vector<1x256xf32>
    %broadcast_in_dim3A_1321 = vector.broadcast %broadcast_in_dim3A_1320 : vector<1x256xf32> to vector<64x256xf32>
    %select_n3A_1322 = arith.select %lt3A_1315, %broadcast_in_dim3A_1321, %select_n3A_1311 : vector<64x256xi1>, vector<64x256xf32>
    %get3A_1323 = arith.constant 64 : index
    %get3A_1324 = arith.constant 6656 : index
    %get3A_1325 = vector.load %arg5[%get3A_1323, %get3A_1324] : memref<512x9984xf32, #tpu.memory_space<vmem>>, vector<64x256xf32>
    %lt3A_1326 = arith.cmpf olt, %get3A_1325, %select_n3A_1316 : vector<64x256xf32>
    %select_n3A_1327 = arith.select %lt3A_1326, %get3A_1325, %select_n3A_1316 : vector<64x256xi1>, vector<64x256xf32>
    %add3A_1328 = arith.constant 6.656000e+03 : f32
    %add3A_1329 = vector.broadcast %add3A_1328 : f32 to vector<1x256xf32>
    %add3A_1330 = arith.addf %convert_element_type3A, %add3A_1329 : vector<1x256xf32>
    %broadcast_in_dim3A_1331 = vector.shape_cast %add3A_1330 : vector<1x256xf32> to vector<1x256xf32>
    %broadcast_in_dim3A_1332 = vector.broadcast %broadcast_in_dim3A_1331 : vector<1x256xf32> to vector<64x256xf32>
    %select_n3A_1333 = arith.select %lt3A_1326, %broadcast_in_dim3A_1332, %select_n3A_1322 : vector<64x256xi1>, vector<64x256xf32>
    %get3A_1334 = arith.constant 64 : index
    %get3A_1335 = arith.constant 6912 : index
    %get3A_1336 = vector.load %arg5[%get3A_1334, %get3A_1335] : memref<512x9984xf32, #tpu.memory_space<vmem>>, vector<64x256xf32>
    %lt3A_1337 = arith.cmpf olt, %get3A_1336, %select_n3A_1327 : vector<64x256xf32>
    %select_n3A_1338 = arith.select %lt3A_1337, %get3A_1336, %select_n3A_1327 : vector<64x256xi1>, vector<64x256xf32>
    %add3A_1339 = arith.constant 6.912000e+03 : f32
    %add3A_1340 = vector.broadcast %add3A_1339 : f32 to vector<1x256xf32>
    %add3A_1341 = arith.addf %convert_element_type3A, %add3A_1340 : vector<1x256xf32>
    %broadcast_in_dim3A_1342 = vector.shape_cast %add3A_1341 : vector<1x256xf32> to vector<1x256xf32>
    %broadcast_in_dim3A_1343 = vector.broadcast %broadcast_in_dim3A_1342 : vector<1x256xf32> to vector<64x256xf32>
    %select_n3A_1344 = arith.select %lt3A_1337, %broadcast_in_dim3A_1343, %select_n3A_1333 : vector<64x256xi1>, vector<64x256xf32>
    %get3A_1345 = arith.constant 64 : index
    %get3A_1346 = arith.constant 7168 : index
    %get3A_1347 = vector.load %arg5[%get3A_1345, %get3A_1346] : memref<512x9984xf32, #tpu.memory_space<vmem>>, vector<64x256xf32>
    %lt3A_1348 = arith.cmpf olt, %get3A_1347, %select_n3A_1338 : vector<64x256xf32>
    %select_n3A_1349 = arith.select %lt3A_1348, %get3A_1347, %select_n3A_1338 : vector<64x256xi1>, vector<64x256xf32>
    %add3A_1350 = arith.constant 7.168000e+03 : f32
    %add3A_1351 = vector.broadcast %add3A_1350 : f32 to vector<1x256xf32>
    %add3A_1352 = arith.addf %convert_element_type3A, %add3A_1351 : vector<1x256xf32>
    %broadcast_in_dim3A_1353 = vector.shape_cast %add3A_1352 : vector<1x256xf32> to vector<1x256xf32>
    %broadcast_in_dim3A_1354 = vector.broadcast %broadcast_in_dim3A_1353 : vector<1x256xf32> to vector<64x256xf32>
    %select_n3A_1355 = arith.select %lt3A_1348, %broadcast_in_dim3A_1354, %select_n3A_1344 : vector<64x256xi1>, vector<64x256xf32>
    %get3A_1356 = arith.constant 64 : index
    %get3A_1357 = arith.constant 7424 : index
    %get3A_1358 = vector.load %arg5[%get3A_1356, %get3A_1357] : memref<512x9984xf32, #tpu.memory_space<vmem>>, vector<64x256xf32>
    %lt3A_1359 = arith.cmpf olt, %get3A_1358, %select_n3A_1349 : vector<64x256xf32>
    %select_n3A_1360 = arith.select %lt3A_1359, %get3A_1358, %select_n3A_1349 : vector<64x256xi1>, vector<64x256xf32>
    %add3A_1361 = arith.constant 7.424000e+03 : f32
    %add3A_1362 = vector.broadcast %add3A_1361 : f32 to vector<1x256xf32>
    %add3A_1363 = arith.addf %convert_element_type3A, %add3A_1362 : vector<1x256xf32>
    %broadcast_in_dim3A_1364 = vector.shape_cast %add3A_1363 : vector<1x256xf32> to vector<1x256xf32>
    %broadcast_in_dim3A_1365 = vector.broadcast %broadcast_in_dim3A_1364 : vector<1x256xf32> to vector<64x256xf32>
    %select_n3A_1366 = arith.select %lt3A_1359, %broadcast_in_dim3A_1365, %select_n3A_1355 : vector<64x256xi1>, vector<64x256xf32>
    %get3A_1367 = arith.constant 64 : index
    %get3A_1368 = arith.constant 7680 : index
    %get3A_1369 = vector.load %arg5[%get3A_1367, %get3A_1368] : memref<512x9984xf32, #tpu.memory_space<vmem>>, vector<64x256xf32>
    %lt3A_1370 = arith.cmpf olt, %get3A_1369, %select_n3A_1360 : vector<64x256xf32>
    %select_n3A_1371 = arith.select %lt3A_1370, %get3A_1369, %select_n3A_1360 : vector<64x256xi1>, vector<64x256xf32>
    %add3A_1372 = arith.constant 7.680000e+03 : f32
    %add3A_1373 = vector.broadcast %add3A_1372 : f32 to vector<1x256xf32>
    %add3A_1374 = arith.addf %convert_element_type3A, %add3A_1373 : vector<1x256xf32>
    %broadcast_in_dim3A_1375 = vector.shape_cast %add3A_1374 : vector<1x256xf32> to vector<1x256xf32>
    %broadcast_in_dim3A_1376 = vector.broadcast %broadcast_in_dim3A_1375 : vector<1x256xf32> to vector<64x256xf32>
    %select_n3A_1377 = arith.select %lt3A_1370, %broadcast_in_dim3A_1376, %select_n3A_1366 : vector<64x256xi1>, vector<64x256xf32>
    %get3A_1378 = arith.constant 64 : index
    %get3A_1379 = arith.constant 7936 : index
    %get3A_1380 = vector.load %arg5[%get3A_1378, %get3A_1379] : memref<512x9984xf32, #tpu.memory_space<vmem>>, vector<64x256xf32>
    %lt3A_1381 = arith.cmpf olt, %get3A_1380, %select_n3A_1371 : vector<64x256xf32>
    %select_n3A_1382 = arith.select %lt3A_1381, %get3A_1380, %select_n3A_1371 : vector<64x256xi1>, vector<64x256xf32>
    %add3A_1383 = arith.constant 7.936000e+03 : f32
    %add3A_1384 = vector.broadcast %add3A_1383 : f32 to vector<1x256xf32>
    %add3A_1385 = arith.addf %convert_element_type3A, %add3A_1384 : vector<1x256xf32>
    %broadcast_in_dim3A_1386 = vector.shape_cast %add3A_1385 : vector<1x256xf32> to vector<1x256xf32>
    %broadcast_in_dim3A_1387 = vector.broadcast %broadcast_in_dim3A_1386 : vector<1x256xf32> to vector<64x256xf32>
    %select_n3A_1388 = arith.select %lt3A_1381, %broadcast_in_dim3A_1387, %select_n3A_1377 : vector<64x256xi1>, vector<64x256xf32>
    %get3A_1389 = arith.constant 64 : index
    %get3A_1390 = arith.constant 8192 : index
    %get3A_1391 = vector.load %arg5[%get3A_1389, %get3A_1390] : memref<512x9984xf32, #tpu.memory_space<vmem>>, vector<64x256xf32>
    %lt3A_1392 = arith.cmpf olt, %get3A_1391, %select_n3A_1382 : vector<64x256xf32>
    %select_n3A_1393 = arith.select %lt3A_1392, %get3A_1391, %select_n3A_1382 : vector<64x256xi1>, vector<64x256xf32>
    %add3A_1394 = arith.constant 8.192000e+03 : f32
    %add3A_1395 = vector.broadcast %add3A_1394 : f32 to vector<1x256xf32>
    %add3A_1396 = arith.addf %convert_element_type3A, %add3A_1395 : vector<1x256xf32>
    %broadcast_in_dim3A_1397 = vector.shape_cast %add3A_1396 : vector<1x256xf32> to vector<1x256xf32>
    %broadcast_in_dim3A_1398 = vector.broadcast %broadcast_in_dim3A_1397 : vector<1x256xf32> to vector<64x256xf32>
    %select_n3A_1399 = arith.select %lt3A_1392, %broadcast_in_dim3A_1398, %select_n3A_1388 : vector<64x256xi1>, vector<64x256xf32>
    %get3A_1400 = arith.constant 64 : index
    %get3A_1401 = arith.constant 8448 : index
    %get3A_1402 = vector.load %arg5[%get3A_1400, %get3A_1401] : memref<512x9984xf32, #tpu.memory_space<vmem>>, vector<64x256xf32>
    %lt3A_1403 = arith.cmpf olt, %get3A_1402, %select_n3A_1393 : vector<64x256xf32>
    %select_n3A_1404 = arith.select %lt3A_1403, %get3A_1402, %select_n3A_1393 : vector<64x256xi1>, vector<64x256xf32>
    %add3A_1405 = arith.constant 8.448000e+03 : f32
    %add3A_1406 = vector.broadcast %add3A_1405 : f32 to vector<1x256xf32>
    %add3A_1407 = arith.addf %convert_element_type3A, %add3A_1406 : vector<1x256xf32>
    %broadcast_in_dim3A_1408 = vector.shape_cast %add3A_1407 : vector<1x256xf32> to vector<1x256xf32>
    %broadcast_in_dim3A_1409 = vector.broadcast %broadcast_in_dim3A_1408 : vector<1x256xf32> to vector<64x256xf32>
    %select_n3A_1410 = arith.select %lt3A_1403, %broadcast_in_dim3A_1409, %select_n3A_1399 : vector<64x256xi1>, vector<64x256xf32>
    %get3A_1411 = arith.constant 64 : index
    %get3A_1412 = arith.constant 8704 : index
    %get3A_1413 = vector.load %arg5[%get3A_1411, %get3A_1412] : memref<512x9984xf32, #tpu.memory_space<vmem>>, vector<64x256xf32>
    %lt3A_1414 = arith.cmpf olt, %get3A_1413, %select_n3A_1404 : vector<64x256xf32>
    %select_n3A_1415 = arith.select %lt3A_1414, %get3A_1413, %select_n3A_1404 : vector<64x256xi1>, vector<64x256xf32>
    %add3A_1416 = arith.constant 8.704000e+03 : f32
    %add3A_1417 = vector.broadcast %add3A_1416 : f32 to vector<1x256xf32>
    %add3A_1418 = arith.addf %convert_element_type3A, %add3A_1417 : vector<1x256xf32>
    %broadcast_in_dim3A_1419 = vector.shape_cast %add3A_1418 : vector<1x256xf32> to vector<1x256xf32>
    %broadcast_in_dim3A_1420 = vector.broadcast %broadcast_in_dim3A_1419 : vector<1x256xf32> to vector<64x256xf32>
    %select_n3A_1421 = arith.select %lt3A_1414, %broadcast_in_dim3A_1420, %select_n3A_1410 : vector<64x256xi1>, vector<64x256xf32>
    %get3A_1422 = arith.constant 64 : index
    %get3A_1423 = arith.constant 8960 : index
    %get3A_1424 = vector.load %arg5[%get3A_1422, %get3A_1423] : memref<512x9984xf32, #tpu.memory_space<vmem>>, vector<64x256xf32>
    %lt3A_1425 = arith.cmpf olt, %get3A_1424, %select_n3A_1415 : vector<64x256xf32>
    %select_n3A_1426 = arith.select %lt3A_1425, %get3A_1424, %select_n3A_1415 : vector<64x256xi1>, vector<64x256xf32>
    %add3A_1427 = arith.constant 8.960000e+03 : f32
    %add3A_1428 = vector.broadcast %add3A_1427 : f32 to vector<1x256xf32>
    %add3A_1429 = arith.addf %convert_element_type3A, %add3A_1428 : vector<1x256xf32>
    %broadcast_in_dim3A_1430 = vector.shape_cast %add3A_1429 : vector<1x256xf32> to vector<1x256xf32>
    %broadcast_in_dim3A_1431 = vector.broadcast %broadcast_in_dim3A_1430 : vector<1x256xf32> to vector<64x256xf32>
    %select_n3A_1432 = arith.select %lt3A_1425, %broadcast_in_dim3A_1431, %select_n3A_1421 : vector<64x256xi1>, vector<64x256xf32>
    %get3A_1433 = arith.constant 64 : index
    %get3A_1434 = arith.constant 9216 : index
    %get3A_1435 = vector.load %arg5[%get3A_1433, %get3A_1434] : memref<512x9984xf32, #tpu.memory_space<vmem>>, vector<64x256xf32>
    %lt3A_1436 = arith.cmpf olt, %get3A_1435, %select_n3A_1426 : vector<64x256xf32>
    %select_n3A_1437 = arith.select %lt3A_1436, %get3A_1435, %select_n3A_1426 : vector<64x256xi1>, vector<64x256xf32>
    %add3A_1438 = arith.constant 9.216000e+03 : f32
    %add3A_1439 = vector.broadcast %add3A_1438 : f32 to vector<1x256xf32>
    %add3A_1440 = arith.addf %convert_element_type3A, %add3A_1439 : vector<1x256xf32>
    %broadcast_in_dim3A_1441 = vector.shape_cast %add3A_1440 : vector<1x256xf32> to vector<1x256xf32>
    %broadcast_in_dim3A_1442 = vector.broadcast %broadcast_in_dim3A_1441 : vector<1x256xf32> to vector<64x256xf32>
    %select_n3A_1443 = arith.select %lt3A_1436, %broadcast_in_dim3A_1442, %select_n3A_1432 : vector<64x256xi1>, vector<64x256xf32>
    %get3A_1444 = arith.constant 64 : index
    %get3A_1445 = arith.constant 9472 : index
    %get3A_1446 = vector.load %arg5[%get3A_1444, %get3A_1445] : memref<512x9984xf32, #tpu.memory_space<vmem>>, vector<64x256xf32>
    %lt3A_1447 = arith.cmpf olt, %get3A_1446, %select_n3A_1437 : vector<64x256xf32>
    %select_n3A_1448 = arith.select %lt3A_1447, %get3A_1446, %select_n3A_1437 : vector<64x256xi1>, vector<64x256xf32>
    %add3A_1449 = arith.constant 9.472000e+03 : f32
    %add3A_1450 = vector.broadcast %add3A_1449 : f32 to vector<1x256xf32>
    %add3A_1451 = arith.addf %convert_element_type3A, %add3A_1450 : vector<1x256xf32>
    %broadcast_in_dim3A_1452 = vector.shape_cast %add3A_1451 : vector<1x256xf32> to vector<1x256xf32>
    %broadcast_in_dim3A_1453 = vector.broadcast %broadcast_in_dim3A_1452 : vector<1x256xf32> to vector<64x256xf32>
    %select_n3A_1454 = arith.select %lt3A_1447, %broadcast_in_dim3A_1453, %select_n3A_1443 : vector<64x256xi1>, vector<64x256xf32>
    %get3A_1455 = arith.constant 64 : index
    %get3A_1456 = arith.constant 9728 : index
    %get3A_1457 = vector.load %arg5[%get3A_1455, %get3A_1456] : memref<512x9984xf32, #tpu.memory_space<vmem>>, vector<64x256xf32>
    %lt3A_1458 = arith.cmpf olt, %get3A_1457, %select_n3A_1448 : vector<64x256xf32>
    %select_n3A_1459 = arith.select %lt3A_1458, %get3A_1457, %select_n3A_1448 : vector<64x256xi1>, vector<64x256xf32>
    %add3A_1460 = arith.constant 9.728000e+03 : f32
    %add3A_1461 = vector.broadcast %add3A_1460 : f32 to vector<1x256xf32>
    %add3A_1462 = arith.addf %convert_element_type3A, %add3A_1461 : vector<1x256xf32>
    %broadcast_in_dim3A_1463 = vector.shape_cast %add3A_1462 : vector<1x256xf32> to vector<1x256xf32>
    %broadcast_in_dim3A_1464 = vector.broadcast %broadcast_in_dim3A_1463 : vector<1x256xf32> to vector<64x256xf32>
    %select_n3A_1465 = arith.select %lt3A_1458, %broadcast_in_dim3A_1464, %select_n3A_1454 : vector<64x256xi1>, vector<64x256xf32>
    %reduce_min3A_1466 = arith.constant dense<0x7F800000> : vector<64xf32>
    %reduce_min3A_1467 = vector.multi_reduction <minimumf>, %select_n3A_1459, %reduce_min3A_1466 [1] : vector<64x256xf32> to vector<64xf32>
    %broadcast_in_dim3A_1468 = vector.shape_cast %reduce_min3A_1467 : vector<64xf32> to vector<64x1xf32>
    %eq3A_1469 = vector.broadcast %broadcast_in_dim3A_1468 : vector<64x1xf32> to vector<64x256xf32>
    %eq3A_1470 = arith.cmpf oeq, %select_n3A_1459, %eq3A_1469 : vector<64x256xf32>
    %jit3A_1471 = arith.constant 3.000000e+38 : f32
    %broadcast_in_dim3A_1472 = vector.broadcast %jit3A_1471 : f32 to vector<64x256xf32>
    %select_n3A_1473 = arith.select %eq3A_1470, %select_n3A_1465, %broadcast_in_dim3A_1472 : vector<64x256xi1>, vector<64x256xf32>
    %reduce_min3A_1474 = arith.constant dense<0x7F800000> : vector<64xf32>
    %reduce_min3A_1475 = vector.multi_reduction <minimumf>, %select_n3A_1473, %reduce_min3A_1474 [1] : vector<64x256xf32> to vector<64xf32>
    %convert_element_type3A_1476 = arith.fptosi %reduce_min3A_1475 : vector<64xf32> to vector<64xi32>
    %swap3A_1477 = arith.constant 0 : index
    %swap3A_1478 = arith.constant 0 : index
    %swap3A_1479 = arith.constant 64 : index
    %swap3A_1480 = vector.load %arg4[%swap3A_1477, %swap3A_1478, %swap3A_1479] : memref<1x1x512xi32, #tpu.memory_space<vmem>>, vector<1x1x64xi32>
    %swap3A_1481 = vector.shape_cast %swap3A_1480 : vector<1x1x64xi32> to vector<64xi32>
    %swap3A_1482 = vector.shape_cast %convert_element_type3A_1476 : vector<64xi32> to vector<1x1x64xi32>
    tpu.vector_store %arg4[%swap3A_1477, %swap3A_1478, %swap3A_1479], %swap3A_1482 {strides = array<i32>} : memref<1x1x512xi32, #tpu.memory_space<vmem>>, vector<1x1x64xi32>,
    %broadcast_in_dim3A_1483 = arith.constant 0x7F800000 : f32
    %broadcast_in_dim3A_1484 = vector.broadcast %broadcast_in_dim3A_1483 : f32 to vector<64x256xf32>
    %broadcast_in_dim3A_1485 = arith.constant 0.000000e+00 : f32
    %broadcast_in_dim3A_1486 = vector.broadcast %broadcast_in_dim3A_1485 : f32 to vector<64x256xf32>
    %get3A_1487 = arith.constant 128 : index
    %get3A_1488 = arith.constant 0 : index
    %get3A_1489 = vector.load %arg5[%get3A_1487, %get3A_1488] : memref<512x9984xf32, #tpu.memory_space<vmem>>, vector<64x256xf32>
    %lt3A_1490 = arith.cmpf olt, %get3A_1489, %broadcast_in_dim3A_1484 : vector<64x256xf32>
    %select_n3A_1491 = arith.select %lt3A_1490, %get3A_1489, %broadcast_in_dim3A_1484 : vector<64x256xi1>, vector<64x256xf32>
    %add3A_1492 = arith.constant 0.000000e+00 : f32
    %add3A_1493 = vector.broadcast %add3A_1492 : f32 to vector<1x256xf32>
    %add3A_1494 = arith.addf %convert_element_type3A, %add3A_1493 : vector<1x256xf32>
    %broadcast_in_dim3A_1495 = vector.shape_cast %add3A_1494 : vector<1x256xf32> to vector<1x256xf32>
    %broadcast_in_dim3A_1496 = vector.broadcast %broadcast_in_dim3A_1495 : vector<1x256xf32> to vector<64x256xf32>
    %select_n3A_1497 = arith.select %lt3A_1490, %broadcast_in_dim3A_1496, %broadcast_in_dim3A_1486 : vector<64x256xi1>, vector<64x256xf32>
    %get3A_1498 = arith.constant 128 : index
    %get3A_1499 = arith.constant 256 : index
    %get3A_1500 = vector.load %arg5[%get3A_1498, %get3A_1499] : memref<512x9984xf32, #tpu.memory_space<vmem>>, vector<64x256xf32>
    %lt3A_1501 = arith.cmpf olt, %get3A_1500, %select_n3A_1491 : vector<64x256xf32>
    %select_n3A_1502 = arith.select %lt3A_1501, %get3A_1500, %select_n3A_1491 : vector<64x256xi1>, vector<64x256xf32>
    %add3A_1503 = arith.constant 2.560000e+02 : f32
    %add3A_1504 = vector.broadcast %add3A_1503 : f32 to vector<1x256xf32>
    %add3A_1505 = arith.addf %convert_element_type3A, %add3A_1504 : vector<1x256xf32>
    %broadcast_in_dim3A_1506 = vector.shape_cast %add3A_1505 : vector<1x256xf32> to vector<1x256xf32>
    %broadcast_in_dim3A_1507 = vector.broadcast %broadcast_in_dim3A_1506 : vector<1x256xf32> to vector<64x256xf32>
    %select_n3A_1508 = arith.select %lt3A_1501, %broadcast_in_dim3A_1507, %select_n3A_1497 : vector<64x256xi1>, vector<64x256xf32>
    %get3A_1509 = arith.constant 128 : index
    %get3A_1510 = arith.constant 512 : index
    %get3A_1511 = vector.load %arg5[%get3A_1509, %get3A_1510] : memref<512x9984xf32, #tpu.memory_space<vmem>>, vector<64x256xf32>
    %lt3A_1512 = arith.cmpf olt, %get3A_1511, %select_n3A_1502 : vector<64x256xf32>
    %select_n3A_1513 = arith.select %lt3A_1512, %get3A_1511, %select_n3A_1502 : vector<64x256xi1>, vector<64x256xf32>
    %add3A_1514 = arith.constant 5.120000e+02 : f32
    %add3A_1515 = vector.broadcast %add3A_1514 : f32 to vector<1x256xf32>
    %add3A_1516 = arith.addf %convert_element_type3A, %add3A_1515 : vector<1x256xf32>
    %broadcast_in_dim3A_1517 = vector.shape_cast %add3A_1516 : vector<1x256xf32> to vector<1x256xf32>
    %broadcast_in_dim3A_1518 = vector.broadcast %broadcast_in_dim3A_1517 : vector<1x256xf32> to vector<64x256xf32>
    %select_n3A_1519 = arith.select %lt3A_1512, %broadcast_in_dim3A_1518, %select_n3A_1508 : vector<64x256xi1>, vector<64x256xf32>
    %get3A_1520 = arith.constant 128 : index
    %get3A_1521 = arith.constant 768 : index
    %get3A_1522 = vector.load %arg5[%get3A_1520, %get3A_1521] : memref<512x9984xf32, #tpu.memory_space<vmem>>, vector<64x256xf32>
    %lt3A_1523 = arith.cmpf olt, %get3A_1522, %select_n3A_1513 : vector<64x256xf32>
    %select_n3A_1524 = arith.select %lt3A_1523, %get3A_1522, %select_n3A_1513 : vector<64x256xi1>, vector<64x256xf32>
    %add3A_1525 = arith.constant 7.680000e+02 : f32
    %add3A_1526 = vector.broadcast %add3A_1525 : f32 to vector<1x256xf32>
    %add3A_1527 = arith.addf %convert_element_type3A, %add3A_1526 : vector<1x256xf32>
    %broadcast_in_dim3A_1528 = vector.shape_cast %add3A_1527 : vector<1x256xf32> to vector<1x256xf32>
    %broadcast_in_dim3A_1529 = vector.broadcast %broadcast_in_dim3A_1528 : vector<1x256xf32> to vector<64x256xf32>
    %select_n3A_1530 = arith.select %lt3A_1523, %broadcast_in_dim3A_1529, %select_n3A_1519 : vector<64x256xi1>, vector<64x256xf32>
    %get3A_1531 = arith.constant 128 : index
    %get3A_1532 = arith.constant 1024 : index
    %get3A_1533 = vector.load %arg5[%get3A_1531, %get3A_1532] : memref<512x9984xf32, #tpu.memory_space<vmem>>, vector<64x256xf32>
    %lt3A_1534 = arith.cmpf olt, %get3A_1533, %select_n3A_1524 : vector<64x256xf32>
    %select_n3A_1535 = arith.select %lt3A_1534, %get3A_1533, %select_n3A_1524 : vector<64x256xi1>, vector<64x256xf32>
    %add3A_1536 = arith.constant 1.024000e+03 : f32
    %add3A_1537 = vector.broadcast %add3A_1536 : f32 to vector<1x256xf32>
    %add3A_1538 = arith.addf %convert_element_type3A, %add3A_1537 : vector<1x256xf32>
    %broadcast_in_dim3A_1539 = vector.shape_cast %add3A_1538 : vector<1x256xf32> to vector<1x256xf32>
    %broadcast_in_dim3A_1540 = vector.broadcast %broadcast_in_dim3A_1539 : vector<1x256xf32> to vector<64x256xf32>
    %select_n3A_1541 = arith.select %lt3A_1534, %broadcast_in_dim3A_1540, %select_n3A_1530 : vector<64x256xi1>, vector<64x256xf32>
    %get3A_1542 = arith.constant 128 : index
    %get3A_1543 = arith.constant 1280 : index
    %get3A_1544 = vector.load %arg5[%get3A_1542, %get3A_1543] : memref<512x9984xf32, #tpu.memory_space<vmem>>, vector<64x256xf32>
    %lt3A_1545 = arith.cmpf olt, %get3A_1544, %select_n3A_1535 : vector<64x256xf32>
    %select_n3A_1546 = arith.select %lt3A_1545, %get3A_1544, %select_n3A_1535 : vector<64x256xi1>, vector<64x256xf32>
    %add3A_1547 = arith.constant 1.280000e+03 : f32
    %add3A_1548 = vector.broadcast %add3A_1547 : f32 to vector<1x256xf32>
    %add3A_1549 = arith.addf %convert_element_type3A, %add3A_1548 : vector<1x256xf32>
    %broadcast_in_dim3A_1550 = vector.shape_cast %add3A_1549 : vector<1x256xf32> to vector<1x256xf32>
    %broadcast_in_dim3A_1551 = vector.broadcast %broadcast_in_dim3A_1550 : vector<1x256xf32> to vector<64x256xf32>
    %select_n3A_1552 = arith.select %lt3A_1545, %broadcast_in_dim3A_1551, %select_n3A_1541 : vector<64x256xi1>, vector<64x256xf32>
    %get3A_1553 = arith.constant 128 : index
    %get3A_1554 = arith.constant 1536 : index
    %get3A_1555 = vector.load %arg5[%get3A_1553, %get3A_1554] : memref<512x9984xf32, #tpu.memory_space<vmem>>, vector<64x256xf32>
    %lt3A_1556 = arith.cmpf olt, %get3A_1555, %select_n3A_1546 : vector<64x256xf32>
    %select_n3A_1557 = arith.select %lt3A_1556, %get3A_1555, %select_n3A_1546 : vector<64x256xi1>, vector<64x256xf32>
    %add3A_1558 = arith.constant 1.536000e+03 : f32
    %add3A_1559 = vector.broadcast %add3A_1558 : f32 to vector<1x256xf32>
    %add3A_1560 = arith.addf %convert_element_type3A, %add3A_1559 : vector<1x256xf32>
    %broadcast_in_dim3A_1561 = vector.shape_cast %add3A_1560 : vector<1x256xf32> to vector<1x256xf32>
    %broadcast_in_dim3A_1562 = vector.broadcast %broadcast_in_dim3A_1561 : vector<1x256xf32> to vector<64x256xf32>
    %select_n3A_1563 = arith.select %lt3A_1556, %broadcast_in_dim3A_1562, %select_n3A_1552 : vector<64x256xi1>, vector<64x256xf32>
    %get3A_1564 = arith.constant 128 : index
    %get3A_1565 = arith.constant 1792 : index
    %get3A_1566 = vector.load %arg5[%get3A_1564, %get3A_1565] : memref<512x9984xf32, #tpu.memory_space<vmem>>, vector<64x256xf32>
    %lt3A_1567 = arith.cmpf olt, %get3A_1566, %select_n3A_1557 : vector<64x256xf32>
    %select_n3A_1568 = arith.select %lt3A_1567, %get3A_1566, %select_n3A_1557 : vector<64x256xi1>, vector<64x256xf32>
    %add3A_1569 = arith.constant 1.792000e+03 : f32
    %add3A_1570 = vector.broadcast %add3A_1569 : f32 to vector<1x256xf32>
    %add3A_1571 = arith.addf %convert_element_type3A, %add3A_1570 : vector<1x256xf32>
    %broadcast_in_dim3A_1572 = vector.shape_cast %add3A_1571 : vector<1x256xf32> to vector<1x256xf32>
    %broadcast_in_dim3A_1573 = vector.broadcast %broadcast_in_dim3A_1572 : vector<1x256xf32> to vector<64x256xf32>
    %select_n3A_1574 = arith.select %lt3A_1567, %broadcast_in_dim3A_1573, %select_n3A_1563 : vector<64x256xi1>, vector<64x256xf32>
    %get3A_1575 = arith.constant 128 : index
    %get3A_1576 = arith.constant 2048 : index
    %get3A_1577 = vector.load %arg5[%get3A_1575, %get3A_1576] : memref<512x9984xf32, #tpu.memory_space<vmem>>, vector<64x256xf32>
    %lt3A_1578 = arith.cmpf olt, %get3A_1577, %select_n3A_1568 : vector<64x256xf32>
    %select_n3A_1579 = arith.select %lt3A_1578, %get3A_1577, %select_n3A_1568 : vector<64x256xi1>, vector<64x256xf32>
    %add3A_1580 = arith.constant 2.048000e+03 : f32
    %add3A_1581 = vector.broadcast %add3A_1580 : f32 to vector<1x256xf32>
    %add3A_1582 = arith.addf %convert_element_type3A, %add3A_1581 : vector<1x256xf32>
    %broadcast_in_dim3A_1583 = vector.shape_cast %add3A_1582 : vector<1x256xf32> to vector<1x256xf32>
    %broadcast_in_dim3A_1584 = vector.broadcast %broadcast_in_dim3A_1583 : vector<1x256xf32> to vector<64x256xf32>
    %select_n3A_1585 = arith.select %lt3A_1578, %broadcast_in_dim3A_1584, %select_n3A_1574 : vector<64x256xi1>, vector<64x256xf32>
    %get3A_1586 = arith.constant 128 : index
    %get3A_1587 = arith.constant 2304 : index
    %get3A_1588 = vector.load %arg5[%get3A_1586, %get3A_1587] : memref<512x9984xf32, #tpu.memory_space<vmem>>, vector<64x256xf32>
    %lt3A_1589 = arith.cmpf olt, %get3A_1588, %select_n3A_1579 : vector<64x256xf32>
    %select_n3A_1590 = arith.select %lt3A_1589, %get3A_1588, %select_n3A_1579 : vector<64x256xi1>, vector<64x256xf32>
    %add3A_1591 = arith.constant 2.304000e+03 : f32
    %add3A_1592 = vector.broadcast %add3A_1591 : f32 to vector<1x256xf32>
    %add3A_1593 = arith.addf %convert_element_type3A, %add3A_1592 : vector<1x256xf32>
    %broadcast_in_dim3A_1594 = vector.shape_cast %add3A_1593 : vector<1x256xf32> to vector<1x256xf32>
    %broadcast_in_dim3A_1595 = vector.broadcast %broadcast_in_dim3A_1594 : vector<1x256xf32> to vector<64x256xf32>
    %select_n3A_1596 = arith.select %lt3A_1589, %broadcast_in_dim3A_1595, %select_n3A_1585 : vector<64x256xi1>, vector<64x256xf32>
    %get3A_1597 = arith.constant 128 : index
    %get3A_1598 = arith.constant 2560 : index
    %get3A_1599 = vector.load %arg5[%get3A_1597, %get3A_1598] : memref<512x9984xf32, #tpu.memory_space<vmem>>, vector<64x256xf32>
    %lt3A_1600 = arith.cmpf olt, %get3A_1599, %select_n3A_1590 : vector<64x256xf32>
    %select_n3A_1601 = arith.select %lt3A_1600, %get3A_1599, %select_n3A_1590 : vector<64x256xi1>, vector<64x256xf32>
    %add3A_1602 = arith.constant 2.560000e+03 : f32
    %add3A_1603 = vector.broadcast %add3A_1602 : f32 to vector<1x256xf32>
    %add3A_1604 = arith.addf %convert_element_type3A, %add3A_1603 : vector<1x256xf32>
    %broadcast_in_dim3A_1605 = vector.shape_cast %add3A_1604 : vector<1x256xf32> to vector<1x256xf32>
    %broadcast_in_dim3A_1606 = vector.broadcast %broadcast_in_dim3A_1605 : vector<1x256xf32> to vector<64x256xf32>
    %select_n3A_1607 = arith.select %lt3A_1600, %broadcast_in_dim3A_1606, %select_n3A_1596 : vector<64x256xi1>, vector<64x256xf32>
    %get3A_1608 = arith.constant 128 : index
    %get3A_1609 = arith.constant 2816 : index
    %get3A_1610 = vector.load %arg5[%get3A_1608, %get3A_1609] : memref<512x9984xf32, #tpu.memory_space<vmem>>, vector<64x256xf32>
    %lt3A_1611 = arith.cmpf olt, %get3A_1610, %select_n3A_1601 : vector<64x256xf32>
    %select_n3A_1612 = arith.select %lt3A_1611, %get3A_1610, %select_n3A_1601 : vector<64x256xi1>, vector<64x256xf32>
    %add3A_1613 = arith.constant 2.816000e+03 : f32
    %add3A_1614 = vector.broadcast %add3A_1613 : f32 to vector<1x256xf32>
    %add3A_1615 = arith.addf %convert_element_type3A, %add3A_1614 : vector<1x256xf32>
    %broadcast_in_dim3A_1616 = vector.shape_cast %add3A_1615 : vector<1x256xf32> to vector<1x256xf32>
    %broadcast_in_dim3A_1617 = vector.broadcast %broadcast_in_dim3A_1616 : vector<1x256xf32> to vector<64x256xf32>
    %select_n3A_1618 = arith.select %lt3A_1611, %broadcast_in_dim3A_1617, %select_n3A_1607 : vector<64x256xi1>, vector<64x256xf32>
    %get3A_1619 = arith.constant 128 : index
    %get3A_1620 = arith.constant 3072 : index
    %get3A_1621 = vector.load %arg5[%get3A_1619, %get3A_1620] : memref<512x9984xf32, #tpu.memory_space<vmem>>, vector<64x256xf32>
    %lt3A_1622 = arith.cmpf olt, %get3A_1621, %select_n3A_1612 : vector<64x256xf32>
    %select_n3A_1623 = arith.select %lt3A_1622, %get3A_1621, %select_n3A_1612 : vector<64x256xi1>, vector<64x256xf32>
    %add3A_1624 = arith.constant 3.072000e+03 : f32
    %add3A_1625 = vector.broadcast %add3A_1624 : f32 to vector<1x256xf32>
    %add3A_1626 = arith.addf %convert_element_type3A, %add3A_1625 : vector<1x256xf32>
    %broadcast_in_dim3A_1627 = vector.shape_cast %add3A_1626 : vector<1x256xf32> to vector<1x256xf32>
    %broadcast_in_dim3A_1628 = vector.broadcast %broadcast_in_dim3A_1627 : vector<1x256xf32> to vector<64x256xf32>
    %select_n3A_1629 = arith.select %lt3A_1622, %broadcast_in_dim3A_1628, %select_n3A_1618 : vector<64x256xi1>, vector<64x256xf32>
    %get3A_1630 = arith.constant 128 : index
    %get3A_1631 = arith.constant 3328 : index
    %get3A_1632 = vector.load %arg5[%get3A_1630, %get3A_1631] : memref<512x9984xf32, #tpu.memory_space<vmem>>, vector<64x256xf32>
    %lt3A_1633 = arith.cmpf olt, %get3A_1632, %select_n3A_1623 : vector<64x256xf32>
    %select_n3A_1634 = arith.select %lt3A_1633, %get3A_1632, %select_n3A_1623 : vector<64x256xi1>, vector<64x256xf32>
    %add3A_1635 = arith.constant 3.328000e+03 : f32
    %add3A_1636 = vector.broadcast %add3A_1635 : f32 to vector<1x256xf32>
    %add3A_1637 = arith.addf %convert_element_type3A, %add3A_1636 : vector<1x256xf32>
    %broadcast_in_dim3A_1638 = vector.shape_cast %add3A_1637 : vector<1x256xf32> to vector<1x256xf32>
    %broadcast_in_dim3A_1639 = vector.broadcast %broadcast_in_dim3A_1638 : vector<1x256xf32> to vector<64x256xf32>
    %select_n3A_1640 = arith.select %lt3A_1633, %broadcast_in_dim3A_1639, %select_n3A_1629 : vector<64x256xi1>, vector<64x256xf32>
    %get3A_1641 = arith.constant 128 : index
    %get3A_1642 = arith.constant 3584 : index
    %get3A_1643 = vector.load %arg5[%get3A_1641, %get3A_1642] : memref<512x9984xf32, #tpu.memory_space<vmem>>, vector<64x256xf32>
    %lt3A_1644 = arith.cmpf olt, %get3A_1643, %select_n3A_1634 : vector<64x256xf32>
    %select_n3A_1645 = arith.select %lt3A_1644, %get3A_1643, %select_n3A_1634 : vector<64x256xi1>, vector<64x256xf32>
    %add3A_1646 = arith.constant 3.584000e+03 : f32
    %add3A_1647 = vector.broadcast %add3A_1646 : f32 to vector<1x256xf32>
    %add3A_1648 = arith.addf %convert_element_type3A, %add3A_1647 : vector<1x256xf32>
    %broadcast_in_dim3A_1649 = vector.shape_cast %add3A_1648 : vector<1x256xf32> to vector<1x256xf32>
    %broadcast_in_dim3A_1650 = vector.broadcast %broadcast_in_dim3A_1649 : vector<1x256xf32> to vector<64x256xf32>
    %select_n3A_1651 = arith.select %lt3A_1644, %broadcast_in_dim3A_1650, %select_n3A_1640 : vector<64x256xi1>, vector<64x256xf32>
    %get3A_1652 = arith.constant 128 : index
    %get3A_1653 = arith.constant 3840 : index
    %get3A_1654 = vector.load %arg5[%get3A_1652, %get3A_1653] : memref<512x9984xf32, #tpu.memory_space<vmem>>, vector<64x256xf32>
    %lt3A_1655 = arith.cmpf olt, %get3A_1654, %select_n3A_1645 : vector<64x256xf32>
    %select_n3A_1656 = arith.select %lt3A_1655, %get3A_1654, %select_n3A_1645 : vector<64x256xi1>, vector<64x256xf32>
    %add3A_1657 = arith.constant 3.840000e+03 : f32
    %add3A_1658 = vector.broadcast %add3A_1657 : f32 to vector<1x256xf32>
    %add3A_1659 = arith.addf %convert_element_type3A, %add3A_1658 : vector<1x256xf32>
    %broadcast_in_dim3A_1660 = vector.shape_cast %add3A_1659 : vector<1x256xf32> to vector<1x256xf32>
    %broadcast_in_dim3A_1661 = vector.broadcast %broadcast_in_dim3A_1660 : vector<1x256xf32> to vector<64x256xf32>
    %select_n3A_1662 = arith.select %lt3A_1655, %broadcast_in_dim3A_1661, %select_n3A_1651 : vector<64x256xi1>, vector<64x256xf32>
    %get3A_1663 = arith.constant 128 : index
    %get3A_1664 = arith.constant 4096 : index
    %get3A_1665 = vector.load %arg5[%get3A_1663, %get3A_1664] : memref<512x9984xf32, #tpu.memory_space<vmem>>, vector<64x256xf32>
    %lt3A_1666 = arith.cmpf olt, %get3A_1665, %select_n3A_1656 : vector<64x256xf32>
    %select_n3A_1667 = arith.select %lt3A_1666, %get3A_1665, %select_n3A_1656 : vector<64x256xi1>, vector<64x256xf32>
    %add3A_1668 = arith.constant 4.096000e+03 : f32
    %add3A_1669 = vector.broadcast %add3A_1668 : f32 to vector<1x256xf32>
    %add3A_1670 = arith.addf %convert_element_type3A, %add3A_1669 : vector<1x256xf32>
    %broadcast_in_dim3A_1671 = vector.shape_cast %add3A_1670 : vector<1x256xf32> to vector<1x256xf32>
    %broadcast_in_dim3A_1672 = vector.broadcast %broadcast_in_dim3A_1671 : vector<1x256xf32> to vector<64x256xf32>
    %select_n3A_1673 = arith.select %lt3A_1666, %broadcast_in_dim3A_1672, %select_n3A_1662 : vector<64x256xi1>, vector<64x256xf32>
    %get3A_1674 = arith.constant 128 : index
    %get3A_1675 = arith.constant 4352 : index
    %get3A_1676 = vector.load %arg5[%get3A_1674, %get3A_1675] : memref<512x9984xf32, #tpu.memory_space<vmem>>, vector<64x256xf32>
    %lt3A_1677 = arith.cmpf olt, %get3A_1676, %select_n3A_1667 : vector<64x256xf32>
    %select_n3A_1678 = arith.select %lt3A_1677, %get3A_1676, %select_n3A_1667 : vector<64x256xi1>, vector<64x256xf32>
    %add3A_1679 = arith.constant 4.352000e+03 : f32
    %add3A_1680 = vector.broadcast %add3A_1679 : f32 to vector<1x256xf32>
    %add3A_1681 = arith.addf %convert_element_type3A, %add3A_1680 : vector<1x256xf32>
    %broadcast_in_dim3A_1682 = vector.shape_cast %add3A_1681 : vector<1x256xf32> to vector<1x256xf32>
    %broadcast_in_dim3A_1683 = vector.broadcast %broadcast_in_dim3A_1682 : vector<1x256xf32> to vector<64x256xf32>
    %select_n3A_1684 = arith.select %lt3A_1677, %broadcast_in_dim3A_1683, %select_n3A_1673 : vector<64x256xi1>, vector<64x256xf32>
    %get3A_1685 = arith.constant 128 : index
    %get3A_1686 = arith.constant 4608 : index
    %get3A_1687 = vector.load %arg5[%get3A_1685, %get3A_1686] : memref<512x9984xf32, #tpu.memory_space<vmem>>, vector<64x256xf32>
    %lt3A_1688 = arith.cmpf olt, %get3A_1687, %select_n3A_1678 : vector<64x256xf32>
    %select_n3A_1689 = arith.select %lt3A_1688, %get3A_1687, %select_n3A_1678 : vector<64x256xi1>, vector<64x256xf32>
    %add3A_1690 = arith.constant 4.608000e+03 : f32
    %add3A_1691 = vector.broadcast %add3A_1690 : f32 to vector<1x256xf32>
    %add3A_1692 = arith.addf %convert_element_type3A, %add3A_1691 : vector<1x256xf32>
    %broadcast_in_dim3A_1693 = vector.shape_cast %add3A_1692 : vector<1x256xf32> to vector<1x256xf32>
    %broadcast_in_dim3A_1694 = vector.broadcast %broadcast_in_dim3A_1693 : vector<1x256xf32> to vector<64x256xf32>
    %select_n3A_1695 = arith.select %lt3A_1688, %broadcast_in_dim3A_1694, %select_n3A_1684 : vector<64x256xi1>, vector<64x256xf32>
    %get3A_1696 = arith.constant 128 : index
    %get3A_1697 = arith.constant 4864 : index
    %get3A_1698 = vector.load %arg5[%get3A_1696, %get3A_1697] : memref<512x9984xf32, #tpu.memory_space<vmem>>, vector<64x256xf32>
    %lt3A_1699 = arith.cmpf olt, %get3A_1698, %select_n3A_1689 : vector<64x256xf32>
    %select_n3A_1700 = arith.select %lt3A_1699, %get3A_1698, %select_n3A_1689 : vector<64x256xi1>, vector<64x256xf32>
    %add3A_1701 = arith.constant 4.864000e+03 : f32
    %add3A_1702 = vector.broadcast %add3A_1701 : f32 to vector<1x256xf32>
    %add3A_1703 = arith.addf %convert_element_type3A, %add3A_1702 : vector<1x256xf32>
    %broadcast_in_dim3A_1704 = vector.shape_cast %add3A_1703 : vector<1x256xf32> to vector<1x256xf32>
    %broadcast_in_dim3A_1705 = vector.broadcast %broadcast_in_dim3A_1704 : vector<1x256xf32> to vector<64x256xf32>
    %select_n3A_1706 = arith.select %lt3A_1699, %broadcast_in_dim3A_1705, %select_n3A_1695 : vector<64x256xi1>, vector<64x256xf32>
    %get3A_1707 = arith.constant 128 : index
    %get3A_1708 = arith.constant 5120 : index
    %get3A_1709 = vector.load %arg5[%get3A_1707, %get3A_1708] : memref<512x9984xf32, #tpu.memory_space<vmem>>, vector<64x256xf32>
    %lt3A_1710 = arith.cmpf olt, %get3A_1709, %select_n3A_1700 : vector<64x256xf32>
    %select_n3A_1711 = arith.select %lt3A_1710, %get3A_1709, %select_n3A_1700 : vector<64x256xi1>, vector<64x256xf32>
    %add3A_1712 = arith.constant 5.120000e+03 : f32
    %add3A_1713 = vector.broadcast %add3A_1712 : f32 to vector<1x256xf32>
    %add3A_1714 = arith.addf %convert_element_type3A, %add3A_1713 : vector<1x256xf32>
    %broadcast_in_dim3A_1715 = vector.shape_cast %add3A_1714 : vector<1x256xf32> to vector<1x256xf32>
    %broadcast_in_dim3A_1716 = vector.broadcast %broadcast_in_dim3A_1715 : vector<1x256xf32> to vector<64x256xf32>
    %select_n3A_1717 = arith.select %lt3A_1710, %broadcast_in_dim3A_1716, %select_n3A_1706 : vector<64x256xi1>, vector<64x256xf32>
    %get3A_1718 = arith.constant 128 : index
    %get3A_1719 = arith.constant 5376 : index
    %get3A_1720 = vector.load %arg5[%get3A_1718, %get3A_1719] : memref<512x9984xf32, #tpu.memory_space<vmem>>, vector<64x256xf32>
    %lt3A_1721 = arith.cmpf olt, %get3A_1720, %select_n3A_1711 : vector<64x256xf32>
    %select_n3A_1722 = arith.select %lt3A_1721, %get3A_1720, %select_n3A_1711 : vector<64x256xi1>, vector<64x256xf32>
    %add3A_1723 = arith.constant 5.376000e+03 : f32
    %add3A_1724 = vector.broadcast %add3A_1723 : f32 to vector<1x256xf32>
    %add3A_1725 = arith.addf %convert_element_type3A, %add3A_1724 : vector<1x256xf32>
    %broadcast_in_dim3A_1726 = vector.shape_cast %add3A_1725 : vector<1x256xf32> to vector<1x256xf32>
    %broadcast_in_dim3A_1727 = vector.broadcast %broadcast_in_dim3A_1726 : vector<1x256xf32> to vector<64x256xf32>
    %select_n3A_1728 = arith.select %lt3A_1721, %broadcast_in_dim3A_1727, %select_n3A_1717 : vector<64x256xi1>, vector<64x256xf32>
    %get3A_1729 = arith.constant 128 : index
    %get3A_1730 = arith.constant 5632 : index
    %get3A_1731 = vector.load %arg5[%get3A_1729, %get3A_1730] : memref<512x9984xf32, #tpu.memory_space<vmem>>, vector<64x256xf32>
    %lt3A_1732 = arith.cmpf olt, %get3A_1731, %select_n3A_1722 : vector<64x256xf32>
    %select_n3A_1733 = arith.select %lt3A_1732, %get3A_1731, %select_n3A_1722 : vector<64x256xi1>, vector<64x256xf32>
    %add3A_1734 = arith.constant 5.632000e+03 : f32
    %add3A_1735 = vector.broadcast %add3A_1734 : f32 to vector<1x256xf32>
    %add3A_1736 = arith.addf %convert_element_type3A, %add3A_1735 : vector<1x256xf32>
    %broadcast_in_dim3A_1737 = vector.shape_cast %add3A_1736 : vector<1x256xf32> to vector<1x256xf32>
    %broadcast_in_dim3A_1738 = vector.broadcast %broadcast_in_dim3A_1737 : vector<1x256xf32> to vector<64x256xf32>
    %select_n3A_1739 = arith.select %lt3A_1732, %broadcast_in_dim3A_1738, %select_n3A_1728 : vector<64x256xi1>, vector<64x256xf32>
    %get3A_1740 = arith.constant 128 : index
    %get3A_1741 = arith.constant 5888 : index
    %get3A_1742 = vector.load %arg5[%get3A_1740, %get3A_1741] : memref<512x9984xf32, #tpu.memory_space<vmem>>, vector<64x256xf32>
    %lt3A_1743 = arith.cmpf olt, %get3A_1742, %select_n3A_1733 : vector<64x256xf32>
    %select_n3A_1744 = arith.select %lt3A_1743, %get3A_1742, %select_n3A_1733 : vector<64x256xi1>, vector<64x256xf32>
    %add3A_1745 = arith.constant 5.888000e+03 : f32
    %add3A_1746 = vector.broadcast %add3A_1745 : f32 to vector<1x256xf32>
    %add3A_1747 = arith.addf %convert_element_type3A, %add3A_1746 : vector<1x256xf32>
    %broadcast_in_dim3A_1748 = vector.shape_cast %add3A_1747 : vector<1x256xf32> to vector<1x256xf32>
    %broadcast_in_dim3A_1749 = vector.broadcast %broadcast_in_dim3A_1748 : vector<1x256xf32> to vector<64x256xf32>
    %select_n3A_1750 = arith.select %lt3A_1743, %broadcast_in_dim3A_1749, %select_n3A_1739 : vector<64x256xi1>, vector<64x256xf32>
    %get3A_1751 = arith.constant 128 : index
    %get3A_1752 = arith.constant 6144 : index
    %get3A_1753 = vector.load %arg5[%get3A_1751, %get3A_1752] : memref<512x9984xf32, #tpu.memory_space<vmem>>, vector<64x256xf32>
    %lt3A_1754 = arith.cmpf olt, %get3A_1753, %select_n3A_1744 : vector<64x256xf32>
    %select_n3A_1755 = arith.select %lt3A_1754, %get3A_1753, %select_n3A_1744 : vector<64x256xi1>, vector<64x256xf32>
    %add3A_1756 = arith.constant 6.144000e+03 : f32
    %add3A_1757 = vector.broadcast %add3A_1756 : f32 to vector<1x256xf32>
    %add3A_1758 = arith.addf %convert_element_type3A, %add3A_1757 : vector<1x256xf32>
    %broadcast_in_dim3A_1759 = vector.shape_cast %add3A_1758 : vector<1x256xf32> to vector<1x256xf32>
    %broadcast_in_dim3A_1760 = vector.broadcast %broadcast_in_dim3A_1759 : vector<1x256xf32> to vector<64x256xf32>
    %select_n3A_1761 = arith.select %lt3A_1754, %broadcast_in_dim3A_1760, %select_n3A_1750 : vector<64x256xi1>, vector<64x256xf32>
    %get3A_1762 = arith.constant 128 : index
    %get3A_1763 = arith.constant 6400 : index
    %get3A_1764 = vector.load %arg5[%get3A_1762, %get3A_1763] : memref<512x9984xf32, #tpu.memory_space<vmem>>, vector<64x256xf32>
    %lt3A_1765 = arith.cmpf olt, %get3A_1764, %select_n3A_1755 : vector<64x256xf32>
    %select_n3A_1766 = arith.select %lt3A_1765, %get3A_1764, %select_n3A_1755 : vector<64x256xi1>, vector<64x256xf32>
    %add3A_1767 = arith.constant 6.400000e+03 : f32
    %add3A_1768 = vector.broadcast %add3A_1767 : f32 to vector<1x256xf32>
    %add3A_1769 = arith.addf %convert_element_type3A, %add3A_1768 : vector<1x256xf32>
    %broadcast_in_dim3A_1770 = vector.shape_cast %add3A_1769 : vector<1x256xf32> to vector<1x256xf32>
    %broadcast_in_dim3A_1771 = vector.broadcast %broadcast_in_dim3A_1770 : vector<1x256xf32> to vector<64x256xf32>
    %select_n3A_1772 = arith.select %lt3A_1765, %broadcast_in_dim3A_1771, %select_n3A_1761 : vector<64x256xi1>, vector<64x256xf32>
    %get3A_1773 = arith.constant 128 : index
    %get3A_1774 = arith.constant 6656 : index
    %get3A_1775 = vector.load %arg5[%get3A_1773, %get3A_1774] : memref<512x9984xf32, #tpu.memory_space<vmem>>, vector<64x256xf32>
    %lt3A_1776 = arith.cmpf olt, %get3A_1775, %select_n3A_1766 : vector<64x256xf32>
    %select_n3A_1777 = arith.select %lt3A_1776, %get3A_1775, %select_n3A_1766 : vector<64x256xi1>, vector<64x256xf32>
    %add3A_1778 = arith.constant 6.656000e+03 : f32
    %add3A_1779 = vector.broadcast %add3A_1778 : f32 to vector<1x256xf32>
    %add3A_1780 = arith.addf %convert_element_type3A, %add3A_1779 : vector<1x256xf32>
    %broadcast_in_dim3A_1781 = vector.shape_cast %add3A_1780 : vector<1x256xf32> to vector<1x256xf32>
    %broadcast_in_dim3A_1782 = vector.broadcast %broadcast_in_dim3A_1781 : vector<1x256xf32> to vector<64x256xf32>
    %select_n3A_1783 = arith.select %lt3A_1776, %broadcast_in_dim3A_1782, %select_n3A_1772 : vector<64x256xi1>, vector<64x256xf32>
    %get3A_1784 = arith.constant 128 : index
    %get3A_1785 = arith.constant 6912 : index
    %get3A_1786 = vector.load %arg5[%get3A_1784, %get3A_1785] : memref<512x9984xf32, #tpu.memory_space<vmem>>, vector<64x256xf32>
    %lt3A_1787 = arith.cmpf olt, %get3A_1786, %select_n3A_1777 : vector<64x256xf32>
    %select_n3A_1788 = arith.select %lt3A_1787, %get3A_1786, %select_n3A_1777 : vector<64x256xi1>, vector<64x256xf32>
    %add3A_1789 = arith.constant 6.912000e+03 : f32
    %add3A_1790 = vector.broadcast %add3A_1789 : f32 to vector<1x256xf32>
    %add3A_1791 = arith.addf %convert_element_type3A, %add3A_1790 : vector<1x256xf32>
    %broadcast_in_dim3A_1792 = vector.shape_cast %add3A_1791 : vector<1x256xf32> to vector<1x256xf32>
    %broadcast_in_dim3A_1793 = vector.broadcast %broadcast_in_dim3A_1792 : vector<1x256xf32> to vector<64x256xf32>
    %select_n3A_1794 = arith.select %lt3A_1787, %broadcast_in_dim3A_1793, %select_n3A_1783 : vector<64x256xi1>, vector<64x256xf32>
    %get3A_1795 = arith.constant 128 : index
    %get3A_1796 = arith.constant 7168 : index
    %get3A_1797 = vector.load %arg5[%get3A_1795, %get3A_1796] : memref<512x9984xf32, #tpu.memory_space<vmem>>, vector<64x256xf32>
    %lt3A_1798 = arith.cmpf olt, %get3A_1797, %select_n3A_1788 : vector<64x256xf32>
    %select_n3A_1799 = arith.select %lt3A_1798, %get3A_1797, %select_n3A_1788 : vector<64x256xi1>, vector<64x256xf32>
    %add3A_1800 = arith.constant 7.168000e+03 : f32
    %add3A_1801 = vector.broadcast %add3A_1800 : f32 to vector<1x256xf32>
    %add3A_1802 = arith.addf %convert_element_type3A, %add3A_1801 : vector<1x256xf32>
    %broadcast_in_dim3A_1803 = vector.shape_cast %add3A_1802 : vector<1x256xf32> to vector<1x256xf32>
    %broadcast_in_dim3A_1804 = vector.broadcast %broadcast_in_dim3A_1803 : vector<1x256xf32> to vector<64x256xf32>
    %select_n3A_1805 = arith.select %lt3A_1798, %broadcast_in_dim3A_1804, %select_n3A_1794 : vector<64x256xi1>, vector<64x256xf32>
    %get3A_1806 = arith.constant 128 : index
    %get3A_1807 = arith.constant 7424 : index
    %get3A_1808 = vector.load %arg5[%get3A_1806, %get3A_1807] : memref<512x9984xf32, #tpu.memory_space<vmem>>, vector<64x256xf32>
    %lt3A_1809 = arith.cmpf olt, %get3A_1808, %select_n3A_1799 : vector<64x256xf32>
    %select_n3A_1810 = arith.select %lt3A_1809, %get3A_1808, %select_n3A_1799 : vector<64x256xi1>, vector<64x256xf32>
    %add3A_1811 = arith.constant 7.424000e+03 : f32
    %add3A_1812 = vector.broadcast %add3A_1811 : f32 to vector<1x256xf32>
    %add3A_1813 = arith.addf %convert_element_type3A, %add3A_1812 : vector<1x256xf32>
    %broadcast_in_dim3A_1814 = vector.shape_cast %add3A_1813 : vector<1x256xf32> to vector<1x256xf32>
    %broadcast_in_dim3A_1815 = vector.broadcast %broadcast_in_dim3A_1814 : vector<1x256xf32> to vector<64x256xf32>
    %select_n3A_1816 = arith.select %lt3A_1809, %broadcast_in_dim3A_1815, %select_n3A_1805 : vector<64x256xi1>, vector<64x256xf32>
    %get3A_1817 = arith.constant 128 : index
    %get3A_1818 = arith.constant 7680 : index
    %get3A_1819 = vector.load %arg5[%get3A_1817, %get3A_1818] : memref<512x9984xf32, #tpu.memory_space<vmem>>, vector<64x256xf32>
    %lt3A_1820 = arith.cmpf olt, %get3A_1819, %select_n3A_1810 : vector<64x256xf32>
    %select_n3A_1821 = arith.select %lt3A_1820, %get3A_1819, %select_n3A_1810 : vector<64x256xi1>, vector<64x256xf32>
    %add3A_1822 = arith.constant 7.680000e+03 : f32
    %add3A_1823 = vector.broadcast %add3A_1822 : f32 to vector<1x256xf32>
    %add3A_1824 = arith.addf %convert_element_type3A, %add3A_1823 : vector<1x256xf32>
    %broadcast_in_dim3A_1825 = vector.shape_cast %add3A_1824 : vector<1x256xf32> to vector<1x256xf32>
    %broadcast_in_dim3A_1826 = vector.broadcast %broadcast_in_dim3A_1825 : vector<1x256xf32> to vector<64x256xf32>
    %select_n3A_1827 = arith.select %lt3A_1820, %broadcast_in_dim3A_1826, %select_n3A_1816 : vector<64x256xi1>, vector<64x256xf32>
    %get3A_1828 = arith.constant 128 : index
    %get3A_1829 = arith.constant 7936 : index
    %get3A_1830 = vector.load %arg5[%get3A_1828, %get3A_1829] : memref<512x9984xf32, #tpu.memory_space<vmem>>, vector<64x256xf32>
    %lt3A_1831 = arith.cmpf olt, %get3A_1830, %select_n3A_1821 : vector<64x256xf32>
    %select_n3A_1832 = arith.select %lt3A_1831, %get3A_1830, %select_n3A_1821 : vector<64x256xi1>, vector<64x256xf32>
    %add3A_1833 = arith.constant 7.936000e+03 : f32
    %add3A_1834 = vector.broadcast %add3A_1833 : f32 to vector<1x256xf32>
    %add3A_1835 = arith.addf %convert_element_type3A, %add3A_1834 : vector<1x256xf32>
    %broadcast_in_dim3A_1836 = vector.shape_cast %add3A_1835 : vector<1x256xf32> to vector<1x256xf32>
    %broadcast_in_dim3A_1837 = vector.broadcast %broadcast_in_dim3A_1836 : vector<1x256xf32> to vector<64x256xf32>
    %select_n3A_1838 = arith.select %lt3A_1831, %broadcast_in_dim3A_1837, %select_n3A_1827 : vector<64x256xi1>, vector<64x256xf32>
    %get3A_1839 = arith.constant 128 : index
    %get3A_1840 = arith.constant 8192 : index
    %get3A_1841 = vector.load %arg5[%get3A_1839, %get3A_1840] : memref<512x9984xf32, #tpu.memory_space<vmem>>, vector<64x256xf32>
    %lt3A_1842 = arith.cmpf olt, %get3A_1841, %select_n3A_1832 : vector<64x256xf32>
    %select_n3A_1843 = arith.select %lt3A_1842, %get3A_1841, %select_n3A_1832 : vector<64x256xi1>, vector<64x256xf32>
    %add3A_1844 = arith.constant 8.192000e+03 : f32
    %add3A_1845 = vector.broadcast %add3A_1844 : f32 to vector<1x256xf32>
    %add3A_1846 = arith.addf %convert_element_type3A, %add3A_1845 : vector<1x256xf32>
    %broadcast_in_dim3A_1847 = vector.shape_cast %add3A_1846 : vector<1x256xf32> to vector<1x256xf32>
    %broadcast_in_dim3A_1848 = vector.broadcast %broadcast_in_dim3A_1847 : vector<1x256xf32> to vector<64x256xf32>
    %select_n3A_1849 = arith.select %lt3A_1842, %broadcast_in_dim3A_1848, %select_n3A_1838 : vector<64x256xi1>, vector<64x256xf32>
    %get3A_1850 = arith.constant 128 : index
    %get3A_1851 = arith.constant 8448 : index
    %get3A_1852 = vector.load %arg5[%get3A_1850, %get3A_1851] : memref<512x9984xf32, #tpu.memory_space<vmem>>, vector<64x256xf32>
    %lt3A_1853 = arith.cmpf olt, %get3A_1852, %select_n3A_1843 : vector<64x256xf32>
    %select_n3A_1854 = arith.select %lt3A_1853, %get3A_1852, %select_n3A_1843 : vector<64x256xi1>, vector<64x256xf32>
    %add3A_1855 = arith.constant 8.448000e+03 : f32
    %add3A_1856 = vector.broadcast %add3A_1855 : f32 to vector<1x256xf32>
    %add3A_1857 = arith.addf %convert_element_type3A, %add3A_1856 : vector<1x256xf32>
    %broadcast_in_dim3A_1858 = vector.shape_cast %add3A_1857 : vector<1x256xf32> to vector<1x256xf32>
    %broadcast_in_dim3A_1859 = vector.broadcast %broadcast_in_dim3A_1858 : vector<1x256xf32> to vector<64x256xf32>
    %select_n3A_1860 = arith.select %lt3A_1853, %broadcast_in_dim3A_1859, %select_n3A_1849 : vector<64x256xi1>, vector<64x256xf32>
    %get3A_1861 = arith.constant 128 : index
    %get3A_1862 = arith.constant 8704 : index
    %get3A_1863 = vector.load %arg5[%get3A_1861, %get3A_1862] : memref<512x9984xf32, #tpu.memory_space<vmem>>, vector<64x256xf32>
    %lt3A_1864 = arith.cmpf olt, %get3A_1863, %select_n3A_1854 : vector<64x256xf32>
    %select_n3A_1865 = arith.select %lt3A_1864, %get3A_1863, %select_n3A_1854 : vector<64x256xi1>, vector<64x256xf32>
    %add3A_1866 = arith.constant 8.704000e+03 : f32
    %add3A_1867 = vector.broadcast %add3A_1866 : f32 to vector<1x256xf32>
    %add3A_1868 = arith.addf %convert_element_type3A, %add3A_1867 : vector<1x256xf32>
    %broadcast_in_dim3A_1869 = vector.shape_cast %add3A_1868 : vector<1x256xf32> to vector<1x256xf32>
    %broadcast_in_dim3A_1870 = vector.broadcast %broadcast_in_dim3A_1869 : vector<1x256xf32> to vector<64x256xf32>
    %select_n3A_1871 = arith.select %lt3A_1864, %broadcast_in_dim3A_1870, %select_n3A_1860 : vector<64x256xi1>, vector<64x256xf32>
    %get3A_1872 = arith.constant 128 : index
    %get3A_1873 = arith.constant 8960 : index
    %get3A_1874 = vector.load %arg5[%get3A_1872, %get3A_1873] : memref<512x9984xf32, #tpu.memory_space<vmem>>, vector<64x256xf32>
    %lt3A_1875 = arith.cmpf olt, %get3A_1874, %select_n3A_1865 : vector<64x256xf32>
    %select_n3A_1876 = arith.select %lt3A_1875, %get3A_1874, %select_n3A_1865 : vector<64x256xi1>, vector<64x256xf32>
    %add3A_1877 = arith.constant 8.960000e+03 : f32
    %add3A_1878 = vector.broadcast %add3A_1877 : f32 to vector<1x256xf32>
    %add3A_1879 = arith.addf %convert_element_type3A, %add3A_1878 : vector<1x256xf32>
    %broadcast_in_dim3A_1880 = vector.shape_cast %add3A_1879 : vector<1x256xf32> to vector<1x256xf32>
    %broadcast_in_dim3A_1881 = vector.broadcast %broadcast_in_dim3A_1880 : vector<1x256xf32> to vector<64x256xf32>
    %select_n3A_1882 = arith.select %lt3A_1875, %broadcast_in_dim3A_1881, %select_n3A_1871 : vector<64x256xi1>, vector<64x256xf32>
    %get3A_1883 = arith.constant 128 : index
    %get3A_1884 = arith.constant 9216 : index
    %get3A_1885 = vector.load %arg5[%get3A_1883, %get3A_1884] : memref<512x9984xf32, #tpu.memory_space<vmem>>, vector<64x256xf32>
    %lt3A_1886 = arith.cmpf olt, %get3A_1885, %select_n3A_1876 : vector<64x256xf32>
    %select_n3A_1887 = arith.select %lt3A_1886, %get3A_1885, %select_n3A_1876 : vector<64x256xi1>, vector<64x256xf32>
    %add3A_1888 = arith.constant 9.216000e+03 : f32
    %add3A_1889 = vector.broadcast %add3A_1888 : f32 to vector<1x256xf32>
    %add3A_1890 = arith.addf %convert_element_type3A, %add3A_1889 : vector<1x256xf32>
    %broadcast_in_dim3A_1891 = vector.shape_cast %add3A_1890 : vector<1x256xf32> to vector<1x256xf32>
    %broadcast_in_dim3A_1892 = vector.broadcast %broadcast_in_dim3A_1891 : vector<1x256xf32> to vector<64x256xf32>
    %select_n3A_1893 = arith.select %lt3A_1886, %broadcast_in_dim3A_1892, %select_n3A_1882 : vector<64x256xi1>, vector<64x256xf32>
    %get3A_1894 = arith.constant 128 : index
    %get3A_1895 = arith.constant 9472 : index
    %get3A_1896 = vector.load %arg5[%get3A_1894, %get3A_1895] : memref<512x9984xf32, #tpu.memory_space<vmem>>, vector<64x256xf32>
    %lt3A_1897 = arith.cmpf olt, %get3A_1896, %select_n3A_1887 : vector<64x256xf32>
    %select_n3A_1898 = arith.select %lt3A_1897, %get3A_1896, %select_n3A_1887 : vector<64x256xi1>, vector<64x256xf32>
    %add3A_1899 = arith.constant 9.472000e+03 : f32
    %add3A_1900 = vector.broadcast %add3A_1899 : f32 to vector<1x256xf32>
    %add3A_1901 = arith.addf %convert_element_type3A, %add3A_1900 : vector<1x256xf32>
    %broadcast_in_dim3A_1902 = vector.shape_cast %add3A_1901 : vector<1x256xf32> to vector<1x256xf32>
    %broadcast_in_dim3A_1903 = vector.broadcast %broadcast_in_dim3A_1902 : vector<1x256xf32> to vector<64x256xf32>
    %select_n3A_1904 = arith.select %lt3A_1897, %broadcast_in_dim3A_1903, %select_n3A_1893 : vector<64x256xi1>, vector<64x256xf32>
    %get3A_1905 = arith.constant 128 : index
    %get3A_1906 = arith.constant 9728 : index
    %get3A_1907 = vector.load %arg5[%get3A_1905, %get3A_1906] : memref<512x9984xf32, #tpu.memory_space<vmem>>, vector<64x256xf32>
    %lt3A_1908 = arith.cmpf olt, %get3A_1907, %select_n3A_1898 : vector<64x256xf32>
    %select_n3A_1909 = arith.select %lt3A_1908, %get3A_1907, %select_n3A_1898 : vector<64x256xi1>, vector<64x256xf32>
    %add3A_1910 = arith.constant 9.728000e+03 : f32
    %add3A_1911 = vector.broadcast %add3A_1910 : f32 to vector<1x256xf32>
    %add3A_1912 = arith.addf %convert_element_type3A, %add3A_1911 : vector<1x256xf32>
    %broadcast_in_dim3A_1913 = vector.shape_cast %add3A_1912 : vector<1x256xf32> to vector<1x256xf32>
    %broadcast_in_dim3A_1914 = vector.broadcast %broadcast_in_dim3A_1913 : vector<1x256xf32> to vector<64x256xf32>
    %select_n3A_1915 = arith.select %lt3A_1908, %broadcast_in_dim3A_1914, %select_n3A_1904 : vector<64x256xi1>, vector<64x256xf32>
    %reduce_min3A_1916 = arith.constant dense<0x7F800000> : vector<64xf32>
    %reduce_min3A_1917 = vector.multi_reduction <minimumf>, %select_n3A_1909, %reduce_min3A_1916 [1] : vector<64x256xf32> to vector<64xf32>
    %broadcast_in_dim3A_1918 = vector.shape_cast %reduce_min3A_1917 : vector<64xf32> to vector<64x1xf32>
    %eq3A_1919 = vector.broadcast %broadcast_in_dim3A_1918 : vector<64x1xf32> to vector<64x256xf32>
    %eq3A_1920 = arith.cmpf oeq, %select_n3A_1909, %eq3A_1919 : vector<64x256xf32>
    %jit3A_1921 = arith.constant 3.000000e+38 : f32
    %broadcast_in_dim3A_1922 = vector.broadcast %jit3A_1921 : f32 to vector<64x256xf32>
    %select_n3A_1923 = arith.select %eq3A_1920, %select_n3A_1915, %broadcast_in_dim3A_1922 : vector<64x256xi1>, vector<64x256xf32>
    %reduce_min3A_1924 = arith.constant dense<0x7F800000> : vector<64xf32>
    %reduce_min3A_1925 = vector.multi_reduction <minimumf>, %select_n3A_1923, %reduce_min3A_1924 [1] : vector<64x256xf32> to vector<64xf32>
    %convert_element_type3A_1926 = arith.fptosi %reduce_min3A_1925 : vector<64xf32> to vector<64xi32>
    %swap3A_1927 = arith.constant 0 : index
    %swap3A_1928 = arith.constant 0 : index
    %swap3A_1929 = arith.constant 128 : index
    %swap3A_1930 = vector.load %arg4[%swap3A_1927, %swap3A_1928, %swap3A_1929] : memref<1x1x512xi32, #tpu.memory_space<vmem>>, vector<1x1x64xi32>
    %swap3A_1931 = vector.shape_cast %swap3A_1930 : vector<1x1x64xi32> to vector<64xi32>
    %swap3A_1932 = vector.shape_cast %convert_element_type3A_1926 : vector<64xi32> to vector<1x1x64xi32>
    tpu.vector_store %arg4[%swap3A_1927, %swap3A_1928, %swap3A_1929], %swap3A_1932 {strides = array<i32>} : memref<1x1x512xi32, #tpu.memory_space<vmem>>, vector<1x1x64xi32>,
    %broadcast_in_dim3A_1933 = arith.constant 0x7F800000 : f32
    %broadcast_in_dim3A_1934 = vector.broadcast %broadcast_in_dim3A_1933 : f32 to vector<64x256xf32>
    %broadcast_in_dim3A_1935 = arith.constant 0.000000e+00 : f32
    %broadcast_in_dim3A_1936 = vector.broadcast %broadcast_in_dim3A_1935 : f32 to vector<64x256xf32>
    %get3A_1937 = arith.constant 192 : index
    %get3A_1938 = arith.constant 0 : index
    %get3A_1939 = vector.load %arg5[%get3A_1937, %get3A_1938] : memref<512x9984xf32, #tpu.memory_space<vmem>>, vector<64x256xf32>
    %lt3A_1940 = arith.cmpf olt, %get3A_1939, %broadcast_in_dim3A_1934 : vector<64x256xf32>
    %select_n3A_1941 = arith.select %lt3A_1940, %get3A_1939, %broadcast_in_dim3A_1934 : vector<64x256xi1>, vector<64x256xf32>
    %add3A_1942 = arith.constant 0.000000e+00 : f32
    %add3A_1943 = vector.broadcast %add3A_1942 : f32 to vector<1x256xf32>
    %add3A_1944 = arith.addf %convert_element_type3A, %add3A_1943 : vector<1x256xf32>
    %broadcast_in_dim3A_1945 = vector.shape_cast %add3A_1944 : vector<1x256xf32> to vector<1x256xf32>
    %broadcast_in_dim3A_1946 = vector.broadcast %broadcast_in_dim3A_1945 : vector<1x256xf32> to vector<64x256xf32>
    %select_n3A_1947 = arith.select %lt3A_1940, %broadcast_in_dim3A_1946, %broadcast_in_dim3A_1936 : vector<64x256xi1>, vector<64x256xf32>
    %get3A_1948 = arith.constant 192 : index
    %get3A_1949 = arith.constant 256 : index
    %get3A_1950 = vector.load %arg5[%get3A_1948, %get3A_1949] : memref<512x9984xf32, #tpu.memory_space<vmem>>, vector<64x256xf32>
    %lt3A_1951 = arith.cmpf olt, %get3A_1950, %select_n3A_1941 : vector<64x256xf32>
    %select_n3A_1952 = arith.select %lt3A_1951, %get3A_1950, %select_n3A_1941 : vector<64x256xi1>, vector<64x256xf32>
    %add3A_1953 = arith.constant 2.560000e+02 : f32
    %add3A_1954 = vector.broadcast %add3A_1953 : f32 to vector<1x256xf32>
    %add3A_1955 = arith.addf %convert_element_type3A, %add3A_1954 : vector<1x256xf32>
    %broadcast_in_dim3A_1956 = vector.shape_cast %add3A_1955 : vector<1x256xf32> to vector<1x256xf32>
    %broadcast_in_dim3A_1957 = vector.broadcast %broadcast_in_dim3A_1956 : vector<1x256xf32> to vector<64x256xf32>
    %select_n3A_1958 = arith.select %lt3A_1951, %broadcast_in_dim3A_1957, %select_n3A_1947 : vector<64x256xi1>, vector<64x256xf32>
    %get3A_1959 = arith.constant 192 : index
    %get3A_1960 = arith.constant 512 : index
    %get3A_1961 = vector.load %arg5[%get3A_1959, %get3A_1960] : memref<512x9984xf32, #tpu.memory_space<vmem>>, vector<64x256xf32>
    %lt3A_1962 = arith.cmpf olt, %get3A_1961, %select_n3A_1952 : vector<64x256xf32>
    %select_n3A_1963 = arith.select %lt3A_1962, %get3A_1961, %select_n3A_1952 : vector<64x256xi1>, vector<64x256xf32>
    %add3A_1964 = arith.constant 5.120000e+02 : f32
    %add3A_1965 = vector.broadcast %add3A_1964 : f32 to vector<1x256xf32>
    %add3A_1966 = arith.addf %convert_element_type3A, %add3A_1965 : vector<1x256xf32>
    %broadcast_in_dim3A_1967 = vector.shape_cast %add3A_1966 : vector<1x256xf32> to vector<1x256xf32>
    %broadcast_in_dim3A_1968 = vector.broadcast %broadcast_in_dim3A_1967 : vector<1x256xf32> to vector<64x256xf32>
    %select_n3A_1969 = arith.select %lt3A_1962, %broadcast_in_dim3A_1968, %select_n3A_1958 : vector<64x256xi1>, vector<64x256xf32>
    %get3A_1970 = arith.constant 192 : index
    %get3A_1971 = arith.constant 768 : index
    %get3A_1972 = vector.load %arg5[%get3A_1970, %get3A_1971] : memref<512x9984xf32, #tpu.memory_space<vmem>>, vector<64x256xf32>
    %lt3A_1973 = arith.cmpf olt, %get3A_1972, %select_n3A_1963 : vector<64x256xf32>
    %select_n3A_1974 = arith.select %lt3A_1973, %get3A_1972, %select_n3A_1963 : vector<64x256xi1>, vector<64x256xf32>
    %add3A_1975 = arith.constant 7.680000e+02 : f32
    %add3A_1976 = vector.broadcast %add3A_1975 : f32 to vector<1x256xf32>
    %add3A_1977 = arith.addf %convert_element_type3A, %add3A_1976 : vector<1x256xf32>
    %broadcast_in_dim3A_1978 = vector.shape_cast %add3A_1977 : vector<1x256xf32> to vector<1x256xf32>
    %broadcast_in_dim3A_1979 = vector.broadcast %broadcast_in_dim3A_1978 : vector<1x256xf32> to vector<64x256xf32>
    %select_n3A_1980 = arith.select %lt3A_1973, %broadcast_in_dim3A_1979, %select_n3A_1969 : vector<64x256xi1>, vector<64x256xf32>
    %get3A_1981 = arith.constant 192 : index
    %get3A_1982 = arith.constant 1024 : index
    %get3A_1983 = vector.load %arg5[%get3A_1981, %get3A_1982] : memref<512x9984xf32, #tpu.memory_space<vmem>>, vector<64x256xf32>
    %lt3A_1984 = arith.cmpf olt, %get3A_1983, %select_n3A_1974 : vector<64x256xf32>
    %select_n3A_1985 = arith.select %lt3A_1984, %get3A_1983, %select_n3A_1974 : vector<64x256xi1>, vector<64x256xf32>
    %add3A_1986 = arith.constant 1.024000e+03 : f32
    %add3A_1987 = vector.broadcast %add3A_1986 : f32 to vector<1x256xf32>
    %add3A_1988 = arith.addf %convert_element_type3A, %add3A_1987 : vector<1x256xf32>
    %broadcast_in_dim3A_1989 = vector.shape_cast %add3A_1988 : vector<1x256xf32> to vector<1x256xf32>
    %broadcast_in_dim3A_1990 = vector.broadcast %broadcast_in_dim3A_1989 : vector<1x256xf32> to vector<64x256xf32>
    %select_n3A_1991 = arith.select %lt3A_1984, %broadcast_in_dim3A_1990, %select_n3A_1980 : vector<64x256xi1>, vector<64x256xf32>
    %get3A_1992 = arith.constant 192 : index
    %get3A_1993 = arith.constant 1280 : index
    %get3A_1994 = vector.load %arg5[%get3A_1992, %get3A_1993] : memref<512x9984xf32, #tpu.memory_space<vmem>>, vector<64x256xf32>
    %lt3A_1995 = arith.cmpf olt, %get3A_1994, %select_n3A_1985 : vector<64x256xf32>
    %select_n3A_1996 = arith.select %lt3A_1995, %get3A_1994, %select_n3A_1985 : vector<64x256xi1>, vector<64x256xf32>
    %add3A_1997 = arith.constant 1.280000e+03 : f32
    %add3A_1998 = vector.broadcast %add3A_1997 : f32 to vector<1x256xf32>
    %add3A_1999 = arith.addf %convert_element_type3A, %add3A_1998 : vector<1x256xf32>
    %broadcast_in_dim3A_2000 = vector.shape_cast %add3A_1999 : vector<1x256xf32> to vector<1x256xf32>
    %broadcast_in_dim3A_2001 = vector.broadcast %broadcast_in_dim3A_2000 : vector<1x256xf32> to vector<64x256xf32>
    %select_n3A_2002 = arith.select %lt3A_1995, %broadcast_in_dim3A_2001, %select_n3A_1991 : vector<64x256xi1>, vector<64x256xf32>
    %get3A_2003 = arith.constant 192 : index
    %get3A_2004 = arith.constant 1536 : index
    %get3A_2005 = vector.load %arg5[%get3A_2003, %get3A_2004] : memref<512x9984xf32, #tpu.memory_space<vmem>>, vector<64x256xf32>
    %lt3A_2006 = arith.cmpf olt, %get3A_2005, %select_n3A_1996 : vector<64x256xf32>
    %select_n3A_2007 = arith.select %lt3A_2006, %get3A_2005, %select_n3A_1996 : vector<64x256xi1>, vector<64x256xf32>
    %add3A_2008 = arith.constant 1.536000e+03 : f32
    %add3A_2009 = vector.broadcast %add3A_2008 : f32 to vector<1x256xf32>
    %add3A_2010 = arith.addf %convert_element_type3A, %add3A_2009 : vector<1x256xf32>
    %broadcast_in_dim3A_2011 = vector.shape_cast %add3A_2010 : vector<1x256xf32> to vector<1x256xf32>
    %broadcast_in_dim3A_2012 = vector.broadcast %broadcast_in_dim3A_2011 : vector<1x256xf32> to vector<64x256xf32>
    %select_n3A_2013 = arith.select %lt3A_2006, %broadcast_in_dim3A_2012, %select_n3A_2002 : vector<64x256xi1>, vector<64x256xf32>
    %get3A_2014 = arith.constant 192 : index
    %get3A_2015 = arith.constant 1792 : index
    %get3A_2016 = vector.load %arg5[%get3A_2014, %get3A_2015] : memref<512x9984xf32, #tpu.memory_space<vmem>>, vector<64x256xf32>
    %lt3A_2017 = arith.cmpf olt, %get3A_2016, %select_n3A_2007 : vector<64x256xf32>
    %select_n3A_2018 = arith.select %lt3A_2017, %get3A_2016, %select_n3A_2007 : vector<64x256xi1>, vector<64x256xf32>
    %add3A_2019 = arith.constant 1.792000e+03 : f32
    %add3A_2020 = vector.broadcast %add3A_2019 : f32 to vector<1x256xf32>
    %add3A_2021 = arith.addf %convert_element_type3A, %add3A_2020 : vector<1x256xf32>
    %broadcast_in_dim3A_2022 = vector.shape_cast %add3A_2021 : vector<1x256xf32> to vector<1x256xf32>
    %broadcast_in_dim3A_2023 = vector.broadcast %broadcast_in_dim3A_2022 : vector<1x256xf32> to vector<64x256xf32>
    %select_n3A_2024 = arith.select %lt3A_2017, %broadcast_in_dim3A_2023, %select_n3A_2013 : vector<64x256xi1>, vector<64x256xf32>
    %get3A_2025 = arith.constant 192 : index
    %get3A_2026 = arith.constant 2048 : index
    %get3A_2027 = vector.load %arg5[%get3A_2025, %get3A_2026] : memref<512x9984xf32, #tpu.memory_space<vmem>>, vector<64x256xf32>
    %lt3A_2028 = arith.cmpf olt, %get3A_2027, %select_n3A_2018 : vector<64x256xf32>
    %select_n3A_2029 = arith.select %lt3A_2028, %get3A_2027, %select_n3A_2018 : vector<64x256xi1>, vector<64x256xf32>
    %add3A_2030 = arith.constant 2.048000e+03 : f32
    %add3A_2031 = vector.broadcast %add3A_2030 : f32 to vector<1x256xf32>
    %add3A_2032 = arith.addf %convert_element_type3A, %add3A_2031 : vector<1x256xf32>
    %broadcast_in_dim3A_2033 = vector.shape_cast %add3A_2032 : vector<1x256xf32> to vector<1x256xf32>
    %broadcast_in_dim3A_2034 = vector.broadcast %broadcast_in_dim3A_2033 : vector<1x256xf32> to vector<64x256xf32>
    %select_n3A_2035 = arith.select %lt3A_2028, %broadcast_in_dim3A_2034, %select_n3A_2024 : vector<64x256xi1>, vector<64x256xf32>
    %get3A_2036 = arith.constant 192 : index
    %get3A_2037 = arith.constant 2304 : index
    %get3A_2038 = vector.load %arg5[%get3A_2036, %get3A_2037] : memref<512x9984xf32, #tpu.memory_space<vmem>>, vector<64x256xf32>
    %lt3A_2039 = arith.cmpf olt, %get3A_2038, %select_n3A_2029 : vector<64x256xf32>
    %select_n3A_2040 = arith.select %lt3A_2039, %get3A_2038, %select_n3A_2029 : vector<64x256xi1>, vector<64x256xf32>
    %add3A_2041 = arith.constant 2.304000e+03 : f32
    %add3A_2042 = vector.broadcast %add3A_2041 : f32 to vector<1x256xf32>
    %add3A_2043 = arith.addf %convert_element_type3A, %add3A_2042 : vector<1x256xf32>
    %broadcast_in_dim3A_2044 = vector.shape_cast %add3A_2043 : vector<1x256xf32> to vector<1x256xf32>
    %broadcast_in_dim3A_2045 = vector.broadcast %broadcast_in_dim3A_2044 : vector<1x256xf32> to vector<64x256xf32>
    %select_n3A_2046 = arith.select %lt3A_2039, %broadcast_in_dim3A_2045, %select_n3A_2035 : vector<64x256xi1>, vector<64x256xf32>
    %get3A_2047 = arith.constant 192 : index
    %get3A_2048 = arith.constant 2560 : index
    %get3A_2049 = vector.load %arg5[%get3A_2047, %get3A_2048] : memref<512x9984xf32, #tpu.memory_space<vmem>>, vector<64x256xf32>
    %lt3A_2050 = arith.cmpf olt, %get3A_2049, %select_n3A_2040 : vector<64x256xf32>
    %select_n3A_2051 = arith.select %lt3A_2050, %get3A_2049, %select_n3A_2040 : vector<64x256xi1>, vector<64x256xf32>
    %add3A_2052 = arith.constant 2.560000e+03 : f32
    %add3A_2053 = vector.broadcast %add3A_2052 : f32 to vector<1x256xf32>
    %add3A_2054 = arith.addf %convert_element_type3A, %add3A_2053 : vector<1x256xf32>
    %broadcast_in_dim3A_2055 = vector.shape_cast %add3A_2054 : vector<1x256xf32> to vector<1x256xf32>
    %broadcast_in_dim3A_2056 = vector.broadcast %broadcast_in_dim3A_2055 : vector<1x256xf32> to vector<64x256xf32>
    %select_n3A_2057 = arith.select %lt3A_2050, %broadcast_in_dim3A_2056, %select_n3A_2046 : vector<64x256xi1>, vector<64x256xf32>
    %get3A_2058 = arith.constant 192 : index
    %get3A_2059 = arith.constant 2816 : index
    %get3A_2060 = vector.load %arg5[%get3A_2058, %get3A_2059] : memref<512x9984xf32, #tpu.memory_space<vmem>>, vector<64x256xf32>
    %lt3A_2061 = arith.cmpf olt, %get3A_2060, %select_n3A_2051 : vector<64x256xf32>
    %select_n3A_2062 = arith.select %lt3A_2061, %get3A_2060, %select_n3A_2051 : vector<64x256xi1>, vector<64x256xf32>
    %add3A_2063 = arith.constant 2.816000e+03 : f32
    %add3A_2064 = vector.broadcast %add3A_2063 : f32 to vector<1x256xf32>
    %add3A_2065 = arith.addf %convert_element_type3A, %add3A_2064 : vector<1x256xf32>
    %broadcast_in_dim3A_2066 = vector.shape_cast %add3A_2065 : vector<1x256xf32> to vector<1x256xf32>
    %broadcast_in_dim3A_2067 = vector.broadcast %broadcast_in_dim3A_2066 : vector<1x256xf32> to vector<64x256xf32>
    %select_n3A_2068 = arith.select %lt3A_2061, %broadcast_in_dim3A_2067, %select_n3A_2057 : vector<64x256xi1>, vector<64x256xf32>
    %get3A_2069 = arith.constant 192 : index
    %get3A_2070 = arith.constant 3072 : index
    %get3A_2071 = vector.load %arg5[%get3A_2069, %get3A_2070] : memref<512x9984xf32, #tpu.memory_space<vmem>>, vector<64x256xf32>
    %lt3A_2072 = arith.cmpf olt, %get3A_2071, %select_n3A_2062 : vector<64x256xf32>
    %select_n3A_2073 = arith.select %lt3A_2072, %get3A_2071, %select_n3A_2062 : vector<64x256xi1>, vector<64x256xf32>
    %add3A_2074 = arith.constant 3.072000e+03 : f32
    %add3A_2075 = vector.broadcast %add3A_2074 : f32 to vector<1x256xf32>
    %add3A_2076 = arith.addf %convert_element_type3A, %add3A_2075 : vector<1x256xf32>
    %broadcast_in_dim3A_2077 = vector.shape_cast %add3A_2076 : vector<1x256xf32> to vector<1x256xf32>
    %broadcast_in_dim3A_2078 = vector.broadcast %broadcast_in_dim3A_2077 : vector<1x256xf32> to vector<64x256xf32>
    %select_n3A_2079 = arith.select %lt3A_2072, %broadcast_in_dim3A_2078, %select_n3A_2068 : vector<64x256xi1>, vector<64x256xf32>
    %get3A_2080 = arith.constant 192 : index
    %get3A_2081 = arith.constant 3328 : index
    %get3A_2082 = vector.load %arg5[%get3A_2080, %get3A_2081] : memref<512x9984xf32, #tpu.memory_space<vmem>>, vector<64x256xf32>
    %lt3A_2083 = arith.cmpf olt, %get3A_2082, %select_n3A_2073 : vector<64x256xf32>
    %select_n3A_2084 = arith.select %lt3A_2083, %get3A_2082, %select_n3A_2073 : vector<64x256xi1>, vector<64x256xf32>
    %add3A_2085 = arith.constant 3.328000e+03 : f32
    %add3A_2086 = vector.broadcast %add3A_2085 : f32 to vector<1x256xf32>
    %add3A_2087 = arith.addf %convert_element_type3A, %add3A_2086 : vector<1x256xf32>
    %broadcast_in_dim3A_2088 = vector.shape_cast %add3A_2087 : vector<1x256xf32> to vector<1x256xf32>
    %broadcast_in_dim3A_2089 = vector.broadcast %broadcast_in_dim3A_2088 : vector<1x256xf32> to vector<64x256xf32>
    %select_n3A_2090 = arith.select %lt3A_2083, %broadcast_in_dim3A_2089, %select_n3A_2079 : vector<64x256xi1>, vector<64x256xf32>
    %get3A_2091 = arith.constant 192 : index
    %get3A_2092 = arith.constant 3584 : index
    %get3A_2093 = vector.load %arg5[%get3A_2091, %get3A_2092] : memref<512x9984xf32, #tpu.memory_space<vmem>>, vector<64x256xf32>
    %lt3A_2094 = arith.cmpf olt, %get3A_2093, %select_n3A_2084 : vector<64x256xf32>
    %select_n3A_2095 = arith.select %lt3A_2094, %get3A_2093, %select_n3A_2084 : vector<64x256xi1>, vector<64x256xf32>
    %add3A_2096 = arith.constant 3.584000e+03 : f32
    %add3A_2097 = vector.broadcast %add3A_2096 : f32 to vector<1x256xf32>
    %add3A_2098 = arith.addf %convert_element_type3A, %add3A_2097 : vector<1x256xf32>
    %broadcast_in_dim3A_2099 = vector.shape_cast %add3A_2098 : vector<1x256xf32> to vector<1x256xf32>
    %broadcast_in_dim3A_2100 = vector.broadcast %broadcast_in_dim3A_2099 : vector<1x256xf32> to vector<64x256xf32>
    %select_n3A_2101 = arith.select %lt3A_2094, %broadcast_in_dim3A_2100, %select_n3A_2090 : vector<64x256xi1>, vector<64x256xf32>
    %get3A_2102 = arith.constant 192 : index
    %get3A_2103 = arith.constant 3840 : index
    %get3A_2104 = vector.load %arg5[%get3A_2102, %get3A_2103] : memref<512x9984xf32, #tpu.memory_space<vmem>>, vector<64x256xf32>
    %lt3A_2105 = arith.cmpf olt, %get3A_2104, %select_n3A_2095 : vector<64x256xf32>
    %select_n3A_2106 = arith.select %lt3A_2105, %get3A_2104, %select_n3A_2095 : vector<64x256xi1>, vector<64x256xf32>
    %add3A_2107 = arith.constant 3.840000e+03 : f32
    %add3A_2108 = vector.broadcast %add3A_2107 : f32 to vector<1x256xf32>
    %add3A_2109 = arith.addf %convert_element_type3A, %add3A_2108 : vector<1x256xf32>
    %broadcast_in_dim3A_2110 = vector.shape_cast %add3A_2109 : vector<1x256xf32> to vector<1x256xf32>
    %broadcast_in_dim3A_2111 = vector.broadcast %broadcast_in_dim3A_2110 : vector<1x256xf32> to vector<64x256xf32>
    %select_n3A_2112 = arith.select %lt3A_2105, %broadcast_in_dim3A_2111, %select_n3A_2101 : vector<64x256xi1>, vector<64x256xf32>
    %get3A_2113 = arith.constant 192 : index
    %get3A_2114 = arith.constant 4096 : index
    %get3A_2115 = vector.load %arg5[%get3A_2113, %get3A_2114] : memref<512x9984xf32, #tpu.memory_space<vmem>>, vector<64x256xf32>
    %lt3A_2116 = arith.cmpf olt, %get3A_2115, %select_n3A_2106 : vector<64x256xf32>
    %select_n3A_2117 = arith.select %lt3A_2116, %get3A_2115, %select_n3A_2106 : vector<64x256xi1>, vector<64x256xf32>
    %add3A_2118 = arith.constant 4.096000e+03 : f32
    %add3A_2119 = vector.broadcast %add3A_2118 : f32 to vector<1x256xf32>
    %add3A_2120 = arith.addf %convert_element_type3A, %add3A_2119 : vector<1x256xf32>
    %broadcast_in_dim3A_2121 = vector.shape_cast %add3A_2120 : vector<1x256xf32> to vector<1x256xf32>
    %broadcast_in_dim3A_2122 = vector.broadcast %broadcast_in_dim3A_2121 : vector<1x256xf32> to vector<64x256xf32>
    %select_n3A_2123 = arith.select %lt3A_2116, %broadcast_in_dim3A_2122, %select_n3A_2112 : vector<64x256xi1>, vector<64x256xf32>
    %get3A_2124 = arith.constant 192 : index
    %get3A_2125 = arith.constant 4352 : index
    %get3A_2126 = vector.load %arg5[%get3A_2124, %get3A_2125] : memref<512x9984xf32, #tpu.memory_space<vmem>>, vector<64x256xf32>
    %lt3A_2127 = arith.cmpf olt, %get3A_2126, %select_n3A_2117 : vector<64x256xf32>
    %select_n3A_2128 = arith.select %lt3A_2127, %get3A_2126, %select_n3A_2117 : vector<64x256xi1>, vector<64x256xf32>
    %add3A_2129 = arith.constant 4.352000e+03 : f32
    %add3A_2130 = vector.broadcast %add3A_2129 : f32 to vector<1x256xf32>
    %add3A_2131 = arith.addf %convert_element_type3A, %add3A_2130 : vector<1x256xf32>
    %broadcast_in_dim3A_2132 = vector.shape_cast %add3A_2131 : vector<1x256xf32> to vector<1x256xf32>
    %broadcast_in_dim3A_2133 = vector.broadcast %broadcast_in_dim3A_2132 : vector<1x256xf32> to vector<64x256xf32>
    %select_n3A_2134 = arith.select %lt3A_2127, %broadcast_in_dim3A_2133, %select_n3A_2123 : vector<64x256xi1>, vector<64x256xf32>
    %get3A_2135 = arith.constant 192 : index
    %get3A_2136 = arith.constant 4608 : index
    %get3A_2137 = vector.load %arg5[%get3A_2135, %get3A_2136] : memref<512x9984xf32, #tpu.memory_space<vmem>>, vector<64x256xf32>
    %lt3A_2138 = arith.cmpf olt, %get3A_2137, %select_n3A_2128 : vector<64x256xf32>
    %select_n3A_2139 = arith.select %lt3A_2138, %get3A_2137, %select_n3A_2128 : vector<64x256xi1>, vector<64x256xf32>
    %add3A_2140 = arith.constant 4.608000e+03 : f32
    %add3A_2141 = vector.broadcast %add3A_2140 : f32 to vector<1x256xf32>
    %add3A_2142 = arith.addf %convert_element_type3A, %add3A_2141 : vector<1x256xf32>
    %broadcast_in_dim3A_2143 = vector.shape_cast %add3A_2142 : vector<1x256xf32> to vector<1x256xf32>
    %broadcast_in_dim3A_2144 = vector.broadcast %broadcast_in_dim3A_2143 : vector<1x256xf32> to vector<64x256xf32>
    %select_n3A_2145 = arith.select %lt3A_2138, %broadcast_in_dim3A_2144, %select_n3A_2134 : vector<64x256xi1>, vector<64x256xf32>
    %get3A_2146 = arith.constant 192 : index
    %get3A_2147 = arith.constant 4864 : index
    %get3A_2148 = vector.load %arg5[%get3A_2146, %get3A_2147] : memref<512x9984xf32, #tpu.memory_space<vmem>>, vector<64x256xf32>
    %lt3A_2149 = arith.cmpf olt, %get3A_2148, %select_n3A_2139 : vector<64x256xf32>
    %select_n3A_2150 = arith.select %lt3A_2149, %get3A_2148, %select_n3A_2139 : vector<64x256xi1>, vector<64x256xf32>
    %add3A_2151 = arith.constant 4.864000e+03 : f32
    %add3A_2152 = vector.broadcast %add3A_2151 : f32 to vector<1x256xf32>
    %add3A_2153 = arith.addf %convert_element_type3A, %add3A_2152 : vector<1x256xf32>
    %broadcast_in_dim3A_2154 = vector.shape_cast %add3A_2153 : vector<1x256xf32> to vector<1x256xf32>
    %broadcast_in_dim3A_2155 = vector.broadcast %broadcast_in_dim3A_2154 : vector<1x256xf32> to vector<64x256xf32>
    %select_n3A_2156 = arith.select %lt3A_2149, %broadcast_in_dim3A_2155, %select_n3A_2145 : vector<64x256xi1>, vector<64x256xf32>
    %get3A_2157 = arith.constant 192 : index
    %get3A_2158 = arith.constant 5120 : index
    %get3A_2159 = vector.load %arg5[%get3A_2157, %get3A_2158] : memref<512x9984xf32, #tpu.memory_space<vmem>>, vector<64x256xf32>
    %lt3A_2160 = arith.cmpf olt, %get3A_2159, %select_n3A_2150 : vector<64x256xf32>
    %select_n3A_2161 = arith.select %lt3A_2160, %get3A_2159, %select_n3A_2150 : vector<64x256xi1>, vector<64x256xf32>
    %add3A_2162 = arith.constant 5.120000e+03 : f32
    %add3A_2163 = vector.broadcast %add3A_2162 : f32 to vector<1x256xf32>
    %add3A_2164 = arith.addf %convert_element_type3A, %add3A_2163 : vector<1x256xf32>
    %broadcast_in_dim3A_2165 = vector.shape_cast %add3A_2164 : vector<1x256xf32> to vector<1x256xf32>
    %broadcast_in_dim3A_2166 = vector.broadcast %broadcast_in_dim3A_2165 : vector<1x256xf32> to vector<64x256xf32>
    %select_n3A_2167 = arith.select %lt3A_2160, %broadcast_in_dim3A_2166, %select_n3A_2156 : vector<64x256xi1>, vector<64x256xf32>
    %get3A_2168 = arith.constant 192 : index
    %get3A_2169 = arith.constant 5376 : index
    %get3A_2170 = vector.load %arg5[%get3A_2168, %get3A_2169] : memref<512x9984xf32, #tpu.memory_space<vmem>>, vector<64x256xf32>
    %lt3A_2171 = arith.cmpf olt, %get3A_2170, %select_n3A_2161 : vector<64x256xf32>
    %select_n3A_2172 = arith.select %lt3A_2171, %get3A_2170, %select_n3A_2161 : vector<64x256xi1>, vector<64x256xf32>
    %add3A_2173 = arith.constant 5.376000e+03 : f32
    %add3A_2174 = vector.broadcast %add3A_2173 : f32 to vector<1x256xf32>
    %add3A_2175 = arith.addf %convert_element_type3A, %add3A_2174 : vector<1x256xf32>
    %broadcast_in_dim3A_2176 = vector.shape_cast %add3A_2175 : vector<1x256xf32> to vector<1x256xf32>
    %broadcast_in_dim3A_2177 = vector.broadcast %broadcast_in_dim3A_2176 : vector<1x256xf32> to vector<64x256xf32>
    %select_n3A_2178 = arith.select %lt3A_2171, %broadcast_in_dim3A_2177, %select_n3A_2167 : vector<64x256xi1>, vector<64x256xf32>
    %get3A_2179 = arith.constant 192 : index
    %get3A_2180 = arith.constant 5632 : index
    %get3A_2181 = vector.load %arg5[%get3A_2179, %get3A_2180] : memref<512x9984xf32, #tpu.memory_space<vmem>>, vector<64x256xf32>
    %lt3A_2182 = arith.cmpf olt, %get3A_2181, %select_n3A_2172 : vector<64x256xf32>
    %select_n3A_2183 = arith.select %lt3A_2182, %get3A_2181, %select_n3A_2172 : vector<64x256xi1>, vector<64x256xf32>
    %add3A_2184 = arith.constant 5.632000e+03 : f32
    %add3A_2185 = vector.broadcast %add3A_2184 : f32 to vector<1x256xf32>
    %add3A_2186 = arith.addf %convert_element_type3A, %add3A_2185 : vector<1x256xf32>
    %broadcast_in_dim3A_2187 = vector.shape_cast %add3A_2186 : vector<1x256xf32> to vector<1x256xf32>
    %broadcast_in_dim3A_2188 = vector.broadcast %broadcast_in_dim3A_2187 : vector<1x256xf32> to vector<64x256xf32>
    %select_n3A_2189 = arith.select %lt3A_2182, %broadcast_in_dim3A_2188, %select_n3A_2178 : vector<64x256xi1>, vector<64x256xf32>
    %get3A_2190 = arith.constant 192 : index
    %get3A_2191 = arith.constant 5888 : index
    %get3A_2192 = vector.load %arg5[%get3A_2190, %get3A_2191] : memref<512x9984xf32, #tpu.memory_space<vmem>>, vector<64x256xf32>
    %lt3A_2193 = arith.cmpf olt, %get3A_2192, %select_n3A_2183 : vector<64x256xf32>
    %select_n3A_2194 = arith.select %lt3A_2193, %get3A_2192, %select_n3A_2183 : vector<64x256xi1>, vector<64x256xf32>
    %add3A_2195 = arith.constant 5.888000e+03 : f32
    %add3A_2196 = vector.broadcast %add3A_2195 : f32 to vector<1x256xf32>
    %add3A_2197 = arith.addf %convert_element_type3A, %add3A_2196 : vector<1x256xf32>
    %broadcast_in_dim3A_2198 = vector.shape_cast %add3A_2197 : vector<1x256xf32> to vector<1x256xf32>
    %broadcast_in_dim3A_2199 = vector.broadcast %broadcast_in_dim3A_2198 : vector<1x256xf32> to vector<64x256xf32>
    %select_n3A_2200 = arith.select %lt3A_2193, %broadcast_in_dim3A_2199, %select_n3A_2189 : vector<64x256xi1>, vector<64x256xf32>
    %get3A_2201 = arith.constant 192 : index
    %get3A_2202 = arith.constant 6144 : index
    %get3A_2203 = vector.load %arg5[%get3A_2201, %get3A_2202] : memref<512x9984xf32, #tpu.memory_space<vmem>>, vector<64x256xf32>
    %lt3A_2204 = arith.cmpf olt, %get3A_2203, %select_n3A_2194 : vector<64x256xf32>
    %select_n3A_2205 = arith.select %lt3A_2204, %get3A_2203, %select_n3A_2194 : vector<64x256xi1>, vector<64x256xf32>
    %add3A_2206 = arith.constant 6.144000e+03 : f32
    %add3A_2207 = vector.broadcast %add3A_2206 : f32 to vector<1x256xf32>
    %add3A_2208 = arith.addf %convert_element_type3A, %add3A_2207 : vector<1x256xf32>
    %broadcast_in_dim3A_2209 = vector.shape_cast %add3A_2208 : vector<1x256xf32> to vector<1x256xf32>
    %broadcast_in_dim3A_2210 = vector.broadcast %broadcast_in_dim3A_2209 : vector<1x256xf32> to vector<64x256xf32>
    %select_n3A_2211 = arith.select %lt3A_2204, %broadcast_in_dim3A_2210, %select_n3A_2200 : vector<64x256xi1>, vector<64x256xf32>
    %get3A_2212 = arith.constant 192 : index
    %get3A_2213 = arith.constant 6400 : index
    %get3A_2214 = vector.load %arg5[%get3A_2212, %get3A_2213] : memref<512x9984xf32, #tpu.memory_space<vmem>>, vector<64x256xf32>
    %lt3A_2215 = arith.cmpf olt, %get3A_2214, %select_n3A_2205 : vector<64x256xf32>
    %select_n3A_2216 = arith.select %lt3A_2215, %get3A_2214, %select_n3A_2205 : vector<64x256xi1>, vector<64x256xf32>
    %add3A_2217 = arith.constant 6.400000e+03 : f32
    %add3A_2218 = vector.broadcast %add3A_2217 : f32 to vector<1x256xf32>
    %add3A_2219 = arith.addf %convert_element_type3A, %add3A_2218 : vector<1x256xf32>
    %broadcast_in_dim3A_2220 = vector.shape_cast %add3A_2219 : vector<1x256xf32> to vector<1x256xf32>
    %broadcast_in_dim3A_2221 = vector.broadcast %broadcast_in_dim3A_2220 : vector<1x256xf32> to vector<64x256xf32>
    %select_n3A_2222 = arith.select %lt3A_2215, %broadcast_in_dim3A_2221, %select_n3A_2211 : vector<64x256xi1>, vector<64x256xf32>
    %get3A_2223 = arith.constant 192 : index
    %get3A_2224 = arith.constant 6656 : index
    %get3A_2225 = vector.load %arg5[%get3A_2223, %get3A_2224] : memref<512x9984xf32, #tpu.memory_space<vmem>>, vector<64x256xf32>
    %lt3A_2226 = arith.cmpf olt, %get3A_2225, %select_n3A_2216 : vector<64x256xf32>
    %select_n3A_2227 = arith.select %lt3A_2226, %get3A_2225, %select_n3A_2216 : vector<64x256xi1>, vector<64x256xf32>
    %add3A_2228 = arith.constant 6.656000e+03 : f32
    %add3A_2229 = vector.broadcast %add3A_2228 : f32 to vector<1x256xf32>
    %add3A_2230 = arith.addf %convert_element_type3A, %add3A_2229 : vector<1x256xf32>
    %broadcast_in_dim3A_2231 = vector.shape_cast %add3A_2230 : vector<1x256xf32> to vector<1x256xf32>
    %broadcast_in_dim3A_2232 = vector.broadcast %broadcast_in_dim3A_2231 : vector<1x256xf32> to vector<64x256xf32>
    %select_n3A_2233 = arith.select %lt3A_2226, %broadcast_in_dim3A_2232, %select_n3A_2222 : vector<64x256xi1>, vector<64x256xf32>
    %get3A_2234 = arith.constant 192 : index
    %get3A_2235 = arith.constant 6912 : index
    %get3A_2236 = vector.load %arg5[%get3A_2234, %get3A_2235] : memref<512x9984xf32, #tpu.memory_space<vmem>>, vector<64x256xf32>
    %lt3A_2237 = arith.cmpf olt, %get3A_2236, %select_n3A_2227 : vector<64x256xf32>
    %select_n3A_2238 = arith.select %lt3A_2237, %get3A_2236, %select_n3A_2227 : vector<64x256xi1>, vector<64x256xf32>
    %add3A_2239 = arith.constant 6.912000e+03 : f32
    %add3A_2240 = vector.broadcast %add3A_2239 : f32 to vector<1x256xf32>
    %add3A_2241 = arith.addf %convert_element_type3A, %add3A_2240 : vector<1x256xf32>
    %broadcast_in_dim3A_2242 = vector.shape_cast %add3A_2241 : vector<1x256xf32> to vector<1x256xf32>
    %broadcast_in_dim3A_2243 = vector.broadcast %broadcast_in_dim3A_2242 : vector<1x256xf32> to vector<64x256xf32>
    %select_n3A_2244 = arith.select %lt3A_2237, %broadcast_in_dim3A_2243, %select_n3A_2233 : vector<64x256xi1>, vector<64x256xf32>
    %get3A_2245 = arith.constant 192 : index
    %get3A_2246 = arith.constant 7168 : index
    %get3A_2247 = vector.load %arg5[%get3A_2245, %get3A_2246] : memref<512x9984xf32, #tpu.memory_space<vmem>>, vector<64x256xf32>
    %lt3A_2248 = arith.cmpf olt, %get3A_2247, %select_n3A_2238 : vector<64x256xf32>
    %select_n3A_2249 = arith.select %lt3A_2248, %get3A_2247, %select_n3A_2238 : vector<64x256xi1>, vector<64x256xf32>
    %add3A_2250 = arith.constant 7.168000e+03 : f32
    %add3A_2251 = vector.broadcast %add3A_2250 : f32 to vector<1x256xf32>
    %add3A_2252 = arith.addf %convert_element_type3A, %add3A_2251 : vector<1x256xf32>
    %broadcast_in_dim3A_2253 = vector.shape_cast %add3A_2252 : vector<1x256xf32> to vector<1x256xf32>
    %broadcast_in_dim3A_2254 = vector.broadcast %broadcast_in_dim3A_2253 : vector<1x256xf32> to vector<64x256xf32>
    %select_n3A_2255 = arith.select %lt3A_2248, %broadcast_in_dim3A_2254, %select_n3A_2244 : vector<64x256xi1>, vector<64x256xf32>
    %get3A_2256 = arith.constant 192 : index
    %get3A_2257 = arith.constant 7424 : index
    %get3A_2258 = vector.load %arg5[%get3A_2256, %get3A_2257] : memref<512x9984xf32, #tpu.memory_space<vmem>>, vector<64x256xf32>
    %lt3A_2259 = arith.cmpf olt, %get3A_2258, %select_n3A_2249 : vector<64x256xf32>
    %select_n3A_2260 = arith.select %lt3A_2259, %get3A_2258, %select_n3A_2249 : vector<64x256xi1>, vector<64x256xf32>
    %add3A_2261 = arith.constant 7.424000e+03 : f32
    %add3A_2262 = vector.broadcast %add3A_2261 : f32 to vector<1x256xf32>
    %add3A_2263 = arith.addf %convert_element_type3A, %add3A_2262 : vector<1x256xf32>
    %broadcast_in_dim3A_2264 = vector.shape_cast %add3A_2263 : vector<1x256xf32> to vector<1x256xf32>
    %broadcast_in_dim3A_2265 = vector.broadcast %broadcast_in_dim3A_2264 : vector<1x256xf32> to vector<64x256xf32>
    %select_n3A_2266 = arith.select %lt3A_2259, %broadcast_in_dim3A_2265, %select_n3A_2255 : vector<64x256xi1>, vector<64x256xf32>
    %get3A_2267 = arith.constant 192 : index
    %get3A_2268 = arith.constant 7680 : index
    %get3A_2269 = vector.load %arg5[%get3A_2267, %get3A_2268] : memref<512x9984xf32, #tpu.memory_space<vmem>>, vector<64x256xf32>
    %lt3A_2270 = arith.cmpf olt, %get3A_2269, %select_n3A_2260 : vector<64x256xf32>
    %select_n3A_2271 = arith.select %lt3A_2270, %get3A_2269, %select_n3A_2260 : vector<64x256xi1>, vector<64x256xf32>
    %add3A_2272 = arith.constant 7.680000e+03 : f32
    %add3A_2273 = vector.broadcast %add3A_2272 : f32 to vector<1x256xf32>
    %add3A_2274 = arith.addf %convert_element_type3A, %add3A_2273 : vector<1x256xf32>
    %broadcast_in_dim3A_2275 = vector.shape_cast %add3A_2274 : vector<1x256xf32> to vector<1x256xf32>
    %broadcast_in_dim3A_2276 = vector.broadcast %broadcast_in_dim3A_2275 : vector<1x256xf32> to vector<64x256xf32>
    %select_n3A_2277 = arith.select %lt3A_2270, %broadcast_in_dim3A_2276, %select_n3A_2266 : vector<64x256xi1>, vector<64x256xf32>
    %get3A_2278 = arith.constant 192 : index
    %get3A_2279 = arith.constant 7936 : index
    %get3A_2280 = vector.load %arg5[%get3A_2278, %get3A_2279] : memref<512x9984xf32, #tpu.memory_space<vmem>>, vector<64x256xf32>
    %lt3A_2281 = arith.cmpf olt, %get3A_2280, %select_n3A_2271 : vector<64x256xf32>
    %select_n3A_2282 = arith.select %lt3A_2281, %get3A_2280, %select_n3A_2271 : vector<64x256xi1>, vector<64x256xf32>
    %add3A_2283 = arith.constant 7.936000e+03 : f32
    %add3A_2284 = vector.broadcast %add3A_2283 : f32 to vector<1x256xf32>
    %add3A_2285 = arith.addf %convert_element_type3A, %add3A_2284 : vector<1x256xf32>
    %broadcast_in_dim3A_2286 = vector.shape_cast %add3A_2285 : vector<1x256xf32> to vector<1x256xf32>
    %broadcast_in_dim3A_2287 = vector.broadcast %broadcast_in_dim3A_2286 : vector<1x256xf32> to vector<64x256xf32>
    %select_n3A_2288 = arith.select %lt3A_2281, %broadcast_in_dim3A_2287, %select_n3A_2277 : vector<64x256xi1>, vector<64x256xf32>
    %get3A_2289 = arith.constant 192 : index
    %get3A_2290 = arith.constant 8192 : index
    %get3A_2291 = vector.load %arg5[%get3A_2289, %get3A_2290] : memref<512x9984xf32, #tpu.memory_space<vmem>>, vector<64x256xf32>
    %lt3A_2292 = arith.cmpf olt, %get3A_2291, %select_n3A_2282 : vector<64x256xf32>
    %select_n3A_2293 = arith.select %lt3A_2292, %get3A_2291, %select_n3A_2282 : vector<64x256xi1>, vector<64x256xf32>
    %add3A_2294 = arith.constant 8.192000e+03 : f32
    %add3A_2295 = vector.broadcast %add3A_2294 : f32 to vector<1x256xf32>
    %add3A_2296 = arith.addf %convert_element_type3A, %add3A_2295 : vector<1x256xf32>
    %broadcast_in_dim3A_2297 = vector.shape_cast %add3A_2296 : vector<1x256xf32> to vector<1x256xf32>
    %broadcast_in_dim3A_2298 = vector.broadcast %broadcast_in_dim3A_2297 : vector<1x256xf32> to vector<64x256xf32>
    %select_n3A_2299 = arith.select %lt3A_2292, %broadcast_in_dim3A_2298, %select_n3A_2288 : vector<64x256xi1>, vector<64x256xf32>
    %get3A_2300 = arith.constant 192 : index
    %get3A_2301 = arith.constant 8448 : index
    %get3A_2302 = vector.load %arg5[%get3A_2300, %get3A_2301] : memref<512x9984xf32, #tpu.memory_space<vmem>>, vector<64x256xf32>
    %lt3A_2303 = arith.cmpf olt, %get3A_2302, %select_n3A_2293 : vector<64x256xf32>
    %select_n3A_2304 = arith.select %lt3A_2303, %get3A_2302, %select_n3A_2293 : vector<64x256xi1>, vector<64x256xf32>
    %add3A_2305 = arith.constant 8.448000e+03 : f32
    %add3A_2306 = vector.broadcast %add3A_2305 : f32 to vector<1x256xf32>
    %add3A_2307 = arith.addf %convert_element_type3A, %add3A_2306 : vector<1x256xf32>
    %broadcast_in_dim3A_2308 = vector.shape_cast %add3A_2307 : vector<1x256xf32> to vector<1x256xf32>
    %broadcast_in_dim3A_2309 = vector.broadcast %broadcast_in_dim3A_2308 : vector<1x256xf32> to vector<64x256xf32>
    %select_n3A_2310 = arith.select %lt3A_2303, %broadcast_in_dim3A_2309, %select_n3A_2299 : vector<64x256xi1>, vector<64x256xf32>
    %get3A_2311 = arith.constant 192 : index
    %get3A_2312 = arith.constant 8704 : index
    %get3A_2313 = vector.load %arg5[%get3A_2311, %get3A_2312] : memref<512x9984xf32, #tpu.memory_space<vmem>>, vector<64x256xf32>
    %lt3A_2314 = arith.cmpf olt, %get3A_2313, %select_n3A_2304 : vector<64x256xf32>
    %select_n3A_2315 = arith.select %lt3A_2314, %get3A_2313, %select_n3A_2304 : vector<64x256xi1>, vector<64x256xf32>
    %add3A_2316 = arith.constant 8.704000e+03 : f32
    %add3A_2317 = vector.broadcast %add3A_2316 : f32 to vector<1x256xf32>
    %add3A_2318 = arith.addf %convert_element_type3A, %add3A_2317 : vector<1x256xf32>
    %broadcast_in_dim3A_2319 = vector.shape_cast %add3A_2318 : vector<1x256xf32> to vector<1x256xf32>
    %broadcast_in_dim3A_2320 = vector.broadcast %broadcast_in_dim3A_2319 : vector<1x256xf32> to vector<64x256xf32>
    %select_n3A_2321 = arith.select %lt3A_2314, %broadcast_in_dim3A_2320, %select_n3A_2310 : vector<64x256xi1>, vector<64x256xf32>
    %get3A_2322 = arith.constant 192 : index
    %get3A_2323 = arith.constant 8960 : index
    %get3A_2324 = vector.load %arg5[%get3A_2322, %get3A_2323] : memref<512x9984xf32, #tpu.memory_space<vmem>>, vector<64x256xf32>
    %lt3A_2325 = arith.cmpf olt, %get3A_2324, %select_n3A_2315 : vector<64x256xf32>
    %select_n3A_2326 = arith.select %lt3A_2325, %get3A_2324, %select_n3A_2315 : vector<64x256xi1>, vector<64x256xf32>
    %add3A_2327 = arith.constant 8.960000e+03 : f32
    %add3A_2328 = vector.broadcast %add3A_2327 : f32 to vector<1x256xf32>
    %add3A_2329 = arith.addf %convert_element_type3A, %add3A_2328 : vector<1x256xf32>
    %broadcast_in_dim3A_2330 = vector.shape_cast %add3A_2329 : vector<1x256xf32> to vector<1x256xf32>
    %broadcast_in_dim3A_2331 = vector.broadcast %broadcast_in_dim3A_2330 : vector<1x256xf32> to vector<64x256xf32>
    %select_n3A_2332 = arith.select %lt3A_2325, %broadcast_in_dim3A_2331, %select_n3A_2321 : vector<64x256xi1>, vector<64x256xf32>
    %get3A_2333 = arith.constant 192 : index
    %get3A_2334 = arith.constant 9216 : index
    %get3A_2335 = vector.load %arg5[%get3A_2333, %get3A_2334] : memref<512x9984xf32, #tpu.memory_space<vmem>>, vector<64x256xf32>
    %lt3A_2336 = arith.cmpf olt, %get3A_2335, %select_n3A_2326 : vector<64x256xf32>
    %select_n3A_2337 = arith.select %lt3A_2336, %get3A_2335, %select_n3A_2326 : vector<64x256xi1>, vector<64x256xf32>
    %add3A_2338 = arith.constant 9.216000e+03 : f32
    %add3A_2339 = vector.broadcast %add3A_2338 : f32 to vector<1x256xf32>
    %add3A_2340 = arith.addf %convert_element_type3A, %add3A_2339 : vector<1x256xf32>
    %broadcast_in_dim3A_2341 = vector.shape_cast %add3A_2340 : vector<1x256xf32> to vector<1x256xf32>
    %broadcast_in_dim3A_2342 = vector.broadcast %broadcast_in_dim3A_2341 : vector<1x256xf32> to vector<64x256xf32>
    %select_n3A_2343 = arith.select %lt3A_2336, %broadcast_in_dim3A_2342, %select_n3A_2332 : vector<64x256xi1>, vector<64x256xf32>
    %get3A_2344 = arith.constant 192 : index
    %get3A_2345 = arith.constant 9472 : index
    %get3A_2346 = vector.load %arg5[%get3A_2344, %get3A_2345] : memref<512x9984xf32, #tpu.memory_space<vmem>>, vector<64x256xf32>
    %lt3A_2347 = arith.cmpf olt, %get3A_2346, %select_n3A_2337 : vector<64x256xf32>
    %select_n3A_2348 = arith.select %lt3A_2347, %get3A_2346, %select_n3A_2337 : vector<64x256xi1>, vector<64x256xf32>
    %add3A_2349 = arith.constant 9.472000e+03 : f32
    %add3A_2350 = vector.broadcast %add3A_2349 : f32 to vector<1x256xf32>
    %add3A_2351 = arith.addf %convert_element_type3A, %add3A_2350 : vector<1x256xf32>
    %broadcast_in_dim3A_2352 = vector.shape_cast %add3A_2351 : vector<1x256xf32> to vector<1x256xf32>
    %broadcast_in_dim3A_2353 = vector.broadcast %broadcast_in_dim3A_2352 : vector<1x256xf32> to vector<64x256xf32>
    %select_n3A_2354 = arith.select %lt3A_2347, %broadcast_in_dim3A_2353, %select_n3A_2343 : vector<64x256xi1>, vector<64x256xf32>
    %get3A_2355 = arith.constant 192 : index
    %get3A_2356 = arith.constant 9728 : index
    %get3A_2357 = vector.load %arg5[%get3A_2355, %get3A_2356] : memref<512x9984xf32, #tpu.memory_space<vmem>>, vector<64x256xf32>
    %lt3A_2358 = arith.cmpf olt, %get3A_2357, %select_n3A_2348 : vector<64x256xf32>
    %select_n3A_2359 = arith.select %lt3A_2358, %get3A_2357, %select_n3A_2348 : vector<64x256xi1>, vector<64x256xf32>
    %add3A_2360 = arith.constant 9.728000e+03 : f32
    %add3A_2361 = vector.broadcast %add3A_2360 : f32 to vector<1x256xf32>
    %add3A_2362 = arith.addf %convert_element_type3A, %add3A_2361 : vector<1x256xf32>
    %broadcast_in_dim3A_2363 = vector.shape_cast %add3A_2362 : vector<1x256xf32> to vector<1x256xf32>
    %broadcast_in_dim3A_2364 = vector.broadcast %broadcast_in_dim3A_2363 : vector<1x256xf32> to vector<64x256xf32>
    %select_n3A_2365 = arith.select %lt3A_2358, %broadcast_in_dim3A_2364, %select_n3A_2354 : vector<64x256xi1>, vector<64x256xf32>
    %reduce_min3A_2366 = arith.constant dense<0x7F800000> : vector<64xf32>
    %reduce_min3A_2367 = vector.multi_reduction <minimumf>, %select_n3A_2359, %reduce_min3A_2366 [1] : vector<64x256xf32> to vector<64xf32>
    %broadcast_in_dim3A_2368 = vector.shape_cast %reduce_min3A_2367 : vector<64xf32> to vector<64x1xf32>
    %eq3A_2369 = vector.broadcast %broadcast_in_dim3A_2368 : vector<64x1xf32> to vector<64x256xf32>
    %eq3A_2370 = arith.cmpf oeq, %select_n3A_2359, %eq3A_2369 : vector<64x256xf32>
    %jit3A_2371 = arith.constant 3.000000e+38 : f32
    %broadcast_in_dim3A_2372 = vector.broadcast %jit3A_2371 : f32 to vector<64x256xf32>
    %select_n3A_2373 = arith.select %eq3A_2370, %select_n3A_2365, %broadcast_in_dim3A_2372 : vector<64x256xi1>, vector<64x256xf32>
    %reduce_min3A_2374 = arith.constant dense<0x7F800000> : vector<64xf32>
    %reduce_min3A_2375 = vector.multi_reduction <minimumf>, %select_n3A_2373, %reduce_min3A_2374 [1] : vector<64x256xf32> to vector<64xf32>
    %convert_element_type3A_2376 = arith.fptosi %reduce_min3A_2375 : vector<64xf32> to vector<64xi32>
    %swap3A_2377 = arith.constant 0 : index
    %swap3A_2378 = arith.constant 0 : index
    %swap3A_2379 = arith.constant 192 : index
    %swap3A_2380 = vector.load %arg4[%swap3A_2377, %swap3A_2378, %swap3A_2379] : memref<1x1x512xi32, #tpu.memory_space<vmem>>, vector<1x1x64xi32>
    %swap3A_2381 = vector.shape_cast %swap3A_2380 : vector<1x1x64xi32> to vector<64xi32>
    %swap3A_2382 = vector.shape_cast %convert_element_type3A_2376 : vector<64xi32> to vector<1x1x64xi32>
    tpu.vector_store %arg4[%swap3A_2377, %swap3A_2378, %swap3A_2379], %swap3A_2382 {strides = array<i32>} : memref<1x1x512xi32, #tpu.memory_space<vmem>>, vector<1x1x64xi32>,
    %broadcast_in_dim3A_2383 = arith.constant 0x7F800000 : f32
    %broadcast_in_dim3A_2384 = vector.broadcast %broadcast_in_dim3A_2383 : f32 to vector<64x256xf32>
    %broadcast_in_dim3A_2385 = arith.constant 0.000000e+00 : f32
    %broadcast_in_dim3A_2386 = vector.broadcast %broadcast_in_dim3A_2385 : f32 to vector<64x256xf32>
    %get3A_2387 = arith.constant 256 : index
    %get3A_2388 = arith.constant 0 : index
    %get3A_2389 = vector.load %arg5[%get3A_2387, %get3A_2388] : memref<512x9984xf32, #tpu.memory_space<vmem>>, vector<64x256xf32>
    %lt3A_2390 = arith.cmpf olt, %get3A_2389, %broadcast_in_dim3A_2384 : vector<64x256xf32>
    %select_n3A_2391 = arith.select %lt3A_2390, %get3A_2389, %broadcast_in_dim3A_2384 : vector<64x256xi1>, vector<64x256xf32>
    %add3A_2392 = arith.constant 0.000000e+00 : f32
    %add3A_2393 = vector.broadcast %add3A_2392 : f32 to vector<1x256xf32>
    %add3A_2394 = arith.addf %convert_element_type3A, %add3A_2393 : vector<1x256xf32>
    %broadcast_in_dim3A_2395 = vector.shape_cast %add3A_2394 : vector<1x256xf32> to vector<1x256xf32>
    %broadcast_in_dim3A_2396 = vector.broadcast %broadcast_in_dim3A_2395 : vector<1x256xf32> to vector<64x256xf32>
    %select_n3A_2397 = arith.select %lt3A_2390, %broadcast_in_dim3A_2396, %broadcast_in_dim3A_2386 : vector<64x256xi1>, vector<64x256xf32>
    %get3A_2398 = arith.constant 256 : index
    %get3A_2399 = arith.constant 256 : index
    %get3A_2400 = vector.load %arg5[%get3A_2398, %get3A_2399] : memref<512x9984xf32, #tpu.memory_space<vmem>>, vector<64x256xf32>
    %lt3A_2401 = arith.cmpf olt, %get3A_2400, %select_n3A_2391 : vector<64x256xf32>
    %select_n3A_2402 = arith.select %lt3A_2401, %get3A_2400, %select_n3A_2391 : vector<64x256xi1>, vector<64x256xf32>
    %add3A_2403 = arith.constant 2.560000e+02 : f32
    %add3A_2404 = vector.broadcast %add3A_2403 : f32 to vector<1x256xf32>
    %add3A_2405 = arith.addf %convert_element_type3A, %add3A_2404 : vector<1x256xf32>
    %broadcast_in_dim3A_2406 = vector.shape_cast %add3A_2405 : vector<1x256xf32> to vector<1x256xf32>
    %broadcast_in_dim3A_2407 = vector.broadcast %broadcast_in_dim3A_2406 : vector<1x256xf32> to vector<64x256xf32>
    %select_n3A_2408 = arith.select %lt3A_2401, %broadcast_in_dim3A_2407, %select_n3A_2397 : vector<64x256xi1>, vector<64x256xf32>
    %get3A_2409 = arith.constant 256 : index
    %get3A_2410 = arith.constant 512 : index
    %get3A_2411 = vector.load %arg5[%get3A_2409, %get3A_2410] : memref<512x9984xf32, #tpu.memory_space<vmem>>, vector<64x256xf32>
    %lt3A_2412 = arith.cmpf olt, %get3A_2411, %select_n3A_2402 : vector<64x256xf32>
    %select_n3A_2413 = arith.select %lt3A_2412, %get3A_2411, %select_n3A_2402 : vector<64x256xi1>, vector<64x256xf32>
    %add3A_2414 = arith.constant 5.120000e+02 : f32
    %add3A_2415 = vector.broadcast %add3A_2414 : f32 to vector<1x256xf32>
    %add3A_2416 = arith.addf %convert_element_type3A, %add3A_2415 : vector<1x256xf32>
    %broadcast_in_dim3A_2417 = vector.shape_cast %add3A_2416 : vector<1x256xf32> to vector<1x256xf32>
    %broadcast_in_dim3A_2418 = vector.broadcast %broadcast_in_dim3A_2417 : vector<1x256xf32> to vector<64x256xf32>
    %select_n3A_2419 = arith.select %lt3A_2412, %broadcast_in_dim3A_2418, %select_n3A_2408 : vector<64x256xi1>, vector<64x256xf32>
    %get3A_2420 = arith.constant 256 : index
    %get3A_2421 = arith.constant 768 : index
    %get3A_2422 = vector.load %arg5[%get3A_2420, %get3A_2421] : memref<512x9984xf32, #tpu.memory_space<vmem>>, vector<64x256xf32>
    %lt3A_2423 = arith.cmpf olt, %get3A_2422, %select_n3A_2413 : vector<64x256xf32>
    %select_n3A_2424 = arith.select %lt3A_2423, %get3A_2422, %select_n3A_2413 : vector<64x256xi1>, vector<64x256xf32>
    %add3A_2425 = arith.constant 7.680000e+02 : f32
    %add3A_2426 = vector.broadcast %add3A_2425 : f32 to vector<1x256xf32>
    %add3A_2427 = arith.addf %convert_element_type3A, %add3A_2426 : vector<1x256xf32>
    %broadcast_in_dim3A_2428 = vector.shape_cast %add3A_2427 : vector<1x256xf32> to vector<1x256xf32>
    %broadcast_in_dim3A_2429 = vector.broadcast %broadcast_in_dim3A_2428 : vector<1x256xf32> to vector<64x256xf32>
    %select_n3A_2430 = arith.select %lt3A_2423, %broadcast_in_dim3A_2429, %select_n3A_2419 : vector<64x256xi1>, vector<64x256xf32>
    %get3A_2431 = arith.constant 256 : index
    %get3A_2432 = arith.constant 1024 : index
    %get3A_2433 = vector.load %arg5[%get3A_2431, %get3A_2432] : memref<512x9984xf32, #tpu.memory_space<vmem>>, vector<64x256xf32>
    %lt3A_2434 = arith.cmpf olt, %get3A_2433, %select_n3A_2424 : vector<64x256xf32>
    %select_n3A_2435 = arith.select %lt3A_2434, %get3A_2433, %select_n3A_2424 : vector<64x256xi1>, vector<64x256xf32>
    %add3A_2436 = arith.constant 1.024000e+03 : f32
    %add3A_2437 = vector.broadcast %add3A_2436 : f32 to vector<1x256xf32>
    %add3A_2438 = arith.addf %convert_element_type3A, %add3A_2437 : vector<1x256xf32>
    %broadcast_in_dim3A_2439 = vector.shape_cast %add3A_2438 : vector<1x256xf32> to vector<1x256xf32>
    %broadcast_in_dim3A_2440 = vector.broadcast %broadcast_in_dim3A_2439 : vector<1x256xf32> to vector<64x256xf32>
    %select_n3A_2441 = arith.select %lt3A_2434, %broadcast_in_dim3A_2440, %select_n3A_2430 : vector<64x256xi1>, vector<64x256xf32>
    %get3A_2442 = arith.constant 256 : index
    %get3A_2443 = arith.constant 1280 : index
    %get3A_2444 = vector.load %arg5[%get3A_2442, %get3A_2443] : memref<512x9984xf32, #tpu.memory_space<vmem>>, vector<64x256xf32>
    %lt3A_2445 = arith.cmpf olt, %get3A_2444, %select_n3A_2435 : vector<64x256xf32>
    %select_n3A_2446 = arith.select %lt3A_2445, %get3A_2444, %select_n3A_2435 : vector<64x256xi1>, vector<64x256xf32>
    %add3A_2447 = arith.constant 1.280000e+03 : f32
    %add3A_2448 = vector.broadcast %add3A_2447 : f32 to vector<1x256xf32>
    %add3A_2449 = arith.addf %convert_element_type3A, %add3A_2448 : vector<1x256xf32>
    %broadcast_in_dim3A_2450 = vector.shape_cast %add3A_2449 : vector<1x256xf32> to vector<1x256xf32>
    %broadcast_in_dim3A_2451 = vector.broadcast %broadcast_in_dim3A_2450 : vector<1x256xf32> to vector<64x256xf32>
    %select_n3A_2452 = arith.select %lt3A_2445, %broadcast_in_dim3A_2451, %select_n3A_2441 : vector<64x256xi1>, vector<64x256xf32>
    %get3A_2453 = arith.constant 256 : index
    %get3A_2454 = arith.constant 1536 : index
    %get3A_2455 = vector.load %arg5[%get3A_2453, %get3A_2454] : memref<512x9984xf32, #tpu.memory_space<vmem>>, vector<64x256xf32>
    %lt3A_2456 = arith.cmpf olt, %get3A_2455, %select_n3A_2446 : vector<64x256xf32>
    %select_n3A_2457 = arith.select %lt3A_2456, %get3A_2455, %select_n3A_2446 : vector<64x256xi1>, vector<64x256xf32>
    %add3A_2458 = arith.constant 1.536000e+03 : f32
    %add3A_2459 = vector.broadcast %add3A_2458 : f32 to vector<1x256xf32>
    %add3A_2460 = arith.addf %convert_element_type3A, %add3A_2459 : vector<1x256xf32>
    %broadcast_in_dim3A_2461 = vector.shape_cast %add3A_2460 : vector<1x256xf32> to vector<1x256xf32>
    %broadcast_in_dim3A_2462 = vector.broadcast %broadcast_in_dim3A_2461 : vector<1x256xf32> to vector<64x256xf32>
    %select_n3A_2463 = arith.select %lt3A_2456, %broadcast_in_dim3A_2462, %select_n3A_2452 : vector<64x256xi1>, vector<64x256xf32>
    %get3A_2464 = arith.constant 256 : index
    %get3A_2465 = arith.constant 1792 : index
    %get3A_2466 = vector.load %arg5[%get3A_2464, %get3A_2465] : memref<512x9984xf32, #tpu.memory_space<vmem>>, vector<64x256xf32>
    %lt3A_2467 = arith.cmpf olt, %get3A_2466, %select_n3A_2457 : vector<64x256xf32>
    %select_n3A_2468 = arith.select %lt3A_2467, %get3A_2466, %select_n3A_2457 : vector<64x256xi1>, vector<64x256xf32>
    %add3A_2469 = arith.constant 1.792000e+03 : f32
    %add3A_2470 = vector.broadcast %add3A_2469 : f32 to vector<1x256xf32>
    %add3A_2471 = arith.addf %convert_element_type3A, %add3A_2470 : vector<1x256xf32>
    %broadcast_in_dim3A_2472 = vector.shape_cast %add3A_2471 : vector<1x256xf32> to vector<1x256xf32>
    %broadcast_in_dim3A_2473 = vector.broadcast %broadcast_in_dim3A_2472 : vector<1x256xf32> to vector<64x256xf32>
    %select_n3A_2474 = arith.select %lt3A_2467, %broadcast_in_dim3A_2473, %select_n3A_2463 : vector<64x256xi1>, vector<64x256xf32>
    %get3A_2475 = arith.constant 256 : index
    %get3A_2476 = arith.constant 2048 : index
    %get3A_2477 = vector.load %arg5[%get3A_2475, %get3A_2476] : memref<512x9984xf32, #tpu.memory_space<vmem>>, vector<64x256xf32>
    %lt3A_2478 = arith.cmpf olt, %get3A_2477, %select_n3A_2468 : vector<64x256xf32>
    %select_n3A_2479 = arith.select %lt3A_2478, %get3A_2477, %select_n3A_2468 : vector<64x256xi1>, vector<64x256xf32>
    %add3A_2480 = arith.constant 2.048000e+03 : f32
    %add3A_2481 = vector.broadcast %add3A_2480 : f32 to vector<1x256xf32>
    %add3A_2482 = arith.addf %convert_element_type3A, %add3A_2481 : vector<1x256xf32>
    %broadcast_in_dim3A_2483 = vector.shape_cast %add3A_2482 : vector<1x256xf32> to vector<1x256xf32>
    %broadcast_in_dim3A_2484 = vector.broadcast %broadcast_in_dim3A_2483 : vector<1x256xf32> to vector<64x256xf32>
    %select_n3A_2485 = arith.select %lt3A_2478, %broadcast_in_dim3A_2484, %select_n3A_2474 : vector<64x256xi1>, vector<64x256xf32>
    %get3A_2486 = arith.constant 256 : index
    %get3A_2487 = arith.constant 2304 : index
    %get3A_2488 = vector.load %arg5[%get3A_2486, %get3A_2487] : memref<512x9984xf32, #tpu.memory_space<vmem>>, vector<64x256xf32>
    %lt3A_2489 = arith.cmpf olt, %get3A_2488, %select_n3A_2479 : vector<64x256xf32>
    %select_n3A_2490 = arith.select %lt3A_2489, %get3A_2488, %select_n3A_2479 : vector<64x256xi1>, vector<64x256xf32>
    %add3A_2491 = arith.constant 2.304000e+03 : f32
    %add3A_2492 = vector.broadcast %add3A_2491 : f32 to vector<1x256xf32>
    %add3A_2493 = arith.addf %convert_element_type3A, %add3A_2492 : vector<1x256xf32>
    %broadcast_in_dim3A_2494 = vector.shape_cast %add3A_2493 : vector<1x256xf32> to vector<1x256xf32>
    %broadcast_in_dim3A_2495 = vector.broadcast %broadcast_in_dim3A_2494 : vector<1x256xf32> to vector<64x256xf32>
    %select_n3A_2496 = arith.select %lt3A_2489, %broadcast_in_dim3A_2495, %select_n3A_2485 : vector<64x256xi1>, vector<64x256xf32>
    %get3A_2497 = arith.constant 256 : index
    %get3A_2498 = arith.constant 2560 : index
    %get3A_2499 = vector.load %arg5[%get3A_2497, %get3A_2498] : memref<512x9984xf32, #tpu.memory_space<vmem>>, vector<64x256xf32>
    %lt3A_2500 = arith.cmpf olt, %get3A_2499, %select_n3A_2490 : vector<64x256xf32>
    %select_n3A_2501 = arith.select %lt3A_2500, %get3A_2499, %select_n3A_2490 : vector<64x256xi1>, vector<64x256xf32>
    %add3A_2502 = arith.constant 2.560000e+03 : f32
    %add3A_2503 = vector.broadcast %add3A_2502 : f32 to vector<1x256xf32>
    %add3A_2504 = arith.addf %convert_element_type3A, %add3A_2503 : vector<1x256xf32>
    %broadcast_in_dim3A_2505 = vector.shape_cast %add3A_2504 : vector<1x256xf32> to vector<1x256xf32>
    %broadcast_in_dim3A_2506 = vector.broadcast %broadcast_in_dim3A_2505 : vector<1x256xf32> to vector<64x256xf32>
    %select_n3A_2507 = arith.select %lt3A_2500, %broadcast_in_dim3A_2506, %select_n3A_2496 : vector<64x256xi1>, vector<64x256xf32>
    %get3A_2508 = arith.constant 256 : index
    %get3A_2509 = arith.constant 2816 : index
    %get3A_2510 = vector.load %arg5[%get3A_2508, %get3A_2509] : memref<512x9984xf32, #tpu.memory_space<vmem>>, vector<64x256xf32>
    %lt3A_2511 = arith.cmpf olt, %get3A_2510, %select_n3A_2501 : vector<64x256xf32>
    %select_n3A_2512 = arith.select %lt3A_2511, %get3A_2510, %select_n3A_2501 : vector<64x256xi1>, vector<64x256xf32>
    %add3A_2513 = arith.constant 2.816000e+03 : f32
    %add3A_2514 = vector.broadcast %add3A_2513 : f32 to vector<1x256xf32>
    %add3A_2515 = arith.addf %convert_element_type3A, %add3A_2514 : vector<1x256xf32>
    %broadcast_in_dim3A_2516 = vector.shape_cast %add3A_2515 : vector<1x256xf32> to vector<1x256xf32>
    %broadcast_in_dim3A_2517 = vector.broadcast %broadcast_in_dim3A_2516 : vector<1x256xf32> to vector<64x256xf32>
    %select_n3A_2518 = arith.select %lt3A_2511, %broadcast_in_dim3A_2517, %select_n3A_2507 : vector<64x256xi1>, vector<64x256xf32>
    %get3A_2519 = arith.constant 256 : index
    %get3A_2520 = arith.constant 3072 : index
    %get3A_2521 = vector.load %arg5[%get3A_2519, %get3A_2520] : memref<512x9984xf32, #tpu.memory_space<vmem>>, vector<64x256xf32>
    %lt3A_2522 = arith.cmpf olt, %get3A_2521, %select_n3A_2512 : vector<64x256xf32>
    %select_n3A_2523 = arith.select %lt3A_2522, %get3A_2521, %select_n3A_2512 : vector<64x256xi1>, vector<64x256xf32>
    %add3A_2524 = arith.constant 3.072000e+03 : f32
    %add3A_2525 = vector.broadcast %add3A_2524 : f32 to vector<1x256xf32>
    %add3A_2526 = arith.addf %convert_element_type3A, %add3A_2525 : vector<1x256xf32>
    %broadcast_in_dim3A_2527 = vector.shape_cast %add3A_2526 : vector<1x256xf32> to vector<1x256xf32>
    %broadcast_in_dim3A_2528 = vector.broadcast %broadcast_in_dim3A_2527 : vector<1x256xf32> to vector<64x256xf32>
    %select_n3A_2529 = arith.select %lt3A_2522, %broadcast_in_dim3A_2528, %select_n3A_2518 : vector<64x256xi1>, vector<64x256xf32>
    %get3A_2530 = arith.constant 256 : index
    %get3A_2531 = arith.constant 3328 : index
    %get3A_2532 = vector.load %arg5[%get3A_2530, %get3A_2531] : memref<512x9984xf32, #tpu.memory_space<vmem>>, vector<64x256xf32>
    %lt3A_2533 = arith.cmpf olt, %get3A_2532, %select_n3A_2523 : vector<64x256xf32>
    %select_n3A_2534 = arith.select %lt3A_2533, %get3A_2532, %select_n3A_2523 : vector<64x256xi1>, vector<64x256xf32>
    %add3A_2535 = arith.constant 3.328000e+03 : f32
    %add3A_2536 = vector.broadcast %add3A_2535 : f32 to vector<1x256xf32>
    %add3A_2537 = arith.addf %convert_element_type3A, %add3A_2536 : vector<1x256xf32>
    %broadcast_in_dim3A_2538 = vector.shape_cast %add3A_2537 : vector<1x256xf32> to vector<1x256xf32>
    %broadcast_in_dim3A_2539 = vector.broadcast %broadcast_in_dim3A_2538 : vector<1x256xf32> to vector<64x256xf32>
    %select_n3A_2540 = arith.select %lt3A_2533, %broadcast_in_dim3A_2539, %select_n3A_2529 : vector<64x256xi1>, vector<64x256xf32>
    %get3A_2541 = arith.constant 256 : index
    %get3A_2542 = arith.constant 3584 : index
    %get3A_2543 = vector.load %arg5[%get3A_2541, %get3A_2542] : memref<512x9984xf32, #tpu.memory_space<vmem>>, vector<64x256xf32>
    %lt3A_2544 = arith.cmpf olt, %get3A_2543, %select_n3A_2534 : vector<64x256xf32>
    %select_n3A_2545 = arith.select %lt3A_2544, %get3A_2543, %select_n3A_2534 : vector<64x256xi1>, vector<64x256xf32>
    %add3A_2546 = arith.constant 3.584000e+03 : f32
    %add3A_2547 = vector.broadcast %add3A_2546 : f32 to vector<1x256xf32>
    %add3A_2548 = arith.addf %convert_element_type3A, %add3A_2547 : vector<1x256xf32>
    %broadcast_in_dim3A_2549 = vector.shape_cast %add3A_2548 : vector<1x256xf32> to vector<1x256xf32>
    %broadcast_in_dim3A_2550 = vector.broadcast %broadcast_in_dim3A_2549 : vector<1x256xf32> to vector<64x256xf32>
    %select_n3A_2551 = arith.select %lt3A_2544, %broadcast_in_dim3A_2550, %select_n3A_2540 : vector<64x256xi1>, vector<64x256xf32>
    %get3A_2552 = arith.constant 256 : index
    %get3A_2553 = arith.constant 3840 : index
    %get3A_2554 = vector.load %arg5[%get3A_2552, %get3A_2553] : memref<512x9984xf32, #tpu.memory_space<vmem>>, vector<64x256xf32>
    %lt3A_2555 = arith.cmpf olt, %get3A_2554, %select_n3A_2545 : vector<64x256xf32>
    %select_n3A_2556 = arith.select %lt3A_2555, %get3A_2554, %select_n3A_2545 : vector<64x256xi1>, vector<64x256xf32>
    %add3A_2557 = arith.constant 3.840000e+03 : f32
    %add3A_2558 = vector.broadcast %add3A_2557 : f32 to vector<1x256xf32>
    %add3A_2559 = arith.addf %convert_element_type3A, %add3A_2558 : vector<1x256xf32>
    %broadcast_in_dim3A_2560 = vector.shape_cast %add3A_2559 : vector<1x256xf32> to vector<1x256xf32>
    %broadcast_in_dim3A_2561 = vector.broadcast %broadcast_in_dim3A_2560 : vector<1x256xf32> to vector<64x256xf32>
    %select_n3A_2562 = arith.select %lt3A_2555, %broadcast_in_dim3A_2561, %select_n3A_2551 : vector<64x256xi1>, vector<64x256xf32>
    %get3A_2563 = arith.constant 256 : index
    %get3A_2564 = arith.constant 4096 : index
    %get3A_2565 = vector.load %arg5[%get3A_2563, %get3A_2564] : memref<512x9984xf32, #tpu.memory_space<vmem>>, vector<64x256xf32>
    %lt3A_2566 = arith.cmpf olt, %get3A_2565, %select_n3A_2556 : vector<64x256xf32>
    %select_n3A_2567 = arith.select %lt3A_2566, %get3A_2565, %select_n3A_2556 : vector<64x256xi1>, vector<64x256xf32>
    %add3A_2568 = arith.constant 4.096000e+03 : f32
    %add3A_2569 = vector.broadcast %add3A_2568 : f32 to vector<1x256xf32>
    %add3A_2570 = arith.addf %convert_element_type3A, %add3A_2569 : vector<1x256xf32>
    %broadcast_in_dim3A_2571 = vector.shape_cast %add3A_2570 : vector<1x256xf32> to vector<1x256xf32>
    %broadcast_in_dim3A_2572 = vector.broadcast %broadcast_in_dim3A_2571 : vector<1x256xf32> to vector<64x256xf32>
    %select_n3A_2573 = arith.select %lt3A_2566, %broadcast_in_dim3A_2572, %select_n3A_2562 : vector<64x256xi1>, vector<64x256xf32>
    %get3A_2574 = arith.constant 256 : index
    %get3A_2575 = arith.constant 4352 : index
    %get3A_2576 = vector.load %arg5[%get3A_2574, %get3A_2575] : memref<512x9984xf32, #tpu.memory_space<vmem>>, vector<64x256xf32>
    %lt3A_2577 = arith.cmpf olt, %get3A_2576, %select_n3A_2567 : vector<64x256xf32>
    %select_n3A_2578 = arith.select %lt3A_2577, %get3A_2576, %select_n3A_2567 : vector<64x256xi1>, vector<64x256xf32>
    %add3A_2579 = arith.constant 4.352000e+03 : f32
    %add3A_2580 = vector.broadcast %add3A_2579 : f32 to vector<1x256xf32>
    %add3A_2581 = arith.addf %convert_element_type3A, %add3A_2580 : vector<1x256xf32>
    %broadcast_in_dim3A_2582 = vector.shape_cast %add3A_2581 : vector<1x256xf32> to vector<1x256xf32>
    %broadcast_in_dim3A_2583 = vector.broadcast %broadcast_in_dim3A_2582 : vector<1x256xf32> to vector<64x256xf32>
    %select_n3A_2584 = arith.select %lt3A_2577, %broadcast_in_dim3A_2583, %select_n3A_2573 : vector<64x256xi1>, vector<64x256xf32>
    %get3A_2585 = arith.constant 256 : index
    %get3A_2586 = arith.constant 4608 : index
    %get3A_2587 = vector.load %arg5[%get3A_2585, %get3A_2586] : memref<512x9984xf32, #tpu.memory_space<vmem>>, vector<64x256xf32>
    %lt3A_2588 = arith.cmpf olt, %get3A_2587, %select_n3A_2578 : vector<64x256xf32>
    %select_n3A_2589 = arith.select %lt3A_2588, %get3A_2587, %select_n3A_2578 : vector<64x256xi1>, vector<64x256xf32>
    %add3A_2590 = arith.constant 4.608000e+03 : f32
    %add3A_2591 = vector.broadcast %add3A_2590 : f32 to vector<1x256xf32>
    %add3A_2592 = arith.addf %convert_element_type3A, %add3A_2591 : vector<1x256xf32>
    %broadcast_in_dim3A_2593 = vector.shape_cast %add3A_2592 : vector<1x256xf32> to vector<1x256xf32>
    %broadcast_in_dim3A_2594 = vector.broadcast %broadcast_in_dim3A_2593 : vector<1x256xf32> to vector<64x256xf32>
    %select_n3A_2595 = arith.select %lt3A_2588, %broadcast_in_dim3A_2594, %select_n3A_2584 : vector<64x256xi1>, vector<64x256xf32>
    %get3A_2596 = arith.constant 256 : index
    %get3A_2597 = arith.constant 4864 : index
    %get3A_2598 = vector.load %arg5[%get3A_2596, %get3A_2597] : memref<512x9984xf32, #tpu.memory_space<vmem>>, vector<64x256xf32>
    %lt3A_2599 = arith.cmpf olt, %get3A_2598, %select_n3A_2589 : vector<64x256xf32>
    %select_n3A_2600 = arith.select %lt3A_2599, %get3A_2598, %select_n3A_2589 : vector<64x256xi1>, vector<64x256xf32>
    %add3A_2601 = arith.constant 4.864000e+03 : f32
    %add3A_2602 = vector.broadcast %add3A_2601 : f32 to vector<1x256xf32>
    %add3A_2603 = arith.addf %convert_element_type3A, %add3A_2602 : vector<1x256xf32>
    %broadcast_in_dim3A_2604 = vector.shape_cast %add3A_2603 : vector<1x256xf32> to vector<1x256xf32>
    %broadcast_in_dim3A_2605 = vector.broadcast %broadcast_in_dim3A_2604 : vector<1x256xf32> to vector<64x256xf32>
    %select_n3A_2606 = arith.select %lt3A_2599, %broadcast_in_dim3A_2605, %select_n3A_2595 : vector<64x256xi1>, vector<64x256xf32>
    %get3A_2607 = arith.constant 256 : index
    %get3A_2608 = arith.constant 5120 : index
    %get3A_2609 = vector.load %arg5[%get3A_2607, %get3A_2608] : memref<512x9984xf32, #tpu.memory_space<vmem>>, vector<64x256xf32>
    %lt3A_2610 = arith.cmpf olt, %get3A_2609, %select_n3A_2600 : vector<64x256xf32>
    %select_n3A_2611 = arith.select %lt3A_2610, %get3A_2609, %select_n3A_2600 : vector<64x256xi1>, vector<64x256xf32>
    %add3A_2612 = arith.constant 5.120000e+03 : f32
    %add3A_2613 = vector.broadcast %add3A_2612 : f32 to vector<1x256xf32>
    %add3A_2614 = arith.addf %convert_element_type3A, %add3A_2613 : vector<1x256xf32>
    %broadcast_in_dim3A_2615 = vector.shape_cast %add3A_2614 : vector<1x256xf32> to vector<1x256xf32>
    %broadcast_in_dim3A_2616 = vector.broadcast %broadcast_in_dim3A_2615 : vector<1x256xf32> to vector<64x256xf32>
    %select_n3A_2617 = arith.select %lt3A_2610, %broadcast_in_dim3A_2616, %select_n3A_2606 : vector<64x256xi1>, vector<64x256xf32>
    %get3A_2618 = arith.constant 256 : index
    %get3A_2619 = arith.constant 5376 : index
    %get3A_2620 = vector.load %arg5[%get3A_2618, %get3A_2619] : memref<512x9984xf32, #tpu.memory_space<vmem>>, vector<64x256xf32>
    %lt3A_2621 = arith.cmpf olt, %get3A_2620, %select_n3A_2611 : vector<64x256xf32>
    %select_n3A_2622 = arith.select %lt3A_2621, %get3A_2620, %select_n3A_2611 : vector<64x256xi1>, vector<64x256xf32>
    %add3A_2623 = arith.constant 5.376000e+03 : f32
    %add3A_2624 = vector.broadcast %add3A_2623 : f32 to vector<1x256xf32>
    %add3A_2625 = arith.addf %convert_element_type3A, %add3A_2624 : vector<1x256xf32>
    %broadcast_in_dim3A_2626 = vector.shape_cast %add3A_2625 : vector<1x256xf32> to vector<1x256xf32>
    %broadcast_in_dim3A_2627 = vector.broadcast %broadcast_in_dim3A_2626 : vector<1x256xf32> to vector<64x256xf32>
    %select_n3A_2628 = arith.select %lt3A_2621, %broadcast_in_dim3A_2627, %select_n3A_2617 : vector<64x256xi1>, vector<64x256xf32>
    %get3A_2629 = arith.constant 256 : index
    %get3A_2630 = arith.constant 5632 : index
    %get3A_2631 = vector.load %arg5[%get3A_2629, %get3A_2630] : memref<512x9984xf32, #tpu.memory_space<vmem>>, vector<64x256xf32>
    %lt3A_2632 = arith.cmpf olt, %get3A_2631, %select_n3A_2622 : vector<64x256xf32>
    %select_n3A_2633 = arith.select %lt3A_2632, %get3A_2631, %select_n3A_2622 : vector<64x256xi1>, vector<64x256xf32>
    %add3A_2634 = arith.constant 5.632000e+03 : f32
    %add3A_2635 = vector.broadcast %add3A_2634 : f32 to vector<1x256xf32>
    %add3A_2636 = arith.addf %convert_element_type3A, %add3A_2635 : vector<1x256xf32>
    %broadcast_in_dim3A_2637 = vector.shape_cast %add3A_2636 : vector<1x256xf32> to vector<1x256xf32>
    %broadcast_in_dim3A_2638 = vector.broadcast %broadcast_in_dim3A_2637 : vector<1x256xf32> to vector<64x256xf32>
    %select_n3A_2639 = arith.select %lt3A_2632, %broadcast_in_dim3A_2638, %select_n3A_2628 : vector<64x256xi1>, vector<64x256xf32>
    %get3A_2640 = arith.constant 256 : index
    %get3A_2641 = arith.constant 5888 : index
    %get3A_2642 = vector.load %arg5[%get3A_2640, %get3A_2641] : memref<512x9984xf32, #tpu.memory_space<vmem>>, vector<64x256xf32>
    %lt3A_2643 = arith.cmpf olt, %get3A_2642, %select_n3A_2633 : vector<64x256xf32>
    %select_n3A_2644 = arith.select %lt3A_2643, %get3A_2642, %select_n3A_2633 : vector<64x256xi1>, vector<64x256xf32>
    %add3A_2645 = arith.constant 5.888000e+03 : f32
    %add3A_2646 = vector.broadcast %add3A_2645 : f32 to vector<1x256xf32>
    %add3A_2647 = arith.addf %convert_element_type3A, %add3A_2646 : vector<1x256xf32>
    %broadcast_in_dim3A_2648 = vector.shape_cast %add3A_2647 : vector<1x256xf32> to vector<1x256xf32>
    %broadcast_in_dim3A_2649 = vector.broadcast %broadcast_in_dim3A_2648 : vector<1x256xf32> to vector<64x256xf32>
    %select_n3A_2650 = arith.select %lt3A_2643, %broadcast_in_dim3A_2649, %select_n3A_2639 : vector<64x256xi1>, vector<64x256xf32>
    %get3A_2651 = arith.constant 256 : index
    %get3A_2652 = arith.constant 6144 : index
    %get3A_2653 = vector.load %arg5[%get3A_2651, %get3A_2652] : memref<512x9984xf32, #tpu.memory_space<vmem>>, vector<64x256xf32>
    %lt3A_2654 = arith.cmpf olt, %get3A_2653, %select_n3A_2644 : vector<64x256xf32>
    %select_n3A_2655 = arith.select %lt3A_2654, %get3A_2653, %select_n3A_2644 : vector<64x256xi1>, vector<64x256xf32>
    %add3A_2656 = arith.constant 6.144000e+03 : f32
    %add3A_2657 = vector.broadcast %add3A_2656 : f32 to vector<1x256xf32>
    %add3A_2658 = arith.addf %convert_element_type3A, %add3A_2657 : vector<1x256xf32>
    %broadcast_in_dim3A_2659 = vector.shape_cast %add3A_2658 : vector<1x256xf32> to vector<1x256xf32>
    %broadcast_in_dim3A_2660 = vector.broadcast %broadcast_in_dim3A_2659 : vector<1x256xf32> to vector<64x256xf32>
    %select_n3A_2661 = arith.select %lt3A_2654, %broadcast_in_dim3A_2660, %select_n3A_2650 : vector<64x256xi1>, vector<64x256xf32>
    %get3A_2662 = arith.constant 256 : index
    %get3A_2663 = arith.constant 6400 : index
    %get3A_2664 = vector.load %arg5[%get3A_2662, %get3A_2663] : memref<512x9984xf32, #tpu.memory_space<vmem>>, vector<64x256xf32>
    %lt3A_2665 = arith.cmpf olt, %get3A_2664, %select_n3A_2655 : vector<64x256xf32>
    %select_n3A_2666 = arith.select %lt3A_2665, %get3A_2664, %select_n3A_2655 : vector<64x256xi1>, vector<64x256xf32>
    %add3A_2667 = arith.constant 6.400000e+03 : f32
    %add3A_2668 = vector.broadcast %add3A_2667 : f32 to vector<1x256xf32>
    %add3A_2669 = arith.addf %convert_element_type3A, %add3A_2668 : vector<1x256xf32>
    %broadcast_in_dim3A_2670 = vector.shape_cast %add3A_2669 : vector<1x256xf32> to vector<1x256xf32>
    %broadcast_in_dim3A_2671 = vector.broadcast %broadcast_in_dim3A_2670 : vector<1x256xf32> to vector<64x256xf32>
    %select_n3A_2672 = arith.select %lt3A_2665, %broadcast_in_dim3A_2671, %select_n3A_2661 : vector<64x256xi1>, vector<64x256xf32>
    %get3A_2673 = arith.constant 256 : index
    %get3A_2674 = arith.constant 6656 : index
    %get3A_2675 = vector.load %arg5[%get3A_2673, %get3A_2674] : memref<512x9984xf32, #tpu.memory_space<vmem>>, vector<64x256xf32>
    %lt3A_2676 = arith.cmpf olt, %get3A_2675, %select_n3A_2666 : vector<64x256xf32>
    %select_n3A_2677 = arith.select %lt3A_2676, %get3A_2675, %select_n3A_2666 : vector<64x256xi1>, vector<64x256xf32>
    %add3A_2678 = arith.constant 6.656000e+03 : f32
    %add3A_2679 = vector.broadcast %add3A_2678 : f32 to vector<1x256xf32>
    %add3A_2680 = arith.addf %convert_element_type3A, %add3A_2679 : vector<1x256xf32>
    %broadcast_in_dim3A_2681 = vector.shape_cast %add3A_2680 : vector<1x256xf32> to vector<1x256xf32>
    %broadcast_in_dim3A_2682 = vector.broadcast %broadcast_in_dim3A_2681 : vector<1x256xf32> to vector<64x256xf32>
    %select_n3A_2683 = arith.select %lt3A_2676, %broadcast_in_dim3A_2682, %select_n3A_2672 : vector<64x256xi1>, vector<64x256xf32>
    %get3A_2684 = arith.constant 256 : index
    %get3A_2685 = arith.constant 6912 : index
    %get3A_2686 = vector.load %arg5[%get3A_2684, %get3A_2685] : memref<512x9984xf32, #tpu.memory_space<vmem>>, vector<64x256xf32>
    %lt3A_2687 = arith.cmpf olt, %get3A_2686, %select_n3A_2677 : vector<64x256xf32>
    %select_n3A_2688 = arith.select %lt3A_2687, %get3A_2686, %select_n3A_2677 : vector<64x256xi1>, vector<64x256xf32>
    %add3A_2689 = arith.constant 6.912000e+03 : f32
    %add3A_2690 = vector.broadcast %add3A_2689 : f32 to vector<1x256xf32>
    %add3A_2691 = arith.addf %convert_element_type3A, %add3A_2690 : vector<1x256xf32>
    %broadcast_in_dim3A_2692 = vector.shape_cast %add3A_2691 : vector<1x256xf32> to vector<1x256xf32>
    %broadcast_in_dim3A_2693 = vector.broadcast %broadcast_in_dim3A_2692 : vector<1x256xf32> to vector<64x256xf32>
    %select_n3A_2694 = arith.select %lt3A_2687, %broadcast_in_dim3A_2693, %select_n3A_2683 : vector<64x256xi1>, vector<64x256xf32>
    %get3A_2695 = arith.constant 256 : index
    %get3A_2696 = arith.constant 7168 : index
    %get3A_2697 = vector.load %arg5[%get3A_2695, %get3A_2696] : memref<512x9984xf32, #tpu.memory_space<vmem>>, vector<64x256xf32>
    %lt3A_2698 = arith.cmpf olt, %get3A_2697, %select_n3A_2688 : vector<64x256xf32>
    %select_n3A_2699 = arith.select %lt3A_2698, %get3A_2697, %select_n3A_2688 : vector<64x256xi1>, vector<64x256xf32>
    %add3A_2700 = arith.constant 7.168000e+03 : f32
    %add3A_2701 = vector.broadcast %add3A_2700 : f32 to vector<1x256xf32>
    %add3A_2702 = arith.addf %convert_element_type3A, %add3A_2701 : vector<1x256xf32>
    %broadcast_in_dim3A_2703 = vector.shape_cast %add3A_2702 : vector<1x256xf32> to vector<1x256xf32>
    %broadcast_in_dim3A_2704 = vector.broadcast %broadcast_in_dim3A_2703 : vector<1x256xf32> to vector<64x256xf32>
    %select_n3A_2705 = arith.select %lt3A_2698, %broadcast_in_dim3A_2704, %select_n3A_2694 : vector<64x256xi1>, vector<64x256xf32>
    %get3A_2706 = arith.constant 256 : index
    %get3A_2707 = arith.constant 7424 : index
    %get3A_2708 = vector.load %arg5[%get3A_2706, %get3A_2707] : memref<512x9984xf32, #tpu.memory_space<vmem>>, vector<64x256xf32>
    %lt3A_2709 = arith.cmpf olt, %get3A_2708, %select_n3A_2699 : vector<64x256xf32>
    %select_n3A_2710 = arith.select %lt3A_2709, %get3A_2708, %select_n3A_2699 : vector<64x256xi1>, vector<64x256xf32>
    %add3A_2711 = arith.constant 7.424000e+03 : f32
    %add3A_2712 = vector.broadcast %add3A_2711 : f32 to vector<1x256xf32>
    %add3A_2713 = arith.addf %convert_element_type3A, %add3A_2712 : vector<1x256xf32>
    %broadcast_in_dim3A_2714 = vector.shape_cast %add3A_2713 : vector<1x256xf32> to vector<1x256xf32>
    %broadcast_in_dim3A_2715 = vector.broadcast %broadcast_in_dim3A_2714 : vector<1x256xf32> to vector<64x256xf32>
    %select_n3A_2716 = arith.select %lt3A_2709, %broadcast_in_dim3A_2715, %select_n3A_2705 : vector<64x256xi1>, vector<64x256xf32>
    %get3A_2717 = arith.constant 256 : index
    %get3A_2718 = arith.constant 7680 : index
    %get3A_2719 = vector.load %arg5[%get3A_2717, %get3A_2718] : memref<512x9984xf32, #tpu.memory_space<vmem>>, vector<64x256xf32>
    %lt3A_2720 = arith.cmpf olt, %get3A_2719, %select_n3A_2710 : vector<64x256xf32>
    %select_n3A_2721 = arith.select %lt3A_2720, %get3A_2719, %select_n3A_2710 : vector<64x256xi1>, vector<64x256xf32>
    %add3A_2722 = arith.constant 7.680000e+03 : f32
    %add3A_2723 = vector.broadcast %add3A_2722 : f32 to vector<1x256xf32>
    %add3A_2724 = arith.addf %convert_element_type3A, %add3A_2723 : vector<1x256xf32>
    %broadcast_in_dim3A_2725 = vector.shape_cast %add3A_2724 : vector<1x256xf32> to vector<1x256xf32>
    %broadcast_in_dim3A_2726 = vector.broadcast %broadcast_in_dim3A_2725 : vector<1x256xf32> to vector<64x256xf32>
    %select_n3A_2727 = arith.select %lt3A_2720, %broadcast_in_dim3A_2726, %select_n3A_2716 : vector<64x256xi1>, vector<64x256xf32>
    %get3A_2728 = arith.constant 256 : index
    %get3A_2729 = arith.constant 7936 : index
    %get3A_2730 = vector.load %arg5[%get3A_2728, %get3A_2729] : memref<512x9984xf32, #tpu.memory_space<vmem>>, vector<64x256xf32>
    %lt3A_2731 = arith.cmpf olt, %get3A_2730, %select_n3A_2721 : vector<64x256xf32>
    %select_n3A_2732 = arith.select %lt3A_2731, %get3A_2730, %select_n3A_2721 : vector<64x256xi1>, vector<64x256xf32>
    %add3A_2733 = arith.constant 7.936000e+03 : f32
    %add3A_2734 = vector.broadcast %add3A_2733 : f32 to vector<1x256xf32>
    %add3A_2735 = arith.addf %convert_element_type3A, %add3A_2734 : vector<1x256xf32>
    %broadcast_in_dim3A_2736 = vector.shape_cast %add3A_2735 : vector<1x256xf32> to vector<1x256xf32>
    %broadcast_in_dim3A_2737 = vector.broadcast %broadcast_in_dim3A_2736 : vector<1x256xf32> to vector<64x256xf32>
    %select_n3A_2738 = arith.select %lt3A_2731, %broadcast_in_dim3A_2737, %select_n3A_2727 : vector<64x256xi1>, vector<64x256xf32>
    %get3A_2739 = arith.constant 256 : index
    %get3A_2740 = arith.constant 8192 : index
    %get3A_2741 = vector.load %arg5[%get3A_2739, %get3A_2740] : memref<512x9984xf32, #tpu.memory_space<vmem>>, vector<64x256xf32>
    %lt3A_2742 = arith.cmpf olt, %get3A_2741, %select_n3A_2732 : vector<64x256xf32>
    %select_n3A_2743 = arith.select %lt3A_2742, %get3A_2741, %select_n3A_2732 : vector<64x256xi1>, vector<64x256xf32>
    %add3A_2744 = arith.constant 8.192000e+03 : f32
    %add3A_2745 = vector.broadcast %add3A_2744 : f32 to vector<1x256xf32>
    %add3A_2746 = arith.addf %convert_element_type3A, %add3A_2745 : vector<1x256xf32>
    %broadcast_in_dim3A_2747 = vector.shape_cast %add3A_2746 : vector<1x256xf32> to vector<1x256xf32>
    %broadcast_in_dim3A_2748 = vector.broadcast %broadcast_in_dim3A_2747 : vector<1x256xf32> to vector<64x256xf32>
    %select_n3A_2749 = arith.select %lt3A_2742, %broadcast_in_dim3A_2748, %select_n3A_2738 : vector<64x256xi1>, vector<64x256xf32>
    %get3A_2750 = arith.constant 256 : index
    %get3A_2751 = arith.constant 8448 : index
    %get3A_2752 = vector.load %arg5[%get3A_2750, %get3A_2751] : memref<512x9984xf32, #tpu.memory_space<vmem>>, vector<64x256xf32>
    %lt3A_2753 = arith.cmpf olt, %get3A_2752, %select_n3A_2743 : vector<64x256xf32>
    %select_n3A_2754 = arith.select %lt3A_2753, %get3A_2752, %select_n3A_2743 : vector<64x256xi1>, vector<64x256xf32>
    %add3A_2755 = arith.constant 8.448000e+03 : f32
    %add3A_2756 = vector.broadcast %add3A_2755 : f32 to vector<1x256xf32>
    %add3A_2757 = arith.addf %convert_element_type3A, %add3A_2756 : vector<1x256xf32>
    %broadcast_in_dim3A_2758 = vector.shape_cast %add3A_2757 : vector<1x256xf32> to vector<1x256xf32>
    %broadcast_in_dim3A_2759 = vector.broadcast %broadcast_in_dim3A_2758 : vector<1x256xf32> to vector<64x256xf32>
    %select_n3A_2760 = arith.select %lt3A_2753, %broadcast_in_dim3A_2759, %select_n3A_2749 : vector<64x256xi1>, vector<64x256xf32>
    %get3A_2761 = arith.constant 256 : index
    %get3A_2762 = arith.constant 8704 : index
    %get3A_2763 = vector.load %arg5[%get3A_2761, %get3A_2762] : memref<512x9984xf32, #tpu.memory_space<vmem>>, vector<64x256xf32>
    %lt3A_2764 = arith.cmpf olt, %get3A_2763, %select_n3A_2754 : vector<64x256xf32>
    %select_n3A_2765 = arith.select %lt3A_2764, %get3A_2763, %select_n3A_2754 : vector<64x256xi1>, vector<64x256xf32>
    %add3A_2766 = arith.constant 8.704000e+03 : f32
    %add3A_2767 = vector.broadcast %add3A_2766 : f32 to vector<1x256xf32>
    %add3A_2768 = arith.addf %convert_element_type3A, %add3A_2767 : vector<1x256xf32>
    %broadcast_in_dim3A_2769 = vector.shape_cast %add3A_2768 : vector<1x256xf32> to vector<1x256xf32>
    %broadcast_in_dim3A_2770 = vector.broadcast %broadcast_in_dim3A_2769 : vector<1x256xf32> to vector<64x256xf32>
    %select_n3A_2771 = arith.select %lt3A_2764, %broadcast_in_dim3A_2770, %select_n3A_2760 : vector<64x256xi1>, vector<64x256xf32>
    %get3A_2772 = arith.constant 256 : index
    %get3A_2773 = arith.constant 8960 : index
    %get3A_2774 = vector.load %arg5[%get3A_2772, %get3A_2773] : memref<512x9984xf32, #tpu.memory_space<vmem>>, vector<64x256xf32>
    %lt3A_2775 = arith.cmpf olt, %get3A_2774, %select_n3A_2765 : vector<64x256xf32>
    %select_n3A_2776 = arith.select %lt3A_2775, %get3A_2774, %select_n3A_2765 : vector<64x256xi1>, vector<64x256xf32>
    %add3A_2777 = arith.constant 8.960000e+03 : f32
    %add3A_2778 = vector.broadcast %add3A_2777 : f32 to vector<1x256xf32>
    %add3A_2779 = arith.addf %convert_element_type3A, %add3A_2778 : vector<1x256xf32>
    %broadcast_in_dim3A_2780 = vector.shape_cast %add3A_2779 : vector<1x256xf32> to vector<1x256xf32>
    %broadcast_in_dim3A_2781 = vector.broadcast %broadcast_in_dim3A_2780 : vector<1x256xf32> to vector<64x256xf32>
    %select_n3A_2782 = arith.select %lt3A_2775, %broadcast_in_dim3A_2781, %select_n3A_2771 : vector<64x256xi1>, vector<64x256xf32>
    %get3A_2783 = arith.constant 256 : index
    %get3A_2784 = arith.constant 9216 : index
    %get3A_2785 = vector.load %arg5[%get3A_2783, %get3A_2784] : memref<512x9984xf32, #tpu.memory_space<vmem>>, vector<64x256xf32>
    %lt3A_2786 = arith.cmpf olt, %get3A_2785, %select_n3A_2776 : vector<64x256xf32>
    %select_n3A_2787 = arith.select %lt3A_2786, %get3A_2785, %select_n3A_2776 : vector<64x256xi1>, vector<64x256xf32>
    %add3A_2788 = arith.constant 9.216000e+03 : f32
    %add3A_2789 = vector.broadcast %add3A_2788 : f32 to vector<1x256xf32>
    %add3A_2790 = arith.addf %convert_element_type3A, %add3A_2789 : vector<1x256xf32>
    %broadcast_in_dim3A_2791 = vector.shape_cast %add3A_2790 : vector<1x256xf32> to vector<1x256xf32>
    %broadcast_in_dim3A_2792 = vector.broadcast %broadcast_in_dim3A_2791 : vector<1x256xf32> to vector<64x256xf32>
    %select_n3A_2793 = arith.select %lt3A_2786, %broadcast_in_dim3A_2792, %select_n3A_2782 : vector<64x256xi1>, vector<64x256xf32>
    %get3A_2794 = arith.constant 256 : index
    %get3A_2795 = arith.constant 9472 : index
    %get3A_2796 = vector.load %arg5[%get3A_2794, %get3A_2795] : memref<512x9984xf32, #tpu.memory_space<vmem>>, vector<64x256xf32>
    %lt3A_2797 = arith.cmpf olt, %get3A_2796, %select_n3A_2787 : vector<64x256xf32>
    %select_n3A_2798 = arith.select %lt3A_2797, %get3A_2796, %select_n3A_2787 : vector<64x256xi1>, vector<64x256xf32>
    %add3A_2799 = arith.constant 9.472000e+03 : f32
    %add3A_2800 = vector.broadcast %add3A_2799 : f32 to vector<1x256xf32>
    %add3A_2801 = arith.addf %convert_element_type3A, %add3A_2800 : vector<1x256xf32>
    %broadcast_in_dim3A_2802 = vector.shape_cast %add3A_2801 : vector<1x256xf32> to vector<1x256xf32>
    %broadcast_in_dim3A_2803 = vector.broadcast %broadcast_in_dim3A_2802 : vector<1x256xf32> to vector<64x256xf32>
    %select_n3A_2804 = arith.select %lt3A_2797, %broadcast_in_dim3A_2803, %select_n3A_2793 : vector<64x256xi1>, vector<64x256xf32>
    %get3A_2805 = arith.constant 256 : index
    %get3A_2806 = arith.constant 9728 : index
    %get3A_2807 = vector.load %arg5[%get3A_2805, %get3A_2806] : memref<512x9984xf32, #tpu.memory_space<vmem>>, vector<64x256xf32>
    %lt3A_2808 = arith.cmpf olt, %get3A_2807, %select_n3A_2798 : vector<64x256xf32>
    %select_n3A_2809 = arith.select %lt3A_2808, %get3A_2807, %select_n3A_2798 : vector<64x256xi1>, vector<64x256xf32>
    %add3A_2810 = arith.constant 9.728000e+03 : f32
    %add3A_2811 = vector.broadcast %add3A_2810 : f32 to vector<1x256xf32>
    %add3A_2812 = arith.addf %convert_element_type3A, %add3A_2811 : vector<1x256xf32>
    %broadcast_in_dim3A_2813 = vector.shape_cast %add3A_2812 : vector<1x256xf32> to vector<1x256xf32>
    %broadcast_in_dim3A_2814 = vector.broadcast %broadcast_in_dim3A_2813 : vector<1x256xf32> to vector<64x256xf32>
    %select_n3A_2815 = arith.select %lt3A_2808, %broadcast_in_dim3A_2814, %select_n3A_2804 : vector<64x256xi1>, vector<64x256xf32>
    %reduce_min3A_2816 = arith.constant dense<0x7F800000> : vector<64xf32>
    %reduce_min3A_2817 = vector.multi_reduction <minimumf>, %select_n3A_2809, %reduce_min3A_2816 [1] : vector<64x256xf32> to vector<64xf32>
    %broadcast_in_dim3A_2818 = vector.shape_cast %reduce_min3A_2817 : vector<64xf32> to vector<64x1xf32>
    %eq3A_2819 = vector.broadcast %broadcast_in_dim3A_2818 : vector<64x1xf32> to vector<64x256xf32>
    %eq3A_2820 = arith.cmpf oeq, %select_n3A_2809, %eq3A_2819 : vector<64x256xf32>
    %jit3A_2821 = arith.constant 3.000000e+38 : f32
    %broadcast_in_dim3A_2822 = vector.broadcast %jit3A_2821 : f32 to vector<64x256xf32>
    %select_n3A_2823 = arith.select %eq3A_2820, %select_n3A_2815, %broadcast_in_dim3A_2822 : vector<64x256xi1>, vector<64x256xf32>
    %reduce_min3A_2824 = arith.constant dense<0x7F800000> : vector<64xf32>
    %reduce_min3A_2825 = vector.multi_reduction <minimumf>, %select_n3A_2823, %reduce_min3A_2824 [1] : vector<64x256xf32> to vector<64xf32>
    %convert_element_type3A_2826 = arith.fptosi %reduce_min3A_2825 : vector<64xf32> to vector<64xi32>
    %swap3A_2827 = arith.constant 0 : index
    %swap3A_2828 = arith.constant 0 : index
    %swap3A_2829 = arith.constant 256 : index
    %swap3A_2830 = vector.load %arg4[%swap3A_2827, %swap3A_2828, %swap3A_2829] : memref<1x1x512xi32, #tpu.memory_space<vmem>>, vector<1x1x64xi32>
    %swap3A_2831 = vector.shape_cast %swap3A_2830 : vector<1x1x64xi32> to vector<64xi32>
    %swap3A_2832 = vector.shape_cast %convert_element_type3A_2826 : vector<64xi32> to vector<1x1x64xi32>
    tpu.vector_store %arg4[%swap3A_2827, %swap3A_2828, %swap3A_2829], %swap3A_2832 {strides = array<i32>} : memref<1x1x512xi32, #tpu.memory_space<vmem>>, vector<1x1x64xi32>,
    %broadcast_in_dim3A_2833 = arith.constant 0x7F800000 : f32
    %broadcast_in_dim3A_2834 = vector.broadcast %broadcast_in_dim3A_2833 : f32 to vector<64x256xf32>
    %broadcast_in_dim3A_2835 = arith.constant 0.000000e+00 : f32
    %broadcast_in_dim3A_2836 = vector.broadcast %broadcast_in_dim3A_2835 : f32 to vector<64x256xf32>
    %get3A_2837 = arith.constant 320 : index
    %get3A_2838 = arith.constant 0 : index
    %get3A_2839 = vector.load %arg5[%get3A_2837, %get3A_2838] : memref<512x9984xf32, #tpu.memory_space<vmem>>, vector<64x256xf32>
    %lt3A_2840 = arith.cmpf olt, %get3A_2839, %broadcast_in_dim3A_2834 : vector<64x256xf32>
    %select_n3A_2841 = arith.select %lt3A_2840, %get3A_2839, %broadcast_in_dim3A_2834 : vector<64x256xi1>, vector<64x256xf32>
    %add3A_2842 = arith.constant 0.000000e+00 : f32
    %add3A_2843 = vector.broadcast %add3A_2842 : f32 to vector<1x256xf32>
    %add3A_2844 = arith.addf %convert_element_type3A, %add3A_2843 : vector<1x256xf32>
    %broadcast_in_dim3A_2845 = vector.shape_cast %add3A_2844 : vector<1x256xf32> to vector<1x256xf32>
    %broadcast_in_dim3A_2846 = vector.broadcast %broadcast_in_dim3A_2845 : vector<1x256xf32> to vector<64x256xf32>
    %select_n3A_2847 = arith.select %lt3A_2840, %broadcast_in_dim3A_2846, %broadcast_in_dim3A_2836 : vector<64x256xi1>, vector<64x256xf32>
    %get3A_2848 = arith.constant 320 : index
    %get3A_2849 = arith.constant 256 : index
    %get3A_2850 = vector.load %arg5[%get3A_2848, %get3A_2849] : memref<512x9984xf32, #tpu.memory_space<vmem>>, vector<64x256xf32>
    %lt3A_2851 = arith.cmpf olt, %get3A_2850, %select_n3A_2841 : vector<64x256xf32>
    %select_n3A_2852 = arith.select %lt3A_2851, %get3A_2850, %select_n3A_2841 : vector<64x256xi1>, vector<64x256xf32>
    %add3A_2853 = arith.constant 2.560000e+02 : f32
    %add3A_2854 = vector.broadcast %add3A_2853 : f32 to vector<1x256xf32>
    %add3A_2855 = arith.addf %convert_element_type3A, %add3A_2854 : vector<1x256xf32>
    %broadcast_in_dim3A_2856 = vector.shape_cast %add3A_2855 : vector<1x256xf32> to vector<1x256xf32>
    %broadcast_in_dim3A_2857 = vector.broadcast %broadcast_in_dim3A_2856 : vector<1x256xf32> to vector<64x256xf32>
    %select_n3A_2858 = arith.select %lt3A_2851, %broadcast_in_dim3A_2857, %select_n3A_2847 : vector<64x256xi1>, vector<64x256xf32>
    %get3A_2859 = arith.constant 320 : index
    %get3A_2860 = arith.constant 512 : index
    %get3A_2861 = vector.load %arg5[%get3A_2859, %get3A_2860] : memref<512x9984xf32, #tpu.memory_space<vmem>>, vector<64x256xf32>
    %lt3A_2862 = arith.cmpf olt, %get3A_2861, %select_n3A_2852 : vector<64x256xf32>
    %select_n3A_2863 = arith.select %lt3A_2862, %get3A_2861, %select_n3A_2852 : vector<64x256xi1>, vector<64x256xf32>
    %add3A_2864 = arith.constant 5.120000e+02 : f32
    %add3A_2865 = vector.broadcast %add3A_2864 : f32 to vector<1x256xf32>
    %add3A_2866 = arith.addf %convert_element_type3A, %add3A_2865 : vector<1x256xf32>
    %broadcast_in_dim3A_2867 = vector.shape_cast %add3A_2866 : vector<1x256xf32> to vector<1x256xf32>
    %broadcast_in_dim3A_2868 = vector.broadcast %broadcast_in_dim3A_2867 : vector<1x256xf32> to vector<64x256xf32>
    %select_n3A_2869 = arith.select %lt3A_2862, %broadcast_in_dim3A_2868, %select_n3A_2858 : vector<64x256xi1>, vector<64x256xf32>
    %get3A_2870 = arith.constant 320 : index
    %get3A_2871 = arith.constant 768 : index
    %get3A_2872 = vector.load %arg5[%get3A_2870, %get3A_2871] : memref<512x9984xf32, #tpu.memory_space<vmem>>, vector<64x256xf32>
    %lt3A_2873 = arith.cmpf olt, %get3A_2872, %select_n3A_2863 : vector<64x256xf32>
    %select_n3A_2874 = arith.select %lt3A_2873, %get3A_2872, %select_n3A_2863 : vector<64x256xi1>, vector<64x256xf32>
    %add3A_2875 = arith.constant 7.680000e+02 : f32
    %add3A_2876 = vector.broadcast %add3A_2875 : f32 to vector<1x256xf32>
    %add3A_2877 = arith.addf %convert_element_type3A, %add3A_2876 : vector<1x256xf32>
    %broadcast_in_dim3A_2878 = vector.shape_cast %add3A_2877 : vector<1x256xf32> to vector<1x256xf32>
    %broadcast_in_dim3A_2879 = vector.broadcast %broadcast_in_dim3A_2878 : vector<1x256xf32> to vector<64x256xf32>
    %select_n3A_2880 = arith.select %lt3A_2873, %broadcast_in_dim3A_2879, %select_n3A_2869 : vector<64x256xi1>, vector<64x256xf32>
    %get3A_2881 = arith.constant 320 : index
    %get3A_2882 = arith.constant 1024 : index
    %get3A_2883 = vector.load %arg5[%get3A_2881, %get3A_2882] : memref<512x9984xf32, #tpu.memory_space<vmem>>, vector<64x256xf32>
    %lt3A_2884 = arith.cmpf olt, %get3A_2883, %select_n3A_2874 : vector<64x256xf32>
    %select_n3A_2885 = arith.select %lt3A_2884, %get3A_2883, %select_n3A_2874 : vector<64x256xi1>, vector<64x256xf32>
    %add3A_2886 = arith.constant 1.024000e+03 : f32
    %add3A_2887 = vector.broadcast %add3A_2886 : f32 to vector<1x256xf32>
    %add3A_2888 = arith.addf %convert_element_type3A, %add3A_2887 : vector<1x256xf32>
    %broadcast_in_dim3A_2889 = vector.shape_cast %add3A_2888 : vector<1x256xf32> to vector<1x256xf32>
    %broadcast_in_dim3A_2890 = vector.broadcast %broadcast_in_dim3A_2889 : vector<1x256xf32> to vector<64x256xf32>
    %select_n3A_2891 = arith.select %lt3A_2884, %broadcast_in_dim3A_2890, %select_n3A_2880 : vector<64x256xi1>, vector<64x256xf32>
    %get3A_2892 = arith.constant 320 : index
    %get3A_2893 = arith.constant 1280 : index
    %get3A_2894 = vector.load %arg5[%get3A_2892, %get3A_2893] : memref<512x9984xf32, #tpu.memory_space<vmem>>, vector<64x256xf32>
    %lt3A_2895 = arith.cmpf olt, %get3A_2894, %select_n3A_2885 : vector<64x256xf32>
    %select_n3A_2896 = arith.select %lt3A_2895, %get3A_2894, %select_n3A_2885 : vector<64x256xi1>, vector<64x256xf32>
    %add3A_2897 = arith.constant 1.280000e+03 : f32
    %add3A_2898 = vector.broadcast %add3A_2897 : f32 to vector<1x256xf32>
    %add3A_2899 = arith.addf %convert_element_type3A, %add3A_2898 : vector<1x256xf32>
    %broadcast_in_dim3A_2900 = vector.shape_cast %add3A_2899 : vector<1x256xf32> to vector<1x256xf32>
    %broadcast_in_dim3A_2901 = vector.broadcast %broadcast_in_dim3A_2900 : vector<1x256xf32> to vector<64x256xf32>
    %select_n3A_2902 = arith.select %lt3A_2895, %broadcast_in_dim3A_2901, %select_n3A_2891 : vector<64x256xi1>, vector<64x256xf32>
    %get3A_2903 = arith.constant 320 : index
    %get3A_2904 = arith.constant 1536 : index
    %get3A_2905 = vector.load %arg5[%get3A_2903, %get3A_2904] : memref<512x9984xf32, #tpu.memory_space<vmem>>, vector<64x256xf32>
    %lt3A_2906 = arith.cmpf olt, %get3A_2905, %select_n3A_2896 : vector<64x256xf32>
    %select_n3A_2907 = arith.select %lt3A_2906, %get3A_2905, %select_n3A_2896 : vector<64x256xi1>, vector<64x256xf32>
    %add3A_2908 = arith.constant 1.536000e+03 : f32
    %add3A_2909 = vector.broadcast %add3A_2908 : f32 to vector<1x256xf32>
    %add3A_2910 = arith.addf %convert_element_type3A, %add3A_2909 : vector<1x256xf32>
    %broadcast_in_dim3A_2911 = vector.shape_cast %add3A_2910 : vector<1x256xf32> to vector<1x256xf32>
    %broadcast_in_dim3A_2912 = vector.broadcast %broadcast_in_dim3A_2911 : vector<1x256xf32> to vector<64x256xf32>
    %select_n3A_2913 = arith.select %lt3A_2906, %broadcast_in_dim3A_2912, %select_n3A_2902 : vector<64x256xi1>, vector<64x256xf32>
    %get3A_2914 = arith.constant 320 : index
    %get3A_2915 = arith.constant 1792 : index
    %get3A_2916 = vector.load %arg5[%get3A_2914, %get3A_2915] : memref<512x9984xf32, #tpu.memory_space<vmem>>, vector<64x256xf32>
    %lt3A_2917 = arith.cmpf olt, %get3A_2916, %select_n3A_2907 : vector<64x256xf32>
    %select_n3A_2918 = arith.select %lt3A_2917, %get3A_2916, %select_n3A_2907 : vector<64x256xi1>, vector<64x256xf32>
    %add3A_2919 = arith.constant 1.792000e+03 : f32
    %add3A_2920 = vector.broadcast %add3A_2919 : f32 to vector<1x256xf32>
    %add3A_2921 = arith.addf %convert_element_type3A, %add3A_2920 : vector<1x256xf32>
    %broadcast_in_dim3A_2922 = vector.shape_cast %add3A_2921 : vector<1x256xf32> to vector<1x256xf32>
    %broadcast_in_dim3A_2923 = vector.broadcast %broadcast_in_dim3A_2922 : vector<1x256xf32> to vector<64x256xf32>
    %select_n3A_2924 = arith.select %lt3A_2917, %broadcast_in_dim3A_2923, %select_n3A_2913 : vector<64x256xi1>, vector<64x256xf32>
    %get3A_2925 = arith.constant 320 : index
    %get3A_2926 = arith.constant 2048 : index
    %get3A_2927 = vector.load %arg5[%get3A_2925, %get3A_2926] : memref<512x9984xf32, #tpu.memory_space<vmem>>, vector<64x256xf32>
    %lt3A_2928 = arith.cmpf olt, %get3A_2927, %select_n3A_2918 : vector<64x256xf32>
    %select_n3A_2929 = arith.select %lt3A_2928, %get3A_2927, %select_n3A_2918 : vector<64x256xi1>, vector<64x256xf32>
    %add3A_2930 = arith.constant 2.048000e+03 : f32
    %add3A_2931 = vector.broadcast %add3A_2930 : f32 to vector<1x256xf32>
    %add3A_2932 = arith.addf %convert_element_type3A, %add3A_2931 : vector<1x256xf32>
    %broadcast_in_dim3A_2933 = vector.shape_cast %add3A_2932 : vector<1x256xf32> to vector<1x256xf32>
    %broadcast_in_dim3A_2934 = vector.broadcast %broadcast_in_dim3A_2933 : vector<1x256xf32> to vector<64x256xf32>
    %select_n3A_2935 = arith.select %lt3A_2928, %broadcast_in_dim3A_2934, %select_n3A_2924 : vector<64x256xi1>, vector<64x256xf32>
    %get3A_2936 = arith.constant 320 : index
    %get3A_2937 = arith.constant 2304 : index
    %get3A_2938 = vector.load %arg5[%get3A_2936, %get3A_2937] : memref<512x9984xf32, #tpu.memory_space<vmem>>, vector<64x256xf32>
    %lt3A_2939 = arith.cmpf olt, %get3A_2938, %select_n3A_2929 : vector<64x256xf32>
    %select_n3A_2940 = arith.select %lt3A_2939, %get3A_2938, %select_n3A_2929 : vector<64x256xi1>, vector<64x256xf32>
    %add3A_2941 = arith.constant 2.304000e+03 : f32
    %add3A_2942 = vector.broadcast %add3A_2941 : f32 to vector<1x256xf32>
    %add3A_2943 = arith.addf %convert_element_type3A, %add3A_2942 : vector<1x256xf32>
    %broadcast_in_dim3A_2944 = vector.shape_cast %add3A_2943 : vector<1x256xf32> to vector<1x256xf32>
    %broadcast_in_dim3A_2945 = vector.broadcast %broadcast_in_dim3A_2944 : vector<1x256xf32> to vector<64x256xf32>
    %select_n3A_2946 = arith.select %lt3A_2939, %broadcast_in_dim3A_2945, %select_n3A_2935 : vector<64x256xi1>, vector<64x256xf32>
    %get3A_2947 = arith.constant 320 : index
    %get3A_2948 = arith.constant 2560 : index
    %get3A_2949 = vector.load %arg5[%get3A_2947, %get3A_2948] : memref<512x9984xf32, #tpu.memory_space<vmem>>, vector<64x256xf32>
    %lt3A_2950 = arith.cmpf olt, %get3A_2949, %select_n3A_2940 : vector<64x256xf32>
    %select_n3A_2951 = arith.select %lt3A_2950, %get3A_2949, %select_n3A_2940 : vector<64x256xi1>, vector<64x256xf32>
    %add3A_2952 = arith.constant 2.560000e+03 : f32
    %add3A_2953 = vector.broadcast %add3A_2952 : f32 to vector<1x256xf32>
    %add3A_2954 = arith.addf %convert_element_type3A, %add3A_2953 : vector<1x256xf32>
    %broadcast_in_dim3A_2955 = vector.shape_cast %add3A_2954 : vector<1x256xf32> to vector<1x256xf32>
    %broadcast_in_dim3A_2956 = vector.broadcast %broadcast_in_dim3A_2955 : vector<1x256xf32> to vector<64x256xf32>
    %select_n3A_2957 = arith.select %lt3A_2950, %broadcast_in_dim3A_2956, %select_n3A_2946 : vector<64x256xi1>, vector<64x256xf32>
    %get3A_2958 = arith.constant 320 : index
    %get3A_2959 = arith.constant 2816 : index
    %get3A_2960 = vector.load %arg5[%get3A_2958, %get3A_2959] : memref<512x9984xf32, #tpu.memory_space<vmem>>, vector<64x256xf32>
    %lt3A_2961 = arith.cmpf olt, %get3A_2960, %select_n3A_2951 : vector<64x256xf32>
    %select_n3A_2962 = arith.select %lt3A_2961, %get3A_2960, %select_n3A_2951 : vector<64x256xi1>, vector<64x256xf32>
    %add3A_2963 = arith.constant 2.816000e+03 : f32
    %add3A_2964 = vector.broadcast %add3A_2963 : f32 to vector<1x256xf32>
    %add3A_2965 = arith.addf %convert_element_type3A, %add3A_2964 : vector<1x256xf32>
    %broadcast_in_dim3A_2966 = vector.shape_cast %add3A_2965 : vector<1x256xf32> to vector<1x256xf32>
    %broadcast_in_dim3A_2967 = vector.broadcast %broadcast_in_dim3A_2966 : vector<1x256xf32> to vector<64x256xf32>
    %select_n3A_2968 = arith.select %lt3A_2961, %broadcast_in_dim3A_2967, %select_n3A_2957 : vector<64x256xi1>, vector<64x256xf32>
    %get3A_2969 = arith.constant 320 : index
    %get3A_2970 = arith.constant 3072 : index
    %get3A_2971 = vector.load %arg5[%get3A_2969, %get3A_2970] : memref<512x9984xf32, #tpu.memory_space<vmem>>, vector<64x256xf32>
    %lt3A_2972 = arith.cmpf olt, %get3A_2971, %select_n3A_2962 : vector<64x256xf32>
    %select_n3A_2973 = arith.select %lt3A_2972, %get3A_2971, %select_n3A_2962 : vector<64x256xi1>, vector<64x256xf32>
    %add3A_2974 = arith.constant 3.072000e+03 : f32
    %add3A_2975 = vector.broadcast %add3A_2974 : f32 to vector<1x256xf32>
    %add3A_2976 = arith.addf %convert_element_type3A, %add3A_2975 : vector<1x256xf32>
    %broadcast_in_dim3A_2977 = vector.shape_cast %add3A_2976 : vector<1x256xf32> to vector<1x256xf32>
    %broadcast_in_dim3A_2978 = vector.broadcast %broadcast_in_dim3A_2977 : vector<1x256xf32> to vector<64x256xf32>
    %select_n3A_2979 = arith.select %lt3A_2972, %broadcast_in_dim3A_2978, %select_n3A_2968 : vector<64x256xi1>, vector<64x256xf32>
    %get3A_2980 = arith.constant 320 : index
    %get3A_2981 = arith.constant 3328 : index
    %get3A_2982 = vector.load %arg5[%get3A_2980, %get3A_2981] : memref<512x9984xf32, #tpu.memory_space<vmem>>, vector<64x256xf32>
    %lt3A_2983 = arith.cmpf olt, %get3A_2982, %select_n3A_2973 : vector<64x256xf32>
    %select_n3A_2984 = arith.select %lt3A_2983, %get3A_2982, %select_n3A_2973 : vector<64x256xi1>, vector<64x256xf32>
    %add3A_2985 = arith.constant 3.328000e+03 : f32
    %add3A_2986 = vector.broadcast %add3A_2985 : f32 to vector<1x256xf32>
    %add3A_2987 = arith.addf %convert_element_type3A, %add3A_2986 : vector<1x256xf32>
    %broadcast_in_dim3A_2988 = vector.shape_cast %add3A_2987 : vector<1x256xf32> to vector<1x256xf32>
    %broadcast_in_dim3A_2989 = vector.broadcast %broadcast_in_dim3A_2988 : vector<1x256xf32> to vector<64x256xf32>
    %select_n3A_2990 = arith.select %lt3A_2983, %broadcast_in_dim3A_2989, %select_n3A_2979 : vector<64x256xi1>, vector<64x256xf32>
    %get3A_2991 = arith.constant 320 : index
    %get3A_2992 = arith.constant 3584 : index
    %get3A_2993 = vector.load %arg5[%get3A_2991, %get3A_2992] : memref<512x9984xf32, #tpu.memory_space<vmem>>, vector<64x256xf32>
    %lt3A_2994 = arith.cmpf olt, %get3A_2993, %select_n3A_2984 : vector<64x256xf32>
    %select_n3A_2995 = arith.select %lt3A_2994, %get3A_2993, %select_n3A_2984 : vector<64x256xi1>, vector<64x256xf32>
    %add3A_2996 = arith.constant 3.584000e+03 : f32
    %add3A_2997 = vector.broadcast %add3A_2996 : f32 to vector<1x256xf32>
    %add3A_2998 = arith.addf %convert_element_type3A, %add3A_2997 : vector<1x256xf32>
    %broadcast_in_dim3A_2999 = vector.shape_cast %add3A_2998 : vector<1x256xf32> to vector<1x256xf32>
    %broadcast_in_dim3A_3000 = vector.broadcast %broadcast_in_dim3A_2999 : vector<1x256xf32> to vector<64x256xf32>
    %select_n3A_3001 = arith.select %lt3A_2994, %broadcast_in_dim3A_3000, %select_n3A_2990 : vector<64x256xi1>, vector<64x256xf32>
    %get3A_3002 = arith.constant 320 : index
    %get3A_3003 = arith.constant 3840 : index
    %get3A_3004 = vector.load %arg5[%get3A_3002, %get3A_3003] : memref<512x9984xf32, #tpu.memory_space<vmem>>, vector<64x256xf32>
    %lt3A_3005 = arith.cmpf olt, %get3A_3004, %select_n3A_2995 : vector<64x256xf32>
    %select_n3A_3006 = arith.select %lt3A_3005, %get3A_3004, %select_n3A_2995 : vector<64x256xi1>, vector<64x256xf32>
    %add3A_3007 = arith.constant 3.840000e+03 : f32
    %add3A_3008 = vector.broadcast %add3A_3007 : f32 to vector<1x256xf32>
    %add3A_3009 = arith.addf %convert_element_type3A, %add3A_3008 : vector<1x256xf32>
    %broadcast_in_dim3A_3010 = vector.shape_cast %add3A_3009 : vector<1x256xf32> to vector<1x256xf32>
    %broadcast_in_dim3A_3011 = vector.broadcast %broadcast_in_dim3A_3010 : vector<1x256xf32> to vector<64x256xf32>
    %select_n3A_3012 = arith.select %lt3A_3005, %broadcast_in_dim3A_3011, %select_n3A_3001 : vector<64x256xi1>, vector<64x256xf32>
    %get3A_3013 = arith.constant 320 : index
    %get3A_3014 = arith.constant 4096 : index
    %get3A_3015 = vector.load %arg5[%get3A_3013, %get3A_3014] : memref<512x9984xf32, #tpu.memory_space<vmem>>, vector<64x256xf32>
    %lt3A_3016 = arith.cmpf olt, %get3A_3015, %select_n3A_3006 : vector<64x256xf32>
    %select_n3A_3017 = arith.select %lt3A_3016, %get3A_3015, %select_n3A_3006 : vector<64x256xi1>, vector<64x256xf32>
    %add3A_3018 = arith.constant 4.096000e+03 : f32
    %add3A_3019 = vector.broadcast %add3A_3018 : f32 to vector<1x256xf32>
    %add3A_3020 = arith.addf %convert_element_type3A, %add3A_3019 : vector<1x256xf32>
    %broadcast_in_dim3A_3021 = vector.shape_cast %add3A_3020 : vector<1x256xf32> to vector<1x256xf32>
    %broadcast_in_dim3A_3022 = vector.broadcast %broadcast_in_dim3A_3021 : vector<1x256xf32> to vector<64x256xf32>
    %select_n3A_3023 = arith.select %lt3A_3016, %broadcast_in_dim3A_3022, %select_n3A_3012 : vector<64x256xi1>, vector<64x256xf32>
    %get3A_3024 = arith.constant 320 : index
    %get3A_3025 = arith.constant 4352 : index
    %get3A_3026 = vector.load %arg5[%get3A_3024, %get3A_3025] : memref<512x9984xf32, #tpu.memory_space<vmem>>, vector<64x256xf32>
    %lt3A_3027 = arith.cmpf olt, %get3A_3026, %select_n3A_3017 : vector<64x256xf32>
    %select_n3A_3028 = arith.select %lt3A_3027, %get3A_3026, %select_n3A_3017 : vector<64x256xi1>, vector<64x256xf32>
    %add3A_3029 = arith.constant 4.352000e+03 : f32
    %add3A_3030 = vector.broadcast %add3A_3029 : f32 to vector<1x256xf32>
    %add3A_3031 = arith.addf %convert_element_type3A, %add3A_3030 : vector<1x256xf32>
    %broadcast_in_dim3A_3032 = vector.shape_cast %add3A_3031 : vector<1x256xf32> to vector<1x256xf32>
    %broadcast_in_dim3A_3033 = vector.broadcast %broadcast_in_dim3A_3032 : vector<1x256xf32> to vector<64x256xf32>
    %select_n3A_3034 = arith.select %lt3A_3027, %broadcast_in_dim3A_3033, %select_n3A_3023 : vector<64x256xi1>, vector<64x256xf32>
    %get3A_3035 = arith.constant 320 : index
    %get3A_3036 = arith.constant 4608 : index
    %get3A_3037 = vector.load %arg5[%get3A_3035, %get3A_3036] : memref<512x9984xf32, #tpu.memory_space<vmem>>, vector<64x256xf32>
    %lt3A_3038 = arith.cmpf olt, %get3A_3037, %select_n3A_3028 : vector<64x256xf32>
    %select_n3A_3039 = arith.select %lt3A_3038, %get3A_3037, %select_n3A_3028 : vector<64x256xi1>, vector<64x256xf32>
    %add3A_3040 = arith.constant 4.608000e+03 : f32
    %add3A_3041 = vector.broadcast %add3A_3040 : f32 to vector<1x256xf32>
    %add3A_3042 = arith.addf %convert_element_type3A, %add3A_3041 : vector<1x256xf32>
    %broadcast_in_dim3A_3043 = vector.shape_cast %add3A_3042 : vector<1x256xf32> to vector<1x256xf32>
    %broadcast_in_dim3A_3044 = vector.broadcast %broadcast_in_dim3A_3043 : vector<1x256xf32> to vector<64x256xf32>
    %select_n3A_3045 = arith.select %lt3A_3038, %broadcast_in_dim3A_3044, %select_n3A_3034 : vector<64x256xi1>, vector<64x256xf32>
    %get3A_3046 = arith.constant 320 : index
    %get3A_3047 = arith.constant 4864 : index
    %get3A_3048 = vector.load %arg5[%get3A_3046, %get3A_3047] : memref<512x9984xf32, #tpu.memory_space<vmem>>, vector<64x256xf32>
    %lt3A_3049 = arith.cmpf olt, %get3A_3048, %select_n3A_3039 : vector<64x256xf32>
    %select_n3A_3050 = arith.select %lt3A_3049, %get3A_3048, %select_n3A_3039 : vector<64x256xi1>, vector<64x256xf32>
    %add3A_3051 = arith.constant 4.864000e+03 : f32
    %add3A_3052 = vector.broadcast %add3A_3051 : f32 to vector<1x256xf32>
    %add3A_3053 = arith.addf %convert_element_type3A, %add3A_3052 : vector<1x256xf32>
    %broadcast_in_dim3A_3054 = vector.shape_cast %add3A_3053 : vector<1x256xf32> to vector<1x256xf32>
    %broadcast_in_dim3A_3055 = vector.broadcast %broadcast_in_dim3A_3054 : vector<1x256xf32> to vector<64x256xf32>
    %select_n3A_3056 = arith.select %lt3A_3049, %broadcast_in_dim3A_3055, %select_n3A_3045 : vector<64x256xi1>, vector<64x256xf32>
    %get3A_3057 = arith.constant 320 : index
    %get3A_3058 = arith.constant 5120 : index
    %get3A_3059 = vector.load %arg5[%get3A_3057, %get3A_3058] : memref<512x9984xf32, #tpu.memory_space<vmem>>, vector<64x256xf32>
    %lt3A_3060 = arith.cmpf olt, %get3A_3059, %select_n3A_3050 : vector<64x256xf32>
    %select_n3A_3061 = arith.select %lt3A_3060, %get3A_3059, %select_n3A_3050 : vector<64x256xi1>, vector<64x256xf32>
    %add3A_3062 = arith.constant 5.120000e+03 : f32
    %add3A_3063 = vector.broadcast %add3A_3062 : f32 to vector<1x256xf32>
    %add3A_3064 = arith.addf %convert_element_type3A, %add3A_3063 : vector<1x256xf32>
    %broadcast_in_dim3A_3065 = vector.shape_cast %add3A_3064 : vector<1x256xf32> to vector<1x256xf32>
    %broadcast_in_dim3A_3066 = vector.broadcast %broadcast_in_dim3A_3065 : vector<1x256xf32> to vector<64x256xf32>
    %select_n3A_3067 = arith.select %lt3A_3060, %broadcast_in_dim3A_3066, %select_n3A_3056 : vector<64x256xi1>, vector<64x256xf32>
    %get3A_3068 = arith.constant 320 : index
    %get3A_3069 = arith.constant 5376 : index
    %get3A_3070 = vector.load %arg5[%get3A_3068, %get3A_3069] : memref<512x9984xf32, #tpu.memory_space<vmem>>, vector<64x256xf32>
    %lt3A_3071 = arith.cmpf olt, %get3A_3070, %select_n3A_3061 : vector<64x256xf32>
    %select_n3A_3072 = arith.select %lt3A_3071, %get3A_3070, %select_n3A_3061 : vector<64x256xi1>, vector<64x256xf32>
    %add3A_3073 = arith.constant 5.376000e+03 : f32
    %add3A_3074 = vector.broadcast %add3A_3073 : f32 to vector<1x256xf32>
    %add3A_3075 = arith.addf %convert_element_type3A, %add3A_3074 : vector<1x256xf32>
    %broadcast_in_dim3A_3076 = vector.shape_cast %add3A_3075 : vector<1x256xf32> to vector<1x256xf32>
    %broadcast_in_dim3A_3077 = vector.broadcast %broadcast_in_dim3A_3076 : vector<1x256xf32> to vector<64x256xf32>
    %select_n3A_3078 = arith.select %lt3A_3071, %broadcast_in_dim3A_3077, %select_n3A_3067 : vector<64x256xi1>, vector<64x256xf32>
    %get3A_3079 = arith.constant 320 : index
    %get3A_3080 = arith.constant 5632 : index
    %get3A_3081 = vector.load %arg5[%get3A_3079, %get3A_3080] : memref<512x9984xf32, #tpu.memory_space<vmem>>, vector<64x256xf32>
    %lt3A_3082 = arith.cmpf olt, %get3A_3081, %select_n3A_3072 : vector<64x256xf32>
    %select_n3A_3083 = arith.select %lt3A_3082, %get3A_3081, %select_n3A_3072 : vector<64x256xi1>, vector<64x256xf32>
    %add3A_3084 = arith.constant 5.632000e+03 : f32
    %add3A_3085 = vector.broadcast %add3A_3084 : f32 to vector<1x256xf32>
    %add3A_3086 = arith.addf %convert_element_type3A, %add3A_3085 : vector<1x256xf32>
    %broadcast_in_dim3A_3087 = vector.shape_cast %add3A_3086 : vector<1x256xf32> to vector<1x256xf32>
    %broadcast_in_dim3A_3088 = vector.broadcast %broadcast_in_dim3A_3087 : vector<1x256xf32> to vector<64x256xf32>
    %select_n3A_3089 = arith.select %lt3A_3082, %broadcast_in_dim3A_3088, %select_n3A_3078 : vector<64x256xi1>, vector<64x256xf32>
    %get3A_3090 = arith.constant 320 : index
    %get3A_3091 = arith.constant 5888 : index
    %get3A_3092 = vector.load %arg5[%get3A_3090, %get3A_3091] : memref<512x9984xf32, #tpu.memory_space<vmem>>, vector<64x256xf32>
    %lt3A_3093 = arith.cmpf olt, %get3A_3092, %select_n3A_3083 : vector<64x256xf32>
    %select_n3A_3094 = arith.select %lt3A_3093, %get3A_3092, %select_n3A_3083 : vector<64x256xi1>, vector<64x256xf32>
    %add3A_3095 = arith.constant 5.888000e+03 : f32
    %add3A_3096 = vector.broadcast %add3A_3095 : f32 to vector<1x256xf32>
    %add3A_3097 = arith.addf %convert_element_type3A, %add3A_3096 : vector<1x256xf32>
    %broadcast_in_dim3A_3098 = vector.shape_cast %add3A_3097 : vector<1x256xf32> to vector<1x256xf32>
    %broadcast_in_dim3A_3099 = vector.broadcast %broadcast_in_dim3A_3098 : vector<1x256xf32> to vector<64x256xf32>
    %select_n3A_3100 = arith.select %lt3A_3093, %broadcast_in_dim3A_3099, %select_n3A_3089 : vector<64x256xi1>, vector<64x256xf32>
    %get3A_3101 = arith.constant 320 : index
    %get3A_3102 = arith.constant 6144 : index
    %get3A_3103 = vector.load %arg5[%get3A_3101, %get3A_3102] : memref<512x9984xf32, #tpu.memory_space<vmem>>, vector<64x256xf32>
    %lt3A_3104 = arith.cmpf olt, %get3A_3103, %select_n3A_3094 : vector<64x256xf32>
    %select_n3A_3105 = arith.select %lt3A_3104, %get3A_3103, %select_n3A_3094 : vector<64x256xi1>, vector<64x256xf32>
    %add3A_3106 = arith.constant 6.144000e+03 : f32
    %add3A_3107 = vector.broadcast %add3A_3106 : f32 to vector<1x256xf32>
    %add3A_3108 = arith.addf %convert_element_type3A, %add3A_3107 : vector<1x256xf32>
    %broadcast_in_dim3A_3109 = vector.shape_cast %add3A_3108 : vector<1x256xf32> to vector<1x256xf32>
    %broadcast_in_dim3A_3110 = vector.broadcast %broadcast_in_dim3A_3109 : vector<1x256xf32> to vector<64x256xf32>
    %select_n3A_3111 = arith.select %lt3A_3104, %broadcast_in_dim3A_3110, %select_n3A_3100 : vector<64x256xi1>, vector<64x256xf32>
    %get3A_3112 = arith.constant 320 : index
    %get3A_3113 = arith.constant 6400 : index
    %get3A_3114 = vector.load %arg5[%get3A_3112, %get3A_3113] : memref<512x9984xf32, #tpu.memory_space<vmem>>, vector<64x256xf32>
    %lt3A_3115 = arith.cmpf olt, %get3A_3114, %select_n3A_3105 : vector<64x256xf32>
    %select_n3A_3116 = arith.select %lt3A_3115, %get3A_3114, %select_n3A_3105 : vector<64x256xi1>, vector<64x256xf32>
    %add3A_3117 = arith.constant 6.400000e+03 : f32
    %add3A_3118 = vector.broadcast %add3A_3117 : f32 to vector<1x256xf32>
    %add3A_3119 = arith.addf %convert_element_type3A, %add3A_3118 : vector<1x256xf32>
    %broadcast_in_dim3A_3120 = vector.shape_cast %add3A_3119 : vector<1x256xf32> to vector<1x256xf32>
    %broadcast_in_dim3A_3121 = vector.broadcast %broadcast_in_dim3A_3120 : vector<1x256xf32> to vector<64x256xf32>
    %select_n3A_3122 = arith.select %lt3A_3115, %broadcast_in_dim3A_3121, %select_n3A_3111 : vector<64x256xi1>, vector<64x256xf32>
    %get3A_3123 = arith.constant 320 : index
    %get3A_3124 = arith.constant 6656 : index
    %get3A_3125 = vector.load %arg5[%get3A_3123, %get3A_3124] : memref<512x9984xf32, #tpu.memory_space<vmem>>, vector<64x256xf32>
    %lt3A_3126 = arith.cmpf olt, %get3A_3125, %select_n3A_3116 : vector<64x256xf32>
    %select_n3A_3127 = arith.select %lt3A_3126, %get3A_3125, %select_n3A_3116 : vector<64x256xi1>, vector<64x256xf32>
    %add3A_3128 = arith.constant 6.656000e+03 : f32
    %add3A_3129 = vector.broadcast %add3A_3128 : f32 to vector<1x256xf32>
    %add3A_3130 = arith.addf %convert_element_type3A, %add3A_3129 : vector<1x256xf32>
    %broadcast_in_dim3A_3131 = vector.shape_cast %add3A_3130 : vector<1x256xf32> to vector<1x256xf32>
    %broadcast_in_dim3A_3132 = vector.broadcast %broadcast_in_dim3A_3131 : vector<1x256xf32> to vector<64x256xf32>
    %select_n3A_3133 = arith.select %lt3A_3126, %broadcast_in_dim3A_3132, %select_n3A_3122 : vector<64x256xi1>, vector<64x256xf32>
    %get3A_3134 = arith.constant 320 : index
    %get3A_3135 = arith.constant 6912 : index
    %get3A_3136 = vector.load %arg5[%get3A_3134, %get3A_3135] : memref<512x9984xf32, #tpu.memory_space<vmem>>, vector<64x256xf32>
    %lt3A_3137 = arith.cmpf olt, %get3A_3136, %select_n3A_3127 : vector<64x256xf32>
    %select_n3A_3138 = arith.select %lt3A_3137, %get3A_3136, %select_n3A_3127 : vector<64x256xi1>, vector<64x256xf32>
    %add3A_3139 = arith.constant 6.912000e+03 : f32
    %add3A_3140 = vector.broadcast %add3A_3139 : f32 to vector<1x256xf32>
    %add3A_3141 = arith.addf %convert_element_type3A, %add3A_3140 : vector<1x256xf32>
    %broadcast_in_dim3A_3142 = vector.shape_cast %add3A_3141 : vector<1x256xf32> to vector<1x256xf32>
    %broadcast_in_dim3A_3143 = vector.broadcast %broadcast_in_dim3A_3142 : vector<1x256xf32> to vector<64x256xf32>
    %select_n3A_3144 = arith.select %lt3A_3137, %broadcast_in_dim3A_3143, %select_n3A_3133 : vector<64x256xi1>, vector<64x256xf32>
    %get3A_3145 = arith.constant 320 : index
    %get3A_3146 = arith.constant 7168 : index
    %get3A_3147 = vector.load %arg5[%get3A_3145, %get3A_3146] : memref<512x9984xf32, #tpu.memory_space<vmem>>, vector<64x256xf32>
    %lt3A_3148 = arith.cmpf olt, %get3A_3147, %select_n3A_3138 : vector<64x256xf32>
    %select_n3A_3149 = arith.select %lt3A_3148, %get3A_3147, %select_n3A_3138 : vector<64x256xi1>, vector<64x256xf32>
    %add3A_3150 = arith.constant 7.168000e+03 : f32
    %add3A_3151 = vector.broadcast %add3A_3150 : f32 to vector<1x256xf32>
    %add3A_3152 = arith.addf %convert_element_type3A, %add3A_3151 : vector<1x256xf32>
    %broadcast_in_dim3A_3153 = vector.shape_cast %add3A_3152 : vector<1x256xf32> to vector<1x256xf32>
    %broadcast_in_dim3A_3154 = vector.broadcast %broadcast_in_dim3A_3153 : vector<1x256xf32> to vector<64x256xf32>
    %select_n3A_3155 = arith.select %lt3A_3148, %broadcast_in_dim3A_3154, %select_n3A_3144 : vector<64x256xi1>, vector<64x256xf32>
    %get3A_3156 = arith.constant 320 : index
    %get3A_3157 = arith.constant 7424 : index
    %get3A_3158 = vector.load %arg5[%get3A_3156, %get3A_3157] : memref<512x9984xf32, #tpu.memory_space<vmem>>, vector<64x256xf32>
    %lt3A_3159 = arith.cmpf olt, %get3A_3158, %select_n3A_3149 : vector<64x256xf32>
    %select_n3A_3160 = arith.select %lt3A_3159, %get3A_3158, %select_n3A_3149 : vector<64x256xi1>, vector<64x256xf32>
    %add3A_3161 = arith.constant 7.424000e+03 : f32
    %add3A_3162 = vector.broadcast %add3A_3161 : f32 to vector<1x256xf32>
    %add3A_3163 = arith.addf %convert_element_type3A, %add3A_3162 : vector<1x256xf32>
    %broadcast_in_dim3A_3164 = vector.shape_cast %add3A_3163 : vector<1x256xf32> to vector<1x256xf32>
    %broadcast_in_dim3A_3165 = vector.broadcast %broadcast_in_dim3A_3164 : vector<1x256xf32> to vector<64x256xf32>
    %select_n3A_3166 = arith.select %lt3A_3159, %broadcast_in_dim3A_3165, %select_n3A_3155 : vector<64x256xi1>, vector<64x256xf32>
    %get3A_3167 = arith.constant 320 : index
    %get3A_3168 = arith.constant 7680 : index
    %get3A_3169 = vector.load %arg5[%get3A_3167, %get3A_3168] : memref<512x9984xf32, #tpu.memory_space<vmem>>, vector<64x256xf32>
    %lt3A_3170 = arith.cmpf olt, %get3A_3169, %select_n3A_3160 : vector<64x256xf32>
    %select_n3A_3171 = arith.select %lt3A_3170, %get3A_3169, %select_n3A_3160 : vector<64x256xi1>, vector<64x256xf32>
    %add3A_3172 = arith.constant 7.680000e+03 : f32
    %add3A_3173 = vector.broadcast %add3A_3172 : f32 to vector<1x256xf32>
    %add3A_3174 = arith.addf %convert_element_type3A, %add3A_3173 : vector<1x256xf32>
    %broadcast_in_dim3A_3175 = vector.shape_cast %add3A_3174 : vector<1x256xf32> to vector<1x256xf32>
    %broadcast_in_dim3A_3176 = vector.broadcast %broadcast_in_dim3A_3175 : vector<1x256xf32> to vector<64x256xf32>
    %select_n3A_3177 = arith.select %lt3A_3170, %broadcast_in_dim3A_3176, %select_n3A_3166 : vector<64x256xi1>, vector<64x256xf32>
    %get3A_3178 = arith.constant 320 : index
    %get3A_3179 = arith.constant 7936 : index
    %get3A_3180 = vector.load %arg5[%get3A_3178, %get3A_3179] : memref<512x9984xf32, #tpu.memory_space<vmem>>, vector<64x256xf32>
    %lt3A_3181 = arith.cmpf olt, %get3A_3180, %select_n3A_3171 : vector<64x256xf32>
    %select_n3A_3182 = arith.select %lt3A_3181, %get3A_3180, %select_n3A_3171 : vector<64x256xi1>, vector<64x256xf32>
    %add3A_3183 = arith.constant 7.936000e+03 : f32
    %add3A_3184 = vector.broadcast %add3A_3183 : f32 to vector<1x256xf32>
    %add3A_3185 = arith.addf %convert_element_type3A, %add3A_3184 : vector<1x256xf32>
    %broadcast_in_dim3A_3186 = vector.shape_cast %add3A_3185 : vector<1x256xf32> to vector<1x256xf32>
    %broadcast_in_dim3A_3187 = vector.broadcast %broadcast_in_dim3A_3186 : vector<1x256xf32> to vector<64x256xf32>
    %select_n3A_3188 = arith.select %lt3A_3181, %broadcast_in_dim3A_3187, %select_n3A_3177 : vector<64x256xi1>, vector<64x256xf32>
    %get3A_3189 = arith.constant 320 : index
    %get3A_3190 = arith.constant 8192 : index
    %get3A_3191 = vector.load %arg5[%get3A_3189, %get3A_3190] : memref<512x9984xf32, #tpu.memory_space<vmem>>, vector<64x256xf32>
    %lt3A_3192 = arith.cmpf olt, %get3A_3191, %select_n3A_3182 : vector<64x256xf32>
    %select_n3A_3193 = arith.select %lt3A_3192, %get3A_3191, %select_n3A_3182 : vector<64x256xi1>, vector<64x256xf32>
    %add3A_3194 = arith.constant 8.192000e+03 : f32
    %add3A_3195 = vector.broadcast %add3A_3194 : f32 to vector<1x256xf32>
    %add3A_3196 = arith.addf %convert_element_type3A, %add3A_3195 : vector<1x256xf32>
    %broadcast_in_dim3A_3197 = vector.shape_cast %add3A_3196 : vector<1x256xf32> to vector<1x256xf32>
    %broadcast_in_dim3A_3198 = vector.broadcast %broadcast_in_dim3A_3197 : vector<1x256xf32> to vector<64x256xf32>
    %select_n3A_3199 = arith.select %lt3A_3192, %broadcast_in_dim3A_3198, %select_n3A_3188 : vector<64x256xi1>, vector<64x256xf32>
    %get3A_3200 = arith.constant 320 : index
    %get3A_3201 = arith.constant 8448 : index
    %get3A_3202 = vector.load %arg5[%get3A_3200, %get3A_3201] : memref<512x9984xf32, #tpu.memory_space<vmem>>, vector<64x256xf32>
    %lt3A_3203 = arith.cmpf olt, %get3A_3202, %select_n3A_3193 : vector<64x256xf32>
    %select_n3A_3204 = arith.select %lt3A_3203, %get3A_3202, %select_n3A_3193 : vector<64x256xi1>, vector<64x256xf32>
    %add3A_3205 = arith.constant 8.448000e+03 : f32
    %add3A_3206 = vector.broadcast %add3A_3205 : f32 to vector<1x256xf32>
    %add3A_3207 = arith.addf %convert_element_type3A, %add3A_3206 : vector<1x256xf32>
    %broadcast_in_dim3A_3208 = vector.shape_cast %add3A_3207 : vector<1x256xf32> to vector<1x256xf32>
    %broadcast_in_dim3A_3209 = vector.broadcast %broadcast_in_dim3A_3208 : vector<1x256xf32> to vector<64x256xf32>
    %select_n3A_3210 = arith.select %lt3A_3203, %broadcast_in_dim3A_3209, %select_n3A_3199 : vector<64x256xi1>, vector<64x256xf32>
    %get3A_3211 = arith.constant 320 : index
    %get3A_3212 = arith.constant 8704 : index
    %get3A_3213 = vector.load %arg5[%get3A_3211, %get3A_3212] : memref<512x9984xf32, #tpu.memory_space<vmem>>, vector<64x256xf32>
    %lt3A_3214 = arith.cmpf olt, %get3A_3213, %select_n3A_3204 : vector<64x256xf32>
    %select_n3A_3215 = arith.select %lt3A_3214, %get3A_3213, %select_n3A_3204 : vector<64x256xi1>, vector<64x256xf32>
    %add3A_3216 = arith.constant 8.704000e+03 : f32
    %add3A_3217 = vector.broadcast %add3A_3216 : f32 to vector<1x256xf32>
    %add3A_3218 = arith.addf %convert_element_type3A, %add3A_3217 : vector<1x256xf32>
    %broadcast_in_dim3A_3219 = vector.shape_cast %add3A_3218 : vector<1x256xf32> to vector<1x256xf32>
    %broadcast_in_dim3A_3220 = vector.broadcast %broadcast_in_dim3A_3219 : vector<1x256xf32> to vector<64x256xf32>
    %select_n3A_3221 = arith.select %lt3A_3214, %broadcast_in_dim3A_3220, %select_n3A_3210 : vector<64x256xi1>, vector<64x256xf32>
    %get3A_3222 = arith.constant 320 : index
    %get3A_3223 = arith.constant 8960 : index
    %get3A_3224 = vector.load %arg5[%get3A_3222, %get3A_3223] : memref<512x9984xf32, #tpu.memory_space<vmem>>, vector<64x256xf32>
    %lt3A_3225 = arith.cmpf olt, %get3A_3224, %select_n3A_3215 : vector<64x256xf32>
    %select_n3A_3226 = arith.select %lt3A_3225, %get3A_3224, %select_n3A_3215 : vector<64x256xi1>, vector<64x256xf32>
    %add3A_3227 = arith.constant 8.960000e+03 : f32
    %add3A_3228 = vector.broadcast %add3A_3227 : f32 to vector<1x256xf32>
    %add3A_3229 = arith.addf %convert_element_type3A, %add3A_3228 : vector<1x256xf32>
    %broadcast_in_dim3A_3230 = vector.shape_cast %add3A_3229 : vector<1x256xf32> to vector<1x256xf32>
    %broadcast_in_dim3A_3231 = vector.broadcast %broadcast_in_dim3A_3230 : vector<1x256xf32> to vector<64x256xf32>
    %select_n3A_3232 = arith.select %lt3A_3225, %broadcast_in_dim3A_3231, %select_n3A_3221 : vector<64x256xi1>, vector<64x256xf32>
    %get3A_3233 = arith.constant 320 : index
    %get3A_3234 = arith.constant 9216 : index
    %get3A_3235 = vector.load %arg5[%get3A_3233, %get3A_3234] : memref<512x9984xf32, #tpu.memory_space<vmem>>, vector<64x256xf32>
    %lt3A_3236 = arith.cmpf olt, %get3A_3235, %select_n3A_3226 : vector<64x256xf32>
    %select_n3A_3237 = arith.select %lt3A_3236, %get3A_3235, %select_n3A_3226 : vector<64x256xi1>, vector<64x256xf32>
    %add3A_3238 = arith.constant 9.216000e+03 : f32
    %add3A_3239 = vector.broadcast %add3A_3238 : f32 to vector<1x256xf32>
    %add3A_3240 = arith.addf %convert_element_type3A, %add3A_3239 : vector<1x256xf32>
    %broadcast_in_dim3A_3241 = vector.shape_cast %add3A_3240 : vector<1x256xf32> to vector<1x256xf32>
    %broadcast_in_dim3A_3242 = vector.broadcast %broadcast_in_dim3A_3241 : vector<1x256xf32> to vector<64x256xf32>
    %select_n3A_3243 = arith.select %lt3A_3236, %broadcast_in_dim3A_3242, %select_n3A_3232 : vector<64x256xi1>, vector<64x256xf32>
    %get3A_3244 = arith.constant 320 : index
    %get3A_3245 = arith.constant 9472 : index
    %get3A_3246 = vector.load %arg5[%get3A_3244, %get3A_3245] : memref<512x9984xf32, #tpu.memory_space<vmem>>, vector<64x256xf32>
    %lt3A_3247 = arith.cmpf olt, %get3A_3246, %select_n3A_3237 : vector<64x256xf32>
    %select_n3A_3248 = arith.select %lt3A_3247, %get3A_3246, %select_n3A_3237 : vector<64x256xi1>, vector<64x256xf32>
    %add3A_3249 = arith.constant 9.472000e+03 : f32
    %add3A_3250 = vector.broadcast %add3A_3249 : f32 to vector<1x256xf32>
    %add3A_3251 = arith.addf %convert_element_type3A, %add3A_3250 : vector<1x256xf32>
    %broadcast_in_dim3A_3252 = vector.shape_cast %add3A_3251 : vector<1x256xf32> to vector<1x256xf32>
    %broadcast_in_dim3A_3253 = vector.broadcast %broadcast_in_dim3A_3252 : vector<1x256xf32> to vector<64x256xf32>
    %select_n3A_3254 = arith.select %lt3A_3247, %broadcast_in_dim3A_3253, %select_n3A_3243 : vector<64x256xi1>, vector<64x256xf32>
    %get3A_3255 = arith.constant 320 : index
    %get3A_3256 = arith.constant 9728 : index
    %get3A_3257 = vector.load %arg5[%get3A_3255, %get3A_3256] : memref<512x9984xf32, #tpu.memory_space<vmem>>, vector<64x256xf32>
    %lt3A_3258 = arith.cmpf olt, %get3A_3257, %select_n3A_3248 : vector<64x256xf32>
    %select_n3A_3259 = arith.select %lt3A_3258, %get3A_3257, %select_n3A_3248 : vector<64x256xi1>, vector<64x256xf32>
    %add3A_3260 = arith.constant 9.728000e+03 : f32
    %add3A_3261 = vector.broadcast %add3A_3260 : f32 to vector<1x256xf32>
    %add3A_3262 = arith.addf %convert_element_type3A, %add3A_3261 : vector<1x256xf32>
    %broadcast_in_dim3A_3263 = vector.shape_cast %add3A_3262 : vector<1x256xf32> to vector<1x256xf32>
    %broadcast_in_dim3A_3264 = vector.broadcast %broadcast_in_dim3A_3263 : vector<1x256xf32> to vector<64x256xf32>
    %select_n3A_3265 = arith.select %lt3A_3258, %broadcast_in_dim3A_3264, %select_n3A_3254 : vector<64x256xi1>, vector<64x256xf32>
    %reduce_min3A_3266 = arith.constant dense<0x7F800000> : vector<64xf32>
    %reduce_min3A_3267 = vector.multi_reduction <minimumf>, %select_n3A_3259, %reduce_min3A_3266 [1] : vector<64x256xf32> to vector<64xf32>
    %broadcast_in_dim3A_3268 = vector.shape_cast %reduce_min3A_3267 : vector<64xf32> to vector<64x1xf32>
    %eq3A_3269 = vector.broadcast %broadcast_in_dim3A_3268 : vector<64x1xf32> to vector<64x256xf32>
    %eq3A_3270 = arith.cmpf oeq, %select_n3A_3259, %eq3A_3269 : vector<64x256xf32>
    %jit3A_3271 = arith.constant 3.000000e+38 : f32
    %broadcast_in_dim3A_3272 = vector.broadcast %jit3A_3271 : f32 to vector<64x256xf32>
    %select_n3A_3273 = arith.select %eq3A_3270, %select_n3A_3265, %broadcast_in_dim3A_3272 : vector<64x256xi1>, vector<64x256xf32>
    %reduce_min3A_3274 = arith.constant dense<0x7F800000> : vector<64xf32>
    %reduce_min3A_3275 = vector.multi_reduction <minimumf>, %select_n3A_3273, %reduce_min3A_3274 [1] : vector<64x256xf32> to vector<64xf32>
    %convert_element_type3A_3276 = arith.fptosi %reduce_min3A_3275 : vector<64xf32> to vector<64xi32>
    %swap3A_3277 = arith.constant 0 : index
    %swap3A_3278 = arith.constant 0 : index
    %swap3A_3279 = arith.constant 320 : index
    %swap3A_3280 = vector.load %arg4[%swap3A_3277, %swap3A_3278, %swap3A_3279] : memref<1x1x512xi32, #tpu.memory_space<vmem>>, vector<1x1x64xi32>
    %swap3A_3281 = vector.shape_cast %swap3A_3280 : vector<1x1x64xi32> to vector<64xi32>
    %swap3A_3282 = vector.shape_cast %convert_element_type3A_3276 : vector<64xi32> to vector<1x1x64xi32>
    tpu.vector_store %arg4[%swap3A_3277, %swap3A_3278, %swap3A_3279], %swap3A_3282 {strides = array<i32>} : memref<1x1x512xi32, #tpu.memory_space<vmem>>, vector<1x1x64xi32>,
    %broadcast_in_dim3A_3283 = arith.constant 0x7F800000 : f32
    %broadcast_in_dim3A_3284 = vector.broadcast %broadcast_in_dim3A_3283 : f32 to vector<64x256xf32>
    %broadcast_in_dim3A_3285 = arith.constant 0.000000e+00 : f32
    %broadcast_in_dim3A_3286 = vector.broadcast %broadcast_in_dim3A_3285 : f32 to vector<64x256xf32>
    %get3A_3287 = arith.constant 384 : index
    %get3A_3288 = arith.constant 0 : index
    %get3A_3289 = vector.load %arg5[%get3A_3287, %get3A_3288] : memref<512x9984xf32, #tpu.memory_space<vmem>>, vector<64x256xf32>
    %lt3A_3290 = arith.cmpf olt, %get3A_3289, %broadcast_in_dim3A_3284 : vector<64x256xf32>
    %select_n3A_3291 = arith.select %lt3A_3290, %get3A_3289, %broadcast_in_dim3A_3284 : vector<64x256xi1>, vector<64x256xf32>
    %add3A_3292 = arith.constant 0.000000e+00 : f32
    %add3A_3293 = vector.broadcast %add3A_3292 : f32 to vector<1x256xf32>
    %add3A_3294 = arith.addf %convert_element_type3A, %add3A_3293 : vector<1x256xf32>
    %broadcast_in_dim3A_3295 = vector.shape_cast %add3A_3294 : vector<1x256xf32> to vector<1x256xf32>
    %broadcast_in_dim3A_3296 = vector.broadcast %broadcast_in_dim3A_3295 : vector<1x256xf32> to vector<64x256xf32>
    %select_n3A_3297 = arith.select %lt3A_3290, %broadcast_in_dim3A_3296, %broadcast_in_dim3A_3286 : vector<64x256xi1>, vector<64x256xf32>
    %get3A_3298 = arith.constant 384 : index
    %get3A_3299 = arith.constant 256 : index
    %get3A_3300 = vector.load %arg5[%get3A_3298, %get3A_3299] : memref<512x9984xf32, #tpu.memory_space<vmem>>, vector<64x256xf32>
    %lt3A_3301 = arith.cmpf olt, %get3A_3300, %select_n3A_3291 : vector<64x256xf32>
    %select_n3A_3302 = arith.select %lt3A_3301, %get3A_3300, %select_n3A_3291 : vector<64x256xi1>, vector<64x256xf32>
    %add3A_3303 = arith.constant 2.560000e+02 : f32
    %add3A_3304 = vector.broadcast %add3A_3303 : f32 to vector<1x256xf32>
    %add3A_3305 = arith.addf %convert_element_type3A, %add3A_3304 : vector<1x256xf32>
    %broadcast_in_dim3A_3306 = vector.shape_cast %add3A_3305 : vector<1x256xf32> to vector<1x256xf32>
    %broadcast_in_dim3A_3307 = vector.broadcast %broadcast_in_dim3A_3306 : vector<1x256xf32> to vector<64x256xf32>
    %select_n3A_3308 = arith.select %lt3A_3301, %broadcast_in_dim3A_3307, %select_n3A_3297 : vector<64x256xi1>, vector<64x256xf32>
    %get3A_3309 = arith.constant 384 : index
    %get3A_3310 = arith.constant 512 : index
    %get3A_3311 = vector.load %arg5[%get3A_3309, %get3A_3310] : memref<512x9984xf32, #tpu.memory_space<vmem>>, vector<64x256xf32>
    %lt3A_3312 = arith.cmpf olt, %get3A_3311, %select_n3A_3302 : vector<64x256xf32>
    %select_n3A_3313 = arith.select %lt3A_3312, %get3A_3311, %select_n3A_3302 : vector<64x256xi1>, vector<64x256xf32>
    %add3A_3314 = arith.constant 5.120000e+02 : f32
    %add3A_3315 = vector.broadcast %add3A_3314 : f32 to vector<1x256xf32>
    %add3A_3316 = arith.addf %convert_element_type3A, %add3A_3315 : vector<1x256xf32>
    %broadcast_in_dim3A_3317 = vector.shape_cast %add3A_3316 : vector<1x256xf32> to vector<1x256xf32>
    %broadcast_in_dim3A_3318 = vector.broadcast %broadcast_in_dim3A_3317 : vector<1x256xf32> to vector<64x256xf32>
    %select_n3A_3319 = arith.select %lt3A_3312, %broadcast_in_dim3A_3318, %select_n3A_3308 : vector<64x256xi1>, vector<64x256xf32>
    %get3A_3320 = arith.constant 384 : index
    %get3A_3321 = arith.constant 768 : index
    %get3A_3322 = vector.load %arg5[%get3A_3320, %get3A_3321] : memref<512x9984xf32, #tpu.memory_space<vmem>>, vector<64x256xf32>
    %lt3A_3323 = arith.cmpf olt, %get3A_3322, %select_n3A_3313 : vector<64x256xf32>
    %select_n3A_3324 = arith.select %lt3A_3323, %get3A_3322, %select_n3A_3313 : vector<64x256xi1>, vector<64x256xf32>
    %add3A_3325 = arith.constant 7.680000e+02 : f32
    %add3A_3326 = vector.broadcast %add3A_3325 : f32 to vector<1x256xf32>
    %add3A_3327 = arith.addf %convert_element_type3A, %add3A_3326 : vector<1x256xf32>
    %broadcast_in_dim3A_3328 = vector.shape_cast %add3A_3327 : vector<1x256xf32> to vector<1x256xf32>
    %broadcast_in_dim3A_3329 = vector.broadcast %broadcast_in_dim3A_3328 : vector<1x256xf32> to vector<64x256xf32>
    %select_n3A_3330 = arith.select %lt3A_3323, %broadcast_in_dim3A_3329, %select_n3A_3319 : vector<64x256xi1>, vector<64x256xf32>
    %get3A_3331 = arith.constant 384 : index
    %get3A_3332 = arith.constant 1024 : index
    %get3A_3333 = vector.load %arg5[%get3A_3331, %get3A_3332] : memref<512x9984xf32, #tpu.memory_space<vmem>>, vector<64x256xf32>
    %lt3A_3334 = arith.cmpf olt, %get3A_3333, %select_n3A_3324 : vector<64x256xf32>
    %select_n3A_3335 = arith.select %lt3A_3334, %get3A_3333, %select_n3A_3324 : vector<64x256xi1>, vector<64x256xf32>
    %add3A_3336 = arith.constant 1.024000e+03 : f32
    %add3A_3337 = vector.broadcast %add3A_3336 : f32 to vector<1x256xf32>
    %add3A_3338 = arith.addf %convert_element_type3A, %add3A_3337 : vector<1x256xf32>
    %broadcast_in_dim3A_3339 = vector.shape_cast %add3A_3338 : vector<1x256xf32> to vector<1x256xf32>
    %broadcast_in_dim3A_3340 = vector.broadcast %broadcast_in_dim3A_3339 : vector<1x256xf32> to vector<64x256xf32>
    %select_n3A_3341 = arith.select %lt3A_3334, %broadcast_in_dim3A_3340, %select_n3A_3330 : vector<64x256xi1>, vector<64x256xf32>
    %get3A_3342 = arith.constant 384 : index
    %get3A_3343 = arith.constant 1280 : index
    %get3A_3344 = vector.load %arg5[%get3A_3342, %get3A_3343] : memref<512x9984xf32, #tpu.memory_space<vmem>>, vector<64x256xf32>
    %lt3A_3345 = arith.cmpf olt, %get3A_3344, %select_n3A_3335 : vector<64x256xf32>
    %select_n3A_3346 = arith.select %lt3A_3345, %get3A_3344, %select_n3A_3335 : vector<64x256xi1>, vector<64x256xf32>
    %add3A_3347 = arith.constant 1.280000e+03 : f32
    %add3A_3348 = vector.broadcast %add3A_3347 : f32 to vector<1x256xf32>
    %add3A_3349 = arith.addf %convert_element_type3A, %add3A_3348 : vector<1x256xf32>
    %broadcast_in_dim3A_3350 = vector.shape_cast %add3A_3349 : vector<1x256xf32> to vector<1x256xf32>
    %broadcast_in_dim3A_3351 = vector.broadcast %broadcast_in_dim3A_3350 : vector<1x256xf32> to vector<64x256xf32>
    %select_n3A_3352 = arith.select %lt3A_3345, %broadcast_in_dim3A_3351, %select_n3A_3341 : vector<64x256xi1>, vector<64x256xf32>
    %get3A_3353 = arith.constant 384 : index
    %get3A_3354 = arith.constant 1536 : index
    %get3A_3355 = vector.load %arg5[%get3A_3353, %get3A_3354] : memref<512x9984xf32, #tpu.memory_space<vmem>>, vector<64x256xf32>
    %lt3A_3356 = arith.cmpf olt, %get3A_3355, %select_n3A_3346 : vector<64x256xf32>
    %select_n3A_3357 = arith.select %lt3A_3356, %get3A_3355, %select_n3A_3346 : vector<64x256xi1>, vector<64x256xf32>
    %add3A_3358 = arith.constant 1.536000e+03 : f32
    %add3A_3359 = vector.broadcast %add3A_3358 : f32 to vector<1x256xf32>
    %add3A_3360 = arith.addf %convert_element_type3A, %add3A_3359 : vector<1x256xf32>
    %broadcast_in_dim3A_3361 = vector.shape_cast %add3A_3360 : vector<1x256xf32> to vector<1x256xf32>
    %broadcast_in_dim3A_3362 = vector.broadcast %broadcast_in_dim3A_3361 : vector<1x256xf32> to vector<64x256xf32>
    %select_n3A_3363 = arith.select %lt3A_3356, %broadcast_in_dim3A_3362, %select_n3A_3352 : vector<64x256xi1>, vector<64x256xf32>
    %get3A_3364 = arith.constant 384 : index
    %get3A_3365 = arith.constant 1792 : index
    %get3A_3366 = vector.load %arg5[%get3A_3364, %get3A_3365] : memref<512x9984xf32, #tpu.memory_space<vmem>>, vector<64x256xf32>
    %lt3A_3367 = arith.cmpf olt, %get3A_3366, %select_n3A_3357 : vector<64x256xf32>
    %select_n3A_3368 = arith.select %lt3A_3367, %get3A_3366, %select_n3A_3357 : vector<64x256xi1>, vector<64x256xf32>
    %add3A_3369 = arith.constant 1.792000e+03 : f32
    %add3A_3370 = vector.broadcast %add3A_3369 : f32 to vector<1x256xf32>
    %add3A_3371 = arith.addf %convert_element_type3A, %add3A_3370 : vector<1x256xf32>
    %broadcast_in_dim3A_3372 = vector.shape_cast %add3A_3371 : vector<1x256xf32> to vector<1x256xf32>
    %broadcast_in_dim3A_3373 = vector.broadcast %broadcast_in_dim3A_3372 : vector<1x256xf32> to vector<64x256xf32>
    %select_n3A_3374 = arith.select %lt3A_3367, %broadcast_in_dim3A_3373, %select_n3A_3363 : vector<64x256xi1>, vector<64x256xf32>
    %get3A_3375 = arith.constant 384 : index
    %get3A_3376 = arith.constant 2048 : index
    %get3A_3377 = vector.load %arg5[%get3A_3375, %get3A_3376] : memref<512x9984xf32, #tpu.memory_space<vmem>>, vector<64x256xf32>
    %lt3A_3378 = arith.cmpf olt, %get3A_3377, %select_n3A_3368 : vector<64x256xf32>
    %select_n3A_3379 = arith.select %lt3A_3378, %get3A_3377, %select_n3A_3368 : vector<64x256xi1>, vector<64x256xf32>
    %add3A_3380 = arith.constant 2.048000e+03 : f32
    %add3A_3381 = vector.broadcast %add3A_3380 : f32 to vector<1x256xf32>
    %add3A_3382 = arith.addf %convert_element_type3A, %add3A_3381 : vector<1x256xf32>
    %broadcast_in_dim3A_3383 = vector.shape_cast %add3A_3382 : vector<1x256xf32> to vector<1x256xf32>
    %broadcast_in_dim3A_3384 = vector.broadcast %broadcast_in_dim3A_3383 : vector<1x256xf32> to vector<64x256xf32>
    %select_n3A_3385 = arith.select %lt3A_3378, %broadcast_in_dim3A_3384, %select_n3A_3374 : vector<64x256xi1>, vector<64x256xf32>
    %get3A_3386 = arith.constant 384 : index
    %get3A_3387 = arith.constant 2304 : index
    %get3A_3388 = vector.load %arg5[%get3A_3386, %get3A_3387] : memref<512x9984xf32, #tpu.memory_space<vmem>>, vector<64x256xf32>
    %lt3A_3389 = arith.cmpf olt, %get3A_3388, %select_n3A_3379 : vector<64x256xf32>
    %select_n3A_3390 = arith.select %lt3A_3389, %get3A_3388, %select_n3A_3379 : vector<64x256xi1>, vector<64x256xf32>
    %add3A_3391 = arith.constant 2.304000e+03 : f32
    %add3A_3392 = vector.broadcast %add3A_3391 : f32 to vector<1x256xf32>
    %add3A_3393 = arith.addf %convert_element_type3A, %add3A_3392 : vector<1x256xf32>
    %broadcast_in_dim3A_3394 = vector.shape_cast %add3A_3393 : vector<1x256xf32> to vector<1x256xf32>
    %broadcast_in_dim3A_3395 = vector.broadcast %broadcast_in_dim3A_3394 : vector<1x256xf32> to vector<64x256xf32>
    %select_n3A_3396 = arith.select %lt3A_3389, %broadcast_in_dim3A_3395, %select_n3A_3385 : vector<64x256xi1>, vector<64x256xf32>
    %get3A_3397 = arith.constant 384 : index
    %get3A_3398 = arith.constant 2560 : index
    %get3A_3399 = vector.load %arg5[%get3A_3397, %get3A_3398] : memref<512x9984xf32, #tpu.memory_space<vmem>>, vector<64x256xf32>
    %lt3A_3400 = arith.cmpf olt, %get3A_3399, %select_n3A_3390 : vector<64x256xf32>
    %select_n3A_3401 = arith.select %lt3A_3400, %get3A_3399, %select_n3A_3390 : vector<64x256xi1>, vector<64x256xf32>
    %add3A_3402 = arith.constant 2.560000e+03 : f32
    %add3A_3403 = vector.broadcast %add3A_3402 : f32 to vector<1x256xf32>
    %add3A_3404 = arith.addf %convert_element_type3A, %add3A_3403 : vector<1x256xf32>
    %broadcast_in_dim3A_3405 = vector.shape_cast %add3A_3404 : vector<1x256xf32> to vector<1x256xf32>
    %broadcast_in_dim3A_3406 = vector.broadcast %broadcast_in_dim3A_3405 : vector<1x256xf32> to vector<64x256xf32>
    %select_n3A_3407 = arith.select %lt3A_3400, %broadcast_in_dim3A_3406, %select_n3A_3396 : vector<64x256xi1>, vector<64x256xf32>
    %get3A_3408 = arith.constant 384 : index
    %get3A_3409 = arith.constant 2816 : index
    %get3A_3410 = vector.load %arg5[%get3A_3408, %get3A_3409] : memref<512x9984xf32, #tpu.memory_space<vmem>>, vector<64x256xf32>
    %lt3A_3411 = arith.cmpf olt, %get3A_3410, %select_n3A_3401 : vector<64x256xf32>
    %select_n3A_3412 = arith.select %lt3A_3411, %get3A_3410, %select_n3A_3401 : vector<64x256xi1>, vector<64x256xf32>
    %add3A_3413 = arith.constant 2.816000e+03 : f32
    %add3A_3414 = vector.broadcast %add3A_3413 : f32 to vector<1x256xf32>
    %add3A_3415 = arith.addf %convert_element_type3A, %add3A_3414 : vector<1x256xf32>
    %broadcast_in_dim3A_3416 = vector.shape_cast %add3A_3415 : vector<1x256xf32> to vector<1x256xf32>
    %broadcast_in_dim3A_3417 = vector.broadcast %broadcast_in_dim3A_3416 : vector<1x256xf32> to vector<64x256xf32>
    %select_n3A_3418 = arith.select %lt3A_3411, %broadcast_in_dim3A_3417, %select_n3A_3407 : vector<64x256xi1>, vector<64x256xf32>
    %get3A_3419 = arith.constant 384 : index
    %get3A_3420 = arith.constant 3072 : index
    %get3A_3421 = vector.load %arg5[%get3A_3419, %get3A_3420] : memref<512x9984xf32, #tpu.memory_space<vmem>>, vector<64x256xf32>
    %lt3A_3422 = arith.cmpf olt, %get3A_3421, %select_n3A_3412 : vector<64x256xf32>
    %select_n3A_3423 = arith.select %lt3A_3422, %get3A_3421, %select_n3A_3412 : vector<64x256xi1>, vector<64x256xf32>
    %add3A_3424 = arith.constant 3.072000e+03 : f32
    %add3A_3425 = vector.broadcast %add3A_3424 : f32 to vector<1x256xf32>
    %add3A_3426 = arith.addf %convert_element_type3A, %add3A_3425 : vector<1x256xf32>
    %broadcast_in_dim3A_3427 = vector.shape_cast %add3A_3426 : vector<1x256xf32> to vector<1x256xf32>
    %broadcast_in_dim3A_3428 = vector.broadcast %broadcast_in_dim3A_3427 : vector<1x256xf32> to vector<64x256xf32>
    %select_n3A_3429 = arith.select %lt3A_3422, %broadcast_in_dim3A_3428, %select_n3A_3418 : vector<64x256xi1>, vector<64x256xf32>
    %get3A_3430 = arith.constant 384 : index
    %get3A_3431 = arith.constant 3328 : index
    %get3A_3432 = vector.load %arg5[%get3A_3430, %get3A_3431] : memref<512x9984xf32, #tpu.memory_space<vmem>>, vector<64x256xf32>
    %lt3A_3433 = arith.cmpf olt, %get3A_3432, %select_n3A_3423 : vector<64x256xf32>
    %select_n3A_3434 = arith.select %lt3A_3433, %get3A_3432, %select_n3A_3423 : vector<64x256xi1>, vector<64x256xf32>
    %add3A_3435 = arith.constant 3.328000e+03 : f32
    %add3A_3436 = vector.broadcast %add3A_3435 : f32 to vector<1x256xf32>
    %add3A_3437 = arith.addf %convert_element_type3A, %add3A_3436 : vector<1x256xf32>
    %broadcast_in_dim3A_3438 = vector.shape_cast %add3A_3437 : vector<1x256xf32> to vector<1x256xf32>
    %broadcast_in_dim3A_3439 = vector.broadcast %broadcast_in_dim3A_3438 : vector<1x256xf32> to vector<64x256xf32>
    %select_n3A_3440 = arith.select %lt3A_3433, %broadcast_in_dim3A_3439, %select_n3A_3429 : vector<64x256xi1>, vector<64x256xf32>
    %get3A_3441 = arith.constant 384 : index
    %get3A_3442 = arith.constant 3584 : index
    %get3A_3443 = vector.load %arg5[%get3A_3441, %get3A_3442] : memref<512x9984xf32, #tpu.memory_space<vmem>>, vector<64x256xf32>
    %lt3A_3444 = arith.cmpf olt, %get3A_3443, %select_n3A_3434 : vector<64x256xf32>
    %select_n3A_3445 = arith.select %lt3A_3444, %get3A_3443, %select_n3A_3434 : vector<64x256xi1>, vector<64x256xf32>
    %add3A_3446 = arith.constant 3.584000e+03 : f32
    %add3A_3447 = vector.broadcast %add3A_3446 : f32 to vector<1x256xf32>
    %add3A_3448 = arith.addf %convert_element_type3A, %add3A_3447 : vector<1x256xf32>
    %broadcast_in_dim3A_3449 = vector.shape_cast %add3A_3448 : vector<1x256xf32> to vector<1x256xf32>
    %broadcast_in_dim3A_3450 = vector.broadcast %broadcast_in_dim3A_3449 : vector<1x256xf32> to vector<64x256xf32>
    %select_n3A_3451 = arith.select %lt3A_3444, %broadcast_in_dim3A_3450, %select_n3A_3440 : vector<64x256xi1>, vector<64x256xf32>
    %get3A_3452 = arith.constant 384 : index
    %get3A_3453 = arith.constant 3840 : index
    %get3A_3454 = vector.load %arg5[%get3A_3452, %get3A_3453] : memref<512x9984xf32, #tpu.memory_space<vmem>>, vector<64x256xf32>
    %lt3A_3455 = arith.cmpf olt, %get3A_3454, %select_n3A_3445 : vector<64x256xf32>
    %select_n3A_3456 = arith.select %lt3A_3455, %get3A_3454, %select_n3A_3445 : vector<64x256xi1>, vector<64x256xf32>
    %add3A_3457 = arith.constant 3.840000e+03 : f32
    %add3A_3458 = vector.broadcast %add3A_3457 : f32 to vector<1x256xf32>
    %add3A_3459 = arith.addf %convert_element_type3A, %add3A_3458 : vector<1x256xf32>
    %broadcast_in_dim3A_3460 = vector.shape_cast %add3A_3459 : vector<1x256xf32> to vector<1x256xf32>
    %broadcast_in_dim3A_3461 = vector.broadcast %broadcast_in_dim3A_3460 : vector<1x256xf32> to vector<64x256xf32>
    %select_n3A_3462 = arith.select %lt3A_3455, %broadcast_in_dim3A_3461, %select_n3A_3451 : vector<64x256xi1>, vector<64x256xf32>
    %get3A_3463 = arith.constant 384 : index
    %get3A_3464 = arith.constant 4096 : index
    %get3A_3465 = vector.load %arg5[%get3A_3463, %get3A_3464] : memref<512x9984xf32, #tpu.memory_space<vmem>>, vector<64x256xf32>
    %lt3A_3466 = arith.cmpf olt, %get3A_3465, %select_n3A_3456 : vector<64x256xf32>
    %select_n3A_3467 = arith.select %lt3A_3466, %get3A_3465, %select_n3A_3456 : vector<64x256xi1>, vector<64x256xf32>
    %add3A_3468 = arith.constant 4.096000e+03 : f32
    %add3A_3469 = vector.broadcast %add3A_3468 : f32 to vector<1x256xf32>
    %add3A_3470 = arith.addf %convert_element_type3A, %add3A_3469 : vector<1x256xf32>
    %broadcast_in_dim3A_3471 = vector.shape_cast %add3A_3470 : vector<1x256xf32> to vector<1x256xf32>
    %broadcast_in_dim3A_3472 = vector.broadcast %broadcast_in_dim3A_3471 : vector<1x256xf32> to vector<64x256xf32>
    %select_n3A_3473 = arith.select %lt3A_3466, %broadcast_in_dim3A_3472, %select_n3A_3462 : vector<64x256xi1>, vector<64x256xf32>
    %get3A_3474 = arith.constant 384 : index
    %get3A_3475 = arith.constant 4352 : index
    %get3A_3476 = vector.load %arg5[%get3A_3474, %get3A_3475] : memref<512x9984xf32, #tpu.memory_space<vmem>>, vector<64x256xf32>
    %lt3A_3477 = arith.cmpf olt, %get3A_3476, %select_n3A_3467 : vector<64x256xf32>
    %select_n3A_3478 = arith.select %lt3A_3477, %get3A_3476, %select_n3A_3467 : vector<64x256xi1>, vector<64x256xf32>
    %add3A_3479 = arith.constant 4.352000e+03 : f32
    %add3A_3480 = vector.broadcast %add3A_3479 : f32 to vector<1x256xf32>
    %add3A_3481 = arith.addf %convert_element_type3A, %add3A_3480 : vector<1x256xf32>
    %broadcast_in_dim3A_3482 = vector.shape_cast %add3A_3481 : vector<1x256xf32> to vector<1x256xf32>
    %broadcast_in_dim3A_3483 = vector.broadcast %broadcast_in_dim3A_3482 : vector<1x256xf32> to vector<64x256xf32>
    %select_n3A_3484 = arith.select %lt3A_3477, %broadcast_in_dim3A_3483, %select_n3A_3473 : vector<64x256xi1>, vector<64x256xf32>
    %get3A_3485 = arith.constant 384 : index
    %get3A_3486 = arith.constant 4608 : index
    %get3A_3487 = vector.load %arg5[%get3A_3485, %get3A_3486] : memref<512x9984xf32, #tpu.memory_space<vmem>>, vector<64x256xf32>
    %lt3A_3488 = arith.cmpf olt, %get3A_3487, %select_n3A_3478 : vector<64x256xf32>
    %select_n3A_3489 = arith.select %lt3A_3488, %get3A_3487, %select_n3A_3478 : vector<64x256xi1>, vector<64x256xf32>
    %add3A_3490 = arith.constant 4.608000e+03 : f32
    %add3A_3491 = vector.broadcast %add3A_3490 : f32 to vector<1x256xf32>
    %add3A_3492 = arith.addf %convert_element_type3A, %add3A_3491 : vector<1x256xf32>
    %broadcast_in_dim3A_3493 = vector.shape_cast %add3A_3492 : vector<1x256xf32> to vector<1x256xf32>
    %broadcast_in_dim3A_3494 = vector.broadcast %broadcast_in_dim3A_3493 : vector<1x256xf32> to vector<64x256xf32>
    %select_n3A_3495 = arith.select %lt3A_3488, %broadcast_in_dim3A_3494, %select_n3A_3484 : vector<64x256xi1>, vector<64x256xf32>
    %get3A_3496 = arith.constant 384 : index
    %get3A_3497 = arith.constant 4864 : index
    %get3A_3498 = vector.load %arg5[%get3A_3496, %get3A_3497] : memref<512x9984xf32, #tpu.memory_space<vmem>>, vector<64x256xf32>
    %lt3A_3499 = arith.cmpf olt, %get3A_3498, %select_n3A_3489 : vector<64x256xf32>
    %select_n3A_3500 = arith.select %lt3A_3499, %get3A_3498, %select_n3A_3489 : vector<64x256xi1>, vector<64x256xf32>
    %add3A_3501 = arith.constant 4.864000e+03 : f32
    %add3A_3502 = vector.broadcast %add3A_3501 : f32 to vector<1x256xf32>
    %add3A_3503 = arith.addf %convert_element_type3A, %add3A_3502 : vector<1x256xf32>
    %broadcast_in_dim3A_3504 = vector.shape_cast %add3A_3503 : vector<1x256xf32> to vector<1x256xf32>
    %broadcast_in_dim3A_3505 = vector.broadcast %broadcast_in_dim3A_3504 : vector<1x256xf32> to vector<64x256xf32>
    %select_n3A_3506 = arith.select %lt3A_3499, %broadcast_in_dim3A_3505, %select_n3A_3495 : vector<64x256xi1>, vector<64x256xf32>
    %get3A_3507 = arith.constant 384 : index
    %get3A_3508 = arith.constant 5120 : index
    %get3A_3509 = vector.load %arg5[%get3A_3507, %get3A_3508] : memref<512x9984xf32, #tpu.memory_space<vmem>>, vector<64x256xf32>
    %lt3A_3510 = arith.cmpf olt, %get3A_3509, %select_n3A_3500 : vector<64x256xf32>
    %select_n3A_3511 = arith.select %lt3A_3510, %get3A_3509, %select_n3A_3500 : vector<64x256xi1>, vector<64x256xf32>
    %add3A_3512 = arith.constant 5.120000e+03 : f32
    %add3A_3513 = vector.broadcast %add3A_3512 : f32 to vector<1x256xf32>
    %add3A_3514 = arith.addf %convert_element_type3A, %add3A_3513 : vector<1x256xf32>
    %broadcast_in_dim3A_3515 = vector.shape_cast %add3A_3514 : vector<1x256xf32> to vector<1x256xf32>
    %broadcast_in_dim3A_3516 = vector.broadcast %broadcast_in_dim3A_3515 : vector<1x256xf32> to vector<64x256xf32>
    %select_n3A_3517 = arith.select %lt3A_3510, %broadcast_in_dim3A_3516, %select_n3A_3506 : vector<64x256xi1>, vector<64x256xf32>
    %get3A_3518 = arith.constant 384 : index
    %get3A_3519 = arith.constant 5376 : index
    %get3A_3520 = vector.load %arg5[%get3A_3518, %get3A_3519] : memref<512x9984xf32, #tpu.memory_space<vmem>>, vector<64x256xf32>
    %lt3A_3521 = arith.cmpf olt, %get3A_3520, %select_n3A_3511 : vector<64x256xf32>
    %select_n3A_3522 = arith.select %lt3A_3521, %get3A_3520, %select_n3A_3511 : vector<64x256xi1>, vector<64x256xf32>
    %add3A_3523 = arith.constant 5.376000e+03 : f32
    %add3A_3524 = vector.broadcast %add3A_3523 : f32 to vector<1x256xf32>
    %add3A_3525 = arith.addf %convert_element_type3A, %add3A_3524 : vector<1x256xf32>
    %broadcast_in_dim3A_3526 = vector.shape_cast %add3A_3525 : vector<1x256xf32> to vector<1x256xf32>
    %broadcast_in_dim3A_3527 = vector.broadcast %broadcast_in_dim3A_3526 : vector<1x256xf32> to vector<64x256xf32>
    %select_n3A_3528 = arith.select %lt3A_3521, %broadcast_in_dim3A_3527, %select_n3A_3517 : vector<64x256xi1>, vector<64x256xf32>
    %get3A_3529 = arith.constant 384 : index
    %get3A_3530 = arith.constant 5632 : index
    %get3A_3531 = vector.load %arg5[%get3A_3529, %get3A_3530] : memref<512x9984xf32, #tpu.memory_space<vmem>>, vector<64x256xf32>
    %lt3A_3532 = arith.cmpf olt, %get3A_3531, %select_n3A_3522 : vector<64x256xf32>
    %select_n3A_3533 = arith.select %lt3A_3532, %get3A_3531, %select_n3A_3522 : vector<64x256xi1>, vector<64x256xf32>
    %add3A_3534 = arith.constant 5.632000e+03 : f32
    %add3A_3535 = vector.broadcast %add3A_3534 : f32 to vector<1x256xf32>
    %add3A_3536 = arith.addf %convert_element_type3A, %add3A_3535 : vector<1x256xf32>
    %broadcast_in_dim3A_3537 = vector.shape_cast %add3A_3536 : vector<1x256xf32> to vector<1x256xf32>
    %broadcast_in_dim3A_3538 = vector.broadcast %broadcast_in_dim3A_3537 : vector<1x256xf32> to vector<64x256xf32>
    %select_n3A_3539 = arith.select %lt3A_3532, %broadcast_in_dim3A_3538, %select_n3A_3528 : vector<64x256xi1>, vector<64x256xf32>
    %get3A_3540 = arith.constant 384 : index
    %get3A_3541 = arith.constant 5888 : index
    %get3A_3542 = vector.load %arg5[%get3A_3540, %get3A_3541] : memref<512x9984xf32, #tpu.memory_space<vmem>>, vector<64x256xf32>
    %lt3A_3543 = arith.cmpf olt, %get3A_3542, %select_n3A_3533 : vector<64x256xf32>
    %select_n3A_3544 = arith.select %lt3A_3543, %get3A_3542, %select_n3A_3533 : vector<64x256xi1>, vector<64x256xf32>
    %add3A_3545 = arith.constant 5.888000e+03 : f32
    %add3A_3546 = vector.broadcast %add3A_3545 : f32 to vector<1x256xf32>
    %add3A_3547 = arith.addf %convert_element_type3A, %add3A_3546 : vector<1x256xf32>
    %broadcast_in_dim3A_3548 = vector.shape_cast %add3A_3547 : vector<1x256xf32> to vector<1x256xf32>
    %broadcast_in_dim3A_3549 = vector.broadcast %broadcast_in_dim3A_3548 : vector<1x256xf32> to vector<64x256xf32>
    %select_n3A_3550 = arith.select %lt3A_3543, %broadcast_in_dim3A_3549, %select_n3A_3539 : vector<64x256xi1>, vector<64x256xf32>
    %get3A_3551 = arith.constant 384 : index
    %get3A_3552 = arith.constant 6144 : index
    %get3A_3553 = vector.load %arg5[%get3A_3551, %get3A_3552] : memref<512x9984xf32, #tpu.memory_space<vmem>>, vector<64x256xf32>
    %lt3A_3554 = arith.cmpf olt, %get3A_3553, %select_n3A_3544 : vector<64x256xf32>
    %select_n3A_3555 = arith.select %lt3A_3554, %get3A_3553, %select_n3A_3544 : vector<64x256xi1>, vector<64x256xf32>
    %add3A_3556 = arith.constant 6.144000e+03 : f32
    %add3A_3557 = vector.broadcast %add3A_3556 : f32 to vector<1x256xf32>
    %add3A_3558 = arith.addf %convert_element_type3A, %add3A_3557 : vector<1x256xf32>
    %broadcast_in_dim3A_3559 = vector.shape_cast %add3A_3558 : vector<1x256xf32> to vector<1x256xf32>
    %broadcast_in_dim3A_3560 = vector.broadcast %broadcast_in_dim3A_3559 : vector<1x256xf32> to vector<64x256xf32>
    %select_n3A_3561 = arith.select %lt3A_3554, %broadcast_in_dim3A_3560, %select_n3A_3550 : vector<64x256xi1>, vector<64x256xf32>
    %get3A_3562 = arith.constant 384 : index
    %get3A_3563 = arith.constant 6400 : index
    %get3A_3564 = vector.load %arg5[%get3A_3562, %get3A_3563] : memref<512x9984xf32, #tpu.memory_space<vmem>>, vector<64x256xf32>
    %lt3A_3565 = arith.cmpf olt, %get3A_3564, %select_n3A_3555 : vector<64x256xf32>
    %select_n3A_3566 = arith.select %lt3A_3565, %get3A_3564, %select_n3A_3555 : vector<64x256xi1>, vector<64x256xf32>
    %add3A_3567 = arith.constant 6.400000e+03 : f32
    %add3A_3568 = vector.broadcast %add3A_3567 : f32 to vector<1x256xf32>
    %add3A_3569 = arith.addf %convert_element_type3A, %add3A_3568 : vector<1x256xf32>
    %broadcast_in_dim3A_3570 = vector.shape_cast %add3A_3569 : vector<1x256xf32> to vector<1x256xf32>
    %broadcast_in_dim3A_3571 = vector.broadcast %broadcast_in_dim3A_3570 : vector<1x256xf32> to vector<64x256xf32>
    %select_n3A_3572 = arith.select %lt3A_3565, %broadcast_in_dim3A_3571, %select_n3A_3561 : vector<64x256xi1>, vector<64x256xf32>
    %get3A_3573 = arith.constant 384 : index
    %get3A_3574 = arith.constant 6656 : index
    %get3A_3575 = vector.load %arg5[%get3A_3573, %get3A_3574] : memref<512x9984xf32, #tpu.memory_space<vmem>>, vector<64x256xf32>
    %lt3A_3576 = arith.cmpf olt, %get3A_3575, %select_n3A_3566 : vector<64x256xf32>
    %select_n3A_3577 = arith.select %lt3A_3576, %get3A_3575, %select_n3A_3566 : vector<64x256xi1>, vector<64x256xf32>
    %add3A_3578 = arith.constant 6.656000e+03 : f32
    %add3A_3579 = vector.broadcast %add3A_3578 : f32 to vector<1x256xf32>
    %add3A_3580 = arith.addf %convert_element_type3A, %add3A_3579 : vector<1x256xf32>
    %broadcast_in_dim3A_3581 = vector.shape_cast %add3A_3580 : vector<1x256xf32> to vector<1x256xf32>
    %broadcast_in_dim3A_3582 = vector.broadcast %broadcast_in_dim3A_3581 : vector<1x256xf32> to vector<64x256xf32>
    %select_n3A_3583 = arith.select %lt3A_3576, %broadcast_in_dim3A_3582, %select_n3A_3572 : vector<64x256xi1>, vector<64x256xf32>
    %get3A_3584 = arith.constant 384 : index
    %get3A_3585 = arith.constant 6912 : index
    %get3A_3586 = vector.load %arg5[%get3A_3584, %get3A_3585] : memref<512x9984xf32, #tpu.memory_space<vmem>>, vector<64x256xf32>
    %lt3A_3587 = arith.cmpf olt, %get3A_3586, %select_n3A_3577 : vector<64x256xf32>
    %select_n3A_3588 = arith.select %lt3A_3587, %get3A_3586, %select_n3A_3577 : vector<64x256xi1>, vector<64x256xf32>
    %add3A_3589 = arith.constant 6.912000e+03 : f32
    %add3A_3590 = vector.broadcast %add3A_3589 : f32 to vector<1x256xf32>
    %add3A_3591 = arith.addf %convert_element_type3A, %add3A_3590 : vector<1x256xf32>
    %broadcast_in_dim3A_3592 = vector.shape_cast %add3A_3591 : vector<1x256xf32> to vector<1x256xf32>
    %broadcast_in_dim3A_3593 = vector.broadcast %broadcast_in_dim3A_3592 : vector<1x256xf32> to vector<64x256xf32>
    %select_n3A_3594 = arith.select %lt3A_3587, %broadcast_in_dim3A_3593, %select_n3A_3583 : vector<64x256xi1>, vector<64x256xf32>
    %get3A_3595 = arith.constant 384 : index
    %get3A_3596 = arith.constant 7168 : index
    %get3A_3597 = vector.load %arg5[%get3A_3595, %get3A_3596] : memref<512x9984xf32, #tpu.memory_space<vmem>>, vector<64x256xf32>
    %lt3A_3598 = arith.cmpf olt, %get3A_3597, %select_n3A_3588 : vector<64x256xf32>
    %select_n3A_3599 = arith.select %lt3A_3598, %get3A_3597, %select_n3A_3588 : vector<64x256xi1>, vector<64x256xf32>
    %add3A_3600 = arith.constant 7.168000e+03 : f32
    %add3A_3601 = vector.broadcast %add3A_3600 : f32 to vector<1x256xf32>
    %add3A_3602 = arith.addf %convert_element_type3A, %add3A_3601 : vector<1x256xf32>
    %broadcast_in_dim3A_3603 = vector.shape_cast %add3A_3602 : vector<1x256xf32> to vector<1x256xf32>
    %broadcast_in_dim3A_3604 = vector.broadcast %broadcast_in_dim3A_3603 : vector<1x256xf32> to vector<64x256xf32>
    %select_n3A_3605 = arith.select %lt3A_3598, %broadcast_in_dim3A_3604, %select_n3A_3594 : vector<64x256xi1>, vector<64x256xf32>
    %get3A_3606 = arith.constant 384 : index
    %get3A_3607 = arith.constant 7424 : index
    %get3A_3608 = vector.load %arg5[%get3A_3606, %get3A_3607] : memref<512x9984xf32, #tpu.memory_space<vmem>>, vector<64x256xf32>
    %lt3A_3609 = arith.cmpf olt, %get3A_3608, %select_n3A_3599 : vector<64x256xf32>
    %select_n3A_3610 = arith.select %lt3A_3609, %get3A_3608, %select_n3A_3599 : vector<64x256xi1>, vector<64x256xf32>
    %add3A_3611 = arith.constant 7.424000e+03 : f32
    %add3A_3612 = vector.broadcast %add3A_3611 : f32 to vector<1x256xf32>
    %add3A_3613 = arith.addf %convert_element_type3A, %add3A_3612 : vector<1x256xf32>
    %broadcast_in_dim3A_3614 = vector.shape_cast %add3A_3613 : vector<1x256xf32> to vector<1x256xf32>
    %broadcast_in_dim3A_3615 = vector.broadcast %broadcast_in_dim3A_3614 : vector<1x256xf32> to vector<64x256xf32>
    %select_n3A_3616 = arith.select %lt3A_3609, %broadcast_in_dim3A_3615, %select_n3A_3605 : vector<64x256xi1>, vector<64x256xf32>
    %get3A_3617 = arith.constant 384 : index
    %get3A_3618 = arith.constant 7680 : index
    %get3A_3619 = vector.load %arg5[%get3A_3617, %get3A_3618] : memref<512x9984xf32, #tpu.memory_space<vmem>>, vector<64x256xf32>
    %lt3A_3620 = arith.cmpf olt, %get3A_3619, %select_n3A_3610 : vector<64x256xf32>
    %select_n3A_3621 = arith.select %lt3A_3620, %get3A_3619, %select_n3A_3610 : vector<64x256xi1>, vector<64x256xf32>
    %add3A_3622 = arith.constant 7.680000e+03 : f32
    %add3A_3623 = vector.broadcast %add3A_3622 : f32 to vector<1x256xf32>
    %add3A_3624 = arith.addf %convert_element_type3A, %add3A_3623 : vector<1x256xf32>
    %broadcast_in_dim3A_3625 = vector.shape_cast %add3A_3624 : vector<1x256xf32> to vector<1x256xf32>
    %broadcast_in_dim3A_3626 = vector.broadcast %broadcast_in_dim3A_3625 : vector<1x256xf32> to vector<64x256xf32>
    %select_n3A_3627 = arith.select %lt3A_3620, %broadcast_in_dim3A_3626, %select_n3A_3616 : vector<64x256xi1>, vector<64x256xf32>
    %get3A_3628 = arith.constant 384 : index
    %get3A_3629 = arith.constant 7936 : index
    %get3A_3630 = vector.load %arg5[%get3A_3628, %get3A_3629] : memref<512x9984xf32, #tpu.memory_space<vmem>>, vector<64x256xf32>
    %lt3A_3631 = arith.cmpf olt, %get3A_3630, %select_n3A_3621 : vector<64x256xf32>
    %select_n3A_3632 = arith.select %lt3A_3631, %get3A_3630, %select_n3A_3621 : vector<64x256xi1>, vector<64x256xf32>
    %add3A_3633 = arith.constant 7.936000e+03 : f32
    %add3A_3634 = vector.broadcast %add3A_3633 : f32 to vector<1x256xf32>
    %add3A_3635 = arith.addf %convert_element_type3A, %add3A_3634 : vector<1x256xf32>
    %broadcast_in_dim3A_3636 = vector.shape_cast %add3A_3635 : vector<1x256xf32> to vector<1x256xf32>
    %broadcast_in_dim3A_3637 = vector.broadcast %broadcast_in_dim3A_3636 : vector<1x256xf32> to vector<64x256xf32>
    %select_n3A_3638 = arith.select %lt3A_3631, %broadcast_in_dim3A_3637, %select_n3A_3627 : vector<64x256xi1>, vector<64x256xf32>
    %get3A_3639 = arith.constant 384 : index
    %get3A_3640 = arith.constant 8192 : index
    %get3A_3641 = vector.load %arg5[%get3A_3639, %get3A_3640] : memref<512x9984xf32, #tpu.memory_space<vmem>>, vector<64x256xf32>
    %lt3A_3642 = arith.cmpf olt, %get3A_3641, %select_n3A_3632 : vector<64x256xf32>
    %select_n3A_3643 = arith.select %lt3A_3642, %get3A_3641, %select_n3A_3632 : vector<64x256xi1>, vector<64x256xf32>
    %add3A_3644 = arith.constant 8.192000e+03 : f32
    %add3A_3645 = vector.broadcast %add3A_3644 : f32 to vector<1x256xf32>
    %add3A_3646 = arith.addf %convert_element_type3A, %add3A_3645 : vector<1x256xf32>
    %broadcast_in_dim3A_3647 = vector.shape_cast %add3A_3646 : vector<1x256xf32> to vector<1x256xf32>
    %broadcast_in_dim3A_3648 = vector.broadcast %broadcast_in_dim3A_3647 : vector<1x256xf32> to vector<64x256xf32>
    %select_n3A_3649 = arith.select %lt3A_3642, %broadcast_in_dim3A_3648, %select_n3A_3638 : vector<64x256xi1>, vector<64x256xf32>
    %get3A_3650 = arith.constant 384 : index
    %get3A_3651 = arith.constant 8448 : index
    %get3A_3652 = vector.load %arg5[%get3A_3650, %get3A_3651] : memref<512x9984xf32, #tpu.memory_space<vmem>>, vector<64x256xf32>
    %lt3A_3653 = arith.cmpf olt, %get3A_3652, %select_n3A_3643 : vector<64x256xf32>
    %select_n3A_3654 = arith.select %lt3A_3653, %get3A_3652, %select_n3A_3643 : vector<64x256xi1>, vector<64x256xf32>
    %add3A_3655 = arith.constant 8.448000e+03 : f32
    %add3A_3656 = vector.broadcast %add3A_3655 : f32 to vector<1x256xf32>
    %add3A_3657 = arith.addf %convert_element_type3A, %add3A_3656 : vector<1x256xf32>
    %broadcast_in_dim3A_3658 = vector.shape_cast %add3A_3657 : vector<1x256xf32> to vector<1x256xf32>
    %broadcast_in_dim3A_3659 = vector.broadcast %broadcast_in_dim3A_3658 : vector<1x256xf32> to vector<64x256xf32>
    %select_n3A_3660 = arith.select %lt3A_3653, %broadcast_in_dim3A_3659, %select_n3A_3649 : vector<64x256xi1>, vector<64x256xf32>
    %get3A_3661 = arith.constant 384 : index
    %get3A_3662 = arith.constant 8704 : index
    %get3A_3663 = vector.load %arg5[%get3A_3661, %get3A_3662] : memref<512x9984xf32, #tpu.memory_space<vmem>>, vector<64x256xf32>
    %lt3A_3664 = arith.cmpf olt, %get3A_3663, %select_n3A_3654 : vector<64x256xf32>
    %select_n3A_3665 = arith.select %lt3A_3664, %get3A_3663, %select_n3A_3654 : vector<64x256xi1>, vector<64x256xf32>
    %add3A_3666 = arith.constant 8.704000e+03 : f32
    %add3A_3667 = vector.broadcast %add3A_3666 : f32 to vector<1x256xf32>
    %add3A_3668 = arith.addf %convert_element_type3A, %add3A_3667 : vector<1x256xf32>
    %broadcast_in_dim3A_3669 = vector.shape_cast %add3A_3668 : vector<1x256xf32> to vector<1x256xf32>
    %broadcast_in_dim3A_3670 = vector.broadcast %broadcast_in_dim3A_3669 : vector<1x256xf32> to vector<64x256xf32>
    %select_n3A_3671 = arith.select %lt3A_3664, %broadcast_in_dim3A_3670, %select_n3A_3660 : vector<64x256xi1>, vector<64x256xf32>
    %get3A_3672 = arith.constant 384 : index
    %get3A_3673 = arith.constant 8960 : index
    %get3A_3674 = vector.load %arg5[%get3A_3672, %get3A_3673] : memref<512x9984xf32, #tpu.memory_space<vmem>>, vector<64x256xf32>
    %lt3A_3675 = arith.cmpf olt, %get3A_3674, %select_n3A_3665 : vector<64x256xf32>
    %select_n3A_3676 = arith.select %lt3A_3675, %get3A_3674, %select_n3A_3665 : vector<64x256xi1>, vector<64x256xf32>
    %add3A_3677 = arith.constant 8.960000e+03 : f32
    %add3A_3678 = vector.broadcast %add3A_3677 : f32 to vector<1x256xf32>
    %add3A_3679 = arith.addf %convert_element_type3A, %add3A_3678 : vector<1x256xf32>
    %broadcast_in_dim3A_3680 = vector.shape_cast %add3A_3679 : vector<1x256xf32> to vector<1x256xf32>
    %broadcast_in_dim3A_3681 = vector.broadcast %broadcast_in_dim3A_3680 : vector<1x256xf32> to vector<64x256xf32>
    %select_n3A_3682 = arith.select %lt3A_3675, %broadcast_in_dim3A_3681, %select_n3A_3671 : vector<64x256xi1>, vector<64x256xf32>
    %get3A_3683 = arith.constant 384 : index
    %get3A_3684 = arith.constant 9216 : index
    %get3A_3685 = vector.load %arg5[%get3A_3683, %get3A_3684] : memref<512x9984xf32, #tpu.memory_space<vmem>>, vector<64x256xf32>
    %lt3A_3686 = arith.cmpf olt, %get3A_3685, %select_n3A_3676 : vector<64x256xf32>
    %select_n3A_3687 = arith.select %lt3A_3686, %get3A_3685, %select_n3A_3676 : vector<64x256xi1>, vector<64x256xf32>
    %add3A_3688 = arith.constant 9.216000e+03 : f32
    %add3A_3689 = vector.broadcast %add3A_3688 : f32 to vector<1x256xf32>
    %add3A_3690 = arith.addf %convert_element_type3A, %add3A_3689 : vector<1x256xf32>
    %broadcast_in_dim3A_3691 = vector.shape_cast %add3A_3690 : vector<1x256xf32> to vector<1x256xf32>
    %broadcast_in_dim3A_3692 = vector.broadcast %broadcast_in_dim3A_3691 : vector<1x256xf32> to vector<64x256xf32>
    %select_n3A_3693 = arith.select %lt3A_3686, %broadcast_in_dim3A_3692, %select_n3A_3682 : vector<64x256xi1>, vector<64x256xf32>
    %get3A_3694 = arith.constant 384 : index
    %get3A_3695 = arith.constant 9472 : index
    %get3A_3696 = vector.load %arg5[%get3A_3694, %get3A_3695] : memref<512x9984xf32, #tpu.memory_space<vmem>>, vector<64x256xf32>
    %lt3A_3697 = arith.cmpf olt, %get3A_3696, %select_n3A_3687 : vector<64x256xf32>
    %select_n3A_3698 = arith.select %lt3A_3697, %get3A_3696, %select_n3A_3687 : vector<64x256xi1>, vector<64x256xf32>
    %add3A_3699 = arith.constant 9.472000e+03 : f32
    %add3A_3700 = vector.broadcast %add3A_3699 : f32 to vector<1x256xf32>
    %add3A_3701 = arith.addf %convert_element_type3A, %add3A_3700 : vector<1x256xf32>
    %broadcast_in_dim3A_3702 = vector.shape_cast %add3A_3701 : vector<1x256xf32> to vector<1x256xf32>
    %broadcast_in_dim3A_3703 = vector.broadcast %broadcast_in_dim3A_3702 : vector<1x256xf32> to vector<64x256xf32>
    %select_n3A_3704 = arith.select %lt3A_3697, %broadcast_in_dim3A_3703, %select_n3A_3693 : vector<64x256xi1>, vector<64x256xf32>
    %get3A_3705 = arith.constant 384 : index
    %get3A_3706 = arith.constant 9728 : index
    %get3A_3707 = vector.load %arg5[%get3A_3705, %get3A_3706] : memref<512x9984xf32, #tpu.memory_space<vmem>>, vector<64x256xf32>
    %lt3A_3708 = arith.cmpf olt, %get3A_3707, %select_n3A_3698 : vector<64x256xf32>
    %select_n3A_3709 = arith.select %lt3A_3708, %get3A_3707, %select_n3A_3698 : vector<64x256xi1>, vector<64x256xf32>
    %add3A_3710 = arith.constant 9.728000e+03 : f32
    %add3A_3711 = vector.broadcast %add3A_3710 : f32 to vector<1x256xf32>
    %add3A_3712 = arith.addf %convert_element_type3A, %add3A_3711 : vector<1x256xf32>
    %broadcast_in_dim3A_3713 = vector.shape_cast %add3A_3712 : vector<1x256xf32> to vector<1x256xf32>
    %broadcast_in_dim3A_3714 = vector.broadcast %broadcast_in_dim3A_3713 : vector<1x256xf32> to vector<64x256xf32>
    %select_n3A_3715 = arith.select %lt3A_3708, %broadcast_in_dim3A_3714, %select_n3A_3704 : vector<64x256xi1>, vector<64x256xf32>
    %reduce_min3A_3716 = arith.constant dense<0x7F800000> : vector<64xf32>
    %reduce_min3A_3717 = vector.multi_reduction <minimumf>, %select_n3A_3709, %reduce_min3A_3716 [1] : vector<64x256xf32> to vector<64xf32>
    %broadcast_in_dim3A_3718 = vector.shape_cast %reduce_min3A_3717 : vector<64xf32> to vector<64x1xf32>
    %eq3A_3719 = vector.broadcast %broadcast_in_dim3A_3718 : vector<64x1xf32> to vector<64x256xf32>
    %eq3A_3720 = arith.cmpf oeq, %select_n3A_3709, %eq3A_3719 : vector<64x256xf32>
    %jit3A_3721 = arith.constant 3.000000e+38 : f32
    %broadcast_in_dim3A_3722 = vector.broadcast %jit3A_3721 : f32 to vector<64x256xf32>
    %select_n3A_3723 = arith.select %eq3A_3720, %select_n3A_3715, %broadcast_in_dim3A_3722 : vector<64x256xi1>, vector<64x256xf32>
    %reduce_min3A_3724 = arith.constant dense<0x7F800000> : vector<64xf32>
    %reduce_min3A_3725 = vector.multi_reduction <minimumf>, %select_n3A_3723, %reduce_min3A_3724 [1] : vector<64x256xf32> to vector<64xf32>
    %convert_element_type3A_3726 = arith.fptosi %reduce_min3A_3725 : vector<64xf32> to vector<64xi32>
    %swap3A_3727 = arith.constant 0 : index
    %swap3A_3728 = arith.constant 0 : index
    %swap3A_3729 = arith.constant 384 : index
    %swap3A_3730 = vector.load %arg4[%swap3A_3727, %swap3A_3728, %swap3A_3729] : memref<1x1x512xi32, #tpu.memory_space<vmem>>, vector<1x1x64xi32>
    %swap3A_3731 = vector.shape_cast %swap3A_3730 : vector<1x1x64xi32> to vector<64xi32>
    %swap3A_3732 = vector.shape_cast %convert_element_type3A_3726 : vector<64xi32> to vector<1x1x64xi32>
    tpu.vector_store %arg4[%swap3A_3727, %swap3A_3728, %swap3A_3729], %swap3A_3732 {strides = array<i32>} : memref<1x1x512xi32, #tpu.memory_space<vmem>>, vector<1x1x64xi32>,
    %broadcast_in_dim3A_3733 = arith.constant 0x7F800000 : f32
    %broadcast_in_dim3A_3734 = vector.broadcast %broadcast_in_dim3A_3733 : f32 to vector<64x256xf32>
    %broadcast_in_dim3A_3735 = arith.constant 0.000000e+00 : f32
    %broadcast_in_dim3A_3736 = vector.broadcast %broadcast_in_dim3A_3735 : f32 to vector<64x256xf32>
    %get3A_3737 = arith.constant 448 : index
    %get3A_3738 = arith.constant 0 : index
    %get3A_3739 = vector.load %arg5[%get3A_3737, %get3A_3738] : memref<512x9984xf32, #tpu.memory_space<vmem>>, vector<64x256xf32>
    %lt3A_3740 = arith.cmpf olt, %get3A_3739, %broadcast_in_dim3A_3734 : vector<64x256xf32>
    %select_n3A_3741 = arith.select %lt3A_3740, %get3A_3739, %broadcast_in_dim3A_3734 : vector<64x256xi1>, vector<64x256xf32>
    %add3A_3742 = arith.constant 0.000000e+00 : f32
    %add3A_3743 = vector.broadcast %add3A_3742 : f32 to vector<1x256xf32>
    %add3A_3744 = arith.addf %convert_element_type3A, %add3A_3743 : vector<1x256xf32>
    %broadcast_in_dim3A_3745 = vector.shape_cast %add3A_3744 : vector<1x256xf32> to vector<1x256xf32>
    %broadcast_in_dim3A_3746 = vector.broadcast %broadcast_in_dim3A_3745 : vector<1x256xf32> to vector<64x256xf32>
    %select_n3A_3747 = arith.select %lt3A_3740, %broadcast_in_dim3A_3746, %broadcast_in_dim3A_3736 : vector<64x256xi1>, vector<64x256xf32>
    %get3A_3748 = arith.constant 448 : index
    %get3A_3749 = arith.constant 256 : index
    %get3A_3750 = vector.load %arg5[%get3A_3748, %get3A_3749] : memref<512x9984xf32, #tpu.memory_space<vmem>>, vector<64x256xf32>
    %lt3A_3751 = arith.cmpf olt, %get3A_3750, %select_n3A_3741 : vector<64x256xf32>
    %select_n3A_3752 = arith.select %lt3A_3751, %get3A_3750, %select_n3A_3741 : vector<64x256xi1>, vector<64x256xf32>
    %add3A_3753 = arith.constant 2.560000e+02 : f32
    %add3A_3754 = vector.broadcast %add3A_3753 : f32 to vector<1x256xf32>
    %add3A_3755 = arith.addf %convert_element_type3A, %add3A_3754 : vector<1x256xf32>
    %broadcast_in_dim3A_3756 = vector.shape_cast %add3A_3755 : vector<1x256xf32> to vector<1x256xf32>
    %broadcast_in_dim3A_3757 = vector.broadcast %broadcast_in_dim3A_3756 : vector<1x256xf32> to vector<64x256xf32>
    %select_n3A_3758 = arith.select %lt3A_3751, %broadcast_in_dim3A_3757, %select_n3A_3747 : vector<64x256xi1>, vector<64x256xf32>
    %get3A_3759 = arith.constant 448 : index
    %get3A_3760 = arith.constant 512 : index
    %get3A_3761 = vector.load %arg5[%get3A_3759, %get3A_3760] : memref<512x9984xf32, #tpu.memory_space<vmem>>, vector<64x256xf32>
    %lt3A_3762 = arith.cmpf olt, %get3A_3761, %select_n3A_3752 : vector<64x256xf32>
    %select_n3A_3763 = arith.select %lt3A_3762, %get3A_3761, %select_n3A_3752 : vector<64x256xi1>, vector<64x256xf32>
    %add3A_3764 = arith.constant 5.120000e+02 : f32
    %add3A_3765 = vector.broadcast %add3A_3764 : f32 to vector<1x256xf32>
    %add3A_3766 = arith.addf %convert_element_type3A, %add3A_3765 : vector<1x256xf32>
    %broadcast_in_dim3A_3767 = vector.shape_cast %add3A_3766 : vector<1x256xf32> to vector<1x256xf32>
    %broadcast_in_dim3A_3768 = vector.broadcast %broadcast_in_dim3A_3767 : vector<1x256xf32> to vector<64x256xf32>
    %select_n3A_3769 = arith.select %lt3A_3762, %broadcast_in_dim3A_3768, %select_n3A_3758 : vector<64x256xi1>, vector<64x256xf32>
    %get3A_3770 = arith.constant 448 : index
    %get3A_3771 = arith.constant 768 : index
    %get3A_3772 = vector.load %arg5[%get3A_3770, %get3A_3771] : memref<512x9984xf32, #tpu.memory_space<vmem>>, vector<64x256xf32>
    %lt3A_3773 = arith.cmpf olt, %get3A_3772, %select_n3A_3763 : vector<64x256xf32>
    %select_n3A_3774 = arith.select %lt3A_3773, %get3A_3772, %select_n3A_3763 : vector<64x256xi1>, vector<64x256xf32>
    %add3A_3775 = arith.constant 7.680000e+02 : f32
    %add3A_3776 = vector.broadcast %add3A_3775 : f32 to vector<1x256xf32>
    %add3A_3777 = arith.addf %convert_element_type3A, %add3A_3776 : vector<1x256xf32>
    %broadcast_in_dim3A_3778 = vector.shape_cast %add3A_3777 : vector<1x256xf32> to vector<1x256xf32>
    %broadcast_in_dim3A_3779 = vector.broadcast %broadcast_in_dim3A_3778 : vector<1x256xf32> to vector<64x256xf32>
    %select_n3A_3780 = arith.select %lt3A_3773, %broadcast_in_dim3A_3779, %select_n3A_3769 : vector<64x256xi1>, vector<64x256xf32>
    %get3A_3781 = arith.constant 448 : index
    %get3A_3782 = arith.constant 1024 : index
    %get3A_3783 = vector.load %arg5[%get3A_3781, %get3A_3782] : memref<512x9984xf32, #tpu.memory_space<vmem>>, vector<64x256xf32>
    %lt3A_3784 = arith.cmpf olt, %get3A_3783, %select_n3A_3774 : vector<64x256xf32>
    %select_n3A_3785 = arith.select %lt3A_3784, %get3A_3783, %select_n3A_3774 : vector<64x256xi1>, vector<64x256xf32>
    %add3A_3786 = arith.constant 1.024000e+03 : f32
    %add3A_3787 = vector.broadcast %add3A_3786 : f32 to vector<1x256xf32>
    %add3A_3788 = arith.addf %convert_element_type3A, %add3A_3787 : vector<1x256xf32>
    %broadcast_in_dim3A_3789 = vector.shape_cast %add3A_3788 : vector<1x256xf32> to vector<1x256xf32>
    %broadcast_in_dim3A_3790 = vector.broadcast %broadcast_in_dim3A_3789 : vector<1x256xf32> to vector<64x256xf32>
    %select_n3A_3791 = arith.select %lt3A_3784, %broadcast_in_dim3A_3790, %select_n3A_3780 : vector<64x256xi1>, vector<64x256xf32>
    %get3A_3792 = arith.constant 448 : index
    %get3A_3793 = arith.constant 1280 : index
    %get3A_3794 = vector.load %arg5[%get3A_3792, %get3A_3793] : memref<512x9984xf32, #tpu.memory_space<vmem>>, vector<64x256xf32>
    %lt3A_3795 = arith.cmpf olt, %get3A_3794, %select_n3A_3785 : vector<64x256xf32>
    %select_n3A_3796 = arith.select %lt3A_3795, %get3A_3794, %select_n3A_3785 : vector<64x256xi1>, vector<64x256xf32>
    %add3A_3797 = arith.constant 1.280000e+03 : f32
    %add3A_3798 = vector.broadcast %add3A_3797 : f32 to vector<1x256xf32>
    %add3A_3799 = arith.addf %convert_element_type3A, %add3A_3798 : vector<1x256xf32>
    %broadcast_in_dim3A_3800 = vector.shape_cast %add3A_3799 : vector<1x256xf32> to vector<1x256xf32>
    %broadcast_in_dim3A_3801 = vector.broadcast %broadcast_in_dim3A_3800 : vector<1x256xf32> to vector<64x256xf32>
    %select_n3A_3802 = arith.select %lt3A_3795, %broadcast_in_dim3A_3801, %select_n3A_3791 : vector<64x256xi1>, vector<64x256xf32>
    %get3A_3803 = arith.constant 448 : index
    %get3A_3804 = arith.constant 1536 : index
    %get3A_3805 = vector.load %arg5[%get3A_3803, %get3A_3804] : memref<512x9984xf32, #tpu.memory_space<vmem>>, vector<64x256xf32>
    %lt3A_3806 = arith.cmpf olt, %get3A_3805, %select_n3A_3796 : vector<64x256xf32>
    %select_n3A_3807 = arith.select %lt3A_3806, %get3A_3805, %select_n3A_3796 : vector<64x256xi1>, vector<64x256xf32>
    %add3A_3808 = arith.constant 1.536000e+03 : f32
    %add3A_3809 = vector.broadcast %add3A_3808 : f32 to vector<1x256xf32>
    %add3A_3810 = arith.addf %convert_element_type3A, %add3A_3809 : vector<1x256xf32>
    %broadcast_in_dim3A_3811 = vector.shape_cast %add3A_3810 : vector<1x256xf32> to vector<1x256xf32>
    %broadcast_in_dim3A_3812 = vector.broadcast %broadcast_in_dim3A_3811 : vector<1x256xf32> to vector<64x256xf32>
    %select_n3A_3813 = arith.select %lt3A_3806, %broadcast_in_dim3A_3812, %select_n3A_3802 : vector<64x256xi1>, vector<64x256xf32>
    %get3A_3814 = arith.constant 448 : index
    %get3A_3815 = arith.constant 1792 : index
    %get3A_3816 = vector.load %arg5[%get3A_3814, %get3A_3815] : memref<512x9984xf32, #tpu.memory_space<vmem>>, vector<64x256xf32>
    %lt3A_3817 = arith.cmpf olt, %get3A_3816, %select_n3A_3807 : vector<64x256xf32>
    %select_n3A_3818 = arith.select %lt3A_3817, %get3A_3816, %select_n3A_3807 : vector<64x256xi1>, vector<64x256xf32>
    %add3A_3819 = arith.constant 1.792000e+03 : f32
    %add3A_3820 = vector.broadcast %add3A_3819 : f32 to vector<1x256xf32>
    %add3A_3821 = arith.addf %convert_element_type3A, %add3A_3820 : vector<1x256xf32>
    %broadcast_in_dim3A_3822 = vector.shape_cast %add3A_3821 : vector<1x256xf32> to vector<1x256xf32>
    %broadcast_in_dim3A_3823 = vector.broadcast %broadcast_in_dim3A_3822 : vector<1x256xf32> to vector<64x256xf32>
    %select_n3A_3824 = arith.select %lt3A_3817, %broadcast_in_dim3A_3823, %select_n3A_3813 : vector<64x256xi1>, vector<64x256xf32>
    %get3A_3825 = arith.constant 448 : index
    %get3A_3826 = arith.constant 2048 : index
    %get3A_3827 = vector.load %arg5[%get3A_3825, %get3A_3826] : memref<512x9984xf32, #tpu.memory_space<vmem>>, vector<64x256xf32>
    %lt3A_3828 = arith.cmpf olt, %get3A_3827, %select_n3A_3818 : vector<64x256xf32>
    %select_n3A_3829 = arith.select %lt3A_3828, %get3A_3827, %select_n3A_3818 : vector<64x256xi1>, vector<64x256xf32>
    %add3A_3830 = arith.constant 2.048000e+03 : f32
    %add3A_3831 = vector.broadcast %add3A_3830 : f32 to vector<1x256xf32>
    %add3A_3832 = arith.addf %convert_element_type3A, %add3A_3831 : vector<1x256xf32>
    %broadcast_in_dim3A_3833 = vector.shape_cast %add3A_3832 : vector<1x256xf32> to vector<1x256xf32>
    %broadcast_in_dim3A_3834 = vector.broadcast %broadcast_in_dim3A_3833 : vector<1x256xf32> to vector<64x256xf32>
    %select_n3A_3835 = arith.select %lt3A_3828, %broadcast_in_dim3A_3834, %select_n3A_3824 : vector<64x256xi1>, vector<64x256xf32>
    %get3A_3836 = arith.constant 448 : index
    %get3A_3837 = arith.constant 2304 : index
    %get3A_3838 = vector.load %arg5[%get3A_3836, %get3A_3837] : memref<512x9984xf32, #tpu.memory_space<vmem>>, vector<64x256xf32>
    %lt3A_3839 = arith.cmpf olt, %get3A_3838, %select_n3A_3829 : vector<64x256xf32>
    %select_n3A_3840 = arith.select %lt3A_3839, %get3A_3838, %select_n3A_3829 : vector<64x256xi1>, vector<64x256xf32>
    %add3A_3841 = arith.constant 2.304000e+03 : f32
    %add3A_3842 = vector.broadcast %add3A_3841 : f32 to vector<1x256xf32>
    %add3A_3843 = arith.addf %convert_element_type3A, %add3A_3842 : vector<1x256xf32>
    %broadcast_in_dim3A_3844 = vector.shape_cast %add3A_3843 : vector<1x256xf32> to vector<1x256xf32>
    %broadcast_in_dim3A_3845 = vector.broadcast %broadcast_in_dim3A_3844 : vector<1x256xf32> to vector<64x256xf32>
    %select_n3A_3846 = arith.select %lt3A_3839, %broadcast_in_dim3A_3845, %select_n3A_3835 : vector<64x256xi1>, vector<64x256xf32>
    %get3A_3847 = arith.constant 448 : index
    %get3A_3848 = arith.constant 2560 : index
    %get3A_3849 = vector.load %arg5[%get3A_3847, %get3A_3848] : memref<512x9984xf32, #tpu.memory_space<vmem>>, vector<64x256xf32>
    %lt3A_3850 = arith.cmpf olt, %get3A_3849, %select_n3A_3840 : vector<64x256xf32>
    %select_n3A_3851 = arith.select %lt3A_3850, %get3A_3849, %select_n3A_3840 : vector<64x256xi1>, vector<64x256xf32>
    %add3A_3852 = arith.constant 2.560000e+03 : f32
    %add3A_3853 = vector.broadcast %add3A_3852 : f32 to vector<1x256xf32>
    %add3A_3854 = arith.addf %convert_element_type3A, %add3A_3853 : vector<1x256xf32>
    %broadcast_in_dim3A_3855 = vector.shape_cast %add3A_3854 : vector<1x256xf32> to vector<1x256xf32>
    %broadcast_in_dim3A_3856 = vector.broadcast %broadcast_in_dim3A_3855 : vector<1x256xf32> to vector<64x256xf32>
    %select_n3A_3857 = arith.select %lt3A_3850, %broadcast_in_dim3A_3856, %select_n3A_3846 : vector<64x256xi1>, vector<64x256xf32>
    %get3A_3858 = arith.constant 448 : index
    %get3A_3859 = arith.constant 2816 : index
    %get3A_3860 = vector.load %arg5[%get3A_3858, %get3A_3859] : memref<512x9984xf32, #tpu.memory_space<vmem>>, vector<64x256xf32>
    %lt3A_3861 = arith.cmpf olt, %get3A_3860, %select_n3A_3851 : vector<64x256xf32>
    %select_n3A_3862 = arith.select %lt3A_3861, %get3A_3860, %select_n3A_3851 : vector<64x256xi1>, vector<64x256xf32>
    %add3A_3863 = arith.constant 2.816000e+03 : f32
    %add3A_3864 = vector.broadcast %add3A_3863 : f32 to vector<1x256xf32>
    %add3A_3865 = arith.addf %convert_element_type3A, %add3A_3864 : vector<1x256xf32>
    %broadcast_in_dim3A_3866 = vector.shape_cast %add3A_3865 : vector<1x256xf32> to vector<1x256xf32>
    %broadcast_in_dim3A_3867 = vector.broadcast %broadcast_in_dim3A_3866 : vector<1x256xf32> to vector<64x256xf32>
    %select_n3A_3868 = arith.select %lt3A_3861, %broadcast_in_dim3A_3867, %select_n3A_3857 : vector<64x256xi1>, vector<64x256xf32>
    %get3A_3869 = arith.constant 448 : index
    %get3A_3870 = arith.constant 3072 : index
    %get3A_3871 = vector.load %arg5[%get3A_3869, %get3A_3870] : memref<512x9984xf32, #tpu.memory_space<vmem>>, vector<64x256xf32>
    %lt3A_3872 = arith.cmpf olt, %get3A_3871, %select_n3A_3862 : vector<64x256xf32>
    %select_n3A_3873 = arith.select %lt3A_3872, %get3A_3871, %select_n3A_3862 : vector<64x256xi1>, vector<64x256xf32>
    %add3A_3874 = arith.constant 3.072000e+03 : f32
    %add3A_3875 = vector.broadcast %add3A_3874 : f32 to vector<1x256xf32>
    %add3A_3876 = arith.addf %convert_element_type3A, %add3A_3875 : vector<1x256xf32>
    %broadcast_in_dim3A_3877 = vector.shape_cast %add3A_3876 : vector<1x256xf32> to vector<1x256xf32>
    %broadcast_in_dim3A_3878 = vector.broadcast %broadcast_in_dim3A_3877 : vector<1x256xf32> to vector<64x256xf32>
    %select_n3A_3879 = arith.select %lt3A_3872, %broadcast_in_dim3A_3878, %select_n3A_3868 : vector<64x256xi1>, vector<64x256xf32>
    %get3A_3880 = arith.constant 448 : index
    %get3A_3881 = arith.constant 3328 : index
    %get3A_3882 = vector.load %arg5[%get3A_3880, %get3A_3881] : memref<512x9984xf32, #tpu.memory_space<vmem>>, vector<64x256xf32>
    %lt3A_3883 = arith.cmpf olt, %get3A_3882, %select_n3A_3873 : vector<64x256xf32>
    %select_n3A_3884 = arith.select %lt3A_3883, %get3A_3882, %select_n3A_3873 : vector<64x256xi1>, vector<64x256xf32>
    %add3A_3885 = arith.constant 3.328000e+03 : f32
    %add3A_3886 = vector.broadcast %add3A_3885 : f32 to vector<1x256xf32>
    %add3A_3887 = arith.addf %convert_element_type3A, %add3A_3886 : vector<1x256xf32>
    %broadcast_in_dim3A_3888 = vector.shape_cast %add3A_3887 : vector<1x256xf32> to vector<1x256xf32>
    %broadcast_in_dim3A_3889 = vector.broadcast %broadcast_in_dim3A_3888 : vector<1x256xf32> to vector<64x256xf32>
    %select_n3A_3890 = arith.select %lt3A_3883, %broadcast_in_dim3A_3889, %select_n3A_3879 : vector<64x256xi1>, vector<64x256xf32>
    %get3A_3891 = arith.constant 448 : index
    %get3A_3892 = arith.constant 3584 : index
    %get3A_3893 = vector.load %arg5[%get3A_3891, %get3A_3892] : memref<512x9984xf32, #tpu.memory_space<vmem>>, vector<64x256xf32>
    %lt3A_3894 = arith.cmpf olt, %get3A_3893, %select_n3A_3884 : vector<64x256xf32>
    %select_n3A_3895 = arith.select %lt3A_3894, %get3A_3893, %select_n3A_3884 : vector<64x256xi1>, vector<64x256xf32>
    %add3A_3896 = arith.constant 3.584000e+03 : f32
    %add3A_3897 = vector.broadcast %add3A_3896 : f32 to vector<1x256xf32>
    %add3A_3898 = arith.addf %convert_element_type3A, %add3A_3897 : vector<1x256xf32>
    %broadcast_in_dim3A_3899 = vector.shape_cast %add3A_3898 : vector<1x256xf32> to vector<1x256xf32>
    %broadcast_in_dim3A_3900 = vector.broadcast %broadcast_in_dim3A_3899 : vector<1x256xf32> to vector<64x256xf32>
    %select_n3A_3901 = arith.select %lt3A_3894, %broadcast_in_dim3A_3900, %select_n3A_3890 : vector<64x256xi1>, vector<64x256xf32>
    %get3A_3902 = arith.constant 448 : index
    %get3A_3903 = arith.constant 3840 : index
    %get3A_3904 = vector.load %arg5[%get3A_3902, %get3A_3903] : memref<512x9984xf32, #tpu.memory_space<vmem>>, vector<64x256xf32>
    %lt3A_3905 = arith.cmpf olt, %get3A_3904, %select_n3A_3895 : vector<64x256xf32>
    %select_n3A_3906 = arith.select %lt3A_3905, %get3A_3904, %select_n3A_3895 : vector<64x256xi1>, vector<64x256xf32>
    %add3A_3907 = arith.constant 3.840000e+03 : f32
    %add3A_3908 = vector.broadcast %add3A_3907 : f32 to vector<1x256xf32>
    %add3A_3909 = arith.addf %convert_element_type3A, %add3A_3908 : vector<1x256xf32>
    %broadcast_in_dim3A_3910 = vector.shape_cast %add3A_3909 : vector<1x256xf32> to vector<1x256xf32>
    %broadcast_in_dim3A_3911 = vector.broadcast %broadcast_in_dim3A_3910 : vector<1x256xf32> to vector<64x256xf32>
    %select_n3A_3912 = arith.select %lt3A_3905, %broadcast_in_dim3A_3911, %select_n3A_3901 : vector<64x256xi1>, vector<64x256xf32>
    %get3A_3913 = arith.constant 448 : index
    %get3A_3914 = arith.constant 4096 : index
    %get3A_3915 = vector.load %arg5[%get3A_3913, %get3A_3914] : memref<512x9984xf32, #tpu.memory_space<vmem>>, vector<64x256xf32>
    %lt3A_3916 = arith.cmpf olt, %get3A_3915, %select_n3A_3906 : vector<64x256xf32>
    %select_n3A_3917 = arith.select %lt3A_3916, %get3A_3915, %select_n3A_3906 : vector<64x256xi1>, vector<64x256xf32>
    %add3A_3918 = arith.constant 4.096000e+03 : f32
    %add3A_3919 = vector.broadcast %add3A_3918 : f32 to vector<1x256xf32>
    %add3A_3920 = arith.addf %convert_element_type3A, %add3A_3919 : vector<1x256xf32>
    %broadcast_in_dim3A_3921 = vector.shape_cast %add3A_3920 : vector<1x256xf32> to vector<1x256xf32>
    %broadcast_in_dim3A_3922 = vector.broadcast %broadcast_in_dim3A_3921 : vector<1x256xf32> to vector<64x256xf32>
    %select_n3A_3923 = arith.select %lt3A_3916, %broadcast_in_dim3A_3922, %select_n3A_3912 : vector<64x256xi1>, vector<64x256xf32>
    %get3A_3924 = arith.constant 448 : index
    %get3A_3925 = arith.constant 4352 : index
    %get3A_3926 = vector.load %arg5[%get3A_3924, %get3A_3925] : memref<512x9984xf32, #tpu.memory_space<vmem>>, vector<64x256xf32>
    %lt3A_3927 = arith.cmpf olt, %get3A_3926, %select_n3A_3917 : vector<64x256xf32>
    %select_n3A_3928 = arith.select %lt3A_3927, %get3A_3926, %select_n3A_3917 : vector<64x256xi1>, vector<64x256xf32>
    %add3A_3929 = arith.constant 4.352000e+03 : f32
    %add3A_3930 = vector.broadcast %add3A_3929 : f32 to vector<1x256xf32>
    %add3A_3931 = arith.addf %convert_element_type3A, %add3A_3930 : vector<1x256xf32>
    %broadcast_in_dim3A_3932 = vector.shape_cast %add3A_3931 : vector<1x256xf32> to vector<1x256xf32>
    %broadcast_in_dim3A_3933 = vector.broadcast %broadcast_in_dim3A_3932 : vector<1x256xf32> to vector<64x256xf32>
    %select_n3A_3934 = arith.select %lt3A_3927, %broadcast_in_dim3A_3933, %select_n3A_3923 : vector<64x256xi1>, vector<64x256xf32>
    %get3A_3935 = arith.constant 448 : index
    %get3A_3936 = arith.constant 4608 : index
    %get3A_3937 = vector.load %arg5[%get3A_3935, %get3A_3936] : memref<512x9984xf32, #tpu.memory_space<vmem>>, vector<64x256xf32>
    %lt3A_3938 = arith.cmpf olt, %get3A_3937, %select_n3A_3928 : vector<64x256xf32>
    %select_n3A_3939 = arith.select %lt3A_3938, %get3A_3937, %select_n3A_3928 : vector<64x256xi1>, vector<64x256xf32>
    %add3A_3940 = arith.constant 4.608000e+03 : f32
    %add3A_3941 = vector.broadcast %add3A_3940 : f32 to vector<1x256xf32>
    %add3A_3942 = arith.addf %convert_element_type3A, %add3A_3941 : vector<1x256xf32>
    %broadcast_in_dim3A_3943 = vector.shape_cast %add3A_3942 : vector<1x256xf32> to vector<1x256xf32>
    %broadcast_in_dim3A_3944 = vector.broadcast %broadcast_in_dim3A_3943 : vector<1x256xf32> to vector<64x256xf32>
    %select_n3A_3945 = arith.select %lt3A_3938, %broadcast_in_dim3A_3944, %select_n3A_3934 : vector<64x256xi1>, vector<64x256xf32>
    %get3A_3946 = arith.constant 448 : index
    %get3A_3947 = arith.constant 4864 : index
    %get3A_3948 = vector.load %arg5[%get3A_3946, %get3A_3947] : memref<512x9984xf32, #tpu.memory_space<vmem>>, vector<64x256xf32>
    %lt3A_3949 = arith.cmpf olt, %get3A_3948, %select_n3A_3939 : vector<64x256xf32>
    %select_n3A_3950 = arith.select %lt3A_3949, %get3A_3948, %select_n3A_3939 : vector<64x256xi1>, vector<64x256xf32>
    %add3A_3951 = arith.constant 4.864000e+03 : f32
    %add3A_3952 = vector.broadcast %add3A_3951 : f32 to vector<1x256xf32>
    %add3A_3953 = arith.addf %convert_element_type3A, %add3A_3952 : vector<1x256xf32>
    %broadcast_in_dim3A_3954 = vector.shape_cast %add3A_3953 : vector<1x256xf32> to vector<1x256xf32>
    %broadcast_in_dim3A_3955 = vector.broadcast %broadcast_in_dim3A_3954 : vector<1x256xf32> to vector<64x256xf32>
    %select_n3A_3956 = arith.select %lt3A_3949, %broadcast_in_dim3A_3955, %select_n3A_3945 : vector<64x256xi1>, vector<64x256xf32>
    %get3A_3957 = arith.constant 448 : index
    %get3A_3958 = arith.constant 5120 : index
    %get3A_3959 = vector.load %arg5[%get3A_3957, %get3A_3958] : memref<512x9984xf32, #tpu.memory_space<vmem>>, vector<64x256xf32>
    %lt3A_3960 = arith.cmpf olt, %get3A_3959, %select_n3A_3950 : vector<64x256xf32>
    %select_n3A_3961 = arith.select %lt3A_3960, %get3A_3959, %select_n3A_3950 : vector<64x256xi1>, vector<64x256xf32>
    %add3A_3962 = arith.constant 5.120000e+03 : f32
    %add3A_3963 = vector.broadcast %add3A_3962 : f32 to vector<1x256xf32>
    %add3A_3964 = arith.addf %convert_element_type3A, %add3A_3963 : vector<1x256xf32>
    %broadcast_in_dim3A_3965 = vector.shape_cast %add3A_3964 : vector<1x256xf32> to vector<1x256xf32>
    %broadcast_in_dim3A_3966 = vector.broadcast %broadcast_in_dim3A_3965 : vector<1x256xf32> to vector<64x256xf32>
    %select_n3A_3967 = arith.select %lt3A_3960, %broadcast_in_dim3A_3966, %select_n3A_3956 : vector<64x256xi1>, vector<64x256xf32>
    %get3A_3968 = arith.constant 448 : index
    %get3A_3969 = arith.constant 5376 : index
    %get3A_3970 = vector.load %arg5[%get3A_3968, %get3A_3969] : memref<512x9984xf32, #tpu.memory_space<vmem>>, vector<64x256xf32>
    %lt3A_3971 = arith.cmpf olt, %get3A_3970, %select_n3A_3961 : vector<64x256xf32>
    %select_n3A_3972 = arith.select %lt3A_3971, %get3A_3970, %select_n3A_3961 : vector<64x256xi1>, vector<64x256xf32>
    %add3A_3973 = arith.constant 5.376000e+03 : f32
    %add3A_3974 = vector.broadcast %add3A_3973 : f32 to vector<1x256xf32>
    %add3A_3975 = arith.addf %convert_element_type3A, %add3A_3974 : vector<1x256xf32>
    %broadcast_in_dim3A_3976 = vector.shape_cast %add3A_3975 : vector<1x256xf32> to vector<1x256xf32>
    %broadcast_in_dim3A_3977 = vector.broadcast %broadcast_in_dim3A_3976 : vector<1x256xf32> to vector<64x256xf32>
    %select_n3A_3978 = arith.select %lt3A_3971, %broadcast_in_dim3A_3977, %select_n3A_3967 : vector<64x256xi1>, vector<64x256xf32>
    %get3A_3979 = arith.constant 448 : index
    %get3A_3980 = arith.constant 5632 : index
    %get3A_3981 = vector.load %arg5[%get3A_3979, %get3A_3980] : memref<512x9984xf32, #tpu.memory_space<vmem>>, vector<64x256xf32>
    %lt3A_3982 = arith.cmpf olt, %get3A_3981, %select_n3A_3972 : vector<64x256xf32>
    %select_n3A_3983 = arith.select %lt3A_3982, %get3A_3981, %select_n3A_3972 : vector<64x256xi1>, vector<64x256xf32>
    %add3A_3984 = arith.constant 5.632000e+03 : f32
    %add3A_3985 = vector.broadcast %add3A_3984 : f32 to vector<1x256xf32>
    %add3A_3986 = arith.addf %convert_element_type3A, %add3A_3985 : vector<1x256xf32>
    %broadcast_in_dim3A_3987 = vector.shape_cast %add3A_3986 : vector<1x256xf32> to vector<1x256xf32>
    %broadcast_in_dim3A_3988 = vector.broadcast %broadcast_in_dim3A_3987 : vector<1x256xf32> to vector<64x256xf32>
    %select_n3A_3989 = arith.select %lt3A_3982, %broadcast_in_dim3A_3988, %select_n3A_3978 : vector<64x256xi1>, vector<64x256xf32>
    %get3A_3990 = arith.constant 448 : index
    %get3A_3991 = arith.constant 5888 : index
    %get3A_3992 = vector.load %arg5[%get3A_3990, %get3A_3991] : memref<512x9984xf32, #tpu.memory_space<vmem>>, vector<64x256xf32>
    %lt3A_3993 = arith.cmpf olt, %get3A_3992, %select_n3A_3983 : vector<64x256xf32>
    %select_n3A_3994 = arith.select %lt3A_3993, %get3A_3992, %select_n3A_3983 : vector<64x256xi1>, vector<64x256xf32>
    %add3A_3995 = arith.constant 5.888000e+03 : f32
    %add3A_3996 = vector.broadcast %add3A_3995 : f32 to vector<1x256xf32>
    %add3A_3997 = arith.addf %convert_element_type3A, %add3A_3996 : vector<1x256xf32>
    %broadcast_in_dim3A_3998 = vector.shape_cast %add3A_3997 : vector<1x256xf32> to vector<1x256xf32>
    %broadcast_in_dim3A_3999 = vector.broadcast %broadcast_in_dim3A_3998 : vector<1x256xf32> to vector<64x256xf32>
    %select_n3A_4000 = arith.select %lt3A_3993, %broadcast_in_dim3A_3999, %select_n3A_3989 : vector<64x256xi1>, vector<64x256xf32>
    %get3A_4001 = arith.constant 448 : index
    %get3A_4002 = arith.constant 6144 : index
    %get3A_4003 = vector.load %arg5[%get3A_4001, %get3A_4002] : memref<512x9984xf32, #tpu.memory_space<vmem>>, vector<64x256xf32>
    %lt3A_4004 = arith.cmpf olt, %get3A_4003, %select_n3A_3994 : vector<64x256xf32>
    %select_n3A_4005 = arith.select %lt3A_4004, %get3A_4003, %select_n3A_3994 : vector<64x256xi1>, vector<64x256xf32>
    %add3A_4006 = arith.constant 6.144000e+03 : f32
    %add3A_4007 = vector.broadcast %add3A_4006 : f32 to vector<1x256xf32>
    %add3A_4008 = arith.addf %convert_element_type3A, %add3A_4007 : vector<1x256xf32>
    %broadcast_in_dim3A_4009 = vector.shape_cast %add3A_4008 : vector<1x256xf32> to vector<1x256xf32>
    %broadcast_in_dim3A_4010 = vector.broadcast %broadcast_in_dim3A_4009 : vector<1x256xf32> to vector<64x256xf32>
    %select_n3A_4011 = arith.select %lt3A_4004, %broadcast_in_dim3A_4010, %select_n3A_4000 : vector<64x256xi1>, vector<64x256xf32>
    %get3A_4012 = arith.constant 448 : index
    %get3A_4013 = arith.constant 6400 : index
    %get3A_4014 = vector.load %arg5[%get3A_4012, %get3A_4013] : memref<512x9984xf32, #tpu.memory_space<vmem>>, vector<64x256xf32>
    %lt3A_4015 = arith.cmpf olt, %get3A_4014, %select_n3A_4005 : vector<64x256xf32>
    %select_n3A_4016 = arith.select %lt3A_4015, %get3A_4014, %select_n3A_4005 : vector<64x256xi1>, vector<64x256xf32>
    %add3A_4017 = arith.constant 6.400000e+03 : f32
    %add3A_4018 = vector.broadcast %add3A_4017 : f32 to vector<1x256xf32>
    %add3A_4019 = arith.addf %convert_element_type3A, %add3A_4018 : vector<1x256xf32>
    %broadcast_in_dim3A_4020 = vector.shape_cast %add3A_4019 : vector<1x256xf32> to vector<1x256xf32>
    %broadcast_in_dim3A_4021 = vector.broadcast %broadcast_in_dim3A_4020 : vector<1x256xf32> to vector<64x256xf32>
    %select_n3A_4022 = arith.select %lt3A_4015, %broadcast_in_dim3A_4021, %select_n3A_4011 : vector<64x256xi1>, vector<64x256xf32>
    %get3A_4023 = arith.constant 448 : index
    %get3A_4024 = arith.constant 6656 : index
    %get3A_4025 = vector.load %arg5[%get3A_4023, %get3A_4024] : memref<512x9984xf32, #tpu.memory_space<vmem>>, vector<64x256xf32>
    %lt3A_4026 = arith.cmpf olt, %get3A_4025, %select_n3A_4016 : vector<64x256xf32>
    %select_n3A_4027 = arith.select %lt3A_4026, %get3A_4025, %select_n3A_4016 : vector<64x256xi1>, vector<64x256xf32>
    %add3A_4028 = arith.constant 6.656000e+03 : f32
    %add3A_4029 = vector.broadcast %add3A_4028 : f32 to vector<1x256xf32>
    %add3A_4030 = arith.addf %convert_element_type3A, %add3A_4029 : vector<1x256xf32>
    %broadcast_in_dim3A_4031 = vector.shape_cast %add3A_4030 : vector<1x256xf32> to vector<1x256xf32>
    %broadcast_in_dim3A_4032 = vector.broadcast %broadcast_in_dim3A_4031 : vector<1x256xf32> to vector<64x256xf32>
    %select_n3A_4033 = arith.select %lt3A_4026, %broadcast_in_dim3A_4032, %select_n3A_4022 : vector<64x256xi1>, vector<64x256xf32>
    %get3A_4034 = arith.constant 448 : index
    %get3A_4035 = arith.constant 6912 : index
    %get3A_4036 = vector.load %arg5[%get3A_4034, %get3A_4035] : memref<512x9984xf32, #tpu.memory_space<vmem>>, vector<64x256xf32>
    %lt3A_4037 = arith.cmpf olt, %get3A_4036, %select_n3A_4027 : vector<64x256xf32>
    %select_n3A_4038 = arith.select %lt3A_4037, %get3A_4036, %select_n3A_4027 : vector<64x256xi1>, vector<64x256xf32>
    %add3A_4039 = arith.constant 6.912000e+03 : f32
    %add3A_4040 = vector.broadcast %add3A_4039 : f32 to vector<1x256xf32>
    %add3A_4041 = arith.addf %convert_element_type3A, %add3A_4040 : vector<1x256xf32>
    %broadcast_in_dim3A_4042 = vector.shape_cast %add3A_4041 : vector<1x256xf32> to vector<1x256xf32>
    %broadcast_in_dim3A_4043 = vector.broadcast %broadcast_in_dim3A_4042 : vector<1x256xf32> to vector<64x256xf32>
    %select_n3A_4044 = arith.select %lt3A_4037, %broadcast_in_dim3A_4043, %select_n3A_4033 : vector<64x256xi1>, vector<64x256xf32>
    %get3A_4045 = arith.constant 448 : index
    %get3A_4046 = arith.constant 7168 : index
    %get3A_4047 = vector.load %arg5[%get3A_4045, %get3A_4046] : memref<512x9984xf32, #tpu.memory_space<vmem>>, vector<64x256xf32>
    %lt3A_4048 = arith.cmpf olt, %get3A_4047, %select_n3A_4038 : vector<64x256xf32>
    %select_n3A_4049 = arith.select %lt3A_4048, %get3A_4047, %select_n3A_4038 : vector<64x256xi1>, vector<64x256xf32>
    %add3A_4050 = arith.constant 7.168000e+03 : f32
    %add3A_4051 = vector.broadcast %add3A_4050 : f32 to vector<1x256xf32>
    %add3A_4052 = arith.addf %convert_element_type3A, %add3A_4051 : vector<1x256xf32>
    %broadcast_in_dim3A_4053 = vector.shape_cast %add3A_4052 : vector<1x256xf32> to vector<1x256xf32>
    %broadcast_in_dim3A_4054 = vector.broadcast %broadcast_in_dim3A_4053 : vector<1x256xf32> to vector<64x256xf32>
    %select_n3A_4055 = arith.select %lt3A_4048, %broadcast_in_dim3A_4054, %select_n3A_4044 : vector<64x256xi1>, vector<64x256xf32>
    %get3A_4056 = arith.constant 448 : index
    %get3A_4057 = arith.constant 7424 : index
    %get3A_4058 = vector.load %arg5[%get3A_4056, %get3A_4057] : memref<512x9984xf32, #tpu.memory_space<vmem>>, vector<64x256xf32>
    %lt3A_4059 = arith.cmpf olt, %get3A_4058, %select_n3A_4049 : vector<64x256xf32>
    %select_n3A_4060 = arith.select %lt3A_4059, %get3A_4058, %select_n3A_4049 : vector<64x256xi1>, vector<64x256xf32>
    %add3A_4061 = arith.constant 7.424000e+03 : f32
    %add3A_4062 = vector.broadcast %add3A_4061 : f32 to vector<1x256xf32>
    %add3A_4063 = arith.addf %convert_element_type3A, %add3A_4062 : vector<1x256xf32>
    %broadcast_in_dim3A_4064 = vector.shape_cast %add3A_4063 : vector<1x256xf32> to vector<1x256xf32>
    %broadcast_in_dim3A_4065 = vector.broadcast %broadcast_in_dim3A_4064 : vector<1x256xf32> to vector<64x256xf32>
    %select_n3A_4066 = arith.select %lt3A_4059, %broadcast_in_dim3A_4065, %select_n3A_4055 : vector<64x256xi1>, vector<64x256xf32>
    %get3A_4067 = arith.constant 448 : index
    %get3A_4068 = arith.constant 7680 : index
    %get3A_4069 = vector.load %arg5[%get3A_4067, %get3A_4068] : memref<512x9984xf32, #tpu.memory_space<vmem>>, vector<64x256xf32>
    %lt3A_4070 = arith.cmpf olt, %get3A_4069, %select_n3A_4060 : vector<64x256xf32>
    %select_n3A_4071 = arith.select %lt3A_4070, %get3A_4069, %select_n3A_4060 : vector<64x256xi1>, vector<64x256xf32>
    %add3A_4072 = arith.constant 7.680000e+03 : f32
    %add3A_4073 = vector.broadcast %add3A_4072 : f32 to vector<1x256xf32>
    %add3A_4074 = arith.addf %convert_element_type3A, %add3A_4073 : vector<1x256xf32>
    %broadcast_in_dim3A_4075 = vector.shape_cast %add3A_4074 : vector<1x256xf32> to vector<1x256xf32>
    %broadcast_in_dim3A_4076 = vector.broadcast %broadcast_in_dim3A_4075 : vector<1x256xf32> to vector<64x256xf32>
    %select_n3A_4077 = arith.select %lt3A_4070, %broadcast_in_dim3A_4076, %select_n3A_4066 : vector<64x256xi1>, vector<64x256xf32>
    %get3A_4078 = arith.constant 448 : index
    %get3A_4079 = arith.constant 7936 : index
    %get3A_4080 = vector.load %arg5[%get3A_4078, %get3A_4079] : memref<512x9984xf32, #tpu.memory_space<vmem>>, vector<64x256xf32>
    %lt3A_4081 = arith.cmpf olt, %get3A_4080, %select_n3A_4071 : vector<64x256xf32>
    %select_n3A_4082 = arith.select %lt3A_4081, %get3A_4080, %select_n3A_4071 : vector<64x256xi1>, vector<64x256xf32>
    %add3A_4083 = arith.constant 7.936000e+03 : f32
    %add3A_4084 = vector.broadcast %add3A_4083 : f32 to vector<1x256xf32>
    %add3A_4085 = arith.addf %convert_element_type3A, %add3A_4084 : vector<1x256xf32>
    %broadcast_in_dim3A_4086 = vector.shape_cast %add3A_4085 : vector<1x256xf32> to vector<1x256xf32>
    %broadcast_in_dim3A_4087 = vector.broadcast %broadcast_in_dim3A_4086 : vector<1x256xf32> to vector<64x256xf32>
    %select_n3A_4088 = arith.select %lt3A_4081, %broadcast_in_dim3A_4087, %select_n3A_4077 : vector<64x256xi1>, vector<64x256xf32>
    %get3A_4089 = arith.constant 448 : index
    %get3A_4090 = arith.constant 8192 : index
    %get3A_4091 = vector.load %arg5[%get3A_4089, %get3A_4090] : memref<512x9984xf32, #tpu.memory_space<vmem>>, vector<64x256xf32>
    %lt3A_4092 = arith.cmpf olt, %get3A_4091, %select_n3A_4082 : vector<64x256xf32>
    %select_n3A_4093 = arith.select %lt3A_4092, %get3A_4091, %select_n3A_4082 : vector<64x256xi1>, vector<64x256xf32>
    %add3A_4094 = arith.constant 8.192000e+03 : f32
    %add3A_4095 = vector.broadcast %add3A_4094 : f32 to vector<1x256xf32>
    %add3A_4096 = arith.addf %convert_element_type3A, %add3A_4095 : vector<1x256xf32>
    %broadcast_in_dim3A_4097 = vector.shape_cast %add3A_4096 : vector<1x256xf32> to vector<1x256xf32>
    %broadcast_in_dim3A_4098 = vector.broadcast %broadcast_in_dim3A_4097 : vector<1x256xf32> to vector<64x256xf32>
    %select_n3A_4099 = arith.select %lt3A_4092, %broadcast_in_dim3A_4098, %select_n3A_4088 : vector<64x256xi1>, vector<64x256xf32>
    %get3A_4100 = arith.constant 448 : index
    %get3A_4101 = arith.constant 8448 : index
    %get3A_4102 = vector.load %arg5[%get3A_4100, %get3A_4101] : memref<512x9984xf32, #tpu.memory_space<vmem>>, vector<64x256xf32>
    %lt3A_4103 = arith.cmpf olt, %get3A_4102, %select_n3A_4093 : vector<64x256xf32>
    %select_n3A_4104 = arith.select %lt3A_4103, %get3A_4102, %select_n3A_4093 : vector<64x256xi1>, vector<64x256xf32>
    %add3A_4105 = arith.constant 8.448000e+03 : f32
    %add3A_4106 = vector.broadcast %add3A_4105 : f32 to vector<1x256xf32>
    %add3A_4107 = arith.addf %convert_element_type3A, %add3A_4106 : vector<1x256xf32>
    %broadcast_in_dim3A_4108 = vector.shape_cast %add3A_4107 : vector<1x256xf32> to vector<1x256xf32>
    %broadcast_in_dim3A_4109 = vector.broadcast %broadcast_in_dim3A_4108 : vector<1x256xf32> to vector<64x256xf32>
    %select_n3A_4110 = arith.select %lt3A_4103, %broadcast_in_dim3A_4109, %select_n3A_4099 : vector<64x256xi1>, vector<64x256xf32>
    %get3A_4111 = arith.constant 448 : index
    %get3A_4112 = arith.constant 8704 : index
    %get3A_4113 = vector.load %arg5[%get3A_4111, %get3A_4112] : memref<512x9984xf32, #tpu.memory_space<vmem>>, vector<64x256xf32>
    %lt3A_4114 = arith.cmpf olt, %get3A_4113, %select_n3A_4104 : vector<64x256xf32>
    %select_n3A_4115 = arith.select %lt3A_4114, %get3A_4113, %select_n3A_4104 : vector<64x256xi1>, vector<64x256xf32>
    %add3A_4116 = arith.constant 8.704000e+03 : f32
    %add3A_4117 = vector.broadcast %add3A_4116 : f32 to vector<1x256xf32>
    %add3A_4118 = arith.addf %convert_element_type3A, %add3A_4117 : vector<1x256xf32>
    %broadcast_in_dim3A_4119 = vector.shape_cast %add3A_4118 : vector<1x256xf32> to vector<1x256xf32>
    %broadcast_in_dim3A_4120 = vector.broadcast %broadcast_in_dim3A_4119 : vector<1x256xf32> to vector<64x256xf32>
    %select_n3A_4121 = arith.select %lt3A_4114, %broadcast_in_dim3A_4120, %select_n3A_4110 : vector<64x256xi1>, vector<64x256xf32>
    %get3A_4122 = arith.constant 448 : index
    %get3A_4123 = arith.constant 8960 : index
    %get3A_4124 = vector.load %arg5[%get3A_4122, %get3A_4123] : memref<512x9984xf32, #tpu.memory_space<vmem>>, vector<64x256xf32>
    %lt3A_4125 = arith.cmpf olt, %get3A_4124, %select_n3A_4115 : vector<64x256xf32>
    %select_n3A_4126 = arith.select %lt3A_4125, %get3A_4124, %select_n3A_4115 : vector<64x256xi1>, vector<64x256xf32>
    %add3A_4127 = arith.constant 8.960000e+03 : f32
    %add3A_4128 = vector.broadcast %add3A_4127 : f32 to vector<1x256xf32>
    %add3A_4129 = arith.addf %convert_element_type3A, %add3A_4128 : vector<1x256xf32>
    %broadcast_in_dim3A_4130 = vector.shape_cast %add3A_4129 : vector<1x256xf32> to vector<1x256xf32>
    %broadcast_in_dim3A_4131 = vector.broadcast %broadcast_in_dim3A_4130 : vector<1x256xf32> to vector<64x256xf32>
    %select_n3A_4132 = arith.select %lt3A_4125, %broadcast_in_dim3A_4131, %select_n3A_4121 : vector<64x256xi1>, vector<64x256xf32>
    %get3A_4133 = arith.constant 448 : index
    %get3A_4134 = arith.constant 9216 : index
    %get3A_4135 = vector.load %arg5[%get3A_4133, %get3A_4134] : memref<512x9984xf32, #tpu.memory_space<vmem>>, vector<64x256xf32>
    %lt3A_4136 = arith.cmpf olt, %get3A_4135, %select_n3A_4126 : vector<64x256xf32>
    %select_n3A_4137 = arith.select %lt3A_4136, %get3A_4135, %select_n3A_4126 : vector<64x256xi1>, vector<64x256xf32>
    %add3A_4138 = arith.constant 9.216000e+03 : f32
    %add3A_4139 = vector.broadcast %add3A_4138 : f32 to vector<1x256xf32>
    %add3A_4140 = arith.addf %convert_element_type3A, %add3A_4139 : vector<1x256xf32>
    %broadcast_in_dim3A_4141 = vector.shape_cast %add3A_4140 : vector<1x256xf32> to vector<1x256xf32>
    %broadcast_in_dim3A_4142 = vector.broadcast %broadcast_in_dim3A_4141 : vector<1x256xf32> to vector<64x256xf32>
    %select_n3A_4143 = arith.select %lt3A_4136, %broadcast_in_dim3A_4142, %select_n3A_4132 : vector<64x256xi1>, vector<64x256xf32>
    %get3A_4144 = arith.constant 448 : index
    %get3A_4145 = arith.constant 9472 : index
    %get3A_4146 = vector.load %arg5[%get3A_4144, %get3A_4145] : memref<512x9984xf32, #tpu.memory_space<vmem>>, vector<64x256xf32>
    %lt3A_4147 = arith.cmpf olt, %get3A_4146, %select_n3A_4137 : vector<64x256xf32>
    %select_n3A_4148 = arith.select %lt3A_4147, %get3A_4146, %select_n3A_4137 : vector<64x256xi1>, vector<64x256xf32>
    %add3A_4149 = arith.constant 9.472000e+03 : f32
    %add3A_4150 = vector.broadcast %add3A_4149 : f32 to vector<1x256xf32>
    %add3A_4151 = arith.addf %convert_element_type3A, %add3A_4150 : vector<1x256xf32>
    %broadcast_in_dim3A_4152 = vector.shape_cast %add3A_4151 : vector<1x256xf32> to vector<1x256xf32>
    %broadcast_in_dim3A_4153 = vector.broadcast %broadcast_in_dim3A_4152 : vector<1x256xf32> to vector<64x256xf32>
    %select_n3A_4154 = arith.select %lt3A_4147, %broadcast_in_dim3A_4153, %select_n3A_4143 : vector<64x256xi1>, vector<64x256xf32>
    %get3A_4155 = arith.constant 448 : index
    %get3A_4156 = arith.constant 9728 : index
    %get3A_4157 = vector.load %arg5[%get3A_4155, %get3A_4156] : memref<512x9984xf32, #tpu.memory_space<vmem>>, vector<64x256xf32>
    %lt3A_4158 = arith.cmpf olt, %get3A_4157, %select_n3A_4148 : vector<64x256xf32>
    %select_n3A_4159 = arith.select %lt3A_4158, %get3A_4157, %select_n3A_4148 : vector<64x256xi1>, vector<64x256xf32>
    %add3A_4160 = arith.constant 9.728000e+03 : f32
    %add3A_4161 = vector.broadcast %add3A_4160 : f32 to vector<1x256xf32>
    %add3A_4162 = arith.addf %convert_element_type3A, %add3A_4161 : vector<1x256xf32>
    %broadcast_in_dim3A_4163 = vector.shape_cast %add3A_4162 : vector<1x256xf32> to vector<1x256xf32>
    %broadcast_in_dim3A_4164 = vector.broadcast %broadcast_in_dim3A_4163 : vector<1x256xf32> to vector<64x256xf32>
    %select_n3A_4165 = arith.select %lt3A_4158, %broadcast_in_dim3A_4164, %select_n3A_4154 : vector<64x256xi1>, vector<64x256xf32>
    %reduce_min3A_4166 = arith.constant dense<0x7F800000> : vector<64xf32>
    %reduce_min3A_4167 = vector.multi_reduction <minimumf>, %select_n3A_4159, %reduce_min3A_4166 [1] : vector<64x256xf32> to vector<64xf32>
    %broadcast_in_dim3A_4168 = vector.shape_cast %reduce_min3A_4167 : vector<64xf32> to vector<64x1xf32>
    %eq3A_4169 = vector.broadcast %broadcast_in_dim3A_4168 : vector<64x1xf32> to vector<64x256xf32>
    %eq3A_4170 = arith.cmpf oeq, %select_n3A_4159, %eq3A_4169 : vector<64x256xf32>
    %jit3A_4171 = arith.constant 3.000000e+38 : f32
    %broadcast_in_dim3A_4172 = vector.broadcast %jit3A_4171 : f32 to vector<64x256xf32>
    %select_n3A_4173 = arith.select %eq3A_4170, %select_n3A_4165, %broadcast_in_dim3A_4172 : vector<64x256xi1>, vector<64x256xf32>
    %reduce_min3A_4174 = arith.constant dense<0x7F800000> : vector<64xf32>
    %reduce_min3A_4175 = vector.multi_reduction <minimumf>, %select_n3A_4173, %reduce_min3A_4174 [1] : vector<64x256xf32> to vector<64xf32>
    %convert_element_type3A_4176 = arith.fptosi %reduce_min3A_4175 : vector<64xf32> to vector<64xi32>
    %swap3A_4177 = arith.constant 0 : index
    %swap3A_4178 = arith.constant 0 : index
    %swap3A_4179 = arith.constant 448 : index
    %swap3A_4180 = vector.load %arg4[%swap3A_4177, %swap3A_4178, %swap3A_4179] : memref<1x1x512xi32, #tpu.memory_space<vmem>>, vector<1x1x64xi32>
    %swap3A_4181 = vector.shape_cast %swap3A_4180 : vector<1x1x64xi32> to vector<64xi32>
    %swap3A_4182 = vector.shape_cast %convert_element_type3A_4176 : vector<64xi32> to vector<1x1x64xi32>
    tpu.vector_store %arg4[%swap3A_4177, %swap3A_4178, %swap3A_4179], %swap3A_4182 {strides = array<i32>} : memref<1x1x512xi32, #tpu.memory_space<vmem>>, vector<1x1x64xi32>,
    return
  }
  func.func @transform_0(%arg0: i32) -> (i32, i32) {
    %c0_i32 = arith.constant 0 : i32
    %c0_i32_0 = arith.constant 0 : i32
    return %arg0, %c0_i32 : i32, i32
  }
  func.func @transform_1(%arg0: i32) -> (i32, i32) {
    %c0_i32 = arith.constant 0 : i32
    %c0_i32_0 = arith.constant 0 : i32
    %c0_i32_1 = arith.constant 0 : i32
    return %c0_i32, %c0_i32_0 : i32, i32
  }
  func.func @transform_2(%arg0: i32) -> (i32, i32) {
    %c0_i32 = arith.constant 0 : i32
    %c0_i32_0 = arith.constant 0 : i32
    %c0_i32_1 = arith.constant 0 : i32
    return %c0_i32, %c0_i32_0 : i32, i32
  }
  func.func @transform_3(%arg0: i32) -> (i32, i32, i32) {
    %c0_i32 = arith.constant 0 : i32
    %c0_i32_0 = arith.constant 0 : i32
    %c0_i32_1 = arith.constant 0 : i32
    return %arg0, %c0_i32, %c0_i32_0 : i32, i32, i32
  }
}

</mosaic_0001>

<sc_bundles>
// kernel: kernel.4.cloned.1.call-start
scs
__scs_entry_jumppad:
0x0: {  	(pc) =	sbr.rel $0x88, $3  }
0x1: {  	(tag) =	ssettag $0x0;
	lr =	simm.s32 $0x1  }
0x2: {  	[smem:$0x3F9E] =	sst lr;
	_ =	strace $0xD0000000  }
0x3: {  	_ = 	snop  }
0x4: {  	_ = 	snop  }
0x5: {  	_ = 	snop  }
0x6: {  	_ = 	snop  }
0x7: {  	_ = 	snop  }
__scs_overlays_trampoline_lowered:
0x8: {  	[smem:$0x3FAD] =	sst s0  }
0x9: {  	[smem:$0x3FAE] =	sst s1  }
0xa: {  	[smem:$0x3FAF] =	sst s2  }
0xb: {  	[smem:$0x3FB0] =	sst s3  }
0xc: {  	[smem:$0x3FB1] =	sst s4  }
0xd: {  	[smem:$0x3FB2] =	sst s5  }
0xe: {  	[smem:$0x3FB3] =	sst s6  }
0xf: {  	[smem:$0x3FB4] =	sst s7  }
0x10: {  	[smem:$0x3FB5] =	sst s8  }
0x11: {  	[smem:$0x3FB6] =	sst s9;
	s0 =	simm.s32 @!p0 $0x0  }
0x12: {  	s1 =	sld [smem:$0x3F9C];
	s0 =	simm.s32 @p0 $0x1  }
0x13: {  	[smem:$0x3FB7] =	sst s0;
	s0 =	simm.s32 @!p1 $0x0  }
0x14: {  	s2 =	sld [smem:$0x3F9B];
	s0 =	simm.s32 @p1 $0x1  }
0x15: {  	[smem:$0x3FB8] =	sst s0;
	s0 =	simm.s32 @!p2 $0x0  }
0x16: {  	s3 =	sld [smem:$0x3FDB];
	s0 =	simm.s32 @p2 $0x1  }
0x17: {  	s4 =	simm.s32 $0x1BF5;
	[smem:$0x3FBA] =	sst s0  }
0x18: {  	s0 =	sld [smem:$0x3F9D];
	_ =	swait.ge [sflag:s4], $0x0  }
0x19: {  	s7 =	sld [smem:$0x3F9E]  }
0x1a: {  	s8 =	sadd.s32 $0xFFFFE003, lr  }
0x1b: {  	s9 =	sadd.s32 $0xFFFFFEF7, lr;
	s5 =	simm.s32 $0xFFFFFFFF;
	p2 =	slt.u32 s8, $0xFFFFF086  }
0x1c: {  	p1 =	slt.u32 s9, $0xF7A;
	s5 =	simm.s32 @!p2 $0x0  }
0x1d: {  	s5 =	simm.s32 @p1 $0x1;
	p0 =	seq.s32 s7, s2  }
0x1e: {  	s7 =	smul.u32 @!p0 $0xF7A, s2;
	p2 =	seq.s32 @!p0 s5, $0x0  }
0x1f: {  	s9 =	smul.u32 $0xF7A, s1;
	s8 =	simm.s32 @!p0 $0x1BF5;
	p2 =	por !p2, p0  }
0x20: {  	[sflag:s8] =	ssyncset.s32 @!p0 $0xFFFFF086;
	s6 =	sadd.s32 @!p0 s3, s7;
	s7 =	simm.s32 @!p0 $0x108  }
0x21: {  	s3 =	sadd.s32 s3, s9;
	s6 =	sadd.s32 @!p0 $0x88, s6;
	s7 =	simm.s32 @p2 $0x1082  }
0x22: {  	[simem:s7], [sflag:s8] =	dma.local @!p0 [hbm:s6], $0xF7A  }
0x23: {  	s9 =	sor.u32 $0xD0000000, s2;
	s6 =	simm.s32 $0x108;
	_ =	swait.ge @!p0 [sflag:s8], $0x0  }
0x24: {  	s3 =	sadd.s32 $0x88, s3;
	s6 =	simm.s32 @!p1 $0x1082;
	[sflag:s4] =	ssyncset.s32 $0xFFFFF086  }
0x25: {  	[simem:s6], [sflag:s4] =	dma.local [hbm:s3], $0xF7A  }
0x26: {  	[smem:$0x3F9E] =	sst s1;
	(tag) =	ssettag s2;
	_ =	strace s9  }
0x27: {  	s1 =	sld [smem:$0x3FAE]  }
0x28: {  	s2 =	sld [smem:$0x3FAF]  }
0x29: {  	s4 =	sld [smem:$0x3FB1]  }
0x2a: {  	p0 =	seq.s32 s5, $0x0;
	s5 =	sld [smem:$0x3FB2]  }
0x2b: {  	s6 =	sld [smem:$0x3FB3]  }
0x2c: {  	s7 =	sld [smem:$0x3FB4]  }
0x2d: {  	s3 =	simm.s32 $0x108;
	s8 =	sld [smem:$0x3FB5]  }
0x2e: {  	s3 =	simm.s32 @!p0 $0x1082;
	s9 =	sld [smem:$0x3FB6]  }
0x2f: {  	lr =	sadd.s32 s0, s3;
	s0 =	sld [smem:$0x3FAD]  }
0x30: {  	s3 =	sld [smem:$0x3FB0]  }
0x31: {  	[smem:$0x3FB9] =	sst s10  }
0x32: {  	s10 =	sld [smem:$0x3FB7];
	_ =	sdelay $0x3  }
0x33: {  	p0 =	seq.s32 s10, $0x1;
	s10 =	sld [smem:$0x3FB9];
	_ =	sdelay $0x3  }
0x34: {  	[smem:$0x3FB9] =	sst s10  }
0x35: {  	s10 =	sld [smem:$0x3FB8];
	_ =	sdelay $0x3  }
0x36: {  	p1 =	seq.s32 s10, $0x1;
	s10 =	sld [smem:$0x3FB9];
	_ =	sdelay $0x3  }
0x37: {  	[smem:$0x3FB9] =	sst s10  }
0x38: {  	s10 =	sld [smem:$0x3FBA]  }
0x39: {  	_ = 	snop;
	(pc) =	sbr.ind lr, $3  }
0x3a: {  	_ = 	snop  }
0x3b: {  	_ = 	snop  }
0x3c: {  	p2 =	seq.s32 s10, $0x1;
	s10 =	sld [smem:$0x3FB9]  }
0x3d: {  	_ =	shalt  }
0x3e: {  	_ =	shalt  }
0x3f: {  	_ =	shalt  }
0x40: {  	_ =	shalt  }
0x41: {  	_ =	shalt  }
0x42: {  	_ =	shalt  }
0x43: {  	_ =	shalt  }
0x44: {  	_ =	shalt  }
0x45: {  	_ =	shalt  }
0x46: {  	_ =	shalt  }
0x47: {  	_ =	shalt  }
0x48: {  	_ =	shalt  }
0x49: {  	_ =	shalt  }
0x4a: {  	_ =	shalt  }
0x4b: {  	_ =	shalt  }
0x4c: {  	_ =	shalt  }
0x4d: {  	_ =	shalt  }
0x4e: {  	_ =	shalt  }
0x4f: {  	_ =	shalt  }
0x50: {  	_ =	shalt  }
0x51: {  	_ =	shalt  }
0x52: {  	_ =	shalt  }
0x53: {  	_ =	shalt  }
0x54: {  	_ =	shalt  }
0x55: {  	_ =	shalt  }
0x56: {  	_ =	shalt  }
0x57: {  	_ =	shalt  }
0x58: {  	_ =	shalt  }
0x59: {  	_ =	shalt  }
0x5a: {  	_ =	shalt  }
0x5b: {  	_ =	shalt  }
0x5c: {  	_ =	shalt  }
0x5d: {  	_ =	shalt  }
0x5e: {  	_ =	shalt  }
0x5f: {  	_ =	shalt  }
0x60: {  	_ =	shalt  }
0x61: {  	_ =	shalt  }
0x62: {  	_ =	shalt  }
0x63: {  	_ =	shalt  }
0x64: {  	_ =	shalt  }
0x65: {  	_ =	shalt  }
0x66: {  	_ =	shalt  }
0x67: {  	_ =	shalt  }
0x68: {  	_ =	shalt  }
0x69: {  	_ =	shalt  }
0x6a: {  	_ =	shalt  }
0x6b: {  	_ =	shalt  }
0x6c: {  	_ =	shalt  }
0x6d: {  	_ =	shalt  }
0x6e: {  	_ =	shalt  }
0x6f: {  	_ =	shalt  }
0x70: {  	_ =	shalt  }
0x71: {  	_ =	shalt  }
0x72: {  	_ =	shalt  }
0x73: {  	_ =	shalt  }
0x74: {  	_ =	shalt  }
0x75: {  	_ =	shalt  }
0x76: {  	_ =	shalt  }
0x77: {  	_ =	shalt  }
0x78: {  	_ =	shalt  }
0x79: {  	_ =	shalt  }
0x7a: {  	_ =	shalt  }
0x7b: {  	_ =	shalt  }
0x7c: {  	_ =	shalt  }
0x7d: {  	_ =	shalt  }
0x7e: {  	_ =	shalt  }
0x7f: {  	_ =	shalt  }
0x80: {  	_ =	shalt  }
0x81: {  	_ =	shalt  }
0x82: {  	_ =	shalt  }
0x83: {  	_ =	shalt  }
0x84: {  	_ =	shalt  }
0x85: {  	_ =	shalt  }
0x86: {  	_ =	shalt  }
0x87: {  	_ =	shalt  }
.Lfunc_end0:
.L_simem_size_0:
called_computation_lowered:
.L_overlay_start_0:
0x88: {  	s2 =	sld [smem:$0x3FD9]  }
0x89: {  	s3 =	sld [smem:$0x3FFE];
	_ =	sdelay $0x1  }
0x8a: {  	s1 =	srdreg.scid  }
0x8b: {  	s0 =	sand.u32 $0x1, s1  }
0x8c: {  	s17 =	sshll.u32 s0, $0xA;
	s2 =	sadd.s32 s3, s2  }
0x8d: {  	s2 =	sadd.s32 s2, s17  }
0x8e: {  	[smem:$0x3FC5] =	sst s2  }
0x8f: {  	_ = 	snop  }
0x90: {  	s2 =	sld [smem:$0x3FD0];
	(tm) =	ssettm $0x1  }
0x91: {  	s18 =	sld [smem:$0x3FFB];
	_ =	sdelay $0x3  }
0x92: {  	_ =	strace s18  }
0x93: {  	s3 =	sld [smem:$0x3FFC];
	_ =	sdelay $0x3  }
0x94: {  	_ =	strace s3  }
0x95: {  	s3 =	sld [smem:$0x3FFD];
	_ =	sdelay $0x3  }
0x96: {  	_ =	strace s3  }
0x97: {  	_ =	strace $0x8FFFFFFF  }
0x98: {  	s19 =	sld [smem:$0x3FDB];
	_ =	sdelay $0x1  }
0x99: {  	s4 =	simm.s32 $_scs_section_size  }
0x9a: {  	s5 =	simm.s32 $_size__tile_overlayer_lowered;
	s6 =	simm.s32 $_tile_overlayer_lowered  }
0x9b: {  	s22 =	simm.s32 $0x1BFF;
	s21 =	sshll.u32 s6, $0x1;
	s3 =	sadd.s32 s4, s19  }
0x9c: {  	s7 =	simm.s32 $0x0;
	s20 =	sshll.u32 s5, $0x1;
	s5 =	sadd.s32 s21, s3  }
0x9d: {  	[timem:s7], [sflag:s22] =	dma.local [hbm:s5], s20  }
0x9e: {  	_ =	swait.ge [sflag:s22], s20  }
0x9f: {  	s4 =	ssub.s32 $0x0, s20;
	[sflag:s22] =	ssyncset.done $0x0  }
0xa0: {  	[sflag:s22] =	ssyncadd.s32 s4;
	_ =	sdelay $0x1  }
0xa1: {  	s23 =	simm.s32 $0x1B8B  }
0xa2: {  	_ =	swait.ge [sflag:s23], $0x1  }
0xa3: {  	[sflag:s23] =	ssyncset.done $0x0  }
0xa4: {  	s25 =	simm.s32 $0x1B8E;
	s24 =	sld [smem:$0x3FFE];
	[sflag:s23] =	ssyncadd.s32 $0xFFFFFFFF  }
0xa5: {  	s26 =	simm.s32 $execute0_lowered;
	[smem:$0x3FD2] =	sst s25  }
0xa6: {  	s5 =	sshll.u32 s26, $0x1;
	_ =	strace $0x80000046;
	[dreg:$0x1] =	wrdreg $0xFFFFFFFF  }
0xa7: {  	s28 =	simm.s32 $_size_execute0_lowered;
	s3 =	sadd.s32 s3, s5;
	[dreg:$0x0] =	wrdreg $0x0  }
0xa8: {  	s5 =	sshll.u32 s28, $0x1;
	[dreg:$0x2] =	wrdreg s3  }
0xa9: {  	[dreg:$0x3] =	wrdreg s5  }
0xaa: {  	[dreg:$0x4] =	wrdreg $0xC0  }
0xab: {  	_ =	task [dreg:s7], $0x5FFFF  }
0xac: {  	[dreg:$0x1] =	wrdreg $0xFFFFFFFF  }
0xad: {  	[dreg:$0x0] =	wrdreg $0x60  }
0xae: {  	[dreg:$0x2] =	wrdreg s2  }
0xaf: {  	[dreg:$0x3] =	wrdreg s24  }
0xb0: {  	[dreg:$0x4] =	wrdreg $0x9  }
0xb1: {  	_ =	task.clear_ibuf [dreg:s7], $0x5FFFF;
	_ =	strace $0x90000046  }
0xb2: {  	s29 =	simm.s32 $0x9;
	_ =	strace $0x80000048  }
0xb3: {  	_ =	swait.ge [sflag:s29], $0x1  }
0xb4: {  	[sflag:s29] =	ssyncadd.s32 $0xFFFFFFFF  }
0xb5: {  	_ =	strace $0x90000048  }
0xb6: {  	_ =	sfence  }
0xb7: {  	s30 =	sld [smem:$0x0];
	_ =	sdelay $0x2  }
0xb8: {  	s31 =	sshll.u32 s1, $0xD;
	s1 =	sshrl.u32 s1, $0x2  }
0xb9: {  	s3 =	sand.u32 $0x4000, s31;
	s1 =	sadd.s32 s1, s30  }
0xba: {  	s0 =	sor.u32 s3, s0;
	s1 =	sshll.u32 s1, $0x11  }
0xbb: {  	s0 =	sor.u32 s1, s0  }
0xbc: {  	s0 =	sadd.s32 $0x8F2B, s0  }
0xbd: {  	[sflag:s0] =	ssyncadd.remote.s32 $0x1  }
0xbe: {  	_ =	sfence.sel $0xFFFF  }
0xbf: {  	[dreg:$0x0] =	wrdreg $0xFFFFFFFF;
	(pc) =	sbr.abs _section_cstart, $3  }
0xc0: {  	[dreg:$0x1] =	wrdreg $0xFFFFFFFF  }
0xc1: {  	_ =	task.clear_ibuf [dreg:s7], $0x2FFFF;
	_ =	strace $0x9FFFFFFF  }
0xc2: {  	(tm) =	ssettm $0x7FFFFFFF  }
0xc3: {  	_ =	shalt  }
tec
execute0_lowered:
.L_overlay_start_1:
0x0: {  	(tag) =	ssettag $0x1  }
0x1: {  	s2 =	rddreg [dreg:$0x0]  }
0x2: {  	s1 =	srdreg.scid;
	s0 =	stileid.u32  }
0x3: {  	s4 =	rddreg [dreg:$0x1];
	s3 =	simm.s32 $0x0;
	s15 =	simm.s32 $0x3D80  }
0x4: {  	s16 =	simm.s32 $0x3F00;
	s17 =	simm.s32 $0x4040;
	s18 =	simm.s32 $0x4180  }
0x5: {  	s19 =	simm.s32 $0x42C0;
	s9 =	sand.u32 $0x1, s1;
	s1 =	rddreg [dreg:$0x2]  }
0x6: {  	s20 =	simm.s32 $0x0;
	s5 =	sshll.u32 s0, $0x1;
	[smem:$0x7FF] =	sst s3  }
0x7: {  	s7 =	sadd.s32 $0x400, s4;
	s5 =	sor.u32 s9, s5;
	s6 =	ssub.s32 $0x2, s9  }
0x8: {  	s10 =	sadd.s32 $0x1400, s4;
	s5 =	smul.u32 $0x140, s5;
	s8 =	sshrl.u32 s6, $0x1  }
0x9: {  	s14 =	smul.u32 $0x280, s0;
	_ =	strace $0x80000047;
	s11 =	ssub.s32 s6, s8  }
0xa: {  	s31 =	smul.u32 $0x140, s9;
	s30 =	sshrl.u32 s5, $0x3;
	s11 =	smax.u32 s11, $0x1  }
0xb: {  	v0 =	vlaneseq.u32;
	s4 =	sadd.s32 s7, s30;
	s12 =	sadd.s32 $0x500, s30;
	s13 =	sadd.s32 $0xA00, s30  }
0xc: {  	v0 =	vmul.u32 $0xFFFFFFFF, v0;
	s5 =	sadd.s32 s7, s12;
	s6 =	sadd.s32 s7, s13;
	s7 =	sadd.s32 s10, s30  }
0xd: {  	s8 =	sadd.s32 s10, s12;
	s9 =	sadd.s32 s10, s13;
	s12 =	sadd.s32 s31, s14  }
0xe: {  	v0 =	vadd.s32 $0x26F8, v0;
	s13 =	simm.s32 $0x1;
	s14 =	simm.s32 $0x3B00;
	s10 =	sadd.s32 $0xF00, s7  }
.LBB2_1:
0xf: {  	[tilespmem:s3], [sflag:$0x1] =	stream.linear.gather [hbm4b:s2+s3], $0x3B00, $0x38;
	[tilespmem:$0x4400] =	vst v63  }
0x10: {  	_ =	swait.ge [sflag:s13], $0x3B00  }
0x11: {  	[sflag:s13] =	ssyncset.done $0x0  }
0x12: {  	[sflag:s13] =	ssyncadd.s32 $0xFFFFC500  }
0x13: {  	[tilespmem:s14], [sflag:$0x1] =	stream.linear.gather [hbm4b:s4+s3], $0x140, $0x38;
	[tilespmem:$0x4400] =	vst v63  }
0x14: {  	_ =	swait.ge [sflag:s13], $0x140  }
0x15: {  	[sflag:s13] =	ssyncset.done $0x0  }
0x16: {  	s21 =	simm.s32 $0x3C40;
	[sflag:s13] =	ssyncadd.s32 $0xFFFFFEC0  }
0x17: {  	[tilespmem:s21], [sflag:$0x1] =	stream.linear.gather [hbm4b:s5+s3], $0x140, $0x38;
	[tilespmem:$0x4400] =	vst v63  }
0x18: {  	_ =	swait.ge [sflag:s13], $0x140  }
0x19: {  	[sflag:s13] =	ssyncset.done $0x0  }
0x1a: {  	[sflag:s13] =	ssyncadd.s32 $0xFFFFFEC0  }
0x1b: {  	[tilespmem:s15], [sflag:$0x1] =	stream.linear.gather [hbm4b:s6+s3], $0x140, $0x38;
	[tilespmem:$0x4400] =	vst v63  }
0x1c: {  	_ =	swait.ge [sflag:s13], $0x140  }
0x1d: {  	[sflag:s13] =	ssyncset.done $0x0  }
0x1e: {  	[sflag:s13] =	ssyncadd.s32 $0xFFFFFEC0  }
0x1f: {  	v1 =	vld [tilespmem:s21+$0x0]  }
0x20: {  	v2 =	vld [tilespmem:s21+$0xFFFFFEC0]  }
0x21: {  	s23 =	sand.u32 $0x1F0, s3  }
0x22: {  	v3 =	vld [tilespmem:s23+$0x3D80];
	_ =	sdelay $0x1  }
0x23: {  	v1 =	vmul.u32 $0x3, v1  }
0x24: {  	v2 =	vmul.u32 $0x3, v2;
	_ =	sdelay $0x1  }
0x25: {  	v3 =	vmul.u32 $0x3, v3;
	_ =	sdelay $0x2  }
0x26: {  	v4 =	vld.idx.msk [tilespmem:v1+s3+$0x0], $0xffff  }
0x27: {  	v5 =	vld.idx.msk [tilespmem:v2+s3+$0x0], $0xffff;
	_ =	sdelay $0x1  }
0x28: {  	v6 =	vld.idx.msk [tilespmem:v3+s3+$0x0], $0xffff;
	_ =	sdelay $0x2  }
0x29: {  	v4 =	vadd.f32 v4, v5;
	_ =	sdelay $0x1  }
0x2a: {  	v4 =	vadd.f32 v6, v4  }
0x2b: {  	s22 =	sadd.s32 $0x0, s12;
	v60 =	vadd.s32 $0x1, v2  }
0x2c: {  	v61 =	vmov s22;
	v7 =	vadd.s32 $0x1, v1;
	v4 =	vmul.f32 $3.333333430e-01, v4  }
0x2d: {  	vm0 =	vlt.u32 v61, v0  }
0x2e: {  	v62 =	vadd.s32 $0x1, v3;
	v4 =	vnsel vm0, $0x5E8AC723, v4  }
0x2f: {  	[tilespmem:s16+$0x0] =	vst v4  }
0x30: {  	v5 =	vld.idx.msk [tilespmem:v60+s3+$0x0], $0xffff  }
0x31: {  	v7 =	vld.idx.msk [tilespmem:v7+s3+$0x0], $0xffff;
	_ =	sdelay $0x1  }
0x32: {  	v6 =	vld.idx.msk [tilespmem:v62+s3+$0x0], $0xffff;
	_ =	sdelay $0x2  }
0x33: {  	v5 =	vadd.f32 v7, v5;
	_ =	sdelay $0x1  }
0x34: {  	v5 =	vadd.f32 v6, v5  }
0x35: {  	v2 =	vadd.s32 $0x2, v2  }
0x36: {  	v1 =	vadd.s32 $0x2, v1;
	v5 =	vmul.f32 $3.333333430e-01, v5;
	_ =	sdelay $0x1  }
0x37: {  	v3 =	vadd.s32 $0x2, v3;
	v5 =	vnsel vm0, $0x5E8AC723, v5  }
0x38: {  	[tilespmem:s16+$0x140] =	vst v5  }
0x39: {  	v2 =	vld.idx.msk [tilespmem:v2+s3+$0x0], $0xffff  }
0x3a: {  	v1 =	vld.idx.msk [tilespmem:v1+s3+$0x0], $0xffff;
	_ =	sdelay $0x1  }
0x3b: {  	v3 =	vld.idx.msk [tilespmem:v3+s3+$0x0], $0xffff;
	_ =	sdelay $0x2  }
0x3c: {  	v1 =	vadd.f32 v1, v2;
	_ =	sdelay $0x1  }
0x3d: {  	v1 =	vadd.f32 v3, v1;
	_ =	sdelay $0x1  }
0x3e: {  	v1 =	vmul.f32 $3.333333430e-01, v1  }
0x3f: {  	v2 =	vmul.f32 v5, v5;
	v3 =	vmul.f32 v4, v4  }
0x40: {  	v63 =	vnsel vm0, $0x5E8AC723, v1  }
0x41: {  	s24 =	simm.s32 $0x3F00;
	s22 =	simm.s32 $0x10;
	v1 =	vadd.f32 v2, v3;
	[tilespmem:s23+$0x4180] =	vst v63;
	v2 =	vmul.f32 v63, v63;
	s23 =	simm.s32 $0x3F00  }
.LBB2_2:
0x42: {  	_ = 	snop  }
0x43: {  	p0 =	sne.s32 s22, $0x130;
	s21 =	sadd.s32 $0x10, s21;
	s24 =	sadd.s32 $0x10, s24;
	v1 =	vadd.f32 v2, v1  }
0x44: {  	s26 =	smov.u32 s22;
	s22 =	sadd.s32 $0x10, s22  }
0x45: {  	v1 =	vnsel vm0, $0x7F61B1E6, v1  }
0x46: {  	[tilespmem:s23+$0x3C0] =	vst v1;
	s23 =	smov.u32 s24  }
0x47: {  	v1 =	vld [tilespmem:s21+$0x0]  }
0x48: {  	v2 =	vld [tilespmem:s21+$0xFFFFFEC0]  }
0x49: {  	s25 =	sand.u32 $0x1F0, s26  }
0x4a: {  	v3 =	vld [tilespmem:s25+$0x3D80];
	_ =	sdelay $0x1  }
0x4b: {  	v1 =	vmul.u32 $0x3, v1  }
0x4c: {  	v2 =	vmul.u32 $0x3, v2;
	_ =	sdelay $0x1  }
0x4d: {  	v3 =	vmul.u32 $0x3, v3;
	_ =	sdelay $0x2  }
0x4e: {  	v4 =	vld.idx.msk [tilespmem:v1+s3+$0x0], $0xffff  }
0x4f: {  	v5 =	vld.idx.msk [tilespmem:v2+s3+$0x0], $0xffff;
	_ =	sdelay $0x1  }
0x50: {  	v6 =	vld.idx.msk [tilespmem:v3+s3+$0x0], $0xffff;
	_ =	sdelay $0x3  }
0x51: {  	v4 =	vadd.f32 v4, v5;
	_ =	sdelay $0x1  }
0x52: {  	v4 =	vadd.f32 v6, v4  }
0x53: {  	s26 =	sadd.s32 s26, s12;
	v5 =	vadd.s32 $0x1, v2  }
0x54: {  	v7 =	vadd.s32 $0x1, v1;
	v6 =	vmov s26;
	v4 =	vmul.f32 $3.333333430e-01, v4  }
0x55: {  	vm0 =	vlt.u32 v6, v0  }
0x56: {  	v6 =	vadd.s32 $0x1, v3;
	v4 =	vnsel vm0, $0x5E8AC723, v4  }
0x57: {  	[tilespmem:s24+$0x0] =	vst v4  }
0x58: {  	v5 =	vld.idx.msk [tilespmem:v5+s3+$0x0], $0xffff  }
0x59: {  	v7 =	vld.idx.msk [tilespmem:v7+s3+$0x0], $0xffff;
	_ =	sdelay $0x1  }
0x5a: {  	v6 =	vld.idx.msk [tilespmem:v6+s3+$0x0], $0xffff;
	_ =	sdelay $0x3  }
0x5b: {  	v5 =	vadd.f32 v7, v5;
	_ =	sdelay $0x1  }
0x5c: {  	v5 =	vadd.f32 v6, v5  }
0x5d: {  	v2 =	vadd.s32 $0x2, v2  }
0x5e: {  	v1 =	vadd.s32 $0x2, v1;
	v5 =	vmul.f32 $3.333333430e-01, v5;
	_ =	sdelay $0x1  }
0x5f: {  	v3 =	vadd.s32 $0x2, v3;
	v5 =	vnsel vm0, $0x5E8AC723, v5  }
0x60: {  	[tilespmem:s24+$0x140] =	vst v5;
	v5 =	vmul.f32 v5, v5  }
0x61: {  	v2 =	vld.idx.msk [tilespmem:v2+s3+$0x0], $0xffff  }
0x62: {  	v1 =	vld.idx.msk [tilespmem:v1+s3+$0x0], $0xffff;
	_ =	sdelay $0x1  }
0x63: {  	v3 =	vld.idx.msk [tilespmem:v3+s3+$0x0], $0xffff;
	_ =	sdelay $0x3  }
0x64: {  	v1 =	vadd.f32 v1, v2;
	_ =	sdelay $0x1  }
0x65: {  	v1 =	vadd.f32 v3, v1  }
.Ltmp0:
0x66: {  	(pc) =	sbr.rel @p0 .LBB2_2-.Ltmp0, $3  }
0x67: {  	v2 =	vmul.f32 v4, v4;
	v3 =	vmul.f32 $3.333333430e-01, v1;
	_ =	sdelay $0x1  }
0x68: {  	v1 =	vadd.f32 v5, v2;
	v2 =	vnsel vm0, $0x5E8AC723, v3  }
0x69: {  	[tilespmem:s25+$0x4180] =	vst v2;
	v2 =	vmul.f32 v2, v2  }
0x6a: {  	_ = 	snop  }
0x6b: {  	v1 =	vadd.f32 v2, v1;
	_ =	sdelay $0x1  }
0x6c: {  	v1 =	vnsel vm0, $0x7F61B1E6, v1  }
0x6d: {  	[tilespmem:s23+$0x3C0] =	vst v1  }
0x6e: {  	[hbm4b:s7+s3] =	stream.linear.scatter [tilespmem:s16], [sflag:$0x1], $0x140, $0x38;
	[tilespmem:$0x4400] =	vst v63  }
0x6f: {  	_ =	swait.ge [sflag:s13], $0x140  }
0x70: {  	[sflag:s13] =	ssyncset.done $0x0  }
0x71: {  	[sflag:s13] =	ssyncadd.s32 $0xFFFFFEC0  }
0x72: {  	[hbm4b:s8+s3] =	stream.linear.scatter [tilespmem:s17], [sflag:$0x1], $0x140, $0x38;
	[tilespmem:$0x4400] =	vst v63  }
0x73: {  	_ =	swait.ge [sflag:s13], $0x140  }
0x74: {  	[sflag:s13] =	ssyncset.done $0x0  }
0x75: {  	[sflag:s13] =	ssyncadd.s32 $0xFFFFFEC0  }
0x76: {  	[hbm4b:s9+s3] =	stream.linear.scatter [tilespmem:s18], [sflag:$0x1], $0x140, $0x38;
	[tilespmem:$0x4400] =	vst v63  }
0x77: {  	s20 =	sadd.s32 $0x1, s20;
	_ =	swait.ge [sflag:s13], $0x140  }
0x78: {  	p0 =	sne.s32 s20, s11;
	[sflag:s13] =	ssyncset.done $0x0  }
.Ltmp1:
0x79: {  	[sflag:s13] =	ssyncadd.s32 $0xFFFFFEC0;
	(pc) =	sbr.rel @p0 .LBB2_1-.Ltmp1, $4  }
0x7a: {  	[hbm4b:s10+s3] =	stream.linear.scatter [tilespmem:s19], [sflag:$0x1], $0x140, $0x38;
	[tilespmem:$0x4400] =	vst v63  }
0x7b: {  	_ =	swait.ge [sflag:s13], $0x140  }
0x7c: {  	[sflag:s13] =	ssyncset.done $0x0  }
0x7d: {  	[sflag:s13] =	ssyncadd.s32 $0xFFFFFEC0  }
0x7e: {  	_ =	sfence.sel $0x180000  }
0x7f: {  	[bflag:$0x0] =	sbarrier.arrive $0xFFFF  }
0x80: {  	p0 =	sne.s32 s0, $0x0;
	_ =	strace $0x90000047  }
0x81: {  	s0 =	sadd.s32 @!p0 $0x100000, s1;
	[bflag:$0x2] =	sbarrier.arrive $0xFFFF  }
0x82: {  	[sflag:s0] =	ssyncadd.tile.s32 @!p0 $0x1;
	_ =	shalt  }
.Lfunc_end2:
_tile_overlayer_lowered:
.L_overlay_start_2:
0x83: {  	(tag) =	ssettag $0x2  }
0x84: {  	s0 =	rddreg [dreg:$0x0];
	s2 =	stileid.u32  }
0x85: {  	s1 =	rddreg [dreg:$0x1];
	p0 =	sne.s32 s2, $0x0  }
0x86: {  	s3 =	rddreg [dreg:$0x2];
	[bflag:$0x3] =	sbarrier.arrive $0xFFFF;
	s2 =	simm.s32 @!p0 $0x1C01  }
0x87: {  	[timem:s3], [sflag:s2] =	dma.local @!p0 [hbm:s0], s1  }
0x88: {  	s0 =	simm.s32 @!p0 $0x1  }
0x89: {  	_ =	swait.ge @!p0 [sflag:s0], s1  }
0x8a: {  	s1 =	ssub.s32 @!p0 $0x0, s1;
	[sflag:s0] =	ssyncset.done @!p0 $0x0  }
0x8b: {  	[sflag:s0] =	ssyncadd.s32 @!p0 s1  }
0x8c: {  	[bflag:$0x3] =	sbarrier.arrive $0xFFFF  }
0x8d: {  	_ =	shalt  }

</sc_bundles>
